<compile_context>
chip_gen: v7x
topology: tpu7x:2x2x1
jax: 0.10.2.dev20260603
libtpu: 0.0.44.dev20260713+nightly
codegen_flags: <defaults>
</compile_context>

<pallas_src>
import functools

import jax
import jax.numpy as jnp
from jax import lax
from jax.experimental import pallas as pl
from jax.experimental.pallas import tpu as pltpu
from jax.experimental.pallas import tpu_sc as plsc

NC = 2
NS = 16
NW = NC * NS
NBUF = 10
SLAG = 4
NSUB = 2


def _emb_call(B0, B1, D, dtype):
    CB = B0 // NW
    CW = CB // NSUB
    n = B1 * NSUB
    mesh = plsc.VectorSubcoreMesh(
        core_axis_name="c", subcore_axis_name="s",
        num_cores=NC, num_subcores=NS,
    )

    @functools.partial(
        pl.kernel,
        mesh=mesh,
        out_type=jax.ShapeDtypeStruct((B1, B0, D), dtype),
        scratch_types=[
            pltpu.VMEM((B1, CB), jnp.int32),
            pltpu.VMEM((NBUF, CW, D), dtype),
            [pltpu.SemaphoreType.DMA] * NBUF,
            [pltpu.SemaphoreType.DMA] * NBUF,
        ],
    )
    def emb(idx_hbm, tbl_hbm, out_hbm, idx_v, rows_v, gsems, ssems):
        wid = lax.axis_index("s") * NC + lax.axis_index("c")
        cbase = wid * CB
        pltpu.sync_copy(idx_hbm.at[:, pl.ds(cbase, CB)], idx_v)
        bufs = [rows_v.at[b] for b in range(NBUF)]

        def _islice(j):
            b1 = j // NSUB
            s = j - b1 * NSUB
            return idx_v.at[b1, pl.ds(s * CW, CW)]

        def _oslice(j):
            b1 = j // NSUB
            s = j - b1 * NSUB
            return out_hbm.at[b1, pl.ds(cbase + s * CW, CW)]

        def start_gather(j, b):
            pltpu.async_copy(tbl_hbm.at[_islice(j)], bufs[b], gsems[b])

        def wait_gather(j, b):
            pltpu.make_async_copy(
                tbl_hbm.at[_islice(j)], bufs[b], gsems[b]).wait()

        def start_write(j, b):
            pltpu.async_copy(bufs[b], _oslice(j), ssems[b])

        def wait_write(j, b):
            pltpu.make_async_copy(bufs[b], _oslice(j), ssems[b]).wait()

        def chunk(j, b, do_prev):
            wait_gather(j, b)
            start_write(j, b)
            if do_prev:
                b2 = (b - SLAG) % NBUF
                j2 = j - SLAG
                wait_write(j2, b2)
                start_gather(j2 + NBUF, b2)

        G = n // NBUF
        for m in range(NBUF):
            start_gather(m, m)
        for b in range(NBUF):
            chunk(b, b, b >= SLAG)

        def outer(g, carry):
            for b in range(NBUF):
                chunk(g * NBUF + b, b, True)
            return carry

        lax.fori_loop(1, G - 1, outer, 0)
        for b in range(NBUF):
            chunk((G - 1) * NBUF + b, b, b < SLAG)
        for t in range(NBUF):
            j2 = n - NBUF + t
            wait_write(j2, j2 % NBUF)

    return emb


def kernel(x, weight):
    B0, B1 = x.shape
    V, D = weight.shape
    n_ = B1 * NSUB
    assert B0 % (NW * NSUB * 8) == 0 and n_ % NBUF == 0 and n_ // NBUF >= 2
    xt = jnp.transpose(x).astype(jnp.int32)
    out = _emb_call(B0, B1, D, weight.dtype)(xt, weight)
    return jnp.transpose(out, (1, 0, 2))

# --- scband reference (transcript-rebuilt; emitter-appended) ---
"""Pipeline reference for scband-embedding-52304111731334 (READ-ONLY COPY).

The authoritative reference and input builder live on the scoring server;
editing this copy changes nothing except your own understanding.
"""

import jax, jax.numpy as jnp
import numpy as np

VOCAB = 100000
D_MODEL = 128

def setup_inputs(seed: int = 0) -> dict:
    key = jax.random.key(seed)
    k_idx, k_w = jax.random.split(key)
    x = jax.random.randint(k_idx, (4096, 50), 0, VOCAB, dtype=jnp.int64 if jax.config.jax_enable_x64 else jnp.int32)
    weight = jax.random.normal(k_w, (VOCAB, D_MODEL), dtype=jnp.float32)
    weight = jnp.clip(weight, -3.0, 3.0)
    return {"x": x, "weight": weight}

def reference(x, weight):
    # Faithful translation of: return self.weight[x]
    return jnp.take(weight, x, axis=0)

if __name__ == "__main__":
    import jax
    _d = setup_inputs()
    print(jax.jit(kernel)(*tuple(_d.values())))

</pallas_src>

<mosaic_0001>
#map = affine_map<(d0, d1) -> (0, 0)>
#map1 = affine_map<(d0, d1) -> (0, 0, 0)>
module attributes {stable_mosaic.version = 14 : i64} {
  func.func @emb(%arg0: i32, %arg1: i32, %arg2: memref<50x4096xi32, #tpu.memory_space<hbm>>, %arg3: memref<100000x128xf32, #tpu.memory_space<hbm>>, %arg4: memref<50x4096x128xf32, #tpu.memory_space<hbm>>, %arg5: memref<50x128xi32, #tpu.memory_space<vmem>>, %arg6: memref<10x64x128xf32, #tpu.memory_space<vmem>>, %arg7: memref<!tpu.dma_semaphore, #tpu.memory_space<semaphore_mem>>, %arg8: memref<!tpu.dma_semaphore, #tpu.memory_space<semaphore_mem>>, %arg9: memref<!tpu.dma_semaphore, #tpu.memory_space<semaphore_mem>>, %arg10: memref<!tpu.dma_semaphore, #tpu.memory_space<semaphore_mem>>, %arg11: memref<!tpu.dma_semaphore, #tpu.memory_space<semaphore_mem>>, %arg12: memref<!tpu.dma_semaphore, #tpu.memory_space<semaphore_mem>>, %arg13: memref<!tpu.dma_semaphore, #tpu.memory_space<semaphore_mem>>, %arg14: memref<!tpu.dma_semaphore, #tpu.memory_space<semaphore_mem>>, %arg15: memref<!tpu.dma_semaphore, #tpu.memory_space<semaphore_mem>>, %arg16: memref<!tpu.dma_semaphore, #tpu.memory_space<semaphore_mem>>, %arg17: memref<!tpu.dma_semaphore, #tpu.memory_space<semaphore_mem>>, %arg18: memref<!tpu.dma_semaphore, #tpu.memory_space<semaphore_mem>>, %arg19: memref<!tpu.dma_semaphore, #tpu.memory_space<semaphore_mem>>, %arg20: memref<!tpu.dma_semaphore, #tpu.memory_space<semaphore_mem>>, %arg21: memref<!tpu.dma_semaphore, #tpu.memory_space<semaphore_mem>>, %arg22: memref<!tpu.dma_semaphore, #tpu.memory_space<semaphore_mem>>, %arg23: memref<!tpu.dma_semaphore, #tpu.memory_space<semaphore_mem>>, %arg24: memref<!tpu.dma_semaphore, #tpu.memory_space<semaphore_mem>>, %arg25: memref<!tpu.dma_semaphore, #tpu.memory_space<semaphore_mem>>, %arg26: memref<!tpu.dma_semaphore, #tpu.memory_space<semaphore_mem>>) attributes {dimension_semantics = [#tpu.dimension_semantics<core_parallel>, #tpu.dimension_semantics<subcore_parallel>], iteration_bounds = array<i64: 2, 16>, scalar_prefetch = 0 : i64, scratch_operands = 22 : i64, tpu.core_type = #tpu.core_type<sc_vector_subcore>, window_params = [{transform_indices = #map}, {transform_indices = #map}, {transform_indices = #map1}]} {
    %mul3A = arith.constant 2 : i32
    %mul3A_0 = arith.muli %arg1, %mul3A : i32
    %add3A = arith.addi %mul3A_0, %arg0 : i32
    %mul3A_1 = arith.constant 128 : i32
    %mul3A_2 = arith.muli %add3A, %mul3A_1 : i32
    "tpu.region"() ({
      %run_scoped3A = tpu.sem_alloc : memref<!tpu.dma_semaphore, #tpu.memory_space<semaphore_mem>>
      %dma_start3A_1216 = arith.constant 0 : i32
      %dma_start3A_1217 = tpu.memref_slice %arg2[%dma_start3A_1216, %mul3A_2] : memref<50x4096xi32, #tpu.memory_space<hbm>> -> memref<50x128xi32, #tpu.memory_space<hbm>>
      %dma_start3A_1218 = arith.constant 0 : i32
      %dma_start3A_1219 = tpu.memref_slice %arg2[%dma_start3A_1218, %mul3A_2] : memref<50x4096xi32, #tpu.memory_space<hbm>> -> memref<50x128xi32, #tpu.memory_space<hbm>>
      tpu.enqueue_dma source(%dma_start3A_1219 : memref<50x128xi32, #tpu.memory_space<hbm>>) target(%arg5 : memref<50x128xi32, #tpu.memory_space<vmem>>) target_semaphore(%run_scoped3A : memref<!tpu.dma_semaphore, #tpu.memory_space<semaphore_mem>>)
      %dma_wait3A_1220 = arith.constant 0 : i32
      %dma_wait3A_1221 = tpu.memref_slice %arg2[%dma_wait3A_1220, %mul3A_2] : memref<50x4096xi32, #tpu.memory_space<hbm>> -> memref<50x128xi32, #tpu.memory_space<hbm>>
      %dma_wait3A_1222 = arith.constant 0 : i32
      %dma_wait3A_1223 = tpu.memref_slice %arg2[%dma_wait3A_1222, %mul3A_2] : memref<50x4096xi32, #tpu.memory_space<hbm>> -> memref<50x128xi32, #tpu.memory_space<hbm>>
      tpu.wait_dma2 semaphore(%run_scoped3A : memref<!tpu.dma_semaphore, #tpu.memory_space<semaphore_mem>>) src(%dma_wait3A_1223 : memref<50x128xi32, #tpu.memory_space<hbm>>) dst(%arg5 : memref<50x128xi32, #tpu.memory_space<vmem>>)
      tpu.yield
    }) : () -> ()
    %dma_start3A = arith.constant 0 : i32
    %dma_start3A_3 = arith.constant 0 : i32
    %dma_start3A_4 = arith.constant 0 : i32
    %dma_start3A_5 = arith.constant 0 : i32
    %dma_start3A_6 = tpu.memref_slice %arg6[%dma_start3A_3, %dma_start3A_4, %dma_start3A_5] : memref<10x64x128xf32, #tpu.memory_space<vmem>> -> memref<1x64x128xf32, #tpu.memory_space<vmem>>
    %dma_start3A_7 = tpu.memref_squeeze %dma_start3A_6 : memref<1x64x128xf32, #tpu.memory_space<vmem>> -> memref<64x128xf32, #tpu.memory_space<vmem>>
    %dma_start3A_8 = arith.constant 0 : i32
    %dma_start3A_9 = tpu.memref_slice %arg5[%dma_start3A, %dma_start3A_8] : memref<50x128xi32, #tpu.memory_space<vmem>> -> memref<1x64xi32, #tpu.memory_space<vmem>>
    %dma_start3A_10 = tpu.memref_squeeze %dma_start3A_9 : memref<1x64xi32, #tpu.memory_space<vmem>> -> memref<64xi32, #tpu.memory_space<vmem>>
    %dma_start3A_11 = arith.constant 0 : i32
    %dma_start3A_12 = arith.constant 0 : i32
    %dma_start3A_13 = tpu.memref_slice %arg3[%dma_start3A_11, %dma_start3A_12] : memref<100000x128xf32, #tpu.memory_space<hbm>> -> memref<100000x128xf32, #tpu.memory_space<hbm>>
    tpu.enqueue_indirect_dma source(%dma_start3A_13 : memref<100000x128xf32, #tpu.memory_space<hbm>>) target(%dma_start3A_7 : memref<64x128xf32, #tpu.memory_space<vmem>>) offsets(%dma_start3A_10 : memref<64xi32, #tpu.memory_space<vmem>>) semaphore(%arg7 : memref<!tpu.dma_semaphore, #tpu.memory_space<semaphore_mem>>)
    %dma_start3A_14 = arith.constant 0 : i32
    %dma_start3A_15 = arith.constant 1 : i32
    %dma_start3A_16 = arith.constant 0 : i32
    %dma_start3A_17 = arith.constant 0 : i32
    %dma_start3A_18 = tpu.memref_slice %arg6[%dma_start3A_15, %dma_start3A_16, %dma_start3A_17] : memref<10x64x128xf32, #tpu.memory_space<vmem>> -> memref<1x64x128xf32, #tpu.memory_space<vmem>>
    %dma_start3A_19 = tpu.memref_squeeze %dma_start3A_18 : memref<1x64x128xf32, #tpu.memory_space<vmem>> -> memref<64x128xf32, #tpu.memory_space<vmem>>
    %dma_start3A_20 = arith.constant 64 : i32
    %dma_start3A_21 = tpu.memref_slice %arg5[%dma_start3A_14, %dma_start3A_20] : memref<50x128xi32, #tpu.memory_space<vmem>> -> memref<1x64xi32, #tpu.memory_space<vmem>>
    %dma_start3A_22 = tpu.memref_squeeze %dma_start3A_21 : memref<1x64xi32, #tpu.memory_space<vmem>> -> memref<64xi32, #tpu.memory_space<vmem>>
    %dma_start3A_23 = arith.constant 0 : i32
    %dma_start3A_24 = arith.constant 0 : i32
    %dma_start3A_25 = tpu.memref_slice %arg3[%dma_start3A_23, %dma_start3A_24] : memref<100000x128xf32, #tpu.memory_space<hbm>> -> memref<100000x128xf32, #tpu.memory_space<hbm>>
    tpu.enqueue_indirect_dma source(%dma_start3A_25 : memref<100000x128xf32, #tpu.memory_space<hbm>>) target(%dma_start3A_19 : memref<64x128xf32, #tpu.memory_space<vmem>>) offsets(%dma_start3A_22 : memref<64xi32, #tpu.memory_space<vmem>>) semaphore(%arg8 : memref<!tpu.dma_semaphore, #tpu.memory_space<semaphore_mem>>)
    %dma_start3A_26 = arith.constant 1 : i32
    %dma_start3A_27 = arith.constant 2 : i32
    %dma_start3A_28 = arith.constant 0 : i32
    %dma_start3A_29 = arith.constant 0 : i32
    %dma_start3A_30 = tpu.memref_slice %arg6[%dma_start3A_27, %dma_start3A_28, %dma_start3A_29] : memref<10x64x128xf32, #tpu.memory_space<vmem>> -> memref<1x64x128xf32, #tpu.memory_space<vmem>>
    %dma_start3A_31 = tpu.memref_squeeze %dma_start3A_30 : memref<1x64x128xf32, #tpu.memory_space<vmem>> -> memref<64x128xf32, #tpu.memory_space<vmem>>
    %dma_start3A_32 = arith.constant 0 : i32
    %dma_start3A_33 = tpu.memref_slice %arg5[%dma_start3A_26, %dma_start3A_32] : memref<50x128xi32, #tpu.memory_space<vmem>> -> memref<1x64xi32, #tpu.memory_space<vmem>>
    %dma_start3A_34 = tpu.memref_squeeze %dma_start3A_33 : memref<1x64xi32, #tpu.memory_space<vmem>> -> memref<64xi32, #tpu.memory_space<vmem>>
    %dma_start3A_35 = arith.constant 0 : i32
    %dma_start3A_36 = arith.constant 0 : i32
    %dma_start3A_37 = tpu.memref_slice %arg3[%dma_start3A_35, %dma_start3A_36] : memref<100000x128xf32, #tpu.memory_space<hbm>> -> memref<100000x128xf32, #tpu.memory_space<hbm>>
    tpu.enqueue_indirect_dma source(%dma_start3A_37 : memref<100000x128xf32, #tpu.memory_space<hbm>>) target(%dma_start3A_31 : memref<64x128xf32, #tpu.memory_space<vmem>>) offsets(%dma_start3A_34 : memref<64xi32, #tpu.memory_space<vmem>>) semaphore(%arg9 : memref<!tpu.dma_semaphore, #tpu.memory_space<semaphore_mem>>)
    %dma_start3A_38 = arith.constant 1 : i32
    %dma_start3A_39 = arith.constant 3 : i32
    %dma_start3A_40 = arith.constant 0 : i32
    %dma_start3A_41 = arith.constant 0 : i32
    %dma_start3A_42 = tpu.memref_slice %arg6[%dma_start3A_39, %dma_start3A_40, %dma_start3A_41] : memref<10x64x128xf32, #tpu.memory_space<vmem>> -> memref<1x64x128xf32, #tpu.memory_space<vmem>>
    %dma_start3A_43 = tpu.memref_squeeze %dma_start3A_42 : memref<1x64x128xf32, #tpu.memory_space<vmem>> -> memref<64x128xf32, #tpu.memory_space<vmem>>
    %dma_start3A_44 = arith.constant 64 : i32
    %dma_start3A_45 = tpu.memref_slice %arg5[%dma_start3A_38, %dma_start3A_44] : memref<50x128xi32, #tpu.memory_space<vmem>> -> memref<1x64xi32, #tpu.memory_space<vmem>>
    %dma_start3A_46 = tpu.memref_squeeze %dma_start3A_45 : memref<1x64xi32, #tpu.memory_space<vmem>> -> memref<64xi32, #tpu.memory_space<vmem>>
    %dma_start3A_47 = arith.constant 0 : i32
    %dma_start3A_48 = arith.constant 0 : i32
    %dma_start3A_49 = tpu.memref_slice %arg3[%dma_start3A_47, %dma_start3A_48] : memref<100000x128xf32, #tpu.memory_space<hbm>> -> memref<100000x128xf32, #tpu.memory_space<hbm>>
    tpu.enqueue_indirect_dma source(%dma_start3A_49 : memref<100000x128xf32, #tpu.memory_space<hbm>>) target(%dma_start3A_43 : memref<64x128xf32, #tpu.memory_space<vmem>>) offsets(%dma_start3A_46 : memref<64xi32, #tpu.memory_space<vmem>>) semaphore(%arg10 : memref<!tpu.dma_semaphore, #tpu.memory_space<semaphore_mem>>)
    %dma_start3A_50 = arith.constant 2 : i32
    %dma_start3A_51 = arith.constant 4 : i32
    %dma_start3A_52 = arith.constant 0 : i32
    %dma_start3A_53 = arith.constant 0 : i32
    %dma_start3A_54 = tpu.memref_slice %arg6[%dma_start3A_51, %dma_start3A_52, %dma_start3A_53] : memref<10x64x128xf32, #tpu.memory_space<vmem>> -> memref<1x64x128xf32, #tpu.memory_space<vmem>>
    %dma_start3A_55 = tpu.memref_squeeze %dma_start3A_54 : memref<1x64x128xf32, #tpu.memory_space<vmem>> -> memref<64x128xf32, #tpu.memory_space<vmem>>
    %dma_start3A_56 = arith.constant 0 : i32
    %dma_start3A_57 = tpu.memref_slice %arg5[%dma_start3A_50, %dma_start3A_56] : memref<50x128xi32, #tpu.memory_space<vmem>> -> memref<1x64xi32, #tpu.memory_space<vmem>>
    %dma_start3A_58 = tpu.memref_squeeze %dma_start3A_57 : memref<1x64xi32, #tpu.memory_space<vmem>> -> memref<64xi32, #tpu.memory_space<vmem>>
    %dma_start3A_59 = arith.constant 0 : i32
    %dma_start3A_60 = arith.constant 0 : i32
    %dma_start3A_61 = tpu.memref_slice %arg3[%dma_start3A_59, %dma_start3A_60] : memref<100000x128xf32, #tpu.memory_space<hbm>> -> memref<100000x128xf32, #tpu.memory_space<hbm>>
    tpu.enqueue_indirect_dma source(%dma_start3A_61 : memref<100000x128xf32, #tpu.memory_space<hbm>>) target(%dma_start3A_55 : memref<64x128xf32, #tpu.memory_space<vmem>>) offsets(%dma_start3A_58 : memref<64xi32, #tpu.memory_space<vmem>>) semaphore(%arg11 : memref<!tpu.dma_semaphore, #tpu.memory_space<semaphore_mem>>)
    %dma_start3A_62 = arith.constant 2 : i32
    %dma_start3A_63 = arith.constant 5 : i32
    %dma_start3A_64 = arith.constant 0 : i32
    %dma_start3A_65 = arith.constant 0 : i32
    %dma_start3A_66 = tpu.memref_slice %arg6[%dma_start3A_63, %dma_start3A_64, %dma_start3A_65] : memref<10x64x128xf32, #tpu.memory_space<vmem>> -> memref<1x64x128xf32, #tpu.memory_space<vmem>>
    %dma_start3A_67 = tpu.memref_squeeze %dma_start3A_66 : memref<1x64x128xf32, #tpu.memory_space<vmem>> -> memref<64x128xf32, #tpu.memory_space<vmem>>
    %dma_start3A_68 = arith.constant 64 : i32
    %dma_start3A_69 = tpu.memref_slice %arg5[%dma_start3A_62, %dma_start3A_68] : memref<50x128xi32, #tpu.memory_space<vmem>> -> memref<1x64xi32, #tpu.memory_space<vmem>>
    %dma_start3A_70 = tpu.memref_squeeze %dma_start3A_69 : memref<1x64xi32, #tpu.memory_space<vmem>> -> memref<64xi32, #tpu.memory_space<vmem>>
    %dma_start3A_71 = arith.constant 0 : i32
    %dma_start3A_72 = arith.constant 0 : i32
    %dma_start3A_73 = tpu.memref_slice %arg3[%dma_start3A_71, %dma_start3A_72] : memref<100000x128xf32, #tpu.memory_space<hbm>> -> memref<100000x128xf32, #tpu.memory_space<hbm>>
    tpu.enqueue_indirect_dma source(%dma_start3A_73 : memref<100000x128xf32, #tpu.memory_space<hbm>>) target(%dma_start3A_67 : memref<64x128xf32, #tpu.memory_space<vmem>>) offsets(%dma_start3A_70 : memref<64xi32, #tpu.memory_space<vmem>>) semaphore(%arg12 : memref<!tpu.dma_semaphore, #tpu.memory_space<semaphore_mem>>)
    %dma_start3A_74 = arith.constant 3 : i32
    %dma_start3A_75 = arith.constant 6 : i32
    %dma_start3A_76 = arith.constant 0 : i32
    %dma_start3A_77 = arith.constant 0 : i32
    %dma_start3A_78 = tpu.memref_slice %arg6[%dma_start3A_75, %dma_start3A_76, %dma_start3A_77] : memref<10x64x128xf32, #tpu.memory_space<vmem>> -> memref<1x64x128xf32, #tpu.memory_space<vmem>>
    %dma_start3A_79 = tpu.memref_squeeze %dma_start3A_78 : memref<1x64x128xf32, #tpu.memory_space<vmem>> -> memref<64x128xf32, #tpu.memory_space<vmem>>
    %dma_start3A_80 = arith.constant 0 : i32
    %dma_start3A_81 = tpu.memref_slice %arg5[%dma_start3A_74, %dma_start3A_80] : memref<50x128xi32, #tpu.memory_space<vmem>> -> memref<1x64xi32, #tpu.memory_space<vmem>>
    %dma_start3A_82 = tpu.memref_squeeze %dma_start3A_81 : memref<1x64xi32, #tpu.memory_space<vmem>> -> memref<64xi32, #tpu.memory_space<vmem>>
    %dma_start3A_83 = arith.constant 0 : i32
    %dma_start3A_84 = arith.constant 0 : i32
    %dma_start3A_85 = tpu.memref_slice %arg3[%dma_start3A_83, %dma_start3A_84] : memref<100000x128xf32, #tpu.memory_space<hbm>> -> memref<100000x128xf32, #tpu.memory_space<hbm>>
    tpu.enqueue_indirect_dma source(%dma_start3A_85 : memref<100000x128xf32, #tpu.memory_space<hbm>>) target(%dma_start3A_79 : memref<64x128xf32, #tpu.memory_space<vmem>>) offsets(%dma_start3A_82 : memref<64xi32, #tpu.memory_space<vmem>>) semaphore(%arg13 : memref<!tpu.dma_semaphore, #tpu.memory_space<semaphore_mem>>)
    %dma_start3A_86 = arith.constant 3 : i32
    %dma_start3A_87 = arith.constant 7 : i32
    %dma_start3A_88 = arith.constant 0 : i32
    %dma_start3A_89 = arith.constant 0 : i32
    %dma_start3A_90 = tpu.memref_slice %arg6[%dma_start3A_87, %dma_start3A_88, %dma_start3A_89] : memref<10x64x128xf32, #tpu.memory_space<vmem>> -> memref<1x64x128xf32, #tpu.memory_space<vmem>>
    %dma_start3A_91 = tpu.memref_squeeze %dma_start3A_90 : memref<1x64x128xf32, #tpu.memory_space<vmem>> -> memref<64x128xf32, #tpu.memory_space<vmem>>
    %dma_start3A_92 = arith.constant 64 : i32
    %dma_start3A_93 = tpu.memref_slice %arg5[%dma_start3A_86, %dma_start3A_92] : memref<50x128xi32, #tpu.memory_space<vmem>> -> memref<1x64xi32, #tpu.memory_space<vmem>>
    %dma_start3A_94 = tpu.memref_squeeze %dma_start3A_93 : memref<1x64xi32, #tpu.memory_space<vmem>> -> memref<64xi32, #tpu.memory_space<vmem>>
    %dma_start3A_95 = arith.constant 0 : i32
    %dma_start3A_96 = arith.constant 0 : i32
    %dma_start3A_97 = tpu.memref_slice %arg3[%dma_start3A_95, %dma_start3A_96] : memref<100000x128xf32, #tpu.memory_space<hbm>> -> memref<100000x128xf32, #tpu.memory_space<hbm>>
    tpu.enqueue_indirect_dma source(%dma_start3A_97 : memref<100000x128xf32, #tpu.memory_space<hbm>>) target(%dma_start3A_91 : memref<64x128xf32, #tpu.memory_space<vmem>>) offsets(%dma_start3A_94 : memref<64xi32, #tpu.memory_space<vmem>>) semaphore(%arg14 : memref<!tpu.dma_semaphore, #tpu.memory_space<semaphore_mem>>)
    %dma_start3A_98 = arith.constant 4 : i32
    %dma_start3A_99 = arith.constant 8 : i32
    %dma_start3A_100 = arith.constant 0 : i32
    %dma_start3A_101 = arith.constant 0 : i32
    %dma_start3A_102 = tpu.memref_slice %arg6[%dma_start3A_99, %dma_start3A_100, %dma_start3A_101] : memref<10x64x128xf32, #tpu.memory_space<vmem>> -> memref<1x64x128xf32, #tpu.memory_space<vmem>>
    %dma_start3A_103 = tpu.memref_squeeze %dma_start3A_102 : memref<1x64x128xf32, #tpu.memory_space<vmem>> -> memref<64x128xf32, #tpu.memory_space<vmem>>
    %dma_start3A_104 = arith.constant 0 : i32
    %dma_start3A_105 = tpu.memref_slice %arg5[%dma_start3A_98, %dma_start3A_104] : memref<50x128xi32, #tpu.memory_space<vmem>> -> memref<1x64xi32, #tpu.memory_space<vmem>>
    %dma_start3A_106 = tpu.memref_squeeze %dma_start3A_105 : memref<1x64xi32, #tpu.memory_space<vmem>> -> memref<64xi32, #tpu.memory_space<vmem>>
    %dma_start3A_107 = arith.constant 0 : i32
    %dma_start3A_108 = arith.constant 0 : i32
    %dma_start3A_109 = tpu.memref_slice %arg3[%dma_start3A_107, %dma_start3A_108] : memref<100000x128xf32, #tpu.memory_space<hbm>> -> memref<100000x128xf32, #tpu.memory_space<hbm>>
    tpu.enqueue_indirect_dma source(%dma_start3A_109 : memref<100000x128xf32, #tpu.memory_space<hbm>>) target(%dma_start3A_103 : memref<64x128xf32, #tpu.memory_space<vmem>>) offsets(%dma_start3A_106 : memref<64xi32, #tpu.memory_space<vmem>>) semaphore(%arg15 : memref<!tpu.dma_semaphore, #tpu.memory_space<semaphore_mem>>)
    %dma_start3A_110 = arith.constant 4 : i32
    %dma_start3A_111 = arith.constant 9 : i32
    %dma_start3A_112 = arith.constant 0 : i32
    %dma_start3A_113 = arith.constant 0 : i32
    %dma_start3A_114 = tpu.memref_slice %arg6[%dma_start3A_111, %dma_start3A_112, %dma_start3A_113] : memref<10x64x128xf32, #tpu.memory_space<vmem>> -> memref<1x64x128xf32, #tpu.memory_space<vmem>>
    %dma_start3A_115 = tpu.memref_squeeze %dma_start3A_114 : memref<1x64x128xf32, #tpu.memory_space<vmem>> -> memref<64x128xf32, #tpu.memory_space<vmem>>
    %dma_start3A_116 = arith.constant 64 : i32
    %dma_start3A_117 = tpu.memref_slice %arg5[%dma_start3A_110, %dma_start3A_116] : memref<50x128xi32, #tpu.memory_space<vmem>> -> memref<1x64xi32, #tpu.memory_space<vmem>>
    %dma_start3A_118 = tpu.memref_squeeze %dma_start3A_117 : memref<1x64xi32, #tpu.memory_space<vmem>> -> memref<64xi32, #tpu.memory_space<vmem>>
    %dma_start3A_119 = arith.constant 0 : i32
    %dma_start3A_120 = arith.constant 0 : i32
    %dma_start3A_121 = tpu.memref_slice %arg3[%dma_start3A_119, %dma_start3A_120] : memref<100000x128xf32, #tpu.memory_space<hbm>> -> memref<100000x128xf32, #tpu.memory_space<hbm>>
    tpu.enqueue_indirect_dma source(%dma_start3A_121 : memref<100000x128xf32, #tpu.memory_space<hbm>>) target(%dma_start3A_115 : memref<64x128xf32, #tpu.memory_space<vmem>>) offsets(%dma_start3A_118 : memref<64xi32, #tpu.memory_space<vmem>>) semaphore(%arg16 : memref<!tpu.dma_semaphore, #tpu.memory_space<semaphore_mem>>)
    %dma_wait3A = arith.constant 0 : i32
    %dma_wait3A_122 = arith.constant 0 : i32
    %dma_wait3A_123 = arith.constant 0 : i32
    %dma_wait3A_124 = arith.constant 0 : i32
    %dma_wait3A_125 = tpu.memref_slice %arg6[%dma_wait3A_122, %dma_wait3A_123, %dma_wait3A_124] : memref<10x64x128xf32, #tpu.memory_space<vmem>> -> memref<1x64x128xf32, #tpu.memory_space<vmem>>
    %dma_wait3A_126 = tpu.memref_squeeze %dma_wait3A_125 : memref<1x64x128xf32, #tpu.memory_space<vmem>> -> memref<64x128xf32, #tpu.memory_space<vmem>>
    %dma_wait3A_127 = arith.constant 0 : i32
    %dma_wait3A_128 = tpu.memref_slice %arg5[%dma_wait3A, %dma_wait3A_127] : memref<50x128xi32, #tpu.memory_space<vmem>> -> memref<1x64xi32, #tpu.memory_space<vmem>>
    %dma_wait3A_129 = tpu.memref_squeeze %dma_wait3A_128 : memref<1x64xi32, #tpu.memory_space<vmem>> -> memref<64xi32, #tpu.memory_space<vmem>>
    %dma_wait3A_130 = arith.constant 0 : i32
    %dma_wait3A_131 = arith.constant 0 : i32
    %dma_wait3A_132 = tpu.memref_slice %arg3[%dma_wait3A_130, %dma_wait3A_131] : memref<100000x128xf32, #tpu.memory_space<hbm>> -> memref<100000x128xf32, #tpu.memory_space<hbm>>
    tpu.wait_indirect_dma semaphore(%arg7 : memref<!tpu.dma_semaphore, #tpu.memory_space<semaphore_mem>>) src(%dma_wait3A_132 : memref<100000x128xf32, #tpu.memory_space<hbm>>) dst(%dma_wait3A_126 : memref<64x128xf32, #tpu.memory_space<vmem>>)
    %add3A_133 = arith.constant 0 : i32
    %add3A_134 = arith.addi %mul3A_2, %add3A_133 : i32
    %dma_start3A_135 = arith.constant 0 : i32
    %dma_start3A_136 = arith.constant 0 : i32
    %dma_start3A_137 = arith.constant 0 : i32
    %dma_start3A_138 = arith.constant 0 : i32
    %dma_start3A_139 = tpu.memref_slice %arg6[%dma_start3A_135, %dma_start3A_137, %dma_start3A_138] : memref<10x64x128xf32, #tpu.memory_space<vmem>> -> memref<1x64x128xf32, #tpu.memory_space<vmem>>
    %dma_start3A_140 = tpu.memref_squeeze %dma_start3A_139 : memref<1x64x128xf32, #tpu.memory_space<vmem>> -> memref<64x128xf32, #tpu.memory_space<vmem>>
    %dma_start3A_141 = arith.constant 0 : i32
    %dma_start3A_142 = tpu.memref_slice %arg4[%dma_start3A_136, %add3A_134, %dma_start3A_141] : memref<50x4096x128xf32, #tpu.memory_space<hbm>> -> memref<1x64x128xf32, #tpu.memory_space<hbm>>
    %dma_start3A_143 = tpu.memref_squeeze %dma_start3A_142 : memref<1x64x128xf32, #tpu.memory_space<hbm>> -> memref<64x128xf32, #tpu.memory_space<hbm>>
    %dma_start3A_144 = arith.constant 0 : i32
    %dma_start3A_145 = tpu.memref_slice %arg4[%dma_start3A_136, %add3A_134, %dma_start3A_144] : memref<50x4096x128xf32, #tpu.memory_space<hbm>> -> memref<1x64x128xf32, #tpu.memory_space<hbm>>
    %dma_start3A_146 = tpu.memref_squeeze %dma_start3A_145 : memref<1x64x128xf32, #tpu.memory_space<hbm>> -> memref<64x128xf32, #tpu.memory_space<hbm>>
    %dma_start3A_147 = arith.constant 0 : i32
    %dma_start3A_148 = arith.constant 0 : i32
    %dma_start3A_149 = tpu.memref_slice %arg6[%dma_start3A_135, %dma_start3A_147, %dma_start3A_148] : memref<10x64x128xf32, #tpu.memory_space<vmem>> -> memref<1x64x128xf32, #tpu.memory_space<vmem>>
    %dma_start3A_150 = tpu.memref_squeeze %dma_start3A_149 : memref<1x64x128xf32, #tpu.memory_space<vmem>> -> memref<64x128xf32, #tpu.memory_space<vmem>>
    tpu.enqueue_dma source(%dma_start3A_150 : memref<64x128xf32, #tpu.memory_space<vmem>>) target(%dma_start3A_146 : memref<64x128xf32, #tpu.memory_space<hbm>>) target_semaphore(%arg17 : memref<!tpu.dma_semaphore, #tpu.memory_space<semaphore_mem>>)
    %dma_wait3A_151 = arith.constant 0 : i32
    %dma_wait3A_152 = arith.constant 1 : i32
    %dma_wait3A_153 = arith.constant 0 : i32
    %dma_wait3A_154 = arith.constant 0 : i32
    %dma_wait3A_155 = tpu.memref_slice %arg6[%dma_wait3A_152, %dma_wait3A_153, %dma_wait3A_154] : memref<10x64x128xf32, #tpu.memory_space<vmem>> -> memref<1x64x128xf32, #tpu.memory_space<vmem>>
    %dma_wait3A_156 = tpu.memref_squeeze %dma_wait3A_155 : memref<1x64x128xf32, #tpu.memory_space<vmem>> -> memref<64x128xf32, #tpu.memory_space<vmem>>
    %dma_wait3A_157 = arith.constant 64 : i32
    %dma_wait3A_158 = tpu.memref_slice %arg5[%dma_wait3A_151, %dma_wait3A_157] : memref<50x128xi32, #tpu.memory_space<vmem>> -> memref<1x64xi32, #tpu.memory_space<vmem>>
    %dma_wait3A_159 = tpu.memref_squeeze %dma_wait3A_158 : memref<1x64xi32, #tpu.memory_space<vmem>> -> memref<64xi32, #tpu.memory_space<vmem>>
    %dma_wait3A_160 = arith.constant 0 : i32
    %dma_wait3A_161 = arith.constant 0 : i32
    %dma_wait3A_162 = tpu.memref_slice %arg3[%dma_wait3A_160, %dma_wait3A_161] : memref<100000x128xf32, #tpu.memory_space<hbm>> -> memref<100000x128xf32, #tpu.memory_space<hbm>>
    tpu.wait_indirect_dma semaphore(%arg8 : memref<!tpu.dma_semaphore, #tpu.memory_space<semaphore_mem>>) src(%dma_wait3A_162 : memref<100000x128xf32, #tpu.memory_space<hbm>>) dst(%dma_wait3A_156 : memref<64x128xf32, #tpu.memory_space<vmem>>)
    %add3A_163 = arith.constant 64 : i32
    %add3A_164 = arith.addi %mul3A_2, %add3A_163 : i32
    %dma_start3A_165 = arith.constant 1 : i32
    %dma_start3A_166 = arith.constant 0 : i32
    %dma_start3A_167 = arith.constant 0 : i32
    %dma_start3A_168 = arith.constant 0 : i32
    %dma_start3A_169 = tpu.memref_slice %arg6[%dma_start3A_165, %dma_start3A_167, %dma_start3A_168] : memref<10x64x128xf32, #tpu.memory_space<vmem>> -> memref<1x64x128xf32, #tpu.memory_space<vmem>>
    %dma_start3A_170 = tpu.memref_squeeze %dma_start3A_169 : memref<1x64x128xf32, #tpu.memory_space<vmem>> -> memref<64x128xf32, #tpu.memory_space<vmem>>
    %dma_start3A_171 = arith.constant 0 : i32
    %dma_start3A_172 = tpu.memref_slice %arg4[%dma_start3A_166, %add3A_164, %dma_start3A_171] : memref<50x4096x128xf32, #tpu.memory_space<hbm>> -> memref<1x64x128xf32, #tpu.memory_space<hbm>>
    %dma_start3A_173 = tpu.memref_squeeze %dma_start3A_172 : memref<1x64x128xf32, #tpu.memory_space<hbm>> -> memref<64x128xf32, #tpu.memory_space<hbm>>
    %dma_start3A_174 = arith.constant 0 : i32
    %dma_start3A_175 = tpu.memref_slice %arg4[%dma_start3A_166, %add3A_164, %dma_start3A_174] : memref<50x4096x128xf32, #tpu.memory_space<hbm>> -> memref<1x64x128xf32, #tpu.memory_space<hbm>>
    %dma_start3A_176 = tpu.memref_squeeze %dma_start3A_175 : memref<1x64x128xf32, #tpu.memory_space<hbm>> -> memref<64x128xf32, #tpu.memory_space<hbm>>
    %dma_start3A_177 = arith.constant 0 : i32
    %dma_start3A_178 = arith.constant 0 : i32
    %dma_start3A_179 = tpu.memref_slice %arg6[%dma_start3A_165, %dma_start3A_177, %dma_start3A_178] : memref<10x64x128xf32, #tpu.memory_space<vmem>> -> memref<1x64x128xf32, #tpu.memory_space<vmem>>
    %dma_start3A_180 = tpu.memref_squeeze %dma_start3A_179 : memref<1x64x128xf32, #tpu.memory_space<vmem>> -> memref<64x128xf32, #tpu.memory_space<vmem>>
    tpu.enqueue_dma source(%dma_start3A_180 : memref<64x128xf32, #tpu.memory_space<vmem>>) target(%dma_start3A_176 : memref<64x128xf32, #tpu.memory_space<hbm>>) target_semaphore(%arg18 : memref<!tpu.dma_semaphore, #tpu.memory_space<semaphore_mem>>)
    %dma_wait3A_181 = arith.constant 1 : i32
    %dma_wait3A_182 = arith.constant 2 : i32
    %dma_wait3A_183 = arith.constant 0 : i32
    %dma_wait3A_184 = arith.constant 0 : i32
    %dma_wait3A_185 = tpu.memref_slice %arg6[%dma_wait3A_182, %dma_wait3A_183, %dma_wait3A_184] : memref<10x64x128xf32, #tpu.memory_space<vmem>> -> memref<1x64x128xf32, #tpu.memory_space<vmem>>
    %dma_wait3A_186 = tpu.memref_squeeze %dma_wait3A_185 : memref<1x64x128xf32, #tpu.memory_space<vmem>> -> memref<64x128xf32, #tpu.memory_space<vmem>>
    %dma_wait3A_187 = arith.constant 0 : i32
    %dma_wait3A_188 = tpu.memref_slice %arg5[%dma_wait3A_181, %dma_wait3A_187] : memref<50x128xi32, #tpu.memory_space<vmem>> -> memref<1x64xi32, #tpu.memory_space<vmem>>
    %dma_wait3A_189 = tpu.memref_squeeze %dma_wait3A_188 : memref<1x64xi32, #tpu.memory_space<vmem>> -> memref<64xi32, #tpu.memory_space<vmem>>
    %dma_wait3A_190 = arith.constant 0 : i32
    %dma_wait3A_191 = arith.constant 0 : i32
    %dma_wait3A_192 = tpu.memref_slice %arg3[%dma_wait3A_190, %dma_wait3A_191] : memref<100000x128xf32, #tpu.memory_space<hbm>> -> memref<100000x128xf32, #tpu.memory_space<hbm>>
    tpu.wait_indirect_dma semaphore(%arg9 : memref<!tpu.dma_semaphore, #tpu.memory_space<semaphore_mem>>) src(%dma_wait3A_192 : memref<100000x128xf32, #tpu.memory_space<hbm>>) dst(%dma_wait3A_186 : memref<64x128xf32, #tpu.memory_space<vmem>>)
    %add3A_193 = arith.constant 0 : i32
    %add3A_194 = arith.addi %mul3A_2, %add3A_193 : i32
    %dma_start3A_195 = arith.constant 2 : i32
    %dma_start3A_196 = arith.constant 1 : i32
    %dma_start3A_197 = arith.constant 0 : i32
    %dma_start3A_198 = arith.constant 0 : i32
    %dma_start3A_199 = tpu.memref_slice %arg6[%dma_start3A_195, %dma_start3A_197, %dma_start3A_198] : memref<10x64x128xf32, #tpu.memory_space<vmem>> -> memref<1x64x128xf32, #tpu.memory_space<vmem>>
    %dma_start3A_200 = tpu.memref_squeeze %dma_start3A_199 : memref<1x64x128xf32, #tpu.memory_space<vmem>> -> memref<64x128xf32, #tpu.memory_space<vmem>>
    %dma_start3A_201 = arith.constant 0 : i32
    %dma_start3A_202 = tpu.memref_slice %arg4[%dma_start3A_196, %add3A_194, %dma_start3A_201] : memref<50x4096x128xf32, #tpu.memory_space<hbm>> -> memref<1x64x128xf32, #tpu.memory_space<hbm>>
    %dma_start3A_203 = tpu.memref_squeeze %dma_start3A_202 : memref<1x64x128xf32, #tpu.memory_space<hbm>> -> memref<64x128xf32, #tpu.memory_space<hbm>>
    %dma_start3A_204 = arith.constant 0 : i32
    %dma_start3A_205 = tpu.memref_slice %arg4[%dma_start3A_196, %add3A_194, %dma_start3A_204] : memref<50x4096x128xf32, #tpu.memory_space<hbm>> -> memref<1x64x128xf32, #tpu.memory_space<hbm>>
    %dma_start3A_206 = tpu.memref_squeeze %dma_start3A_205 : memref<1x64x128xf32, #tpu.memory_space<hbm>> -> memref<64x128xf32, #tpu.memory_space<hbm>>
    %dma_start3A_207 = arith.constant 0 : i32
    %dma_start3A_208 = arith.constant 0 : i32
    %dma_start3A_209 = tpu.memref_slice %arg6[%dma_start3A_195, %dma_start3A_207, %dma_start3A_208] : memref<10x64x128xf32, #tpu.memory_space<vmem>> -> memref<1x64x128xf32, #tpu.memory_space<vmem>>
    %dma_start3A_210 = tpu.memref_squeeze %dma_start3A_209 : memref<1x64x128xf32, #tpu.memory_space<vmem>> -> memref<64x128xf32, #tpu.memory_space<vmem>>
    tpu.enqueue_dma source(%dma_start3A_210 : memref<64x128xf32, #tpu.memory_space<vmem>>) target(%dma_start3A_206 : memref<64x128xf32, #tpu.memory_space<hbm>>) target_semaphore(%arg19 : memref<!tpu.dma_semaphore, #tpu.memory_space<semaphore_mem>>)
    %dma_wait3A_211 = arith.constant 1 : i32
    %dma_wait3A_212 = arith.constant 3 : i32
    %dma_wait3A_213 = arith.constant 0 : i32
    %dma_wait3A_214 = arith.constant 0 : i32
    %dma_wait3A_215 = tpu.memref_slice %arg6[%dma_wait3A_212, %dma_wait3A_213, %dma_wait3A_214] : memref<10x64x128xf32, #tpu.memory_space<vmem>> -> memref<1x64x128xf32, #tpu.memory_space<vmem>>
    %dma_wait3A_216 = tpu.memref_squeeze %dma_wait3A_215 : memref<1x64x128xf32, #tpu.memory_space<vmem>> -> memref<64x128xf32, #tpu.memory_space<vmem>>
    %dma_wait3A_217 = arith.constant 64 : i32
    %dma_wait3A_218 = tpu.memref_slice %arg5[%dma_wait3A_211, %dma_wait3A_217] : memref<50x128xi32, #tpu.memory_space<vmem>> -> memref<1x64xi32, #tpu.memory_space<vmem>>
    %dma_wait3A_219 = tpu.memref_squeeze %dma_wait3A_218 : memref<1x64xi32, #tpu.memory_space<vmem>> -> memref<64xi32, #tpu.memory_space<vmem>>
    %dma_wait3A_220 = arith.constant 0 : i32
    %dma_wait3A_221 = arith.constant 0 : i32
    %dma_wait3A_222 = tpu.memref_slice %arg3[%dma_wait3A_220, %dma_wait3A_221] : memref<100000x128xf32, #tpu.memory_space<hbm>> -> memref<100000x128xf32, #tpu.memory_space<hbm>>
    tpu.wait_indirect_dma semaphore(%arg10 : memref<!tpu.dma_semaphore, #tpu.memory_space<semaphore_mem>>) src(%dma_wait3A_222 : memref<100000x128xf32, #tpu.memory_space<hbm>>) dst(%dma_wait3A_216 : memref<64x128xf32, #tpu.memory_space<vmem>>)
    %add3A_223 = arith.constant 64 : i32
    %add3A_224 = arith.addi %mul3A_2, %add3A_223 : i32
    %dma_start3A_225 = arith.constant 3 : i32
    %dma_start3A_226 = arith.constant 1 : i32
    %dma_start3A_227 = arith.constant 0 : i32
    %dma_start3A_228 = arith.constant 0 : i32
    %dma_start3A_229 = tpu.memref_slice %arg6[%dma_start3A_225, %dma_start3A_227, %dma_start3A_228] : memref<10x64x128xf32, #tpu.memory_space<vmem>> -> memref<1x64x128xf32, #tpu.memory_space<vmem>>
    %dma_start3A_230 = tpu.memref_squeeze %dma_start3A_229 : memref<1x64x128xf32, #tpu.memory_space<vmem>> -> memref<64x128xf32, #tpu.memory_space<vmem>>
    %dma_start3A_231 = arith.constant 0 : i32
    %dma_start3A_232 = tpu.memref_slice %arg4[%dma_start3A_226, %add3A_224, %dma_start3A_231] : memref<50x4096x128xf32, #tpu.memory_space<hbm>> -> memref<1x64x128xf32, #tpu.memory_space<hbm>>
    %dma_start3A_233 = tpu.memref_squeeze %dma_start3A_232 : memref<1x64x128xf32, #tpu.memory_space<hbm>> -> memref<64x128xf32, #tpu.memory_space<hbm>>
    %dma_start3A_234 = arith.constant 0 : i32
    %dma_start3A_235 = tpu.memref_slice %arg4[%dma_start3A_226, %add3A_224, %dma_start3A_234] : memref<50x4096x128xf32, #tpu.memory_space<hbm>> -> memref<1x64x128xf32, #tpu.memory_space<hbm>>
    %dma_start3A_236 = tpu.memref_squeeze %dma_start3A_235 : memref<1x64x128xf32, #tpu.memory_space<hbm>> -> memref<64x128xf32, #tpu.memory_space<hbm>>
    %dma_start3A_237 = arith.constant 0 : i32
    %dma_start3A_238 = arith.constant 0 : i32
    %dma_start3A_239 = tpu.memref_slice %arg6[%dma_start3A_225, %dma_start3A_237, %dma_start3A_238] : memref<10x64x128xf32, #tpu.memory_space<vmem>> -> memref<1x64x128xf32, #tpu.memory_space<vmem>>
    %dma_start3A_240 = tpu.memref_squeeze %dma_start3A_239 : memref<1x64x128xf32, #tpu.memory_space<vmem>> -> memref<64x128xf32, #tpu.memory_space<vmem>>
    tpu.enqueue_dma source(%dma_start3A_240 : memref<64x128xf32, #tpu.memory_space<vmem>>) target(%dma_start3A_236 : memref<64x128xf32, #tpu.memory_space<hbm>>) target_semaphore(%arg20 : memref<!tpu.dma_semaphore, #tpu.memory_space<semaphore_mem>>)
    %dma_wait3A_241 = arith.constant 2 : i32
    %dma_wait3A_242 = arith.constant 4 : i32
    %dma_wait3A_243 = arith.constant 0 : i32
    %dma_wait3A_244 = arith.constant 0 : i32
    %dma_wait3A_245 = tpu.memref_slice %arg6[%dma_wait3A_242, %dma_wait3A_243, %dma_wait3A_244] : memref<10x64x128xf32, #tpu.memory_space<vmem>> -> memref<1x64x128xf32, #tpu.memory_space<vmem>>
    %dma_wait3A_246 = tpu.memref_squeeze %dma_wait3A_245 : memref<1x64x128xf32, #tpu.memory_space<vmem>> -> memref<64x128xf32, #tpu.memory_space<vmem>>
    %dma_wait3A_247 = arith.constant 0 : i32
    %dma_wait3A_248 = tpu.memref_slice %arg5[%dma_wait3A_241, %dma_wait3A_247] : memref<50x128xi32, #tpu.memory_space<vmem>> -> memref<1x64xi32, #tpu.memory_space<vmem>>
    %dma_wait3A_249 = tpu.memref_squeeze %dma_wait3A_248 : memref<1x64xi32, #tpu.memory_space<vmem>> -> memref<64xi32, #tpu.memory_space<vmem>>
    %dma_wait3A_250 = arith.constant 0 : i32
    %dma_wait3A_251 = arith.constant 0 : i32
    %dma_wait3A_252 = tpu.memref_slice %arg3[%dma_wait3A_250, %dma_wait3A_251] : memref<100000x128xf32, #tpu.memory_space<hbm>> -> memref<100000x128xf32, #tpu.memory_space<hbm>>
    tpu.wait_indirect_dma semaphore(%arg11 : memref<!tpu.dma_semaphore, #tpu.memory_space<semaphore_mem>>) src(%dma_wait3A_252 : memref<100000x128xf32, #tpu.memory_space<hbm>>) dst(%dma_wait3A_246 : memref<64x128xf32, #tpu.memory_space<vmem>>)
    %add3A_253 = arith.constant 0 : i32
    %add3A_254 = arith.addi %mul3A_2, %add3A_253 : i32
    %dma_start3A_255 = arith.constant 4 : i32
    %dma_start3A_256 = arith.constant 2 : i32
    %dma_start3A_257 = arith.constant 0 : i32
    %dma_start3A_258 = arith.constant 0 : i32
    %dma_start3A_259 = tpu.memref_slice %arg6[%dma_start3A_255, %dma_start3A_257, %dma_start3A_258] : memref<10x64x128xf32, #tpu.memory_space<vmem>> -> memref<1x64x128xf32, #tpu.memory_space<vmem>>
    %dma_start3A_260 = tpu.memref_squeeze %dma_start3A_259 : memref<1x64x128xf32, #tpu.memory_space<vmem>> -> memref<64x128xf32, #tpu.memory_space<vmem>>
    %dma_start3A_261 = arith.constant 0 : i32
    %dma_start3A_262 = tpu.memref_slice %arg4[%dma_start3A_256, %add3A_254, %dma_start3A_261] : memref<50x4096x128xf32, #tpu.memory_space<hbm>> -> memref<1x64x128xf32, #tpu.memory_space<hbm>>
    %dma_start3A_263 = tpu.memref_squeeze %dma_start3A_262 : memref<1x64x128xf32, #tpu.memory_space<hbm>> -> memref<64x128xf32, #tpu.memory_space<hbm>>
    %dma_start3A_264 = arith.constant 0 : i32
    %dma_start3A_265 = tpu.memref_slice %arg4[%dma_start3A_256, %add3A_254, %dma_start3A_264] : memref<50x4096x128xf32, #tpu.memory_space<hbm>> -> memref<1x64x128xf32, #tpu.memory_space<hbm>>
    %dma_start3A_266 = tpu.memref_squeeze %dma_start3A_265 : memref<1x64x128xf32, #tpu.memory_space<hbm>> -> memref<64x128xf32, #tpu.memory_space<hbm>>
    %dma_start3A_267 = arith.constant 0 : i32
    %dma_start3A_268 = arith.constant 0 : i32
    %dma_start3A_269 = tpu.memref_slice %arg6[%dma_start3A_255, %dma_start3A_267, %dma_start3A_268] : memref<10x64x128xf32, #tpu.memory_space<vmem>> -> memref<1x64x128xf32, #tpu.memory_space<vmem>>
    %dma_start3A_270 = tpu.memref_squeeze %dma_start3A_269 : memref<1x64x128xf32, #tpu.memory_space<vmem>> -> memref<64x128xf32, #tpu.memory_space<vmem>>
    tpu.enqueue_dma source(%dma_start3A_270 : memref<64x128xf32, #tpu.memory_space<vmem>>) target(%dma_start3A_266 : memref<64x128xf32, #tpu.memory_space<hbm>>) target_semaphore(%arg21 : memref<!tpu.dma_semaphore, #tpu.memory_space<semaphore_mem>>)
    %add3A_271 = arith.constant 0 : i32
    %add3A_272 = arith.addi %mul3A_2, %add3A_271 : i32
    %dma_wait3A_273 = arith.constant 0 : i32
    %dma_wait3A_274 = arith.constant 0 : i32
    %dma_wait3A_275 = arith.constant 0 : i32
    %dma_wait3A_276 = arith.constant 0 : i32
    %dma_wait3A_277 = tpu.memref_slice %arg6[%dma_wait3A_273, %dma_wait3A_275, %dma_wait3A_276] : memref<10x64x128xf32, #tpu.memory_space<vmem>> -> memref<1x64x128xf32, #tpu.memory_space<vmem>>
    %dma_wait3A_278 = tpu.memref_squeeze %dma_wait3A_277 : memref<1x64x128xf32, #tpu.memory_space<vmem>> -> memref<64x128xf32, #tpu.memory_space<vmem>>
    %dma_wait3A_279 = arith.constant 0 : i32
    %dma_wait3A_280 = tpu.memref_slice %arg4[%dma_wait3A_274, %add3A_272, %dma_wait3A_279] : memref<50x4096x128xf32, #tpu.memory_space<hbm>> -> memref<1x64x128xf32, #tpu.memory_space<hbm>>
    %dma_wait3A_281 = tpu.memref_squeeze %dma_wait3A_280 : memref<1x64x128xf32, #tpu.memory_space<hbm>> -> memref<64x128xf32, #tpu.memory_space<hbm>>
    %dma_wait3A_282 = arith.constant 0 : i32
    %dma_wait3A_283 = tpu.memref_slice %arg4[%dma_wait3A_274, %add3A_272, %dma_wait3A_282] : memref<50x4096x128xf32, #tpu.memory_space<hbm>> -> memref<1x64x128xf32, #tpu.memory_space<hbm>>
    %dma_wait3A_284 = tpu.memref_squeeze %dma_wait3A_283 : memref<1x64x128xf32, #tpu.memory_space<hbm>> -> memref<64x128xf32, #tpu.memory_space<hbm>>
    %dma_wait3A_285 = arith.constant 0 : i32
    %dma_wait3A_286 = arith.constant 0 : i32
    %dma_wait3A_287 = tpu.memref_slice %arg6[%dma_wait3A_273, %dma_wait3A_285, %dma_wait3A_286] : memref<10x64x128xf32, #tpu.memory_space<vmem>> -> memref<1x64x128xf32, #tpu.memory_space<vmem>>
    %dma_wait3A_288 = tpu.memref_squeeze %dma_wait3A_287 : memref<1x64x128xf32, #tpu.memory_space<vmem>> -> memref<64x128xf32, #tpu.memory_space<vmem>>
    tpu.wait_dma2 semaphore(%arg17 : memref<!tpu.dma_semaphore, #tpu.memory_space<semaphore_mem>>) src(%dma_wait3A_288 : memref<64x128xf32, #tpu.memory_space<vmem>>) dst(%dma_wait3A_284 : memref<64x128xf32, #tpu.memory_space<hbm>>)
    %dma_start3A_289 = arith.constant 5 : i32
    %dma_start3A_290 = arith.constant 0 : i32
    %dma_start3A_291 = arith.constant 0 : i32
    %dma_start3A_292 = arith.constant 0 : i32
    %dma_start3A_293 = tpu.memref_slice %arg6[%dma_start3A_290, %dma_start3A_291, %dma_start3A_292] : memref<10x64x128xf32, #tpu.memory_space<vmem>> -> memref<1x64x128xf32, #tpu.memory_space<vmem>>
    %dma_start3A_294 = tpu.memref_squeeze %dma_start3A_293 : memref<1x64x128xf32, #tpu.memory_space<vmem>> -> memref<64x128xf32, #tpu.memory_space<vmem>>
    %dma_start3A_295 = arith.constant 0 : i32
    %dma_start3A_296 = tpu.memref_slice %arg5[%dma_start3A_289, %dma_start3A_295] : memref<50x128xi32, #tpu.memory_space<vmem>> -> memref<1x64xi32, #tpu.memory_space<vmem>>
    %dma_start3A_297 = tpu.memref_squeeze %dma_start3A_296 : memref<1x64xi32, #tpu.memory_space<vmem>> -> memref<64xi32, #tpu.memory_space<vmem>>
    %dma_start3A_298 = arith.constant 0 : i32
    %dma_start3A_299 = arith.constant 0 : i32
    %dma_start3A_300 = tpu.memref_slice %arg3[%dma_start3A_298, %dma_start3A_299] : memref<100000x128xf32, #tpu.memory_space<hbm>> -> memref<100000x128xf32, #tpu.memory_space<hbm>>
    tpu.enqueue_indirect_dma source(%dma_start3A_300 : memref<100000x128xf32, #tpu.memory_space<hbm>>) target(%dma_start3A_294 : memref<64x128xf32, #tpu.memory_space<vmem>>) offsets(%dma_start3A_297 : memref<64xi32, #tpu.memory_space<vmem>>) semaphore(%arg7 : memref<!tpu.dma_semaphore, #tpu.memory_space<semaphore_mem>>)
    %dma_wait3A_301 = arith.constant 2 : i32
    %dma_wait3A_302 = arith.constant 5 : i32
    %dma_wait3A_303 = arith.constant 0 : i32
    %dma_wait3A_304 = arith.constant 0 : i32
    %dma_wait3A_305 = tpu.memref_slice %arg6[%dma_wait3A_302, %dma_wait3A_303, %dma_wait3A_304] : memref<10x64x128xf32, #tpu.memory_space<vmem>> -> memref<1x64x128xf32, #tpu.memory_space<vmem>>
    %dma_wait3A_306 = tpu.memref_squeeze %dma_wait3A_305 : memref<1x64x128xf32, #tpu.memory_space<vmem>> -> memref<64x128xf32, #tpu.memory_space<vmem>>
    %dma_wait3A_307 = arith.constant 64 : i32
    %dma_wait3A_308 = tpu.memref_slice %arg5[%dma_wait3A_301, %dma_wait3A_307] : memref<50x128xi32, #tpu.memory_space<vmem>> -> memref<1x64xi32, #tpu.memory_space<vmem>>
    %dma_wait3A_309 = tpu.memref_squeeze %dma_wait3A_308 : memref<1x64xi32, #tpu.memory_space<vmem>> -> memref<64xi32, #tpu.memory_space<vmem>>
    %dma_wait3A_310 = arith.constant 0 : i32
    %dma_wait3A_311 = arith.constant 0 : i32
    %dma_wait3A_312 = tpu.memref_slice %arg3[%dma_wait3A_310, %dma_wait3A_311] : memref<100000x128xf32, #tpu.memory_space<hbm>> -> memref<100000x128xf32, #tpu.memory_space<hbm>>
    tpu.wait_indirect_dma semaphore(%arg12 : memref<!tpu.dma_semaphore, #tpu.memory_space<semaphore_mem>>) src(%dma_wait3A_312 : memref<100000x128xf32, #tpu.memory_space<hbm>>) dst(%dma_wait3A_306 : memref<64x128xf32, #tpu.memory_space<vmem>>)
    %add3A_313 = arith.constant 64 : i32
    %add3A_314 = arith.addi %mul3A_2, %add3A_313 : i32
    %dma_start3A_315 = arith.constant 5 : i32
    %dma_start3A_316 = arith.constant 2 : i32
    %dma_start3A_317 = arith.constant 0 : i32
    %dma_start3A_318 = arith.constant 0 : i32
    %dma_start3A_319 = tpu.memref_slice %arg6[%dma_start3A_315, %dma_start3A_317, %dma_start3A_318] : memref<10x64x128xf32, #tpu.memory_space<vmem>> -> memref<1x64x128xf32, #tpu.memory_space<vmem>>
    %dma_start3A_320 = tpu.memref_squeeze %dma_start3A_319 : memref<1x64x128xf32, #tpu.memory_space<vmem>> -> memref<64x128xf32, #tpu.memory_space<vmem>>
    %dma_start3A_321 = arith.constant 0 : i32
    %dma_start3A_322 = tpu.memref_slice %arg4[%dma_start3A_316, %add3A_314, %dma_start3A_321] : memref<50x4096x128xf32, #tpu.memory_space<hbm>> -> memref<1x64x128xf32, #tpu.memory_space<hbm>>
    %dma_start3A_323 = tpu.memref_squeeze %dma_start3A_322 : memref<1x64x128xf32, #tpu.memory_space<hbm>> -> memref<64x128xf32, #tpu.memory_space<hbm>>
    %dma_start3A_324 = arith.constant 0 : i32
    %dma_start3A_325 = tpu.memref_slice %arg4[%dma_start3A_316, %add3A_314, %dma_start3A_324] : memref<50x4096x128xf32, #tpu.memory_space<hbm>> -> memref<1x64x128xf32, #tpu.memory_space<hbm>>
    %dma_start3A_326 = tpu.memref_squeeze %dma_start3A_325 : memref<1x64x128xf32, #tpu.memory_space<hbm>> -> memref<64x128xf32, #tpu.memory_space<hbm>>
    %dma_start3A_327 = arith.constant 0 : i32
    %dma_start3A_328 = arith.constant 0 : i32
    %dma_start3A_329 = tpu.memref_slice %arg6[%dma_start3A_315, %dma_start3A_327, %dma_start3A_328] : memref<10x64x128xf32, #tpu.memory_space<vmem>> -> memref<1x64x128xf32, #tpu.memory_space<vmem>>
    %dma_start3A_330 = tpu.memref_squeeze %dma_start3A_329 : memref<1x64x128xf32, #tpu.memory_space<vmem>> -> memref<64x128xf32, #tpu.memory_space<vmem>>
    tpu.enqueue_dma source(%dma_start3A_330 : memref<64x128xf32, #tpu.memory_space<vmem>>) target(%dma_start3A_326 : memref<64x128xf32, #tpu.memory_space<hbm>>) target_semaphore(%arg22 : memref<!tpu.dma_semaphore, #tpu.memory_space<semaphore_mem>>)
    %add3A_331 = arith.constant 64 : i32
    %add3A_332 = arith.addi %mul3A_2, %add3A_331 : i32
    %dma_wait3A_333 = arith.constant 1 : i32
    %dma_wait3A_334 = arith.constant 0 : i32
    %dma_wait3A_335 = arith.constant 0 : i32
    %dma_wait3A_336 = arith.constant 0 : i32
    %dma_wait3A_337 = tpu.memref_slice %arg6[%dma_wait3A_333, %dma_wait3A_335, %dma_wait3A_336] : memref<10x64x128xf32, #tpu.memory_space<vmem>> -> memref<1x64x128xf32, #tpu.memory_space<vmem>>
    %dma_wait3A_338 = tpu.memref_squeeze %dma_wait3A_337 : memref<1x64x128xf32, #tpu.memory_space<vmem>> -> memref<64x128xf32, #tpu.memory_space<vmem>>
    %dma_wait3A_339 = arith.constant 0 : i32
    %dma_wait3A_340 = tpu.memref_slice %arg4[%dma_wait3A_334, %add3A_332, %dma_wait3A_339] : memref<50x4096x128xf32, #tpu.memory_space<hbm>> -> memref<1x64x128xf32, #tpu.memory_space<hbm>>
    %dma_wait3A_341 = tpu.memref_squeeze %dma_wait3A_340 : memref<1x64x128xf32, #tpu.memory_space<hbm>> -> memref<64x128xf32, #tpu.memory_space<hbm>>
    %dma_wait3A_342 = arith.constant 0 : i32
    %dma_wait3A_343 = tpu.memref_slice %arg4[%dma_wait3A_334, %add3A_332, %dma_wait3A_342] : memref<50x4096x128xf32, #tpu.memory_space<hbm>> -> memref<1x64x128xf32, #tpu.memory_space<hbm>>
    %dma_wait3A_344 = tpu.memref_squeeze %dma_wait3A_343 : memref<1x64x128xf32, #tpu.memory_space<hbm>> -> memref<64x128xf32, #tpu.memory_space<hbm>>
    %dma_wait3A_345 = arith.constant 0 : i32
    %dma_wait3A_346 = arith.constant 0 : i32
    %dma_wait3A_347 = tpu.memref_slice %arg6[%dma_wait3A_333, %dma_wait3A_345, %dma_wait3A_346] : memref<10x64x128xf32, #tpu.memory_space<vmem>> -> memref<1x64x128xf32, #tpu.memory_space<vmem>>
    %dma_wait3A_348 = tpu.memref_squeeze %dma_wait3A_347 : memref<1x64x128xf32, #tpu.memory_space<vmem>> -> memref<64x128xf32, #tpu.memory_space<vmem>>
    tpu.wait_dma2 semaphore(%arg18 : memref<!tpu.dma_semaphore, #tpu.memory_space<semaphore_mem>>) src(%dma_wait3A_348 : memref<64x128xf32, #tpu.memory_space<vmem>>) dst(%dma_wait3A_344 : memref<64x128xf32, #tpu.memory_space<hbm>>)
    %dma_start3A_349 = arith.constant 5 : i32
    %dma_start3A_350 = arith.constant 1 : i32
    %dma_start3A_351 = arith.constant 0 : i32
    %dma_start3A_352 = arith.constant 0 : i32
    %dma_start3A_353 = tpu.memref_slice %arg6[%dma_start3A_350, %dma_start3A_351, %dma_start3A_352] : memref<10x64x128xf32, #tpu.memory_space<vmem>> -> memref<1x64x128xf32, #tpu.memory_space<vmem>>
    %dma_start3A_354 = tpu.memref_squeeze %dma_start3A_353 : memref<1x64x128xf32, #tpu.memory_space<vmem>> -> memref<64x128xf32, #tpu.memory_space<vmem>>
    %dma_start3A_355 = arith.constant 64 : i32
    %dma_start3A_356 = tpu.memref_slice %arg5[%dma_start3A_349, %dma_start3A_355] : memref<50x128xi32, #tpu.memory_space<vmem>> -> memref<1x64xi32, #tpu.memory_space<vmem>>
    %dma_start3A_357 = tpu.memref_squeeze %dma_start3A_356 : memref<1x64xi32, #tpu.memory_space<vmem>> -> memref<64xi32, #tpu.memory_space<vmem>>
    %dma_start3A_358 = arith.constant 0 : i32
    %dma_start3A_359 = arith.constant 0 : i32
    %dma_start3A_360 = tpu.memref_slice %arg3[%dma_start3A_358, %dma_start3A_359] : memref<100000x128xf32, #tpu.memory_space<hbm>> -> memref<100000x128xf32, #tpu.memory_space<hbm>>
    tpu.enqueue_indirect_dma source(%dma_start3A_360 : memref<100000x128xf32, #tpu.memory_space<hbm>>) target(%dma_start3A_354 : memref<64x128xf32, #tpu.memory_space<vmem>>) offsets(%dma_start3A_357 : memref<64xi32, #tpu.memory_space<vmem>>) semaphore(%arg8 : memref<!tpu.dma_semaphore, #tpu.memory_space<semaphore_mem>>)
    %dma_wait3A_361 = arith.constant 3 : i32
    %dma_wait3A_362 = arith.constant 6 : i32
    %dma_wait3A_363 = arith.constant 0 : i32
    %dma_wait3A_364 = arith.constant 0 : i32
    %dma_wait3A_365 = tpu.memref_slice %arg6[%dma_wait3A_362, %dma_wait3A_363, %dma_wait3A_364] : memref<10x64x128xf32, #tpu.memory_space<vmem>> -> memref<1x64x128xf32, #tpu.memory_space<vmem>>
    %dma_wait3A_366 = tpu.memref_squeeze %dma_wait3A_365 : memref<1x64x128xf32, #tpu.memory_space<vmem>> -> memref<64x128xf32, #tpu.memory_space<vmem>>
    %dma_wait3A_367 = arith.constant 0 : i32
    %dma_wait3A_368 = tpu.memref_slice %arg5[%dma_wait3A_361, %dma_wait3A_367] : memref<50x128xi32, #tpu.memory_space<vmem>> -> memref<1x64xi32, #tpu.memory_space<vmem>>
    %dma_wait3A_369 = tpu.memref_squeeze %dma_wait3A_368 : memref<1x64xi32, #tpu.memory_space<vmem>> -> memref<64xi32, #tpu.memory_space<vmem>>
    %dma_wait3A_370 = arith.constant 0 : i32
    %dma_wait3A_371 = arith.constant 0 : i32
    %dma_wait3A_372 = tpu.memref_slice %arg3[%dma_wait3A_370, %dma_wait3A_371] : memref<100000x128xf32, #tpu.memory_space<hbm>> -> memref<100000x128xf32, #tpu.memory_space<hbm>>
    tpu.wait_indirect_dma semaphore(%arg13 : memref<!tpu.dma_semaphore, #tpu.memory_space<semaphore_mem>>) src(%dma_wait3A_372 : memref<100000x128xf32, #tpu.memory_space<hbm>>) dst(%dma_wait3A_366 : memref<64x128xf32, #tpu.memory_space<vmem>>)
    %add3A_373 = arith.constant 0 : i32
    %add3A_374 = arith.addi %mul3A_2, %add3A_373 : i32
    %dma_start3A_375 = arith.constant 6 : i32
    %dma_start3A_376 = arith.constant 3 : i32
    %dma_start3A_377 = arith.constant 0 : i32
    %dma_start3A_378 = arith.constant 0 : i32
    %dma_start3A_379 = tpu.memref_slice %arg6[%dma_start3A_375, %dma_start3A_377, %dma_start3A_378] : memref<10x64x128xf32, #tpu.memory_space<vmem>> -> memref<1x64x128xf32, #tpu.memory_space<vmem>>
    %dma_start3A_380 = tpu.memref_squeeze %dma_start3A_379 : memref<1x64x128xf32, #tpu.memory_space<vmem>> -> memref<64x128xf32, #tpu.memory_space<vmem>>
    %dma_start3A_381 = arith.constant 0 : i32
    %dma_start3A_382 = tpu.memref_slice %arg4[%dma_start3A_376, %add3A_374, %dma_start3A_381] : memref<50x4096x128xf32, #tpu.memory_space<hbm>> -> memref<1x64x128xf32, #tpu.memory_space<hbm>>
    %dma_start3A_383 = tpu.memref_squeeze %dma_start3A_382 : memref<1x64x128xf32, #tpu.memory_space<hbm>> -> memref<64x128xf32, #tpu.memory_space<hbm>>
    %dma_start3A_384 = arith.constant 0 : i32
    %dma_start3A_385 = tpu.memref_slice %arg4[%dma_start3A_376, %add3A_374, %dma_start3A_384] : memref<50x4096x128xf32, #tpu.memory_space<hbm>> -> memref<1x64x128xf32, #tpu.memory_space<hbm>>
    %dma_start3A_386 = tpu.memref_squeeze %dma_start3A_385 : memref<1x64x128xf32, #tpu.memory_space<hbm>> -> memref<64x128xf32, #tpu.memory_space<hbm>>
    %dma_start3A_387 = arith.constant 0 : i32
    %dma_start3A_388 = arith.constant 0 : i32
    %dma_start3A_389 = tpu.memref_slice %arg6[%dma_start3A_375, %dma_start3A_387, %dma_start3A_388] : memref<10x64x128xf32, #tpu.memory_space<vmem>> -> memref<1x64x128xf32, #tpu.memory_space<vmem>>
    %dma_start3A_390 = tpu.memref_squeeze %dma_start3A_389 : memref<1x64x128xf32, #tpu.memory_space<vmem>> -> memref<64x128xf32, #tpu.memory_space<vmem>>
    tpu.enqueue_dma source(%dma_start3A_390 : memref<64x128xf32, #tpu.memory_space<vmem>>) target(%dma_start3A_386 : memref<64x128xf32, #tpu.memory_space<hbm>>) target_semaphore(%arg23 : memref<!tpu.dma_semaphore, #tpu.memory_space<semaphore_mem>>)
    %add3A_391 = arith.constant 0 : i32
    %add3A_392 = arith.addi %mul3A_2, %add3A_391 : i32
    %dma_wait3A_393 = arith.constant 2 : i32
    %dma_wait3A_394 = arith.constant 1 : i32
    %dma_wait3A_395 = arith.constant 0 : i32
    %dma_wait3A_396 = arith.constant 0 : i32
    %dma_wait3A_397 = tpu.memref_slice %arg6[%dma_wait3A_393, %dma_wait3A_395, %dma_wait3A_396] : memref<10x64x128xf32, #tpu.memory_space<vmem>> -> memref<1x64x128xf32, #tpu.memory_space<vmem>>
    %dma_wait3A_398 = tpu.memref_squeeze %dma_wait3A_397 : memref<1x64x128xf32, #tpu.memory_space<vmem>> -> memref<64x128xf32, #tpu.memory_space<vmem>>
    %dma_wait3A_399 = arith.constant 0 : i32
    %dma_wait3A_400 = tpu.memref_slice %arg4[%dma_wait3A_394, %add3A_392, %dma_wait3A_399] : memref<50x4096x128xf32, #tpu.memory_space<hbm>> -> memref<1x64x128xf32, #tpu.memory_space<hbm>>
    %dma_wait3A_401 = tpu.memref_squeeze %dma_wait3A_400 : memref<1x64x128xf32, #tpu.memory_space<hbm>> -> memref<64x128xf32, #tpu.memory_space<hbm>>
    %dma_wait3A_402 = arith.constant 0 : i32
    %dma_wait3A_403 = tpu.memref_slice %arg4[%dma_wait3A_394, %add3A_392, %dma_wait3A_402] : memref<50x4096x128xf32, #tpu.memory_space<hbm>> -> memref<1x64x128xf32, #tpu.memory_space<hbm>>
    %dma_wait3A_404 = tpu.memref_squeeze %dma_wait3A_403 : memref<1x64x128xf32, #tpu.memory_space<hbm>> -> memref<64x128xf32, #tpu.memory_space<hbm>>
    %dma_wait3A_405 = arith.constant 0 : i32
    %dma_wait3A_406 = arith.constant 0 : i32
    %dma_wait3A_407 = tpu.memref_slice %arg6[%dma_wait3A_393, %dma_wait3A_405, %dma_wait3A_406] : memref<10x64x128xf32, #tpu.memory_space<vmem>> -> memref<1x64x128xf32, #tpu.memory_space<vmem>>
    %dma_wait3A_408 = tpu.memref_squeeze %dma_wait3A_407 : memref<1x64x128xf32, #tpu.memory_space<vmem>> -> memref<64x128xf32, #tpu.memory_space<vmem>>
    tpu.wait_dma2 semaphore(%arg19 : memref<!tpu.dma_semaphore, #tpu.memory_space<semaphore_mem>>) src(%dma_wait3A_408 : memref<64x128xf32, #tpu.memory_space<vmem>>) dst(%dma_wait3A_404 : memref<64x128xf32, #tpu.memory_space<hbm>>)
    %dma_start3A_409 = arith.constant 6 : i32
    %dma_start3A_410 = arith.constant 2 : i32
    %dma_start3A_411 = arith.constant 0 : i32
    %dma_start3A_412 = arith.constant 0 : i32
    %dma_start3A_413 = tpu.memref_slice %arg6[%dma_start3A_410, %dma_start3A_411, %dma_start3A_412] : memref<10x64x128xf32, #tpu.memory_space<vmem>> -> memref<1x64x128xf32, #tpu.memory_space<vmem>>
    %dma_start3A_414 = tpu.memref_squeeze %dma_start3A_413 : memref<1x64x128xf32, #tpu.memory_space<vmem>> -> memref<64x128xf32, #tpu.memory_space<vmem>>
    %dma_start3A_415 = arith.constant 0 : i32
    %dma_start3A_416 = tpu.memref_slice %arg5[%dma_start3A_409, %dma_start3A_415] : memref<50x128xi32, #tpu.memory_space<vmem>> -> memref<1x64xi32, #tpu.memory_space<vmem>>
    %dma_start3A_417 = tpu.memref_squeeze %dma_start3A_416 : memref<1x64xi32, #tpu.memory_space<vmem>> -> memref<64xi32, #tpu.memory_space<vmem>>
    %dma_start3A_418 = arith.constant 0 : i32
    %dma_start3A_419 = arith.constant 0 : i32
    %dma_start3A_420 = tpu.memref_slice %arg3[%dma_start3A_418, %dma_start3A_419] : memref<100000x128xf32, #tpu.memory_space<hbm>> -> memref<100000x128xf32, #tpu.memory_space<hbm>>
    tpu.enqueue_indirect_dma source(%dma_start3A_420 : memref<100000x128xf32, #tpu.memory_space<hbm>>) target(%dma_start3A_414 : memref<64x128xf32, #tpu.memory_space<vmem>>) offsets(%dma_start3A_417 : memref<64xi32, #tpu.memory_space<vmem>>) semaphore(%arg9 : memref<!tpu.dma_semaphore, #tpu.memory_space<semaphore_mem>>)
    %dma_wait3A_421 = arith.constant 3 : i32
    %dma_wait3A_422 = arith.constant 7 : i32
    %dma_wait3A_423 = arith.constant 0 : i32
    %dma_wait3A_424 = arith.constant 0 : i32
    %dma_wait3A_425 = tpu.memref_slice %arg6[%dma_wait3A_422, %dma_wait3A_423, %dma_wait3A_424] : memref<10x64x128xf32, #tpu.memory_space<vmem>> -> memref<1x64x128xf32, #tpu.memory_space<vmem>>
    %dma_wait3A_426 = tpu.memref_squeeze %dma_wait3A_425 : memref<1x64x128xf32, #tpu.memory_space<vmem>> -> memref<64x128xf32, #tpu.memory_space<vmem>>
    %dma_wait3A_427 = arith.constant 64 : i32
    %dma_wait3A_428 = tpu.memref_slice %arg5[%dma_wait3A_421, %dma_wait3A_427] : memref<50x128xi32, #tpu.memory_space<vmem>> -> memref<1x64xi32, #tpu.memory_space<vmem>>
    %dma_wait3A_429 = tpu.memref_squeeze %dma_wait3A_428 : memref<1x64xi32, #tpu.memory_space<vmem>> -> memref<64xi32, #tpu.memory_space<vmem>>
    %dma_wait3A_430 = arith.constant 0 : i32
    %dma_wait3A_431 = arith.constant 0 : i32
    %dma_wait3A_432 = tpu.memref_slice %arg3[%dma_wait3A_430, %dma_wait3A_431] : memref<100000x128xf32, #tpu.memory_space<hbm>> -> memref<100000x128xf32, #tpu.memory_space<hbm>>
    tpu.wait_indirect_dma semaphore(%arg14 : memref<!tpu.dma_semaphore, #tpu.memory_space<semaphore_mem>>) src(%dma_wait3A_432 : memref<100000x128xf32, #tpu.memory_space<hbm>>) dst(%dma_wait3A_426 : memref<64x128xf32, #tpu.memory_space<vmem>>)
    %add3A_433 = arith.constant 64 : i32
    %add3A_434 = arith.addi %mul3A_2, %add3A_433 : i32
    %dma_start3A_435 = arith.constant 7 : i32
    %dma_start3A_436 = arith.constant 3 : i32
    %dma_start3A_437 = arith.constant 0 : i32
    %dma_start3A_438 = arith.constant 0 : i32
    %dma_start3A_439 = tpu.memref_slice %arg6[%dma_start3A_435, %dma_start3A_437, %dma_start3A_438] : memref<10x64x128xf32, #tpu.memory_space<vmem>> -> memref<1x64x128xf32, #tpu.memory_space<vmem>>
    %dma_start3A_440 = tpu.memref_squeeze %dma_start3A_439 : memref<1x64x128xf32, #tpu.memory_space<vmem>> -> memref<64x128xf32, #tpu.memory_space<vmem>>
    %dma_start3A_441 = arith.constant 0 : i32
    %dma_start3A_442 = tpu.memref_slice %arg4[%dma_start3A_436, %add3A_434, %dma_start3A_441] : memref<50x4096x128xf32, #tpu.memory_space<hbm>> -> memref<1x64x128xf32, #tpu.memory_space<hbm>>
    %dma_start3A_443 = tpu.memref_squeeze %dma_start3A_442 : memref<1x64x128xf32, #tpu.memory_space<hbm>> -> memref<64x128xf32, #tpu.memory_space<hbm>>
    %dma_start3A_444 = arith.constant 0 : i32
    %dma_start3A_445 = tpu.memref_slice %arg4[%dma_start3A_436, %add3A_434, %dma_start3A_444] : memref<50x4096x128xf32, #tpu.memory_space<hbm>> -> memref<1x64x128xf32, #tpu.memory_space<hbm>>
    %dma_start3A_446 = tpu.memref_squeeze %dma_start3A_445 : memref<1x64x128xf32, #tpu.memory_space<hbm>> -> memref<64x128xf32, #tpu.memory_space<hbm>>
    %dma_start3A_447 = arith.constant 0 : i32
    %dma_start3A_448 = arith.constant 0 : i32
    %dma_start3A_449 = tpu.memref_slice %arg6[%dma_start3A_435, %dma_start3A_447, %dma_start3A_448] : memref<10x64x128xf32, #tpu.memory_space<vmem>> -> memref<1x64x128xf32, #tpu.memory_space<vmem>>
    %dma_start3A_450 = tpu.memref_squeeze %dma_start3A_449 : memref<1x64x128xf32, #tpu.memory_space<vmem>> -> memref<64x128xf32, #tpu.memory_space<vmem>>
    tpu.enqueue_dma source(%dma_start3A_450 : memref<64x128xf32, #tpu.memory_space<vmem>>) target(%dma_start3A_446 : memref<64x128xf32, #tpu.memory_space<hbm>>) target_semaphore(%arg24 : memref<!tpu.dma_semaphore, #tpu.memory_space<semaphore_mem>>)
    %add3A_451 = arith.constant 64 : i32
    %add3A_452 = arith.addi %mul3A_2, %add3A_451 : i32
    %dma_wait3A_453 = arith.constant 3 : i32
    %dma_wait3A_454 = arith.constant 1 : i32
    %dma_wait3A_455 = arith.constant 0 : i32
    %dma_wait3A_456 = arith.constant 0 : i32
    %dma_wait3A_457 = tpu.memref_slice %arg6[%dma_wait3A_453, %dma_wait3A_455, %dma_wait3A_456] : memref<10x64x128xf32, #tpu.memory_space<vmem>> -> memref<1x64x128xf32, #tpu.memory_space<vmem>>
    %dma_wait3A_458 = tpu.memref_squeeze %dma_wait3A_457 : memref<1x64x128xf32, #tpu.memory_space<vmem>> -> memref<64x128xf32, #tpu.memory_space<vmem>>
    %dma_wait3A_459 = arith.constant 0 : i32
    %dma_wait3A_460 = tpu.memref_slice %arg4[%dma_wait3A_454, %add3A_452, %dma_wait3A_459] : memref<50x4096x128xf32, #tpu.memory_space<hbm>> -> memref<1x64x128xf32, #tpu.memory_space<hbm>>
    %dma_wait3A_461 = tpu.memref_squeeze %dma_wait3A_460 : memref<1x64x128xf32, #tpu.memory_space<hbm>> -> memref<64x128xf32, #tpu.memory_space<hbm>>
    %dma_wait3A_462 = arith.constant 0 : i32
    %dma_wait3A_463 = tpu.memref_slice %arg4[%dma_wait3A_454, %add3A_452, %dma_wait3A_462] : memref<50x4096x128xf32, #tpu.memory_space<hbm>> -> memref<1x64x128xf32, #tpu.memory_space<hbm>>
    %dma_wait3A_464 = tpu.memref_squeeze %dma_wait3A_463 : memref<1x64x128xf32, #tpu.memory_space<hbm>> -> memref<64x128xf32, #tpu.memory_space<hbm>>
    %dma_wait3A_465 = arith.constant 0 : i32
    %dma_wait3A_466 = arith.constant 0 : i32
    %dma_wait3A_467 = tpu.memref_slice %arg6[%dma_wait3A_453, %dma_wait3A_465, %dma_wait3A_466] : memref<10x64x128xf32, #tpu.memory_space<vmem>> -> memref<1x64x128xf32, #tpu.memory_space<vmem>>
    %dma_wait3A_468 = tpu.memref_squeeze %dma_wait3A_467 : memref<1x64x128xf32, #tpu.memory_space<vmem>> -> memref<64x128xf32, #tpu.memory_space<vmem>>
    tpu.wait_dma2 semaphore(%arg20 : memref<!tpu.dma_semaphore, #tpu.memory_space<semaphore_mem>>) src(%dma_wait3A_468 : memref<64x128xf32, #tpu.memory_space<vmem>>) dst(%dma_wait3A_464 : memref<64x128xf32, #tpu.memory_space<hbm>>)
    %dma_start3A_469 = arith.constant 6 : i32
    %dma_start3A_470 = arith.constant 3 : i32
    %dma_start3A_471 = arith.constant 0 : i32
    %dma_start3A_472 = arith.constant 0 : i32
    %dma_start3A_473 = tpu.memref_slice %arg6[%dma_start3A_470, %dma_start3A_471, %dma_start3A_472] : memref<10x64x128xf32, #tpu.memory_space<vmem>> -> memref<1x64x128xf32, #tpu.memory_space<vmem>>
    %dma_start3A_474 = tpu.memref_squeeze %dma_start3A_473 : memref<1x64x128xf32, #tpu.memory_space<vmem>> -> memref<64x128xf32, #tpu.memory_space<vmem>>
    %dma_start3A_475 = arith.constant 64 : i32
    %dma_start3A_476 = tpu.memref_slice %arg5[%dma_start3A_469, %dma_start3A_475] : memref<50x128xi32, #tpu.memory_space<vmem>> -> memref<1x64xi32, #tpu.memory_space<vmem>>
    %dma_start3A_477 = tpu.memref_squeeze %dma_start3A_476 : memref<1x64xi32, #tpu.memory_space<vmem>> -> memref<64xi32, #tpu.memory_space<vmem>>
    %dma_start3A_478 = arith.constant 0 : i32
    %dma_start3A_479 = arith.constant 0 : i32
    %dma_start3A_480 = tpu.memref_slice %arg3[%dma_start3A_478, %dma_start3A_479] : memref<100000x128xf32, #tpu.memory_space<hbm>> -> memref<100000x128xf32, #tpu.memory_space<hbm>>
    tpu.enqueue_indirect_dma source(%dma_start3A_480 : memref<100000x128xf32, #tpu.memory_space<hbm>>) target(%dma_start3A_474 : memref<64x128xf32, #tpu.memory_space<vmem>>) offsets(%dma_start3A_477 : memref<64xi32, #tpu.memory_space<vmem>>) semaphore(%arg10 : memref<!tpu.dma_semaphore, #tpu.memory_space<semaphore_mem>>)
    %dma_wait3A_481 = arith.constant 4 : i32
    %dma_wait3A_482 = arith.constant 8 : i32
    %dma_wait3A_483 = arith.constant 0 : i32
    %dma_wait3A_484 = arith.constant 0 : i32
    %dma_wait3A_485 = tpu.memref_slice %arg6[%dma_wait3A_482, %dma_wait3A_483, %dma_wait3A_484] : memref<10x64x128xf32, #tpu.memory_space<vmem>> -> memref<1x64x128xf32, #tpu.memory_space<vmem>>
    %dma_wait3A_486 = tpu.memref_squeeze %dma_wait3A_485 : memref<1x64x128xf32, #tpu.memory_space<vmem>> -> memref<64x128xf32, #tpu.memory_space<vmem>>
    %dma_wait3A_487 = arith.constant 0 : i32
    %dma_wait3A_488 = tpu.memref_slice %arg5[%dma_wait3A_481, %dma_wait3A_487] : memref<50x128xi32, #tpu.memory_space<vmem>> -> memref<1x64xi32, #tpu.memory_space<vmem>>
    %dma_wait3A_489 = tpu.memref_squeeze %dma_wait3A_488 : memref<1x64xi32, #tpu.memory_space<vmem>> -> memref<64xi32, #tpu.memory_space<vmem>>
    %dma_wait3A_490 = arith.constant 0 : i32
    %dma_wait3A_491 = arith.constant 0 : i32
    %dma_wait3A_492 = tpu.memref_slice %arg3[%dma_wait3A_490, %dma_wait3A_491] : memref<100000x128xf32, #tpu.memory_space<hbm>> -> memref<100000x128xf32, #tpu.memory_space<hbm>>
    tpu.wait_indirect_dma semaphore(%arg15 : memref<!tpu.dma_semaphore, #tpu.memory_space<semaphore_mem>>) src(%dma_wait3A_492 : memref<100000x128xf32, #tpu.memory_space<hbm>>) dst(%dma_wait3A_486 : memref<64x128xf32, #tpu.memory_space<vmem>>)
    %add3A_493 = arith.constant 0 : i32
    %add3A_494 = arith.addi %mul3A_2, %add3A_493 : i32
    %dma_start3A_495 = arith.constant 8 : i32
    %dma_start3A_496 = arith.constant 4 : i32
    %dma_start3A_497 = arith.constant 0 : i32
    %dma_start3A_498 = arith.constant 0 : i32
    %dma_start3A_499 = tpu.memref_slice %arg6[%dma_start3A_495, %dma_start3A_497, %dma_start3A_498] : memref<10x64x128xf32, #tpu.memory_space<vmem>> -> memref<1x64x128xf32, #tpu.memory_space<vmem>>
    %dma_start3A_500 = tpu.memref_squeeze %dma_start3A_499 : memref<1x64x128xf32, #tpu.memory_space<vmem>> -> memref<64x128xf32, #tpu.memory_space<vmem>>
    %dma_start3A_501 = arith.constant 0 : i32
    %dma_start3A_502 = tpu.memref_slice %arg4[%dma_start3A_496, %add3A_494, %dma_start3A_501] : memref<50x4096x128xf32, #tpu.memory_space<hbm>> -> memref<1x64x128xf32, #tpu.memory_space<hbm>>
    %dma_start3A_503 = tpu.memref_squeeze %dma_start3A_502 : memref<1x64x128xf32, #tpu.memory_space<hbm>> -> memref<64x128xf32, #tpu.memory_space<hbm>>
    %dma_start3A_504 = arith.constant 0 : i32
    %dma_start3A_505 = tpu.memref_slice %arg4[%dma_start3A_496, %add3A_494, %dma_start3A_504] : memref<50x4096x128xf32, #tpu.memory_space<hbm>> -> memref<1x64x128xf32, #tpu.memory_space<hbm>>
    %dma_start3A_506 = tpu.memref_squeeze %dma_start3A_505 : memref<1x64x128xf32, #tpu.memory_space<hbm>> -> memref<64x128xf32, #tpu.memory_space<hbm>>
    %dma_start3A_507 = arith.constant 0 : i32
    %dma_start3A_508 = arith.constant 0 : i32
    %dma_start3A_509 = tpu.memref_slice %arg6[%dma_start3A_495, %dma_start3A_507, %dma_start3A_508] : memref<10x64x128xf32, #tpu.memory_space<vmem>> -> memref<1x64x128xf32, #tpu.memory_space<vmem>>
    %dma_start3A_510 = tpu.memref_squeeze %dma_start3A_509 : memref<1x64x128xf32, #tpu.memory_space<vmem>> -> memref<64x128xf32, #tpu.memory_space<vmem>>
    tpu.enqueue_dma source(%dma_start3A_510 : memref<64x128xf32, #tpu.memory_space<vmem>>) target(%dma_start3A_506 : memref<64x128xf32, #tpu.memory_space<hbm>>) target_semaphore(%arg25 : memref<!tpu.dma_semaphore, #tpu.memory_space<semaphore_mem>>)
    %add3A_511 = arith.constant 0 : i32
    %add3A_512 = arith.addi %mul3A_2, %add3A_511 : i32
    %dma_wait3A_513 = arith.constant 4 : i32
    %dma_wait3A_514 = arith.constant 2 : i32
    %dma_wait3A_515 = arith.constant 0 : i32
    %dma_wait3A_516 = arith.constant 0 : i32
    %dma_wait3A_517 = tpu.memref_slice %arg6[%dma_wait3A_513, %dma_wait3A_515, %dma_wait3A_516] : memref<10x64x128xf32, #tpu.memory_space<vmem>> -> memref<1x64x128xf32, #tpu.memory_space<vmem>>
    %dma_wait3A_518 = tpu.memref_squeeze %dma_wait3A_517 : memref<1x64x128xf32, #tpu.memory_space<vmem>> -> memref<64x128xf32, #tpu.memory_space<vmem>>
    %dma_wait3A_519 = arith.constant 0 : i32
    %dma_wait3A_520 = tpu.memref_slice %arg4[%dma_wait3A_514, %add3A_512, %dma_wait3A_519] : memref<50x4096x128xf32, #tpu.memory_space<hbm>> -> memref<1x64x128xf32, #tpu.memory_space<hbm>>
    %dma_wait3A_521 = tpu.memref_squeeze %dma_wait3A_520 : memref<1x64x128xf32, #tpu.memory_space<hbm>> -> memref<64x128xf32, #tpu.memory_space<hbm>>
    %dma_wait3A_522 = arith.constant 0 : i32
    %dma_wait3A_523 = tpu.memref_slice %arg4[%dma_wait3A_514, %add3A_512, %dma_wait3A_522] : memref<50x4096x128xf32, #tpu.memory_space<hbm>> -> memref<1x64x128xf32, #tpu.memory_space<hbm>>
    %dma_wait3A_524 = tpu.memref_squeeze %dma_wait3A_523 : memref<1x64x128xf32, #tpu.memory_space<hbm>> -> memref<64x128xf32, #tpu.memory_space<hbm>>
    %dma_wait3A_525 = arith.constant 0 : i32
    %dma_wait3A_526 = arith.constant 0 : i32
    %dma_wait3A_527 = tpu.memref_slice %arg6[%dma_wait3A_513, %dma_wait3A_525, %dma_wait3A_526] : memref<10x64x128xf32, #tpu.memory_space<vmem>> -> memref<1x64x128xf32, #tpu.memory_space<vmem>>
    %dma_wait3A_528 = tpu.memref_squeeze %dma_wait3A_527 : memref<1x64x128xf32, #tpu.memory_space<vmem>> -> memref<64x128xf32, #tpu.memory_space<vmem>>
    tpu.wait_dma2 semaphore(%arg21 : memref<!tpu.dma_semaphore, #tpu.memory_space<semaphore_mem>>) src(%dma_wait3A_528 : memref<64x128xf32, #tpu.memory_space<vmem>>) dst(%dma_wait3A_524 : memref<64x128xf32, #tpu.memory_space<hbm>>)
    %dma_start3A_529 = arith.constant 7 : i32
    %dma_start3A_530 = arith.constant 4 : i32
    %dma_start3A_531 = arith.constant 0 : i32
    %dma_start3A_532 = arith.constant 0 : i32
    %dma_start3A_533 = tpu.memref_slice %arg6[%dma_start3A_530, %dma_start3A_531, %dma_start3A_532] : memref<10x64x128xf32, #tpu.memory_space<vmem>> -> memref<1x64x128xf32, #tpu.memory_space<vmem>>
    %dma_start3A_534 = tpu.memref_squeeze %dma_start3A_533 : memref<1x64x128xf32, #tpu.memory_space<vmem>> -> memref<64x128xf32, #tpu.memory_space<vmem>>
    %dma_start3A_535 = arith.constant 0 : i32
    %dma_start3A_536 = tpu.memref_slice %arg5[%dma_start3A_529, %dma_start3A_535] : memref<50x128xi32, #tpu.memory_space<vmem>> -> memref<1x64xi32, #tpu.memory_space<vmem>>
    %dma_start3A_537 = tpu.memref_squeeze %dma_start3A_536 : memref<1x64xi32, #tpu.memory_space<vmem>> -> memref<64xi32, #tpu.memory_space<vmem>>
    %dma_start3A_538 = arith.constant 0 : i32
    %dma_start3A_539 = arith.constant 0 : i32
    %dma_start3A_540 = tpu.memref_slice %arg3[%dma_start3A_538, %dma_start3A_539] : memref<100000x128xf32, #tpu.memory_space<hbm>> -> memref<100000x128xf32, #tpu.memory_space<hbm>>
    tpu.enqueue_indirect_dma source(%dma_start3A_540 : memref<100000x128xf32, #tpu.memory_space<hbm>>) target(%dma_start3A_534 : memref<64x128xf32, #tpu.memory_space<vmem>>) offsets(%dma_start3A_537 : memref<64xi32, #tpu.memory_space<vmem>>) semaphore(%arg11 : memref<!tpu.dma_semaphore, #tpu.memory_space<semaphore_mem>>)
    %dma_wait3A_541 = arith.constant 4 : i32
    %dma_wait3A_542 = arith.constant 9 : i32
    %dma_wait3A_543 = arith.constant 0 : i32
    %dma_wait3A_544 = arith.constant 0 : i32
    %dma_wait3A_545 = tpu.memref_slice %arg6[%dma_wait3A_542, %dma_wait3A_543, %dma_wait3A_544] : memref<10x64x128xf32, #tpu.memory_space<vmem>> -> memref<1x64x128xf32, #tpu.memory_space<vmem>>
    %dma_wait3A_546 = tpu.memref_squeeze %dma_wait3A_545 : memref<1x64x128xf32, #tpu.memory_space<vmem>> -> memref<64x128xf32, #tpu.memory_space<vmem>>
    %dma_wait3A_547 = arith.constant 64 : i32
    %dma_wait3A_548 = tpu.memref_slice %arg5[%dma_wait3A_541, %dma_wait3A_547] : memref<50x128xi32, #tpu.memory_space<vmem>> -> memref<1x64xi32, #tpu.memory_space<vmem>>
    %dma_wait3A_549 = tpu.memref_squeeze %dma_wait3A_548 : memref<1x64xi32, #tpu.memory_space<vmem>> -> memref<64xi32, #tpu.memory_space<vmem>>
    %dma_wait3A_550 = arith.constant 0 : i32
    %dma_wait3A_551 = arith.constant 0 : i32
    %dma_wait3A_552 = tpu.memref_slice %arg3[%dma_wait3A_550, %dma_wait3A_551] : memref<100000x128xf32, #tpu.memory_space<hbm>> -> memref<100000x128xf32, #tpu.memory_space<hbm>>
    tpu.wait_indirect_dma semaphore(%arg16 : memref<!tpu.dma_semaphore, #tpu.memory_space<semaphore_mem>>) src(%dma_wait3A_552 : memref<100000x128xf32, #tpu.memory_space<hbm>>) dst(%dma_wait3A_546 : memref<64x128xf32, #tpu.memory_space<vmem>>)
    %add3A_553 = arith.constant 64 : i32
    %add3A_554 = arith.addi %mul3A_2, %add3A_553 : i32
    %dma_start3A_555 = arith.constant 9 : i32
    %dma_start3A_556 = arith.constant 4 : i32
    %dma_start3A_557 = arith.constant 0 : i32
    %dma_start3A_558 = arith.constant 0 : i32
    %dma_start3A_559 = tpu.memref_slice %arg6[%dma_start3A_555, %dma_start3A_557, %dma_start3A_558] : memref<10x64x128xf32, #tpu.memory_space<vmem>> -> memref<1x64x128xf32, #tpu.memory_space<vmem>>
    %dma_start3A_560 = tpu.memref_squeeze %dma_start3A_559 : memref<1x64x128xf32, #tpu.memory_space<vmem>> -> memref<64x128xf32, #tpu.memory_space<vmem>>
    %dma_start3A_561 = arith.constant 0 : i32
    %dma_start3A_562 = tpu.memref_slice %arg4[%dma_start3A_556, %add3A_554, %dma_start3A_561] : memref<50x4096x128xf32, #tpu.memory_space<hbm>> -> memref<1x64x128xf32, #tpu.memory_space<hbm>>
    %dma_start3A_563 = tpu.memref_squeeze %dma_start3A_562 : memref<1x64x128xf32, #tpu.memory_space<hbm>> -> memref<64x128xf32, #tpu.memory_space<hbm>>
    %dma_start3A_564 = arith.constant 0 : i32
    %dma_start3A_565 = tpu.memref_slice %arg4[%dma_start3A_556, %add3A_554, %dma_start3A_564] : memref<50x4096x128xf32, #tpu.memory_space<hbm>> -> memref<1x64x128xf32, #tpu.memory_space<hbm>>
    %dma_start3A_566 = tpu.memref_squeeze %dma_start3A_565 : memref<1x64x128xf32, #tpu.memory_space<hbm>> -> memref<64x128xf32, #tpu.memory_space<hbm>>
    %dma_start3A_567 = arith.constant 0 : i32
    %dma_start3A_568 = arith.constant 0 : i32
    %dma_start3A_569 = tpu.memref_slice %arg6[%dma_start3A_555, %dma_start3A_567, %dma_start3A_568] : memref<10x64x128xf32, #tpu.memory_space<vmem>> -> memref<1x64x128xf32, #tpu.memory_space<vmem>>
    %dma_start3A_570 = tpu.memref_squeeze %dma_start3A_569 : memref<1x64x128xf32, #tpu.memory_space<vmem>> -> memref<64x128xf32, #tpu.memory_space<vmem>>
    tpu.enqueue_dma source(%dma_start3A_570 : memref<64x128xf32, #tpu.memory_space<vmem>>) target(%dma_start3A_566 : memref<64x128xf32, #tpu.memory_space<hbm>>) target_semaphore(%arg26 : memref<!tpu.dma_semaphore, #tpu.memory_space<semaphore_mem>>)
    %add3A_571 = arith.constant 64 : i32
    %add3A_572 = arith.addi %mul3A_2, %add3A_571 : i32
    %dma_wait3A_573 = arith.constant 5 : i32
    %dma_wait3A_574 = arith.constant 2 : i32
    %dma_wait3A_575 = arith.constant 0 : i32
    %dma_wait3A_576 = arith.constant 0 : i32
    %dma_wait3A_577 = tpu.memref_slice %arg6[%dma_wait3A_573, %dma_wait3A_575, %dma_wait3A_576] : memref<10x64x128xf32, #tpu.memory_space<vmem>> -> memref<1x64x128xf32, #tpu.memory_space<vmem>>
    %dma_wait3A_578 = tpu.memref_squeeze %dma_wait3A_577 : memref<1x64x128xf32, #tpu.memory_space<vmem>> -> memref<64x128xf32, #tpu.memory_space<vmem>>
    %dma_wait3A_579 = arith.constant 0 : i32
    %dma_wait3A_580 = tpu.memref_slice %arg4[%dma_wait3A_574, %add3A_572, %dma_wait3A_579] : memref<50x4096x128xf32, #tpu.memory_space<hbm>> -> memref<1x64x128xf32, #tpu.memory_space<hbm>>
    %dma_wait3A_581 = tpu.memref_squeeze %dma_wait3A_580 : memref<1x64x128xf32, #tpu.memory_space<hbm>> -> memref<64x128xf32, #tpu.memory_space<hbm>>
    %dma_wait3A_582 = arith.constant 0 : i32
    %dma_wait3A_583 = tpu.memref_slice %arg4[%dma_wait3A_574, %add3A_572, %dma_wait3A_582] : memref<50x4096x128xf32, #tpu.memory_space<hbm>> -> memref<1x64x128xf32, #tpu.memory_space<hbm>>
    %dma_wait3A_584 = tpu.memref_squeeze %dma_wait3A_583 : memref<1x64x128xf32, #tpu.memory_space<hbm>> -> memref<64x128xf32, #tpu.memory_space<hbm>>
    %dma_wait3A_585 = arith.constant 0 : i32
    %dma_wait3A_586 = arith.constant 0 : i32
    %dma_wait3A_587 = tpu.memref_slice %arg6[%dma_wait3A_573, %dma_wait3A_585, %dma_wait3A_586] : memref<10x64x128xf32, #tpu.memory_space<vmem>> -> memref<1x64x128xf32, #tpu.memory_space<vmem>>
    %dma_wait3A_588 = tpu.memref_squeeze %dma_wait3A_587 : memref<1x64x128xf32, #tpu.memory_space<vmem>> -> memref<64x128xf32, #tpu.memory_space<vmem>>
    tpu.wait_dma2 semaphore(%arg22 : memref<!tpu.dma_semaphore, #tpu.memory_space<semaphore_mem>>) src(%dma_wait3A_588 : memref<64x128xf32, #tpu.memory_space<vmem>>) dst(%dma_wait3A_584 : memref<64x128xf32, #tpu.memory_space<hbm>>)
    %dma_start3A_589 = arith.constant 7 : i32
    %dma_start3A_590 = arith.constant 5 : i32
    %dma_start3A_591 = arith.constant 0 : i32
    %dma_start3A_592 = arith.constant 0 : i32
    %dma_start3A_593 = tpu.memref_slice %arg6[%dma_start3A_590, %dma_start3A_591, %dma_start3A_592] : memref<10x64x128xf32, #tpu.memory_space<vmem>> -> memref<1x64x128xf32, #tpu.memory_space<vmem>>
    %dma_start3A_594 = tpu.memref_squeeze %dma_start3A_593 : memref<1x64x128xf32, #tpu.memory_space<vmem>> -> memref<64x128xf32, #tpu.memory_space<vmem>>
    %dma_start3A_595 = arith.constant 64 : i32
    %dma_start3A_596 = tpu.memref_slice %arg5[%dma_start3A_589, %dma_start3A_595] : memref<50x128xi32, #tpu.memory_space<vmem>> -> memref<1x64xi32, #tpu.memory_space<vmem>>
    %dma_start3A_597 = tpu.memref_squeeze %dma_start3A_596 : memref<1x64xi32, #tpu.memory_space<vmem>> -> memref<64xi32, #tpu.memory_space<vmem>>
    %dma_start3A_598 = arith.constant 0 : i32
    %dma_start3A_599 = arith.constant 0 : i32
    %dma_start3A_600 = tpu.memref_slice %arg3[%dma_start3A_598, %dma_start3A_599] : memref<100000x128xf32, #tpu.memory_space<hbm>> -> memref<100000x128xf32, #tpu.memory_space<hbm>>
    tpu.enqueue_indirect_dma source(%dma_start3A_600 : memref<100000x128xf32, #tpu.memory_space<hbm>>) target(%dma_start3A_594 : memref<64x128xf32, #tpu.memory_space<vmem>>) offsets(%dma_start3A_597 : memref<64xi32, #tpu.memory_space<vmem>>) semaphore(%arg12 : memref<!tpu.dma_semaphore, #tpu.memory_space<semaphore_mem>>)
    %scan3A = arith.constant 0 : i32
    %scan3A_601 = arith.constant 0 : i32
    %scan3A_602 = arith.constant 6 : i32
    %scan3A_603 = arith.constant 1 : i32
    %scan3A_604 = arith.constant 7 : i32
    %scan3A_605 = arith.constant 2 : i32
    %scan3A_606 = arith.constant 8 : i32
    %scan3A_607 = arith.constant 3 : i32
    %scan3A_608 = arith.constant 9 : i32
    %scan3A_609 = arith.constant 4 : i32
    %scan3A_610 = arith.constant 5 : i32
    %scan3A_611 = arith.constant 1 : i32
    %scan3A_612 = arith.constant 8 : i32
    %scan3A_613 = arith.addi %scan3A_611, %scan3A_612 : i32
    %scan3A_614 = arith.constant 1 : i32
    scf.for %scan3A_1216 = %scan3A_611 to %scan3A_613 step %scan3A_614  : i32 {
      %mul3A_1217 = arith.constant 10 : i32
      %mul3A_1218 = arith.muli %scan3A_1216, %mul3A_1217 : i32
      %add3A_1219 = arith.constant 0 : i32
      %add3A_1220 = arith.addi %mul3A_1218, %add3A_1219 : i32
      %jit3A = arith.constant 2 : i32
      %div3A = arith.divsi %add3A_1220, %jit3A : i32
      %sign3A = arith.constant 0 : i32
      %sign3A_1221 = arith.cmpi sgt, %add3A_1220, %sign3A : i32
      %sign3A_1222 = arith.extui %sign3A_1221 : i1 to i32
      %sign3A_1223 = arith.constant 0 : i32
      %sign3A_1224 = arith.cmpi slt, %add3A_1220, %sign3A_1223 : i32
      %sign3A_1225 = arith.extui %sign3A_1224 : i1 to i32
      %sign3A_1226 = arith.subi %sign3A_1222, %sign3A_1225 : i32
      %sign3A_1227 = arith.constant 0 : i32
      %sign3A_1228 = arith.cmpi sgt, %jit3A, %sign3A_1227 : i32
      %sign3A_1229 = arith.extui %sign3A_1228 : i1 to i32
      %sign3A_1230 = arith.constant 0 : i32
      %sign3A_1231 = arith.cmpi slt, %jit3A, %sign3A_1230 : i32
      %sign3A_1232 = arith.extui %sign3A_1231 : i1 to i32
      %sign3A_1233 = arith.subi %sign3A_1229, %sign3A_1232 : i32
      %ne3A = arith.cmpi ne, %sign3A_1226, %sign3A_1233 : i32
      %rem3A = arith.remsi %add3A_1220, %jit3A : i32
      %ne3A_1234 = arith.constant 0 : i32
      %ne3A_1235 = arith.cmpi ne, %rem3A, %ne3A_1234 : i32
      %and3A = arith.andi %ne3A, %ne3A_1235 : i1
      %sub3A = arith.constant 1 : i32
      %sub3A_1236 = arith.subi %div3A, %sub3A : i32
      %select_n3A = arith.select %and3A, %sub3A_1236, %div3A : i32
      %mul3A_1237 = arith.constant 2 : i32
      %mul3A_1238 = arith.muli %select_n3A, %mul3A_1237 : i32
      %sub3A_1239 = arith.subi %add3A_1220, %mul3A_1238 : i32
      %mul3A_1240 = arith.constant 64 : i32
      %mul3A_1241 = arith.muli %sub3A_1239, %mul3A_1240 : i32
      %dma_wait3A_1242 = arith.constant 0 : i32
      %dma_wait3A_1243 = arith.constant 0 : i32
      %dma_wait3A_1244 = tpu.memref_slice %arg6[%scan3A_601, %dma_wait3A_1242, %dma_wait3A_1243] : memref<10x64x128xf32, #tpu.memory_space<vmem>> -> memref<1x64x128xf32, #tpu.memory_space<vmem>>
      %dma_wait3A_1245 = tpu.memref_squeeze %dma_wait3A_1244 : memref<1x64x128xf32, #tpu.memory_space<vmem>> -> memref<64x128xf32, #tpu.memory_space<vmem>>
      %dma_wait3A_1246 = tpu.memref_slice %arg5[%select_n3A, %mul3A_1241] : memref<50x128xi32, #tpu.memory_space<vmem>> -> memref<1x64xi32, #tpu.memory_space<vmem>>
      %dma_wait3A_1247 = tpu.memref_squeeze %dma_wait3A_1246 : memref<1x64xi32, #tpu.memory_space<vmem>> -> memref<64xi32, #tpu.memory_space<vmem>>
      %dma_wait3A_1248 = arith.constant 0 : i32
      %dma_wait3A_1249 = arith.constant 0 : i32
      %dma_wait3A_1250 = tpu.memref_slice %arg3[%dma_wait3A_1248, %dma_wait3A_1249] : memref<100000x128xf32, #tpu.memory_space<hbm>> -> memref<100000x128xf32, #tpu.memory_space<hbm>>
      tpu.wait_indirect_dma semaphore(%arg7 : memref<!tpu.dma_semaphore, #tpu.memory_space<semaphore_mem>>) src(%dma_wait3A_1250 : memref<100000x128xf32, #tpu.memory_space<hbm>>) dst(%dma_wait3A_1245 : memref<64x128xf32, #tpu.memory_space<vmem>>)
      %jit3A_1251 = arith.constant 2 : i32
      %div3A_1252 = arith.divsi %add3A_1220, %jit3A_1251 : i32
      %sign3A_1253 = arith.constant 0 : i32
      %sign3A_1254 = arith.cmpi sgt, %add3A_1220, %sign3A_1253 : i32
      %sign3A_1255 = arith.extui %sign3A_1254 : i1 to i32
      %sign3A_1256 = arith.constant 0 : i32
      %sign3A_1257 = arith.cmpi slt, %add3A_1220, %sign3A_1256 : i32
      %sign3A_1258 = arith.extui %sign3A_1257 : i1 to i32
      %sign3A_1259 = arith.subi %sign3A_1255, %sign3A_1258 : i32
      %sign3A_1260 = arith.constant 0 : i32
      %sign3A_1261 = arith.cmpi sgt, %jit3A_1251, %sign3A_1260 : i32
      %sign3A_1262 = arith.extui %sign3A_1261 : i1 to i32
      %sign3A_1263 = arith.constant 0 : i32
      %sign3A_1264 = arith.cmpi slt, %jit3A_1251, %sign3A_1263 : i32
      %sign3A_1265 = arith.extui %sign3A_1264 : i1 to i32
      %sign3A_1266 = arith.subi %sign3A_1262, %sign3A_1265 : i32
      %ne3A_1267 = arith.cmpi ne, %sign3A_1259, %sign3A_1266 : i32
      %rem3A_1268 = arith.remsi %add3A_1220, %jit3A_1251 : i32
      %ne3A_1269 = arith.constant 0 : i32
      %ne3A_1270 = arith.cmpi ne, %rem3A_1268, %ne3A_1269 : i32
      %and3A_1271 = arith.andi %ne3A_1267, %ne3A_1270 : i1
      %sub3A_1272 = arith.constant 1 : i32
      %sub3A_1273 = arith.subi %div3A_1252, %sub3A_1272 : i32
      %select_n3A_1274 = arith.select %and3A_1271, %sub3A_1273, %div3A_1252 : i32
      %mul3A_1275 = arith.constant 2 : i32
      %mul3A_1276 = arith.muli %select_n3A_1274, %mul3A_1275 : i32
      %sub3A_1277 = arith.subi %add3A_1220, %mul3A_1276 : i32
      %mul3A_1278 = arith.constant 64 : i32
      %mul3A_1279 = arith.muli %sub3A_1277, %mul3A_1278 : i32
      %add3A_1280 = arith.addi %mul3A_2, %mul3A_1279 : i32
      %dma_start3A_1281 = arith.constant 0 : i32
      %dma_start3A_1282 = arith.constant 0 : i32
      %dma_start3A_1283 = tpu.memref_slice %arg6[%scan3A_601, %dma_start3A_1281, %dma_start3A_1282] : memref<10x64x128xf32, #tpu.memory_space<vmem>> -> memref<1x64x128xf32, #tpu.memory_space<vmem>>
      %dma_start3A_1284 = tpu.memref_squeeze %dma_start3A_1283 : memref<1x64x128xf32, #tpu.memory_space<vmem>> -> memref<64x128xf32, #tpu.memory_space<vmem>>
      %dma_start3A_1285 = arith.constant 0 : i32
      %dma_start3A_1286 = tpu.memref_slice %arg4[%select_n3A_1274, %add3A_1280, %dma_start3A_1285] : memref<50x4096x128xf32, #tpu.memory_space<hbm>> -> memref<1x64x128xf32, #tpu.memory_space<hbm>>
      %dma_start3A_1287 = tpu.memref_squeeze %dma_start3A_1286 : memref<1x64x128xf32, #tpu.memory_space<hbm>> -> memref<64x128xf32, #tpu.memory_space<hbm>>
      %dma_start3A_1288 = arith.constant 0 : i32
      %dma_start3A_1289 = tpu.memref_slice %arg4[%select_n3A_1274, %add3A_1280, %dma_start3A_1288] : memref<50x4096x128xf32, #tpu.memory_space<hbm>> -> memref<1x64x128xf32, #tpu.memory_space<hbm>>
      %dma_start3A_1290 = tpu.memref_squeeze %dma_start3A_1289 : memref<1x64x128xf32, #tpu.memory_space<hbm>> -> memref<64x128xf32, #tpu.memory_space<hbm>>
      %dma_start3A_1291 = arith.constant 0 : i32
      %dma_start3A_1292 = arith.constant 0 : i32
      %dma_start3A_1293 = tpu.memref_slice %arg6[%scan3A_601, %dma_start3A_1291, %dma_start3A_1292] : memref<10x64x128xf32, #tpu.memory_space<vmem>> -> memref<1x64x128xf32, #tpu.memory_space<vmem>>
      %dma_start3A_1294 = tpu.memref_squeeze %dma_start3A_1293 : memref<1x64x128xf32, #tpu.memory_space<vmem>> -> memref<64x128xf32, #tpu.memory_space<vmem>>
      tpu.enqueue_dma source(%dma_start3A_1294 : memref<64x128xf32, #tpu.memory_space<vmem>>) target(%dma_start3A_1290 : memref<64x128xf32, #tpu.memory_space<hbm>>) target_semaphore(%arg17 : memref<!tpu.dma_semaphore, #tpu.memory_space<semaphore_mem>>)
      %sub3A_1295 = arith.constant 4 : i32
      %sub3A_1296 = arith.subi %add3A_1220, %sub3A_1295 : i32
      %jit3A_1297 = arith.constant 2 : i32
      %div3A_1298 = arith.divsi %sub3A_1296, %jit3A_1297 : i32
      %sign3A_1299 = arith.constant 0 : i32
      %sign3A_1300 = arith.cmpi sgt, %sub3A_1296, %sign3A_1299 : i32
      %sign3A_1301 = arith.extui %sign3A_1300 : i1 to i32
      %sign3A_1302 = arith.constant 0 : i32
      %sign3A_1303 = arith.cmpi slt, %sub3A_1296, %sign3A_1302 : i32
      %sign3A_1304 = arith.extui %sign3A_1303 : i1 to i32
      %sign3A_1305 = arith.subi %sign3A_1301, %sign3A_1304 : i32
      %sign3A_1306 = arith.constant 0 : i32
      %sign3A_1307 = arith.cmpi sgt, %jit3A_1297, %sign3A_1306 : i32
      %sign3A_1308 = arith.extui %sign3A_1307 : i1 to i32
      %sign3A_1309 = arith.constant 0 : i32
      %sign3A_1310 = arith.cmpi slt, %jit3A_1297, %sign3A_1309 : i32
      %sign3A_1311 = arith.extui %sign3A_1310 : i1 to i32
      %sign3A_1312 = arith.subi %sign3A_1308, %sign3A_1311 : i32
      %ne3A_1313 = arith.cmpi ne, %sign3A_1305, %sign3A_1312 : i32
      %rem3A_1314 = arith.remsi %sub3A_1296, %jit3A_1297 : i32
      %ne3A_1315 = arith.constant 0 : i32
      %ne3A_1316 = arith.cmpi ne, %rem3A_1314, %ne3A_1315 : i32
      %and3A_1317 = arith.andi %ne3A_1313, %ne3A_1316 : i1
      %sub3A_1318 = arith.constant 1 : i32
      %sub3A_1319 = arith.subi %div3A_1298, %sub3A_1318 : i32
      %select_n3A_1320 = arith.select %and3A_1317, %sub3A_1319, %div3A_1298 : i32
      %mul3A_1321 = arith.constant 2 : i32
      %mul3A_1322 = arith.muli %select_n3A_1320, %mul3A_1321 : i32
      %sub3A_1323 = arith.subi %sub3A_1296, %mul3A_1322 : i32
      %mul3A_1324 = arith.constant 64 : i32
      %mul3A_1325 = arith.muli %sub3A_1323, %mul3A_1324 : i32
      %add3A_1326 = arith.addi %mul3A_2, %mul3A_1325 : i32
      %dma_wait3A_1327 = arith.constant 0 : i32
      %dma_wait3A_1328 = arith.constant 0 : i32
      %dma_wait3A_1329 = tpu.memref_slice %arg6[%scan3A_602, %dma_wait3A_1327, %dma_wait3A_1328] : memref<10x64x128xf32, #tpu.memory_space<vmem>> -> memref<1x64x128xf32, #tpu.memory_space<vmem>>
      %dma_wait3A_1330 = tpu.memref_squeeze %dma_wait3A_1329 : memref<1x64x128xf32, #tpu.memory_space<vmem>> -> memref<64x128xf32, #tpu.memory_space<vmem>>
      %dma_wait3A_1331 = arith.constant 0 : i32
      %dma_wait3A_1332 = tpu.memref_slice %arg4[%select_n3A_1320, %add3A_1326, %dma_wait3A_1331] : memref<50x4096x128xf32, #tpu.memory_space<hbm>> -> memref<1x64x128xf32, #tpu.memory_space<hbm>>
      %dma_wait3A_1333 = tpu.memref_squeeze %dma_wait3A_1332 : memref<1x64x128xf32, #tpu.memory_space<hbm>> -> memref<64x128xf32, #tpu.memory_space<hbm>>
      %dma_wait3A_1334 = arith.constant 0 : i32
      %dma_wait3A_1335 = tpu.memref_slice %arg4[%select_n3A_1320, %add3A_1326, %dma_wait3A_1334] : memref<50x4096x128xf32, #tpu.memory_space<hbm>> -> memref<1x64x128xf32, #tpu.memory_space<hbm>>
      %dma_wait3A_1336 = tpu.memref_squeeze %dma_wait3A_1335 : memref<1x64x128xf32, #tpu.memory_space<hbm>> -> memref<64x128xf32, #tpu.memory_space<hbm>>
      %dma_wait3A_1337 = arith.constant 0 : i32
      %dma_wait3A_1338 = arith.constant 0 : i32
      %dma_wait3A_1339 = tpu.memref_slice %arg6[%scan3A_602, %dma_wait3A_1337, %dma_wait3A_1338] : memref<10x64x128xf32, #tpu.memory_space<vmem>> -> memref<1x64x128xf32, #tpu.memory_space<vmem>>
      %dma_wait3A_1340 = tpu.memref_squeeze %dma_wait3A_1339 : memref<1x64x128xf32, #tpu.memory_space<vmem>> -> memref<64x128xf32, #tpu.memory_space<vmem>>
      tpu.wait_dma2 semaphore(%arg23 : memref<!tpu.dma_semaphore, #tpu.memory_space<semaphore_mem>>) src(%dma_wait3A_1340 : memref<64x128xf32, #tpu.memory_space<vmem>>) dst(%dma_wait3A_1336 : memref<64x128xf32, #tpu.memory_space<hbm>>)
      %add3A_1341 = arith.constant 10 : i32
      %add3A_1342 = arith.addi %sub3A_1296, %add3A_1341 : i32
      %jit3A_1343 = arith.constant 2 : i32
      %div3A_1344 = arith.divsi %add3A_1342, %jit3A_1343 : i32
      %sign3A_1345 = arith.constant 0 : i32
      %sign3A_1346 = arith.cmpi sgt, %add3A_1342, %sign3A_1345 : i32
      %sign3A_1347 = arith.extui %sign3A_1346 : i1 to i32
      %sign3A_1348 = arith.constant 0 : i32
      %sign3A_1349 = arith.cmpi slt, %add3A_1342, %sign3A_1348 : i32
      %sign3A_1350 = arith.extui %sign3A_1349 : i1 to i32
      %sign3A_1351 = arith.subi %sign3A_1347, %sign3A_1350 : i32
      %sign3A_1352 = arith.constant 0 : i32
      %sign3A_1353 = arith.cmpi sgt, %jit3A_1343, %sign3A_1352 : i32
      %sign3A_1354 = arith.extui %sign3A_1353 : i1 to i32
      %sign3A_1355 = arith.constant 0 : i32
      %sign3A_1356 = arith.cmpi slt, %jit3A_1343, %sign3A_1355 : i32
      %sign3A_1357 = arith.extui %sign3A_1356 : i1 to i32
      %sign3A_1358 = arith.subi %sign3A_1354, %sign3A_1357 : i32
      %ne3A_1359 = arith.cmpi ne, %sign3A_1351, %sign3A_1358 : i32
      %rem3A_1360 = arith.remsi %add3A_1342, %jit3A_1343 : i32
      %ne3A_1361 = arith.constant 0 : i32
      %ne3A_1362 = arith.cmpi ne, %rem3A_1360, %ne3A_1361 : i32
      %and3A_1363 = arith.andi %ne3A_1359, %ne3A_1362 : i1
      %sub3A_1364 = arith.constant 1 : i32
      %sub3A_1365 = arith.subi %div3A_1344, %sub3A_1364 : i32
      %select_n3A_1366 = arith.select %and3A_1363, %sub3A_1365, %div3A_1344 : i32
      %mul3A_1367 = arith.constant 2 : i32
      %mul3A_1368 = arith.muli %select_n3A_1366, %mul3A_1367 : i32
      %sub3A_1369 = arith.subi %add3A_1342, %mul3A_1368 : i32
      %mul3A_1370 = arith.constant 64 : i32
      %mul3A_1371 = arith.muli %sub3A_1369, %mul3A_1370 : i32
      %dma_start3A_1372 = arith.constant 0 : i32
      %dma_start3A_1373 = arith.constant 0 : i32
      %dma_start3A_1374 = tpu.memref_slice %arg6[%scan3A_602, %dma_start3A_1372, %dma_start3A_1373] : memref<10x64x128xf32, #tpu.memory_space<vmem>> -> memref<1x64x128xf32, #tpu.memory_space<vmem>>
      %dma_start3A_1375 = tpu.memref_squeeze %dma_start3A_1374 : memref<1x64x128xf32, #tpu.memory_space<vmem>> -> memref<64x128xf32, #tpu.memory_space<vmem>>
      %dma_start3A_1376 = tpu.memref_slice %arg5[%select_n3A_1366, %mul3A_1371] : memref<50x128xi32, #tpu.memory_space<vmem>> -> memref<1x64xi32, #tpu.memory_space<vmem>>
      %dma_start3A_1377 = tpu.memref_squeeze %dma_start3A_1376 : memref<1x64xi32, #tpu.memory_space<vmem>> -> memref<64xi32, #tpu.memory_space<vmem>>
      %dma_start3A_1378 = arith.constant 0 : i32
      %dma_start3A_1379 = arith.constant 0 : i32
      %dma_start3A_1380 = tpu.memref_slice %arg3[%dma_start3A_1378, %dma_start3A_1379] : memref<100000x128xf32, #tpu.memory_space<hbm>> -> memref<100000x128xf32, #tpu.memory_space<hbm>>
      tpu.enqueue_indirect_dma source(%dma_start3A_1380 : memref<100000x128xf32, #tpu.memory_space<hbm>>) target(%dma_start3A_1375 : memref<64x128xf32, #tpu.memory_space<vmem>>) offsets(%dma_start3A_1377 : memref<64xi32, #tpu.memory_space<vmem>>) semaphore(%arg13 : memref<!tpu.dma_semaphore, #tpu.memory_space<semaphore_mem>>)
      %mul3A_1381 = arith.constant 10 : i32
      %mul3A_1382 = arith.muli %scan3A_1216, %mul3A_1381 : i32
      %add3A_1383 = arith.constant 1 : i32
      %add3A_1384 = arith.addi %mul3A_1382, %add3A_1383 : i32
      %jit3A_1385 = arith.constant 2 : i32
      %div3A_1386 = arith.divsi %add3A_1384, %jit3A_1385 : i32
      %sign3A_1387 = arith.constant 0 : i32
      %sign3A_1388 = arith.cmpi sgt, %add3A_1384, %sign3A_1387 : i32
      %sign3A_1389 = arith.extui %sign3A_1388 : i1 to i32
      %sign3A_1390 = arith.constant 0 : i32
      %sign3A_1391 = arith.cmpi slt, %add3A_1384, %sign3A_1390 : i32
      %sign3A_1392 = arith.extui %sign3A_1391 : i1 to i32
      %sign3A_1393 = arith.subi %sign3A_1389, %sign3A_1392 : i32
      %sign3A_1394 = arith.constant 0 : i32
      %sign3A_1395 = arith.cmpi sgt, %jit3A_1385, %sign3A_1394 : i32
      %sign3A_1396 = arith.extui %sign3A_1395 : i1 to i32
      %sign3A_1397 = arith.constant 0 : i32
      %sign3A_1398 = arith.cmpi slt, %jit3A_1385, %sign3A_1397 : i32
      %sign3A_1399 = arith.extui %sign3A_1398 : i1 to i32
      %sign3A_1400 = arith.subi %sign3A_1396, %sign3A_1399 : i32
      %ne3A_1401 = arith.cmpi ne, %sign3A_1393, %sign3A_1400 : i32
      %rem3A_1402 = arith.remsi %add3A_1384, %jit3A_1385 : i32
      %ne3A_1403 = arith.constant 0 : i32
      %ne3A_1404 = arith.cmpi ne, %rem3A_1402, %ne3A_1403 : i32
      %and3A_1405 = arith.andi %ne3A_1401, %ne3A_1404 : i1
      %sub3A_1406 = arith.constant 1 : i32
      %sub3A_1407 = arith.subi %div3A_1386, %sub3A_1406 : i32
      %select_n3A_1408 = arith.select %and3A_1405, %sub3A_1407, %div3A_1386 : i32
      %mul3A_1409 = arith.constant 2 : i32
      %mul3A_1410 = arith.muli %select_n3A_1408, %mul3A_1409 : i32
      %sub3A_1411 = arith.subi %add3A_1384, %mul3A_1410 : i32
      %mul3A_1412 = arith.constant 64 : i32
      %mul3A_1413 = arith.muli %sub3A_1411, %mul3A_1412 : i32
      %dma_wait3A_1414 = arith.constant 0 : i32
      %dma_wait3A_1415 = arith.constant 0 : i32
      %dma_wait3A_1416 = tpu.memref_slice %arg6[%scan3A_603, %dma_wait3A_1414, %dma_wait3A_1415] : memref<10x64x128xf32, #tpu.memory_space<vmem>> -> memref<1x64x128xf32, #tpu.memory_space<vmem>>
      %dma_wait3A_1417 = tpu.memref_squeeze %dma_wait3A_1416 : memref<1x64x128xf32, #tpu.memory_space<vmem>> -> memref<64x128xf32, #tpu.memory_space<vmem>>
      %dma_wait3A_1418 = tpu.memref_slice %arg5[%select_n3A_1408, %mul3A_1413] : memref<50x128xi32, #tpu.memory_space<vmem>> -> memref<1x64xi32, #tpu.memory_space<vmem>>
      %dma_wait3A_1419 = tpu.memref_squeeze %dma_wait3A_1418 : memref<1x64xi32, #tpu.memory_space<vmem>> -> memref<64xi32, #tpu.memory_space<vmem>>
      %dma_wait3A_1420 = arith.constant 0 : i32
      %dma_wait3A_1421 = arith.constant 0 : i32
      %dma_wait3A_1422 = tpu.memref_slice %arg3[%dma_wait3A_1420, %dma_wait3A_1421] : memref<100000x128xf32, #tpu.memory_space<hbm>> -> memref<100000x128xf32, #tpu.memory_space<hbm>>
      tpu.wait_indirect_dma semaphore(%arg8 : memref<!tpu.dma_semaphore, #tpu.memory_space<semaphore_mem>>) src(%dma_wait3A_1422 : memref<100000x128xf32, #tpu.memory_space<hbm>>) dst(%dma_wait3A_1417 : memref<64x128xf32, #tpu.memory_space<vmem>>)
      %jit3A_1423 = arith.constant 2 : i32
      %div3A_1424 = arith.divsi %add3A_1384, %jit3A_1423 : i32
      %sign3A_1425 = arith.constant 0 : i32
      %sign3A_1426 = arith.cmpi sgt, %add3A_1384, %sign3A_1425 : i32
      %sign3A_1427 = arith.extui %sign3A_1426 : i1 to i32
      %sign3A_1428 = arith.constant 0 : i32
      %sign3A_1429 = arith.cmpi slt, %add3A_1384, %sign3A_1428 : i32
      %sign3A_1430 = arith.extui %sign3A_1429 : i1 to i32
      %sign3A_1431 = arith.subi %sign3A_1427, %sign3A_1430 : i32
      %sign3A_1432 = arith.constant 0 : i32
      %sign3A_1433 = arith.cmpi sgt, %jit3A_1423, %sign3A_1432 : i32
      %sign3A_1434 = arith.extui %sign3A_1433 : i1 to i32
      %sign3A_1435 = arith.constant 0 : i32
      %sign3A_1436 = arith.cmpi slt, %jit3A_1423, %sign3A_1435 : i32
      %sign3A_1437 = arith.extui %sign3A_1436 : i1 to i32
      %sign3A_1438 = arith.subi %sign3A_1434, %sign3A_1437 : i32
      %ne3A_1439 = arith.cmpi ne, %sign3A_1431, %sign3A_1438 : i32
      %rem3A_1440 = arith.remsi %add3A_1384, %jit3A_1423 : i32
      %ne3A_1441 = arith.constant 0 : i32
      %ne3A_1442 = arith.cmpi ne, %rem3A_1440, %ne3A_1441 : i32
      %and3A_1443 = arith.andi %ne3A_1439, %ne3A_1442 : i1
      %sub3A_1444 = arith.constant 1 : i32
      %sub3A_1445 = arith.subi %div3A_1424, %sub3A_1444 : i32
      %select_n3A_1446 = arith.select %and3A_1443, %sub3A_1445, %div3A_1424 : i32
      %mul3A_1447 = arith.constant 2 : i32
      %mul3A_1448 = arith.muli %select_n3A_1446, %mul3A_1447 : i32
      %sub3A_1449 = arith.subi %add3A_1384, %mul3A_1448 : i32
      %mul3A_1450 = arith.constant 64 : i32
      %mul3A_1451 = arith.muli %sub3A_1449, %mul3A_1450 : i32
      %add3A_1452 = arith.addi %mul3A_2, %mul3A_1451 : i32
      %dma_start3A_1453 = arith.constant 0 : i32
      %dma_start3A_1454 = arith.constant 0 : i32
      %dma_start3A_1455 = tpu.memref_slice %arg6[%scan3A_603, %dma_start3A_1453, %dma_start3A_1454] : memref<10x64x128xf32, #tpu.memory_space<vmem>> -> memref<1x64x128xf32, #tpu.memory_space<vmem>>
      %dma_start3A_1456 = tpu.memref_squeeze %dma_start3A_1455 : memref<1x64x128xf32, #tpu.memory_space<vmem>> -> memref<64x128xf32, #tpu.memory_space<vmem>>
      %dma_start3A_1457 = arith.constant 0 : i32
      %dma_start3A_1458 = tpu.memref_slice %arg4[%select_n3A_1446, %add3A_1452, %dma_start3A_1457] : memref<50x4096x128xf32, #tpu.memory_space<hbm>> -> memref<1x64x128xf32, #tpu.memory_space<hbm>>
      %dma_start3A_1459 = tpu.memref_squeeze %dma_start3A_1458 : memref<1x64x128xf32, #tpu.memory_space<hbm>> -> memref<64x128xf32, #tpu.memory_space<hbm>>
      %dma_start3A_1460 = arith.constant 0 : i32
      %dma_start3A_1461 = tpu.memref_slice %arg4[%select_n3A_1446, %add3A_1452, %dma_start3A_1460] : memref<50x4096x128xf32, #tpu.memory_space<hbm>> -> memref<1x64x128xf32, #tpu.memory_space<hbm>>
      %dma_start3A_1462 = tpu.memref_squeeze %dma_start3A_1461 : memref<1x64x128xf32, #tpu.memory_space<hbm>> -> memref<64x128xf32, #tpu.memory_space<hbm>>
      %dma_start3A_1463 = arith.constant 0 : i32
      %dma_start3A_1464 = arith.constant 0 : i32
      %dma_start3A_1465 = tpu.memref_slice %arg6[%scan3A_603, %dma_start3A_1463, %dma_start3A_1464] : memref<10x64x128xf32, #tpu.memory_space<vmem>> -> memref<1x64x128xf32, #tpu.memory_space<vmem>>
      %dma_start3A_1466 = tpu.memref_squeeze %dma_start3A_1465 : memref<1x64x128xf32, #tpu.memory_space<vmem>> -> memref<64x128xf32, #tpu.memory_space<vmem>>
      tpu.enqueue_dma source(%dma_start3A_1466 : memref<64x128xf32, #tpu.memory_space<vmem>>) target(%dma_start3A_1462 : memref<64x128xf32, #tpu.memory_space<hbm>>) target_semaphore(%arg18 : memref<!tpu.dma_semaphore, #tpu.memory_space<semaphore_mem>>)
      %sub3A_1467 = arith.constant 4 : i32
      %sub3A_1468 = arith.subi %add3A_1384, %sub3A_1467 : i32
      %jit3A_1469 = arith.constant 2 : i32
      %div3A_1470 = arith.divsi %sub3A_1468, %jit3A_1469 : i32
      %sign3A_1471 = arith.constant 0 : i32
      %sign3A_1472 = arith.cmpi sgt, %sub3A_1468, %sign3A_1471 : i32
      %sign3A_1473 = arith.extui %sign3A_1472 : i1 to i32
      %sign3A_1474 = arith.constant 0 : i32
      %sign3A_1475 = arith.cmpi slt, %sub3A_1468, %sign3A_1474 : i32
      %sign3A_1476 = arith.extui %sign3A_1475 : i1 to i32
      %sign3A_1477 = arith.subi %sign3A_1473, %sign3A_1476 : i32
      %sign3A_1478 = arith.constant 0 : i32
      %sign3A_1479 = arith.cmpi sgt, %jit3A_1469, %sign3A_1478 : i32
      %sign3A_1480 = arith.extui %sign3A_1479 : i1 to i32
      %sign3A_1481 = arith.constant 0 : i32
      %sign3A_1482 = arith.cmpi slt, %jit3A_1469, %sign3A_1481 : i32
      %sign3A_1483 = arith.extui %sign3A_1482 : i1 to i32
      %sign3A_1484 = arith.subi %sign3A_1480, %sign3A_1483 : i32
      %ne3A_1485 = arith.cmpi ne, %sign3A_1477, %sign3A_1484 : i32
      %rem3A_1486 = arith.remsi %sub3A_1468, %jit3A_1469 : i32
      %ne3A_1487 = arith.constant 0 : i32
      %ne3A_1488 = arith.cmpi ne, %rem3A_1486, %ne3A_1487 : i32
      %and3A_1489 = arith.andi %ne3A_1485, %ne3A_1488 : i1
      %sub3A_1490 = arith.constant 1 : i32
      %sub3A_1491 = arith.subi %div3A_1470, %sub3A_1490 : i32
      %select_n3A_1492 = arith.select %and3A_1489, %sub3A_1491, %div3A_1470 : i32
      %mul3A_1493 = arith.constant 2 : i32
      %mul3A_1494 = arith.muli %select_n3A_1492, %mul3A_1493 : i32
      %sub3A_1495 = arith.subi %sub3A_1468, %mul3A_1494 : i32
      %mul3A_1496 = arith.constant 64 : i32
      %mul3A_1497 = arith.muli %sub3A_1495, %mul3A_1496 : i32
      %add3A_1498 = arith.addi %mul3A_2, %mul3A_1497 : i32
      %dma_wait3A_1499 = arith.constant 0 : i32
      %dma_wait3A_1500 = arith.constant 0 : i32
      %dma_wait3A_1501 = tpu.memref_slice %arg6[%scan3A_604, %dma_wait3A_1499, %dma_wait3A_1500] : memref<10x64x128xf32, #tpu.memory_space<vmem>> -> memref<1x64x128xf32, #tpu.memory_space<vmem>>
      %dma_wait3A_1502 = tpu.memref_squeeze %dma_wait3A_1501 : memref<1x64x128xf32, #tpu.memory_space<vmem>> -> memref<64x128xf32, #tpu.memory_space<vmem>>
      %dma_wait3A_1503 = arith.constant 0 : i32
      %dma_wait3A_1504 = tpu.memref_slice %arg4[%select_n3A_1492, %add3A_1498, %dma_wait3A_1503] : memref<50x4096x128xf32, #tpu.memory_space<hbm>> -> memref<1x64x128xf32, #tpu.memory_space<hbm>>
      %dma_wait3A_1505 = tpu.memref_squeeze %dma_wait3A_1504 : memref<1x64x128xf32, #tpu.memory_space<hbm>> -> memref<64x128xf32, #tpu.memory_space<hbm>>
      %dma_wait3A_1506 = arith.constant 0 : i32
      %dma_wait3A_1507 = tpu.memref_slice %arg4[%select_n3A_1492, %add3A_1498, %dma_wait3A_1506] : memref<50x4096x128xf32, #tpu.memory_space<hbm>> -> memref<1x64x128xf32, #tpu.memory_space<hbm>>
      %dma_wait3A_1508 = tpu.memref_squeeze %dma_wait3A_1507 : memref<1x64x128xf32, #tpu.memory_space<hbm>> -> memref<64x128xf32, #tpu.memory_space<hbm>>
      %dma_wait3A_1509 = arith.constant 0 : i32
      %dma_wait3A_1510 = arith.constant 0 : i32
      %dma_wait3A_1511 = tpu.memref_slice %arg6[%scan3A_604, %dma_wait3A_1509, %dma_wait3A_1510] : memref<10x64x128xf32, #tpu.memory_space<vmem>> -> memref<1x64x128xf32, #tpu.memory_space<vmem>>
      %dma_wait3A_1512 = tpu.memref_squeeze %dma_wait3A_1511 : memref<1x64x128xf32, #tpu.memory_space<vmem>> -> memref<64x128xf32, #tpu.memory_space<vmem>>
      tpu.wait_dma2 semaphore(%arg24 : memref<!tpu.dma_semaphore, #tpu.memory_space<semaphore_mem>>) src(%dma_wait3A_1512 : memref<64x128xf32, #tpu.memory_space<vmem>>) dst(%dma_wait3A_1508 : memref<64x128xf32, #tpu.memory_space<hbm>>)
      %add3A_1513 = arith.constant 10 : i32
      %add3A_1514 = arith.addi %sub3A_1468, %add3A_1513 : i32
      %jit3A_1515 = arith.constant 2 : i32
      %div3A_1516 = arith.divsi %add3A_1514, %jit3A_1515 : i32
      %sign3A_1517 = arith.constant 0 : i32
      %sign3A_1518 = arith.cmpi sgt, %add3A_1514, %sign3A_1517 : i32
      %sign3A_1519 = arith.extui %sign3A_1518 : i1 to i32
      %sign3A_1520 = arith.constant 0 : i32
      %sign3A_1521 = arith.cmpi slt, %add3A_1514, %sign3A_1520 : i32
      %sign3A_1522 = arith.extui %sign3A_1521 : i1 to i32
      %sign3A_1523 = arith.subi %sign3A_1519, %sign3A_1522 : i32
      %sign3A_1524 = arith.constant 0 : i32
      %sign3A_1525 = arith.cmpi sgt, %jit3A_1515, %sign3A_1524 : i32
      %sign3A_1526 = arith.extui %sign3A_1525 : i1 to i32
      %sign3A_1527 = arith.constant 0 : i32
      %sign3A_1528 = arith.cmpi slt, %jit3A_1515, %sign3A_1527 : i32
      %sign3A_1529 = arith.extui %sign3A_1528 : i1 to i32
      %sign3A_1530 = arith.subi %sign3A_1526, %sign3A_1529 : i32
      %ne3A_1531 = arith.cmpi ne, %sign3A_1523, %sign3A_1530 : i32
      %rem3A_1532 = arith.remsi %add3A_1514, %jit3A_1515 : i32
      %ne3A_1533 = arith.constant 0 : i32
      %ne3A_1534 = arith.cmpi ne, %rem3A_1532, %ne3A_1533 : i32
      %and3A_1535 = arith.andi %ne3A_1531, %ne3A_1534 : i1
      %sub3A_1536 = arith.constant 1 : i32
      %sub3A_1537 = arith.subi %div3A_1516, %sub3A_1536 : i32
      %select_n3A_1538 = arith.select %and3A_1535, %sub3A_1537, %div3A_1516 : i32
      %mul3A_1539 = arith.constant 2 : i32
      %mul3A_1540 = arith.muli %select_n3A_1538, %mul3A_1539 : i32
      %sub3A_1541 = arith.subi %add3A_1514, %mul3A_1540 : i32
      %mul3A_1542 = arith.constant 64 : i32
      %mul3A_1543 = arith.muli %sub3A_1541, %mul3A_1542 : i32
      %dma_start3A_1544 = arith.constant 0 : i32
      %dma_start3A_1545 = arith.constant 0 : i32
      %dma_start3A_1546 = tpu.memref_slice %arg6[%scan3A_604, %dma_start3A_1544, %dma_start3A_1545] : memref<10x64x128xf32, #tpu.memory_space<vmem>> -> memref<1x64x128xf32, #tpu.memory_space<vmem>>
      %dma_start3A_1547 = tpu.memref_squeeze %dma_start3A_1546 : memref<1x64x128xf32, #tpu.memory_space<vmem>> -> memref<64x128xf32, #tpu.memory_space<vmem>>
      %dma_start3A_1548 = tpu.memref_slice %arg5[%select_n3A_1538, %mul3A_1543] : memref<50x128xi32, #tpu.memory_space<vmem>> -> memref<1x64xi32, #tpu.memory_space<vmem>>
      %dma_start3A_1549 = tpu.memref_squeeze %dma_start3A_1548 : memref<1x64xi32, #tpu.memory_space<vmem>> -> memref<64xi32, #tpu.memory_space<vmem>>
      %dma_start3A_1550 = arith.constant 0 : i32
      %dma_start3A_1551 = arith.constant 0 : i32
      %dma_start3A_1552 = tpu.memref_slice %arg3[%dma_start3A_1550, %dma_start3A_1551] : memref<100000x128xf32, #tpu.memory_space<hbm>> -> memref<100000x128xf32, #tpu.memory_space<hbm>>
      tpu.enqueue_indirect_dma source(%dma_start3A_1552 : memref<100000x128xf32, #tpu.memory_space<hbm>>) target(%dma_start3A_1547 : memref<64x128xf32, #tpu.memory_space<vmem>>) offsets(%dma_start3A_1549 : memref<64xi32, #tpu.memory_space<vmem>>) semaphore(%arg14 : memref<!tpu.dma_semaphore, #tpu.memory_space<semaphore_mem>>)
      %mul3A_1553 = arith.constant 10 : i32
      %mul3A_1554 = arith.muli %scan3A_1216, %mul3A_1553 : i32
      %add3A_1555 = arith.constant 2 : i32
      %add3A_1556 = arith.addi %mul3A_1554, %add3A_1555 : i32
      %jit3A_1557 = arith.constant 2 : i32
      %div3A_1558 = arith.divsi %add3A_1556, %jit3A_1557 : i32
      %sign3A_1559 = arith.constant 0 : i32
      %sign3A_1560 = arith.cmpi sgt, %add3A_1556, %sign3A_1559 : i32
      %sign3A_1561 = arith.extui %sign3A_1560 : i1 to i32
      %sign3A_1562 = arith.constant 0 : i32
      %sign3A_1563 = arith.cmpi slt, %add3A_1556, %sign3A_1562 : i32
      %sign3A_1564 = arith.extui %sign3A_1563 : i1 to i32
      %sign3A_1565 = arith.subi %sign3A_1561, %sign3A_1564 : i32
      %sign3A_1566 = arith.constant 0 : i32
      %sign3A_1567 = arith.cmpi sgt, %jit3A_1557, %sign3A_1566 : i32
      %sign3A_1568 = arith.extui %sign3A_1567 : i1 to i32
      %sign3A_1569 = arith.constant 0 : i32
      %sign3A_1570 = arith.cmpi slt, %jit3A_1557, %sign3A_1569 : i32
      %sign3A_1571 = arith.extui %sign3A_1570 : i1 to i32
      %sign3A_1572 = arith.subi %sign3A_1568, %sign3A_1571 : i32
      %ne3A_1573 = arith.cmpi ne, %sign3A_1565, %sign3A_1572 : i32
      %rem3A_1574 = arith.remsi %add3A_1556, %jit3A_1557 : i32
      %ne3A_1575 = arith.constant 0 : i32
      %ne3A_1576 = arith.cmpi ne, %rem3A_1574, %ne3A_1575 : i32
      %and3A_1577 = arith.andi %ne3A_1573, %ne3A_1576 : i1
      %sub3A_1578 = arith.constant 1 : i32
      %sub3A_1579 = arith.subi %div3A_1558, %sub3A_1578 : i32
      %select_n3A_1580 = arith.select %and3A_1577, %sub3A_1579, %div3A_1558 : i32
      %mul3A_1581 = arith.constant 2 : i32
      %mul3A_1582 = arith.muli %select_n3A_1580, %mul3A_1581 : i32
      %sub3A_1583 = arith.subi %add3A_1556, %mul3A_1582 : i32
      %mul3A_1584 = arith.constant 64 : i32
      %mul3A_1585 = arith.muli %sub3A_1583, %mul3A_1584 : i32
      %dma_wait3A_1586 = arith.constant 0 : i32
      %dma_wait3A_1587 = arith.constant 0 : i32
      %dma_wait3A_1588 = tpu.memref_slice %arg6[%scan3A_605, %dma_wait3A_1586, %dma_wait3A_1587] : memref<10x64x128xf32, #tpu.memory_space<vmem>> -> memref<1x64x128xf32, #tpu.memory_space<vmem>>
      %dma_wait3A_1589 = tpu.memref_squeeze %dma_wait3A_1588 : memref<1x64x128xf32, #tpu.memory_space<vmem>> -> memref<64x128xf32, #tpu.memory_space<vmem>>
      %dma_wait3A_1590 = tpu.memref_slice %arg5[%select_n3A_1580, %mul3A_1585] : memref<50x128xi32, #tpu.memory_space<vmem>> -> memref<1x64xi32, #tpu.memory_space<vmem>>
      %dma_wait3A_1591 = tpu.memref_squeeze %dma_wait3A_1590 : memref<1x64xi32, #tpu.memory_space<vmem>> -> memref<64xi32, #tpu.memory_space<vmem>>
      %dma_wait3A_1592 = arith.constant 0 : i32
      %dma_wait3A_1593 = arith.constant 0 : i32
      %dma_wait3A_1594 = tpu.memref_slice %arg3[%dma_wait3A_1592, %dma_wait3A_1593] : memref<100000x128xf32, #tpu.memory_space<hbm>> -> memref<100000x128xf32, #tpu.memory_space<hbm>>
      tpu.wait_indirect_dma semaphore(%arg9 : memref<!tpu.dma_semaphore, #tpu.memory_space<semaphore_mem>>) src(%dma_wait3A_1594 : memref<100000x128xf32, #tpu.memory_space<hbm>>) dst(%dma_wait3A_1589 : memref<64x128xf32, #tpu.memory_space<vmem>>)
      %jit3A_1595 = arith.constant 2 : i32
      %div3A_1596 = arith.divsi %add3A_1556, %jit3A_1595 : i32
      %sign3A_1597 = arith.constant 0 : i32
      %sign3A_1598 = arith.cmpi sgt, %add3A_1556, %sign3A_1597 : i32
      %sign3A_1599 = arith.extui %sign3A_1598 : i1 to i32
      %sign3A_1600 = arith.constant 0 : i32
      %sign3A_1601 = arith.cmpi slt, %add3A_1556, %sign3A_1600 : i32
      %sign3A_1602 = arith.extui %sign3A_1601 : i1 to i32
      %sign3A_1603 = arith.subi %sign3A_1599, %sign3A_1602 : i32
      %sign3A_1604 = arith.constant 0 : i32
      %sign3A_1605 = arith.cmpi sgt, %jit3A_1595, %sign3A_1604 : i32
      %sign3A_1606 = arith.extui %sign3A_1605 : i1 to i32
      %sign3A_1607 = arith.constant 0 : i32
      %sign3A_1608 = arith.cmpi slt, %jit3A_1595, %sign3A_1607 : i32
      %sign3A_1609 = arith.extui %sign3A_1608 : i1 to i32
      %sign3A_1610 = arith.subi %sign3A_1606, %sign3A_1609 : i32
      %ne3A_1611 = arith.cmpi ne, %sign3A_1603, %sign3A_1610 : i32
      %rem3A_1612 = arith.remsi %add3A_1556, %jit3A_1595 : i32
      %ne3A_1613 = arith.constant 0 : i32
      %ne3A_1614 = arith.cmpi ne, %rem3A_1612, %ne3A_1613 : i32
      %and3A_1615 = arith.andi %ne3A_1611, %ne3A_1614 : i1
      %sub3A_1616 = arith.constant 1 : i32
      %sub3A_1617 = arith.subi %div3A_1596, %sub3A_1616 : i32
      %select_n3A_1618 = arith.select %and3A_1615, %sub3A_1617, %div3A_1596 : i32
      %mul3A_1619 = arith.constant 2 : i32
      %mul3A_1620 = arith.muli %select_n3A_1618, %mul3A_1619 : i32
      %sub3A_1621 = arith.subi %add3A_1556, %mul3A_1620 : i32
      %mul3A_1622 = arith.constant 64 : i32
      %mul3A_1623 = arith.muli %sub3A_1621, %mul3A_1622 : i32
      %add3A_1624 = arith.addi %mul3A_2, %mul3A_1623 : i32
      %dma_start3A_1625 = arith.constant 0 : i32
      %dma_start3A_1626 = arith.constant 0 : i32
      %dma_start3A_1627 = tpu.memref_slice %arg6[%scan3A_605, %dma_start3A_1625, %dma_start3A_1626] : memref<10x64x128xf32, #tpu.memory_space<vmem>> -> memref<1x64x128xf32, #tpu.memory_space<vmem>>
      %dma_start3A_1628 = tpu.memref_squeeze %dma_start3A_1627 : memref<1x64x128xf32, #tpu.memory_space<vmem>> -> memref<64x128xf32, #tpu.memory_space<vmem>>
      %dma_start3A_1629 = arith.constant 0 : i32
      %dma_start3A_1630 = tpu.memref_slice %arg4[%select_n3A_1618, %add3A_1624, %dma_start3A_1629] : memref<50x4096x128xf32, #tpu.memory_space<hbm>> -> memref<1x64x128xf32, #tpu.memory_space<hbm>>
      %dma_start3A_1631 = tpu.memref_squeeze %dma_start3A_1630 : memref<1x64x128xf32, #tpu.memory_space<hbm>> -> memref<64x128xf32, #tpu.memory_space<hbm>>
      %dma_start3A_1632 = arith.constant 0 : i32
      %dma_start3A_1633 = tpu.memref_slice %arg4[%select_n3A_1618, %add3A_1624, %dma_start3A_1632] : memref<50x4096x128xf32, #tpu.memory_space<hbm>> -> memref<1x64x128xf32, #tpu.memory_space<hbm>>
      %dma_start3A_1634 = tpu.memref_squeeze %dma_start3A_1633 : memref<1x64x128xf32, #tpu.memory_space<hbm>> -> memref<64x128xf32, #tpu.memory_space<hbm>>
      %dma_start3A_1635 = arith.constant 0 : i32
      %dma_start3A_1636 = arith.constant 0 : i32
      %dma_start3A_1637 = tpu.memref_slice %arg6[%scan3A_605, %dma_start3A_1635, %dma_start3A_1636] : memref<10x64x128xf32, #tpu.memory_space<vmem>> -> memref<1x64x128xf32, #tpu.memory_space<vmem>>
      %dma_start3A_1638 = tpu.memref_squeeze %dma_start3A_1637 : memref<1x64x128xf32, #tpu.memory_space<vmem>> -> memref<64x128xf32, #tpu.memory_space<vmem>>
      tpu.enqueue_dma source(%dma_start3A_1638 : memref<64x128xf32, #tpu.memory_space<vmem>>) target(%dma_start3A_1634 : memref<64x128xf32, #tpu.memory_space<hbm>>) target_semaphore(%arg19 : memref<!tpu.dma_semaphore, #tpu.memory_space<semaphore_mem>>)
      %sub3A_1639 = arith.constant 4 : i32
      %sub3A_1640 = arith.subi %add3A_1556, %sub3A_1639 : i32
      %jit3A_1641 = arith.constant 2 : i32
      %div3A_1642 = arith.divsi %sub3A_1640, %jit3A_1641 : i32
      %sign3A_1643 = arith.constant 0 : i32
      %sign3A_1644 = arith.cmpi sgt, %sub3A_1640, %sign3A_1643 : i32
      %sign3A_1645 = arith.extui %sign3A_1644 : i1 to i32
      %sign3A_1646 = arith.constant 0 : i32
      %sign3A_1647 = arith.cmpi slt, %sub3A_1640, %sign3A_1646 : i32
      %sign3A_1648 = arith.extui %sign3A_1647 : i1 to i32
      %sign3A_1649 = arith.subi %sign3A_1645, %sign3A_1648 : i32
      %sign3A_1650 = arith.constant 0 : i32
      %sign3A_1651 = arith.cmpi sgt, %jit3A_1641, %sign3A_1650 : i32
      %sign3A_1652 = arith.extui %sign3A_1651 : i1 to i32
      %sign3A_1653 = arith.constant 0 : i32
      %sign3A_1654 = arith.cmpi slt, %jit3A_1641, %sign3A_1653 : i32
      %sign3A_1655 = arith.extui %sign3A_1654 : i1 to i32
      %sign3A_1656 = arith.subi %sign3A_1652, %sign3A_1655 : i32
      %ne3A_1657 = arith.cmpi ne, %sign3A_1649, %sign3A_1656 : i32
      %rem3A_1658 = arith.remsi %sub3A_1640, %jit3A_1641 : i32
      %ne3A_1659 = arith.constant 0 : i32
      %ne3A_1660 = arith.cmpi ne, %rem3A_1658, %ne3A_1659 : i32
      %and3A_1661 = arith.andi %ne3A_1657, %ne3A_1660 : i1
      %sub3A_1662 = arith.constant 1 : i32
      %sub3A_1663 = arith.subi %div3A_1642, %sub3A_1662 : i32
      %select_n3A_1664 = arith.select %and3A_1661, %sub3A_1663, %div3A_1642 : i32
      %mul3A_1665 = arith.constant 2 : i32
      %mul3A_1666 = arith.muli %select_n3A_1664, %mul3A_1665 : i32
      %sub3A_1667 = arith.subi %sub3A_1640, %mul3A_1666 : i32
      %mul3A_1668 = arith.constant 64 : i32
      %mul3A_1669 = arith.muli %sub3A_1667, %mul3A_1668 : i32
      %add3A_1670 = arith.addi %mul3A_2, %mul3A_1669 : i32
      %dma_wait3A_1671 = arith.constant 0 : i32
      %dma_wait3A_1672 = arith.constant 0 : i32
      %dma_wait3A_1673 = tpu.memref_slice %arg6[%scan3A_606, %dma_wait3A_1671, %dma_wait3A_1672] : memref<10x64x128xf32, #tpu.memory_space<vmem>> -> memref<1x64x128xf32, #tpu.memory_space<vmem>>
      %dma_wait3A_1674 = tpu.memref_squeeze %dma_wait3A_1673 : memref<1x64x128xf32, #tpu.memory_space<vmem>> -> memref<64x128xf32, #tpu.memory_space<vmem>>
      %dma_wait3A_1675 = arith.constant 0 : i32
      %dma_wait3A_1676 = tpu.memref_slice %arg4[%select_n3A_1664, %add3A_1670, %dma_wait3A_1675] : memref<50x4096x128xf32, #tpu.memory_space<hbm>> -> memref<1x64x128xf32, #tpu.memory_space<hbm>>
      %dma_wait3A_1677 = tpu.memref_squeeze %dma_wait3A_1676 : memref<1x64x128xf32, #tpu.memory_space<hbm>> -> memref<64x128xf32, #tpu.memory_space<hbm>>
      %dma_wait3A_1678 = arith.constant 0 : i32
      %dma_wait3A_1679 = tpu.memref_slice %arg4[%select_n3A_1664, %add3A_1670, %dma_wait3A_1678] : memref<50x4096x128xf32, #tpu.memory_space<hbm>> -> memref<1x64x128xf32, #tpu.memory_space<hbm>>
      %dma_wait3A_1680 = tpu.memref_squeeze %dma_wait3A_1679 : memref<1x64x128xf32, #tpu.memory_space<hbm>> -> memref<64x128xf32, #tpu.memory_space<hbm>>
      %dma_wait3A_1681 = arith.constant 0 : i32
      %dma_wait3A_1682 = arith.constant 0 : i32
      %dma_wait3A_1683 = tpu.memref_slice %arg6[%scan3A_606, %dma_wait3A_1681, %dma_wait3A_1682] : memref<10x64x128xf32, #tpu.memory_space<vmem>> -> memref<1x64x128xf32, #tpu.memory_space<vmem>>
      %dma_wait3A_1684 = tpu.memref_squeeze %dma_wait3A_1683 : memref<1x64x128xf32, #tpu.memory_space<vmem>> -> memref<64x128xf32, #tpu.memory_space<vmem>>
      tpu.wait_dma2 semaphore(%arg25 : memref<!tpu.dma_semaphore, #tpu.memory_space<semaphore_mem>>) src(%dma_wait3A_1684 : memref<64x128xf32, #tpu.memory_space<vmem>>) dst(%dma_wait3A_1680 : memref<64x128xf32, #tpu.memory_space<hbm>>)
      %add3A_1685 = arith.constant 10 : i32
      %add3A_1686 = arith.addi %sub3A_1640, %add3A_1685 : i32
      %jit3A_1687 = arith.constant 2 : i32
      %div3A_1688 = arith.divsi %add3A_1686, %jit3A_1687 : i32
      %sign3A_1689 = arith.constant 0 : i32
      %sign3A_1690 = arith.cmpi sgt, %add3A_1686, %sign3A_1689 : i32
      %sign3A_1691 = arith.extui %sign3A_1690 : i1 to i32
      %sign3A_1692 = arith.constant 0 : i32
      %sign3A_1693 = arith.cmpi slt, %add3A_1686, %sign3A_1692 : i32
      %sign3A_1694 = arith.extui %sign3A_1693 : i1 to i32
      %sign3A_1695 = arith.subi %sign3A_1691, %sign3A_1694 : i32
      %sign3A_1696 = arith.constant 0 : i32
      %sign3A_1697 = arith.cmpi sgt, %jit3A_1687, %sign3A_1696 : i32
      %sign3A_1698 = arith.extui %sign3A_1697 : i1 to i32
      %sign3A_1699 = arith.constant 0 : i32
      %sign3A_1700 = arith.cmpi slt, %jit3A_1687, %sign3A_1699 : i32
      %sign3A_1701 = arith.extui %sign3A_1700 : i1 to i32
      %sign3A_1702 = arith.subi %sign3A_1698, %sign3A_1701 : i32
      %ne3A_1703 = arith.cmpi ne, %sign3A_1695, %sign3A_1702 : i32
      %rem3A_1704 = arith.remsi %add3A_1686, %jit3A_1687 : i32
      %ne3A_1705 = arith.constant 0 : i32
      %ne3A_1706 = arith.cmpi ne, %rem3A_1704, %ne3A_1705 : i32
      %and3A_1707 = arith.andi %ne3A_1703, %ne3A_1706 : i1
      %sub3A_1708 = arith.constant 1 : i32
      %sub3A_1709 = arith.subi %div3A_1688, %sub3A_1708 : i32
      %select_n3A_1710 = arith.select %and3A_1707, %sub3A_1709, %div3A_1688 : i32
      %mul3A_1711 = arith.constant 2 : i32
      %mul3A_1712 = arith.muli %select_n3A_1710, %mul3A_1711 : i32
      %sub3A_1713 = arith.subi %add3A_1686, %mul3A_1712 : i32
      %mul3A_1714 = arith.constant 64 : i32
      %mul3A_1715 = arith.muli %sub3A_1713, %mul3A_1714 : i32
      %dma_start3A_1716 = arith.constant 0 : i32
      %dma_start3A_1717 = arith.constant 0 : i32
      %dma_start3A_1718 = tpu.memref_slice %arg6[%scan3A_606, %dma_start3A_1716, %dma_start3A_1717] : memref<10x64x128xf32, #tpu.memory_space<vmem>> -> memref<1x64x128xf32, #tpu.memory_space<vmem>>
      %dma_start3A_1719 = tpu.memref_squeeze %dma_start3A_1718 : memref<1x64x128xf32, #tpu.memory_space<vmem>> -> memref<64x128xf32, #tpu.memory_space<vmem>>
      %dma_start3A_1720 = tpu.memref_slice %arg5[%select_n3A_1710, %mul3A_1715] : memref<50x128xi32, #tpu.memory_space<vmem>> -> memref<1x64xi32, #tpu.memory_space<vmem>>
      %dma_start3A_1721 = tpu.memref_squeeze %dma_start3A_1720 : memref<1x64xi32, #tpu.memory_space<vmem>> -> memref<64xi32, #tpu.memory_space<vmem>>
      %dma_start3A_1722 = arith.constant 0 : i32
      %dma_start3A_1723 = arith.constant 0 : i32
      %dma_start3A_1724 = tpu.memref_slice %arg3[%dma_start3A_1722, %dma_start3A_1723] : memref<100000x128xf32, #tpu.memory_space<hbm>> -> memref<100000x128xf32, #tpu.memory_space<hbm>>
      tpu.enqueue_indirect_dma source(%dma_start3A_1724 : memref<100000x128xf32, #tpu.memory_space<hbm>>) target(%dma_start3A_1719 : memref<64x128xf32, #tpu.memory_space<vmem>>) offsets(%dma_start3A_1721 : memref<64xi32, #tpu.memory_space<vmem>>) semaphore(%arg15 : memref<!tpu.dma_semaphore, #tpu.memory_space<semaphore_mem>>)
      %mul3A_1725 = arith.constant 10 : i32
      %mul3A_1726 = arith.muli %scan3A_1216, %mul3A_1725 : i32
      %add3A_1727 = arith.constant 3 : i32
      %add3A_1728 = arith.addi %mul3A_1726, %add3A_1727 : i32
      %jit3A_1729 = arith.constant 2 : i32
      %div3A_1730 = arith.divsi %add3A_1728, %jit3A_1729 : i32
      %sign3A_1731 = arith.constant 0 : i32
      %sign3A_1732 = arith.cmpi sgt, %add3A_1728, %sign3A_1731 : i32
      %sign3A_1733 = arith.extui %sign3A_1732 : i1 to i32
      %sign3A_1734 = arith.constant 0 : i32
      %sign3A_1735 = arith.cmpi slt, %add3A_1728, %sign3A_1734 : i32
      %sign3A_1736 = arith.extui %sign3A_1735 : i1 to i32
      %sign3A_1737 = arith.subi %sign3A_1733, %sign3A_1736 : i32
      %sign3A_1738 = arith.constant 0 : i32
      %sign3A_1739 = arith.cmpi sgt, %jit3A_1729, %sign3A_1738 : i32
      %sign3A_1740 = arith.extui %sign3A_1739 : i1 to i32
      %sign3A_1741 = arith.constant 0 : i32
      %sign3A_1742 = arith.cmpi slt, %jit3A_1729, %sign3A_1741 : i32
      %sign3A_1743 = arith.extui %sign3A_1742 : i1 to i32
      %sign3A_1744 = arith.subi %sign3A_1740, %sign3A_1743 : i32
      %ne3A_1745 = arith.cmpi ne, %sign3A_1737, %sign3A_1744 : i32
      %rem3A_1746 = arith.remsi %add3A_1728, %jit3A_1729 : i32
      %ne3A_1747 = arith.constant 0 : i32
      %ne3A_1748 = arith.cmpi ne, %rem3A_1746, %ne3A_1747 : i32
      %and3A_1749 = arith.andi %ne3A_1745, %ne3A_1748 : i1
      %sub3A_1750 = arith.constant 1 : i32
      %sub3A_1751 = arith.subi %div3A_1730, %sub3A_1750 : i32
      %select_n3A_1752 = arith.select %and3A_1749, %sub3A_1751, %div3A_1730 : i32
      %mul3A_1753 = arith.constant 2 : i32
      %mul3A_1754 = arith.muli %select_n3A_1752, %mul3A_1753 : i32
      %sub3A_1755 = arith.subi %add3A_1728, %mul3A_1754 : i32
      %mul3A_1756 = arith.constant 64 : i32
      %mul3A_1757 = arith.muli %sub3A_1755, %mul3A_1756 : i32
      %dma_wait3A_1758 = arith.constant 0 : i32
      %dma_wait3A_1759 = arith.constant 0 : i32
      %dma_wait3A_1760 = tpu.memref_slice %arg6[%scan3A_607, %dma_wait3A_1758, %dma_wait3A_1759] : memref<10x64x128xf32, #tpu.memory_space<vmem>> -> memref<1x64x128xf32, #tpu.memory_space<vmem>>
      %dma_wait3A_1761 = tpu.memref_squeeze %dma_wait3A_1760 : memref<1x64x128xf32, #tpu.memory_space<vmem>> -> memref<64x128xf32, #tpu.memory_space<vmem>>
      %dma_wait3A_1762 = tpu.memref_slice %arg5[%select_n3A_1752, %mul3A_1757] : memref<50x128xi32, #tpu.memory_space<vmem>> -> memref<1x64xi32, #tpu.memory_space<vmem>>
      %dma_wait3A_1763 = tpu.memref_squeeze %dma_wait3A_1762 : memref<1x64xi32, #tpu.memory_space<vmem>> -> memref<64xi32, #tpu.memory_space<vmem>>
      %dma_wait3A_1764 = arith.constant 0 : i32
      %dma_wait3A_1765 = arith.constant 0 : i32
      %dma_wait3A_1766 = tpu.memref_slice %arg3[%dma_wait3A_1764, %dma_wait3A_1765] : memref<100000x128xf32, #tpu.memory_space<hbm>> -> memref<100000x128xf32, #tpu.memory_space<hbm>>
      tpu.wait_indirect_dma semaphore(%arg10 : memref<!tpu.dma_semaphore, #tpu.memory_space<semaphore_mem>>) src(%dma_wait3A_1766 : memref<100000x128xf32, #tpu.memory_space<hbm>>) dst(%dma_wait3A_1761 : memref<64x128xf32, #tpu.memory_space<vmem>>)
      %jit3A_1767 = arith.constant 2 : i32
      %div3A_1768 = arith.divsi %add3A_1728, %jit3A_1767 : i32
      %sign3A_1769 = arith.constant 0 : i32
      %sign3A_1770 = arith.cmpi sgt, %add3A_1728, %sign3A_1769 : i32
      %sign3A_1771 = arith.extui %sign3A_1770 : i1 to i32
      %sign3A_1772 = arith.constant 0 : i32
      %sign3A_1773 = arith.cmpi slt, %add3A_1728, %sign3A_1772 : i32
      %sign3A_1774 = arith.extui %sign3A_1773 : i1 to i32
      %sign3A_1775 = arith.subi %sign3A_1771, %sign3A_1774 : i32
      %sign3A_1776 = arith.constant 0 : i32
      %sign3A_1777 = arith.cmpi sgt, %jit3A_1767, %sign3A_1776 : i32
      %sign3A_1778 = arith.extui %sign3A_1777 : i1 to i32
      %sign3A_1779 = arith.constant 0 : i32
      %sign3A_1780 = arith.cmpi slt, %jit3A_1767, %sign3A_1779 : i32
      %sign3A_1781 = arith.extui %sign3A_1780 : i1 to i32
      %sign3A_1782 = arith.subi %sign3A_1778, %sign3A_1781 : i32
      %ne3A_1783 = arith.cmpi ne, %sign3A_1775, %sign3A_1782 : i32
      %rem3A_1784 = arith.remsi %add3A_1728, %jit3A_1767 : i32
      %ne3A_1785 = arith.constant 0 : i32
      %ne3A_1786 = arith.cmpi ne, %rem3A_1784, %ne3A_1785 : i32
      %and3A_1787 = arith.andi %ne3A_1783, %ne3A_1786 : i1
      %sub3A_1788 = arith.constant 1 : i32
      %sub3A_1789 = arith.subi %div3A_1768, %sub3A_1788 : i32
      %select_n3A_1790 = arith.select %and3A_1787, %sub3A_1789, %div3A_1768 : i32
      %mul3A_1791 = arith.constant 2 : i32
      %mul3A_1792 = arith.muli %select_n3A_1790, %mul3A_1791 : i32
      %sub3A_1793 = arith.subi %add3A_1728, %mul3A_1792 : i32
      %mul3A_1794 = arith.constant 64 : i32
      %mul3A_1795 = arith.muli %sub3A_1793, %mul3A_1794 : i32
      %add3A_1796 = arith.addi %mul3A_2, %mul3A_1795 : i32
      %dma_start3A_1797 = arith.constant 0 : i32
      %dma_start3A_1798 = arith.constant 0 : i32
      %dma_start3A_1799 = tpu.memref_slice %arg6[%scan3A_607, %dma_start3A_1797, %dma_start3A_1798] : memref<10x64x128xf32, #tpu.memory_space<vmem>> -> memref<1x64x128xf32, #tpu.memory_space<vmem>>
      %dma_start3A_1800 = tpu.memref_squeeze %dma_start3A_1799 : memref<1x64x128xf32, #tpu.memory_space<vmem>> -> memref<64x128xf32, #tpu.memory_space<vmem>>
      %dma_start3A_1801 = arith.constant 0 : i32
      %dma_start3A_1802 = tpu.memref_slice %arg4[%select_n3A_1790, %add3A_1796, %dma_start3A_1801] : memref<50x4096x128xf32, #tpu.memory_space<hbm>> -> memref<1x64x128xf32, #tpu.memory_space<hbm>>
      %dma_start3A_1803 = tpu.memref_squeeze %dma_start3A_1802 : memref<1x64x128xf32, #tpu.memory_space<hbm>> -> memref<64x128xf32, #tpu.memory_space<hbm>>
      %dma_start3A_1804 = arith.constant 0 : i32
      %dma_start3A_1805 = tpu.memref_slice %arg4[%select_n3A_1790, %add3A_1796, %dma_start3A_1804] : memref<50x4096x128xf32, #tpu.memory_space<hbm>> -> memref<1x64x128xf32, #tpu.memory_space<hbm>>
      %dma_start3A_1806 = tpu.memref_squeeze %dma_start3A_1805 : memref<1x64x128xf32, #tpu.memory_space<hbm>> -> memref<64x128xf32, #tpu.memory_space<hbm>>
      %dma_start3A_1807 = arith.constant 0 : i32
      %dma_start3A_1808 = arith.constant 0 : i32
      %dma_start3A_1809 = tpu.memref_slice %arg6[%scan3A_607, %dma_start3A_1807, %dma_start3A_1808] : memref<10x64x128xf32, #tpu.memory_space<vmem>> -> memref<1x64x128xf32, #tpu.memory_space<vmem>>
      %dma_start3A_1810 = tpu.memref_squeeze %dma_start3A_1809 : memref<1x64x128xf32, #tpu.memory_space<vmem>> -> memref<64x128xf32, #tpu.memory_space<vmem>>
      tpu.enqueue_dma source(%dma_start3A_1810 : memref<64x128xf32, #tpu.memory_space<vmem>>) target(%dma_start3A_1806 : memref<64x128xf32, #tpu.memory_space<hbm>>) target_semaphore(%arg20 : memref<!tpu.dma_semaphore, #tpu.memory_space<semaphore_mem>>)
      %sub3A_1811 = arith.constant 4 : i32
      %sub3A_1812 = arith.subi %add3A_1728, %sub3A_1811 : i32
      %jit3A_1813 = arith.constant 2 : i32
      %div3A_1814 = arith.divsi %sub3A_1812, %jit3A_1813 : i32
      %sign3A_1815 = arith.constant 0 : i32
      %sign3A_1816 = arith.cmpi sgt, %sub3A_1812, %sign3A_1815 : i32
      %sign3A_1817 = arith.extui %sign3A_1816 : i1 to i32
      %sign3A_1818 = arith.constant 0 : i32
      %sign3A_1819 = arith.cmpi slt, %sub3A_1812, %sign3A_1818 : i32
      %sign3A_1820 = arith.extui %sign3A_1819 : i1 to i32
      %sign3A_1821 = arith.subi %sign3A_1817, %sign3A_1820 : i32
      %sign3A_1822 = arith.constant 0 : i32
      %sign3A_1823 = arith.cmpi sgt, %jit3A_1813, %sign3A_1822 : i32
      %sign3A_1824 = arith.extui %sign3A_1823 : i1 to i32
      %sign3A_1825 = arith.constant 0 : i32
      %sign3A_1826 = arith.cmpi slt, %jit3A_1813, %sign3A_1825 : i32
      %sign3A_1827 = arith.extui %sign3A_1826 : i1 to i32
      %sign3A_1828 = arith.subi %sign3A_1824, %sign3A_1827 : i32
      %ne3A_1829 = arith.cmpi ne, %sign3A_1821, %sign3A_1828 : i32
      %rem3A_1830 = arith.remsi %sub3A_1812, %jit3A_1813 : i32
      %ne3A_1831 = arith.constant 0 : i32
      %ne3A_1832 = arith.cmpi ne, %rem3A_1830, %ne3A_1831 : i32
      %and3A_1833 = arith.andi %ne3A_1829, %ne3A_1832 : i1
      %sub3A_1834 = arith.constant 1 : i32
      %sub3A_1835 = arith.subi %div3A_1814, %sub3A_1834 : i32
      %select_n3A_1836 = arith.select %and3A_1833, %sub3A_1835, %div3A_1814 : i32
      %mul3A_1837 = arith.constant 2 : i32
      %mul3A_1838 = arith.muli %select_n3A_1836, %mul3A_1837 : i32
      %sub3A_1839 = arith.subi %sub3A_1812, %mul3A_1838 : i32
      %mul3A_1840 = arith.constant 64 : i32
      %mul3A_1841 = arith.muli %sub3A_1839, %mul3A_1840 : i32
      %add3A_1842 = arith.addi %mul3A_2, %mul3A_1841 : i32
      %dma_wait3A_1843 = arith.constant 0 : i32
      %dma_wait3A_1844 = arith.constant 0 : i32
      %dma_wait3A_1845 = tpu.memref_slice %arg6[%scan3A_608, %dma_wait3A_1843, %dma_wait3A_1844] : memref<10x64x128xf32, #tpu.memory_space<vmem>> -> memref<1x64x128xf32, #tpu.memory_space<vmem>>
      %dma_wait3A_1846 = tpu.memref_squeeze %dma_wait3A_1845 : memref<1x64x128xf32, #tpu.memory_space<vmem>> -> memref<64x128xf32, #tpu.memory_space<vmem>>
      %dma_wait3A_1847 = arith.constant 0 : i32
      %dma_wait3A_1848 = tpu.memref_slice %arg4[%select_n3A_1836, %add3A_1842, %dma_wait3A_1847] : memref<50x4096x128xf32, #tpu.memory_space<hbm>> -> memref<1x64x128xf32, #tpu.memory_space<hbm>>
      %dma_wait3A_1849 = tpu.memref_squeeze %dma_wait3A_1848 : memref<1x64x128xf32, #tpu.memory_space<hbm>> -> memref<64x128xf32, #tpu.memory_space<hbm>>
      %dma_wait3A_1850 = arith.constant 0 : i32
      %dma_wait3A_1851 = tpu.memref_slice %arg4[%select_n3A_1836, %add3A_1842, %dma_wait3A_1850] : memref<50x4096x128xf32, #tpu.memory_space<hbm>> -> memref<1x64x128xf32, #tpu.memory_space<hbm>>
      %dma_wait3A_1852 = tpu.memref_squeeze %dma_wait3A_1851 : memref<1x64x128xf32, #tpu.memory_space<hbm>> -> memref<64x128xf32, #tpu.memory_space<hbm>>
      %dma_wait3A_1853 = arith.constant 0 : i32
      %dma_wait3A_1854 = arith.constant 0 : i32
      %dma_wait3A_1855 = tpu.memref_slice %arg6[%scan3A_608, %dma_wait3A_1853, %dma_wait3A_1854] : memref<10x64x128xf32, #tpu.memory_space<vmem>> -> memref<1x64x128xf32, #tpu.memory_space<vmem>>
      %dma_wait3A_1856 = tpu.memref_squeeze %dma_wait3A_1855 : memref<1x64x128xf32, #tpu.memory_space<vmem>> -> memref<64x128xf32, #tpu.memory_space<vmem>>
      tpu.wait_dma2 semaphore(%arg26 : memref<!tpu.dma_semaphore, #tpu.memory_space<semaphore_mem>>) src(%dma_wait3A_1856 : memref<64x128xf32, #tpu.memory_space<vmem>>) dst(%dma_wait3A_1852 : memref<64x128xf32, #tpu.memory_space<hbm>>)
      %add3A_1857 = arith.constant 10 : i32
      %add3A_1858 = arith.addi %sub3A_1812, %add3A_1857 : i32
      %jit3A_1859 = arith.constant 2 : i32
      %div3A_1860 = arith.divsi %add3A_1858, %jit3A_1859 : i32
      %sign3A_1861 = arith.constant 0 : i32
      %sign3A_1862 = arith.cmpi sgt, %add3A_1858, %sign3A_1861 : i32
      %sign3A_1863 = arith.extui %sign3A_1862 : i1 to i32
      %sign3A_1864 = arith.constant 0 : i32
      %sign3A_1865 = arith.cmpi slt, %add3A_1858, %sign3A_1864 : i32
      %sign3A_1866 = arith.extui %sign3A_1865 : i1 to i32
      %sign3A_1867 = arith.subi %sign3A_1863, %sign3A_1866 : i32
      %sign3A_1868 = arith.constant 0 : i32
      %sign3A_1869 = arith.cmpi sgt, %jit3A_1859, %sign3A_1868 : i32
      %sign3A_1870 = arith.extui %sign3A_1869 : i1 to i32
      %sign3A_1871 = arith.constant 0 : i32
      %sign3A_1872 = arith.cmpi slt, %jit3A_1859, %sign3A_1871 : i32
      %sign3A_1873 = arith.extui %sign3A_1872 : i1 to i32
      %sign3A_1874 = arith.subi %sign3A_1870, %sign3A_1873 : i32
      %ne3A_1875 = arith.cmpi ne, %sign3A_1867, %sign3A_1874 : i32
      %rem3A_1876 = arith.remsi %add3A_1858, %jit3A_1859 : i32
      %ne3A_1877 = arith.constant 0 : i32
      %ne3A_1878 = arith.cmpi ne, %rem3A_1876, %ne3A_1877 : i32
      %and3A_1879 = arith.andi %ne3A_1875, %ne3A_1878 : i1
      %sub3A_1880 = arith.constant 1 : i32
      %sub3A_1881 = arith.subi %div3A_1860, %sub3A_1880 : i32
      %select_n3A_1882 = arith.select %and3A_1879, %sub3A_1881, %div3A_1860 : i32
      %mul3A_1883 = arith.constant 2 : i32
      %mul3A_1884 = arith.muli %select_n3A_1882, %mul3A_1883 : i32
      %sub3A_1885 = arith.subi %add3A_1858, %mul3A_1884 : i32
      %mul3A_1886 = arith.constant 64 : i32
      %mul3A_1887 = arith.muli %sub3A_1885, %mul3A_1886 : i32
      %dma_start3A_1888 = arith.constant 0 : i32
      %dma_start3A_1889 = arith.constant 0 : i32
      %dma_start3A_1890 = tpu.memref_slice %arg6[%scan3A_608, %dma_start3A_1888, %dma_start3A_1889] : memref<10x64x128xf32, #tpu.memory_space<vmem>> -> memref<1x64x128xf32, #tpu.memory_space<vmem>>
      %dma_start3A_1891 = tpu.memref_squeeze %dma_start3A_1890 : memref<1x64x128xf32, #tpu.memory_space<vmem>> -> memref<64x128xf32, #tpu.memory_space<vmem>>
      %dma_start3A_1892 = tpu.memref_slice %arg5[%select_n3A_1882, %mul3A_1887] : memref<50x128xi32, #tpu.memory_space<vmem>> -> memref<1x64xi32, #tpu.memory_space<vmem>>
      %dma_start3A_1893 = tpu.memref_squeeze %dma_start3A_1892 : memref<1x64xi32, #tpu.memory_space<vmem>> -> memref<64xi32, #tpu.memory_space<vmem>>
      %dma_start3A_1894 = arith.constant 0 : i32
      %dma_start3A_1895 = arith.constant 0 : i32
      %dma_start3A_1896 = tpu.memref_slice %arg3[%dma_start3A_1894, %dma_start3A_1895] : memref<100000x128xf32, #tpu.memory_space<hbm>> -> memref<100000x128xf32, #tpu.memory_space<hbm>>
      tpu.enqueue_indirect_dma source(%dma_start3A_1896 : memref<100000x128xf32, #tpu.memory_space<hbm>>) target(%dma_start3A_1891 : memref<64x128xf32, #tpu.memory_space<vmem>>) offsets(%dma_start3A_1893 : memref<64xi32, #tpu.memory_space<vmem>>) semaphore(%arg16 : memref<!tpu.dma_semaphore, #tpu.memory_space<semaphore_mem>>)
      %mul3A_1897 = arith.constant 10 : i32
      %mul3A_1898 = arith.muli %scan3A_1216, %mul3A_1897 : i32
      %add3A_1899 = arith.constant 4 : i32
      %add3A_1900 = arith.addi %mul3A_1898, %add3A_1899 : i32
      %jit3A_1901 = arith.constant 2 : i32
      %div3A_1902 = arith.divsi %add3A_1900, %jit3A_1901 : i32
      %sign3A_1903 = arith.constant 0 : i32
      %sign3A_1904 = arith.cmpi sgt, %add3A_1900, %sign3A_1903 : i32
      %sign3A_1905 = arith.extui %sign3A_1904 : i1 to i32
      %sign3A_1906 = arith.constant 0 : i32
      %sign3A_1907 = arith.cmpi slt, %add3A_1900, %sign3A_1906 : i32
      %sign3A_1908 = arith.extui %sign3A_1907 : i1 to i32
      %sign3A_1909 = arith.subi %sign3A_1905, %sign3A_1908 : i32
      %sign3A_1910 = arith.constant 0 : i32
      %sign3A_1911 = arith.cmpi sgt, %jit3A_1901, %sign3A_1910 : i32
      %sign3A_1912 = arith.extui %sign3A_1911 : i1 to i32
      %sign3A_1913 = arith.constant 0 : i32
      %sign3A_1914 = arith.cmpi slt, %jit3A_1901, %sign3A_1913 : i32
      %sign3A_1915 = arith.extui %sign3A_1914 : i1 to i32
      %sign3A_1916 = arith.subi %sign3A_1912, %sign3A_1915 : i32
      %ne3A_1917 = arith.cmpi ne, %sign3A_1909, %sign3A_1916 : i32
      %rem3A_1918 = arith.remsi %add3A_1900, %jit3A_1901 : i32
      %ne3A_1919 = arith.constant 0 : i32
      %ne3A_1920 = arith.cmpi ne, %rem3A_1918, %ne3A_1919 : i32
      %and3A_1921 = arith.andi %ne3A_1917, %ne3A_1920 : i1
      %sub3A_1922 = arith.constant 1 : i32
      %sub3A_1923 = arith.subi %div3A_1902, %sub3A_1922 : i32
      %select_n3A_1924 = arith.select %and3A_1921, %sub3A_1923, %div3A_1902 : i32
      %mul3A_1925 = arith.constant 2 : i32
      %mul3A_1926 = arith.muli %select_n3A_1924, %mul3A_1925 : i32
      %sub3A_1927 = arith.subi %add3A_1900, %mul3A_1926 : i32
      %mul3A_1928 = arith.constant 64 : i32
      %mul3A_1929 = arith.muli %sub3A_1927, %mul3A_1928 : i32
      %dma_wait3A_1930 = arith.constant 0 : i32
      %dma_wait3A_1931 = arith.constant 0 : i32
      %dma_wait3A_1932 = tpu.memref_slice %arg6[%scan3A_609, %dma_wait3A_1930, %dma_wait3A_1931] : memref<10x64x128xf32, #tpu.memory_space<vmem>> -> memref<1x64x128xf32, #tpu.memory_space<vmem>>
      %dma_wait3A_1933 = tpu.memref_squeeze %dma_wait3A_1932 : memref<1x64x128xf32, #tpu.memory_space<vmem>> -> memref<64x128xf32, #tpu.memory_space<vmem>>
      %dma_wait3A_1934 = tpu.memref_slice %arg5[%select_n3A_1924, %mul3A_1929] : memref<50x128xi32, #tpu.memory_space<vmem>> -> memref<1x64xi32, #tpu.memory_space<vmem>>
      %dma_wait3A_1935 = tpu.memref_squeeze %dma_wait3A_1934 : memref<1x64xi32, #tpu.memory_space<vmem>> -> memref<64xi32, #tpu.memory_space<vmem>>
      %dma_wait3A_1936 = arith.constant 0 : i32
      %dma_wait3A_1937 = arith.constant 0 : i32
      %dma_wait3A_1938 = tpu.memref_slice %arg3[%dma_wait3A_1936, %dma_wait3A_1937] : memref<100000x128xf32, #tpu.memory_space<hbm>> -> memref<100000x128xf32, #tpu.memory_space<hbm>>
      tpu.wait_indirect_dma semaphore(%arg11 : memref<!tpu.dma_semaphore, #tpu.memory_space<semaphore_mem>>) src(%dma_wait3A_1938 : memref<100000x128xf32, #tpu.memory_space<hbm>>) dst(%dma_wait3A_1933 : memref<64x128xf32, #tpu.memory_space<vmem>>)
      %jit3A_1939 = arith.constant 2 : i32
      %div3A_1940 = arith.divsi %add3A_1900, %jit3A_1939 : i32
      %sign3A_1941 = arith.constant 0 : i32
      %sign3A_1942 = arith.cmpi sgt, %add3A_1900, %sign3A_1941 : i32
      %sign3A_1943 = arith.extui %sign3A_1942 : i1 to i32
      %sign3A_1944 = arith.constant 0 : i32
      %sign3A_1945 = arith.cmpi slt, %add3A_1900, %sign3A_1944 : i32
      %sign3A_1946 = arith.extui %sign3A_1945 : i1 to i32
      %sign3A_1947 = arith.subi %sign3A_1943, %sign3A_1946 : i32
      %sign3A_1948 = arith.constant 0 : i32
      %sign3A_1949 = arith.cmpi sgt, %jit3A_1939, %sign3A_1948 : i32
      %sign3A_1950 = arith.extui %sign3A_1949 : i1 to i32
      %sign3A_1951 = arith.constant 0 : i32
      %sign3A_1952 = arith.cmpi slt, %jit3A_1939, %sign3A_1951 : i32
      %sign3A_1953 = arith.extui %sign3A_1952 : i1 to i32
      %sign3A_1954 = arith.subi %sign3A_1950, %sign3A_1953 : i32
      %ne3A_1955 = arith.cmpi ne, %sign3A_1947, %sign3A_1954 : i32
      %rem3A_1956 = arith.remsi %add3A_1900, %jit3A_1939 : i32
      %ne3A_1957 = arith.constant 0 : i32
      %ne3A_1958 = arith.cmpi ne, %rem3A_1956, %ne3A_1957 : i32
      %and3A_1959 = arith.andi %ne3A_1955, %ne3A_1958 : i1
      %sub3A_1960 = arith.constant 1 : i32
      %sub3A_1961 = arith.subi %div3A_1940, %sub3A_1960 : i32
      %select_n3A_1962 = arith.select %and3A_1959, %sub3A_1961, %div3A_1940 : i32
      %mul3A_1963 = arith.constant 2 : i32
      %mul3A_1964 = arith.muli %select_n3A_1962, %mul3A_1963 : i32
      %sub3A_1965 = arith.subi %add3A_1900, %mul3A_1964 : i32
      %mul3A_1966 = arith.constant 64 : i32
      %mul3A_1967 = arith.muli %sub3A_1965, %mul3A_1966 : i32
      %add3A_1968 = arith.addi %mul3A_2, %mul3A_1967 : i32
      %dma_start3A_1969 = arith.constant 0 : i32
      %dma_start3A_1970 = arith.constant 0 : i32
      %dma_start3A_1971 = tpu.memref_slice %arg6[%scan3A_609, %dma_start3A_1969, %dma_start3A_1970] : memref<10x64x128xf32, #tpu.memory_space<vmem>> -> memref<1x64x128xf32, #tpu.memory_space<vmem>>
      %dma_start3A_1972 = tpu.memref_squeeze %dma_start3A_1971 : memref<1x64x128xf32, #tpu.memory_space<vmem>> -> memref<64x128xf32, #tpu.memory_space<vmem>>
      %dma_start3A_1973 = arith.constant 0 : i32
      %dma_start3A_1974 = tpu.memref_slice %arg4[%select_n3A_1962, %add3A_1968, %dma_start3A_1973] : memref<50x4096x128xf32, #tpu.memory_space<hbm>> -> memref<1x64x128xf32, #tpu.memory_space<hbm>>
      %dma_start3A_1975 = tpu.memref_squeeze %dma_start3A_1974 : memref<1x64x128xf32, #tpu.memory_space<hbm>> -> memref<64x128xf32, #tpu.memory_space<hbm>>
      %dma_start3A_1976 = arith.constant 0 : i32
      %dma_start3A_1977 = tpu.memref_slice %arg4[%select_n3A_1962, %add3A_1968, %dma_start3A_1976] : memref<50x4096x128xf32, #tpu.memory_space<hbm>> -> memref<1x64x128xf32, #tpu.memory_space<hbm>>
      %dma_start3A_1978 = tpu.memref_squeeze %dma_start3A_1977 : memref<1x64x128xf32, #tpu.memory_space<hbm>> -> memref<64x128xf32, #tpu.memory_space<hbm>>
      %dma_start3A_1979 = arith.constant 0 : i32
      %dma_start3A_1980 = arith.constant 0 : i32
      %dma_start3A_1981 = tpu.memref_slice %arg6[%scan3A_609, %dma_start3A_1979, %dma_start3A_1980] : memref<10x64x128xf32, #tpu.memory_space<vmem>> -> memref<1x64x128xf32, #tpu.memory_space<vmem>>
      %dma_start3A_1982 = tpu.memref_squeeze %dma_start3A_1981 : memref<1x64x128xf32, #tpu.memory_space<vmem>> -> memref<64x128xf32, #tpu.memory_space<vmem>>
      tpu.enqueue_dma source(%dma_start3A_1982 : memref<64x128xf32, #tpu.memory_space<vmem>>) target(%dma_start3A_1978 : memref<64x128xf32, #tpu.memory_space<hbm>>) target_semaphore(%arg21 : memref<!tpu.dma_semaphore, #tpu.memory_space<semaphore_mem>>)
      %sub3A_1983 = arith.constant 4 : i32
      %sub3A_1984 = arith.subi %add3A_1900, %sub3A_1983 : i32
      %jit3A_1985 = arith.constant 2 : i32
      %div3A_1986 = arith.divsi %sub3A_1984, %jit3A_1985 : i32
      %sign3A_1987 = arith.constant 0 : i32
      %sign3A_1988 = arith.cmpi sgt, %sub3A_1984, %sign3A_1987 : i32
      %sign3A_1989 = arith.extui %sign3A_1988 : i1 to i32
      %sign3A_1990 = arith.constant 0 : i32
      %sign3A_1991 = arith.cmpi slt, %sub3A_1984, %sign3A_1990 : i32
      %sign3A_1992 = arith.extui %sign3A_1991 : i1 to i32
      %sign3A_1993 = arith.subi %sign3A_1989, %sign3A_1992 : i32
      %sign3A_1994 = arith.constant 0 : i32
      %sign3A_1995 = arith.cmpi sgt, %jit3A_1985, %sign3A_1994 : i32
      %sign3A_1996 = arith.extui %sign3A_1995 : i1 to i32
      %sign3A_1997 = arith.constant 0 : i32
      %sign3A_1998 = arith.cmpi slt, %jit3A_1985, %sign3A_1997 : i32
      %sign3A_1999 = arith.extui %sign3A_1998 : i1 to i32
      %sign3A_2000 = arith.subi %sign3A_1996, %sign3A_1999 : i32
      %ne3A_2001 = arith.cmpi ne, %sign3A_1993, %sign3A_2000 : i32
      %rem3A_2002 = arith.remsi %sub3A_1984, %jit3A_1985 : i32
      %ne3A_2003 = arith.constant 0 : i32
      %ne3A_2004 = arith.cmpi ne, %rem3A_2002, %ne3A_2003 : i32
      %and3A_2005 = arith.andi %ne3A_2001, %ne3A_2004 : i1
      %sub3A_2006 = arith.constant 1 : i32
      %sub3A_2007 = arith.subi %div3A_1986, %sub3A_2006 : i32
      %select_n3A_2008 = arith.select %and3A_2005, %sub3A_2007, %div3A_1986 : i32
      %mul3A_2009 = arith.constant 2 : i32
      %mul3A_2010 = arith.muli %select_n3A_2008, %mul3A_2009 : i32
      %sub3A_2011 = arith.subi %sub3A_1984, %mul3A_2010 : i32
      %mul3A_2012 = arith.constant 64 : i32
      %mul3A_2013 = arith.muli %sub3A_2011, %mul3A_2012 : i32
      %add3A_2014 = arith.addi %mul3A_2, %mul3A_2013 : i32
      %dma_wait3A_2015 = arith.constant 0 : i32
      %dma_wait3A_2016 = arith.constant 0 : i32
      %dma_wait3A_2017 = tpu.memref_slice %arg6[%scan3A_601, %dma_wait3A_2015, %dma_wait3A_2016] : memref<10x64x128xf32, #tpu.memory_space<vmem>> -> memref<1x64x128xf32, #tpu.memory_space<vmem>>
      %dma_wait3A_2018 = tpu.memref_squeeze %dma_wait3A_2017 : memref<1x64x128xf32, #tpu.memory_space<vmem>> -> memref<64x128xf32, #tpu.memory_space<vmem>>
      %dma_wait3A_2019 = arith.constant 0 : i32
      %dma_wait3A_2020 = tpu.memref_slice %arg4[%select_n3A_2008, %add3A_2014, %dma_wait3A_2019] : memref<50x4096x128xf32, #tpu.memory_space<hbm>> -> memref<1x64x128xf32, #tpu.memory_space<hbm>>
      %dma_wait3A_2021 = tpu.memref_squeeze %dma_wait3A_2020 : memref<1x64x128xf32, #tpu.memory_space<hbm>> -> memref<64x128xf32, #tpu.memory_space<hbm>>
      %dma_wait3A_2022 = arith.constant 0 : i32
      %dma_wait3A_2023 = tpu.memref_slice %arg4[%select_n3A_2008, %add3A_2014, %dma_wait3A_2022] : memref<50x4096x128xf32, #tpu.memory_space<hbm>> -> memref<1x64x128xf32, #tpu.memory_space<hbm>>
      %dma_wait3A_2024 = tpu.memref_squeeze %dma_wait3A_2023 : memref<1x64x128xf32, #tpu.memory_space<hbm>> -> memref<64x128xf32, #tpu.memory_space<hbm>>
      %dma_wait3A_2025 = arith.constant 0 : i32
      %dma_wait3A_2026 = arith.constant 0 : i32
      %dma_wait3A_2027 = tpu.memref_slice %arg6[%scan3A_601, %dma_wait3A_2025, %dma_wait3A_2026] : memref<10x64x128xf32, #tpu.memory_space<vmem>> -> memref<1x64x128xf32, #tpu.memory_space<vmem>>
      %dma_wait3A_2028 = tpu.memref_squeeze %dma_wait3A_2027 : memref<1x64x128xf32, #tpu.memory_space<vmem>> -> memref<64x128xf32, #tpu.memory_space<vmem>>
      tpu.wait_dma2 semaphore(%arg17 : memref<!tpu.dma_semaphore, #tpu.memory_space<semaphore_mem>>) src(%dma_wait3A_2028 : memref<64x128xf32, #tpu.memory_space<vmem>>) dst(%dma_wait3A_2024 : memref<64x128xf32, #tpu.memory_space<hbm>>)
      %add3A_2029 = arith.constant 10 : i32
      %add3A_2030 = arith.addi %sub3A_1984, %add3A_2029 : i32
      %jit3A_2031 = arith.constant 2 : i32
      %div3A_2032 = arith.divsi %add3A_2030, %jit3A_2031 : i32
      %sign3A_2033 = arith.constant 0 : i32
      %sign3A_2034 = arith.cmpi sgt, %add3A_2030, %sign3A_2033 : i32
      %sign3A_2035 = arith.extui %sign3A_2034 : i1 to i32
      %sign3A_2036 = arith.constant 0 : i32
      %sign3A_2037 = arith.cmpi slt, %add3A_2030, %sign3A_2036 : i32
      %sign3A_2038 = arith.extui %sign3A_2037 : i1 to i32
      %sign3A_2039 = arith.subi %sign3A_2035, %sign3A_2038 : i32
      %sign3A_2040 = arith.constant 0 : i32
      %sign3A_2041 = arith.cmpi sgt, %jit3A_2031, %sign3A_2040 : i32
      %sign3A_2042 = arith.extui %sign3A_2041 : i1 to i32
      %sign3A_2043 = arith.constant 0 : i32
      %sign3A_2044 = arith.cmpi slt, %jit3A_2031, %sign3A_2043 : i32
      %sign3A_2045 = arith.extui %sign3A_2044 : i1 to i32
      %sign3A_2046 = arith.subi %sign3A_2042, %sign3A_2045 : i32
      %ne3A_2047 = arith.cmpi ne, %sign3A_2039, %sign3A_2046 : i32
      %rem3A_2048 = arith.remsi %add3A_2030, %jit3A_2031 : i32
      %ne3A_2049 = arith.constant 0 : i32
      %ne3A_2050 = arith.cmpi ne, %rem3A_2048, %ne3A_2049 : i32
      %and3A_2051 = arith.andi %ne3A_2047, %ne3A_2050 : i1
      %sub3A_2052 = arith.constant 1 : i32
      %sub3A_2053 = arith.subi %div3A_2032, %sub3A_2052 : i32
      %select_n3A_2054 = arith.select %and3A_2051, %sub3A_2053, %div3A_2032 : i32
      %mul3A_2055 = arith.constant 2 : i32
      %mul3A_2056 = arith.muli %select_n3A_2054, %mul3A_2055 : i32
      %sub3A_2057 = arith.subi %add3A_2030, %mul3A_2056 : i32
      %mul3A_2058 = arith.constant 64 : i32
      %mul3A_2059 = arith.muli %sub3A_2057, %mul3A_2058 : i32
      %dma_start3A_2060 = arith.constant 0 : i32
      %dma_start3A_2061 = arith.constant 0 : i32
      %dma_start3A_2062 = tpu.memref_slice %arg6[%scan3A_601, %dma_start3A_2060, %dma_start3A_2061] : memref<10x64x128xf32, #tpu.memory_space<vmem>> -> memref<1x64x128xf32, #tpu.memory_space<vmem>>
      %dma_start3A_2063 = tpu.memref_squeeze %dma_start3A_2062 : memref<1x64x128xf32, #tpu.memory_space<vmem>> -> memref<64x128xf32, #tpu.memory_space<vmem>>
      %dma_start3A_2064 = tpu.memref_slice %arg5[%select_n3A_2054, %mul3A_2059] : memref<50x128xi32, #tpu.memory_space<vmem>> -> memref<1x64xi32, #tpu.memory_space<vmem>>
      %dma_start3A_2065 = tpu.memref_squeeze %dma_start3A_2064 : memref<1x64xi32, #tpu.memory_space<vmem>> -> memref<64xi32, #tpu.memory_space<vmem>>
      %dma_start3A_2066 = arith.constant 0 : i32
      %dma_start3A_2067 = arith.constant 0 : i32
      %dma_start3A_2068 = tpu.memref_slice %arg3[%dma_start3A_2066, %dma_start3A_2067] : memref<100000x128xf32, #tpu.memory_space<hbm>> -> memref<100000x128xf32, #tpu.memory_space<hbm>>
      tpu.enqueue_indirect_dma source(%dma_start3A_2068 : memref<100000x128xf32, #tpu.memory_space<hbm>>) target(%dma_start3A_2063 : memref<64x128xf32, #tpu.memory_space<vmem>>) offsets(%dma_start3A_2065 : memref<64xi32, #tpu.memory_space<vmem>>) semaphore(%arg7 : memref<!tpu.dma_semaphore, #tpu.memory_space<semaphore_mem>>)
      %mul3A_2069 = arith.constant 10 : i32
      %mul3A_2070 = arith.muli %scan3A_1216, %mul3A_2069 : i32
      %add3A_2071 = arith.constant 5 : i32
      %add3A_2072 = arith.addi %mul3A_2070, %add3A_2071 : i32
      %jit3A_2073 = arith.constant 2 : i32
      %div3A_2074 = arith.divsi %add3A_2072, %jit3A_2073 : i32
      %sign3A_2075 = arith.constant 0 : i32
      %sign3A_2076 = arith.cmpi sgt, %add3A_2072, %sign3A_2075 : i32
      %sign3A_2077 = arith.extui %sign3A_2076 : i1 to i32
      %sign3A_2078 = arith.constant 0 : i32
      %sign3A_2079 = arith.cmpi slt, %add3A_2072, %sign3A_2078 : i32
      %sign3A_2080 = arith.extui %sign3A_2079 : i1 to i32
      %sign3A_2081 = arith.subi %sign3A_2077, %sign3A_2080 : i32
      %sign3A_2082 = arith.constant 0 : i32
      %sign3A_2083 = arith.cmpi sgt, %jit3A_2073, %sign3A_2082 : i32
      %sign3A_2084 = arith.extui %sign3A_2083 : i1 to i32
      %sign3A_2085 = arith.constant 0 : i32
      %sign3A_2086 = arith.cmpi slt, %jit3A_2073, %sign3A_2085 : i32
      %sign3A_2087 = arith.extui %sign3A_2086 : i1 to i32
      %sign3A_2088 = arith.subi %sign3A_2084, %sign3A_2087 : i32
      %ne3A_2089 = arith.cmpi ne, %sign3A_2081, %sign3A_2088 : i32
      %rem3A_2090 = arith.remsi %add3A_2072, %jit3A_2073 : i32
      %ne3A_2091 = arith.constant 0 : i32
      %ne3A_2092 = arith.cmpi ne, %rem3A_2090, %ne3A_2091 : i32
      %and3A_2093 = arith.andi %ne3A_2089, %ne3A_2092 : i1
      %sub3A_2094 = arith.constant 1 : i32
      %sub3A_2095 = arith.subi %div3A_2074, %sub3A_2094 : i32
      %select_n3A_2096 = arith.select %and3A_2093, %sub3A_2095, %div3A_2074 : i32
      %mul3A_2097 = arith.constant 2 : i32
      %mul3A_2098 = arith.muli %select_n3A_2096, %mul3A_2097 : i32
      %sub3A_2099 = arith.subi %add3A_2072, %mul3A_2098 : i32
      %mul3A_2100 = arith.constant 64 : i32
      %mul3A_2101 = arith.muli %sub3A_2099, %mul3A_2100 : i32
      %dma_wait3A_2102 = arith.constant 0 : i32
      %dma_wait3A_2103 = arith.constant 0 : i32
      %dma_wait3A_2104 = tpu.memref_slice %arg6[%scan3A_610, %dma_wait3A_2102, %dma_wait3A_2103] : memref<10x64x128xf32, #tpu.memory_space<vmem>> -> memref<1x64x128xf32, #tpu.memory_space<vmem>>
      %dma_wait3A_2105 = tpu.memref_squeeze %dma_wait3A_2104 : memref<1x64x128xf32, #tpu.memory_space<vmem>> -> memref<64x128xf32, #tpu.memory_space<vmem>>
      %dma_wait3A_2106 = tpu.memref_slice %arg5[%select_n3A_2096, %mul3A_2101] : memref<50x128xi32, #tpu.memory_space<vmem>> -> memref<1x64xi32, #tpu.memory_space<vmem>>
      %dma_wait3A_2107 = tpu.memref_squeeze %dma_wait3A_2106 : memref<1x64xi32, #tpu.memory_space<vmem>> -> memref<64xi32, #tpu.memory_space<vmem>>
      %dma_wait3A_2108 = arith.constant 0 : i32
      %dma_wait3A_2109 = arith.constant 0 : i32
      %dma_wait3A_2110 = tpu.memref_slice %arg3[%dma_wait3A_2108, %dma_wait3A_2109] : memref<100000x128xf32, #tpu.memory_space<hbm>> -> memref<100000x128xf32, #tpu.memory_space<hbm>>
      tpu.wait_indirect_dma semaphore(%arg12 : memref<!tpu.dma_semaphore, #tpu.memory_space<semaphore_mem>>) src(%dma_wait3A_2110 : memref<100000x128xf32, #tpu.memory_space<hbm>>) dst(%dma_wait3A_2105 : memref<64x128xf32, #tpu.memory_space<vmem>>)
      %jit3A_2111 = arith.constant 2 : i32
      %div3A_2112 = arith.divsi %add3A_2072, %jit3A_2111 : i32
      %sign3A_2113 = arith.constant 0 : i32
      %sign3A_2114 = arith.cmpi sgt, %add3A_2072, %sign3A_2113 : i32
      %sign3A_2115 = arith.extui %sign3A_2114 : i1 to i32
      %sign3A_2116 = arith.constant 0 : i32
      %sign3A_2117 = arith.cmpi slt, %add3A_2072, %sign3A_2116 : i32
      %sign3A_2118 = arith.extui %sign3A_2117 : i1 to i32
      %sign3A_2119 = arith.subi %sign3A_2115, %sign3A_2118 : i32
      %sign3A_2120 = arith.constant 0 : i32
      %sign3A_2121 = arith.cmpi sgt, %jit3A_2111, %sign3A_2120 : i32
      %sign3A_2122 = arith.extui %sign3A_2121 : i1 to i32
      %sign3A_2123 = arith.constant 0 : i32
      %sign3A_2124 = arith.cmpi slt, %jit3A_2111, %sign3A_2123 : i32
      %sign3A_2125 = arith.extui %sign3A_2124 : i1 to i32
      %sign3A_2126 = arith.subi %sign3A_2122, %sign3A_2125 : i32
      %ne3A_2127 = arith.cmpi ne, %sign3A_2119, %sign3A_2126 : i32
      %rem3A_2128 = arith.remsi %add3A_2072, %jit3A_2111 : i32
      %ne3A_2129 = arith.constant 0 : i32
      %ne3A_2130 = arith.cmpi ne, %rem3A_2128, %ne3A_2129 : i32
      %and3A_2131 = arith.andi %ne3A_2127, %ne3A_2130 : i1
      %sub3A_2132 = arith.constant 1 : i32
      %sub3A_2133 = arith.subi %div3A_2112, %sub3A_2132 : i32
      %select_n3A_2134 = arith.select %and3A_2131, %sub3A_2133, %div3A_2112 : i32
      %mul3A_2135 = arith.constant 2 : i32
      %mul3A_2136 = arith.muli %select_n3A_2134, %mul3A_2135 : i32
      %sub3A_2137 = arith.subi %add3A_2072, %mul3A_2136 : i32
      %mul3A_2138 = arith.constant 64 : i32
      %mul3A_2139 = arith.muli %sub3A_2137, %mul3A_2138 : i32
      %add3A_2140 = arith.addi %mul3A_2, %mul3A_2139 : i32
      %dma_start3A_2141 = arith.constant 0 : i32
      %dma_start3A_2142 = arith.constant 0 : i32
      %dma_start3A_2143 = tpu.memref_slice %arg6[%scan3A_610, %dma_start3A_2141, %dma_start3A_2142] : memref<10x64x128xf32, #tpu.memory_space<vmem>> -> memref<1x64x128xf32, #tpu.memory_space<vmem>>
      %dma_start3A_2144 = tpu.memref_squeeze %dma_start3A_2143 : memref<1x64x128xf32, #tpu.memory_space<vmem>> -> memref<64x128xf32, #tpu.memory_space<vmem>>
      %dma_start3A_2145 = arith.constant 0 : i32
      %dma_start3A_2146 = tpu.memref_slice %arg4[%select_n3A_2134, %add3A_2140, %dma_start3A_2145] : memref<50x4096x128xf32, #tpu.memory_space<hbm>> -> memref<1x64x128xf32, #tpu.memory_space<hbm>>
      %dma_start3A_2147 = tpu.memref_squeeze %dma_start3A_2146 : memref<1x64x128xf32, #tpu.memory_space<hbm>> -> memref<64x128xf32, #tpu.memory_space<hbm>>
      %dma_start3A_2148 = arith.constant 0 : i32
      %dma_start3A_2149 = tpu.memref_slice %arg4[%select_n3A_2134, %add3A_2140, %dma_start3A_2148] : memref<50x4096x128xf32, #tpu.memory_space<hbm>> -> memref<1x64x128xf32, #tpu.memory_space<hbm>>
      %dma_start3A_2150 = tpu.memref_squeeze %dma_start3A_2149 : memref<1x64x128xf32, #tpu.memory_space<hbm>> -> memref<64x128xf32, #tpu.memory_space<hbm>>
      %dma_start3A_2151 = arith.constant 0 : i32
      %dma_start3A_2152 = arith.constant 0 : i32
      %dma_start3A_2153 = tpu.memref_slice %arg6[%scan3A_610, %dma_start3A_2151, %dma_start3A_2152] : memref<10x64x128xf32, #tpu.memory_space<vmem>> -> memref<1x64x128xf32, #tpu.memory_space<vmem>>
      %dma_start3A_2154 = tpu.memref_squeeze %dma_start3A_2153 : memref<1x64x128xf32, #tpu.memory_space<vmem>> -> memref<64x128xf32, #tpu.memory_space<vmem>>
      tpu.enqueue_dma source(%dma_start3A_2154 : memref<64x128xf32, #tpu.memory_space<vmem>>) target(%dma_start3A_2150 : memref<64x128xf32, #tpu.memory_space<hbm>>) target_semaphore(%arg22 : memref<!tpu.dma_semaphore, #tpu.memory_space<semaphore_mem>>)
      %sub3A_2155 = arith.constant 4 : i32
      %sub3A_2156 = arith.subi %add3A_2072, %sub3A_2155 : i32
      %jit3A_2157 = arith.constant 2 : i32
      %div3A_2158 = arith.divsi %sub3A_2156, %jit3A_2157 : i32
      %sign3A_2159 = arith.constant 0 : i32
      %sign3A_2160 = arith.cmpi sgt, %sub3A_2156, %sign3A_2159 : i32
      %sign3A_2161 = arith.extui %sign3A_2160 : i1 to i32
      %sign3A_2162 = arith.constant 0 : i32
      %sign3A_2163 = arith.cmpi slt, %sub3A_2156, %sign3A_2162 : i32
      %sign3A_2164 = arith.extui %sign3A_2163 : i1 to i32
      %sign3A_2165 = arith.subi %sign3A_2161, %sign3A_2164 : i32
      %sign3A_2166 = arith.constant 0 : i32
      %sign3A_2167 = arith.cmpi sgt, %jit3A_2157, %sign3A_2166 : i32
      %sign3A_2168 = arith.extui %sign3A_2167 : i1 to i32
      %sign3A_2169 = arith.constant 0 : i32
      %sign3A_2170 = arith.cmpi slt, %jit3A_2157, %sign3A_2169 : i32
      %sign3A_2171 = arith.extui %sign3A_2170 : i1 to i32
      %sign3A_2172 = arith.subi %sign3A_2168, %sign3A_2171 : i32
      %ne3A_2173 = arith.cmpi ne, %sign3A_2165, %sign3A_2172 : i32
      %rem3A_2174 = arith.remsi %sub3A_2156, %jit3A_2157 : i32
      %ne3A_2175 = arith.constant 0 : i32
      %ne3A_2176 = arith.cmpi ne, %rem3A_2174, %ne3A_2175 : i32
      %and3A_2177 = arith.andi %ne3A_2173, %ne3A_2176 : i1
      %sub3A_2178 = arith.constant 1 : i32
      %sub3A_2179 = arith.subi %div3A_2158, %sub3A_2178 : i32
      %select_n3A_2180 = arith.select %and3A_2177, %sub3A_2179, %div3A_2158 : i32
      %mul3A_2181 = arith.constant 2 : i32
      %mul3A_2182 = arith.muli %select_n3A_2180, %mul3A_2181 : i32
      %sub3A_2183 = arith.subi %sub3A_2156, %mul3A_2182 : i32
      %mul3A_2184 = arith.constant 64 : i32
      %mul3A_2185 = arith.muli %sub3A_2183, %mul3A_2184 : i32
      %add3A_2186 = arith.addi %mul3A_2, %mul3A_2185 : i32
      %dma_wait3A_2187 = arith.constant 0 : i32
      %dma_wait3A_2188 = arith.constant 0 : i32
      %dma_wait3A_2189 = tpu.memref_slice %arg6[%scan3A_603, %dma_wait3A_2187, %dma_wait3A_2188] : memref<10x64x128xf32, #tpu.memory_space<vmem>> -> memref<1x64x128xf32, #tpu.memory_space<vmem>>
      %dma_wait3A_2190 = tpu.memref_squeeze %dma_wait3A_2189 : memref<1x64x128xf32, #tpu.memory_space<vmem>> -> memref<64x128xf32, #tpu.memory_space<vmem>>
      %dma_wait3A_2191 = arith.constant 0 : i32
      %dma_wait3A_2192 = tpu.memref_slice %arg4[%select_n3A_2180, %add3A_2186, %dma_wait3A_2191] : memref<50x4096x128xf32, #tpu.memory_space<hbm>> -> memref<1x64x128xf32, #tpu.memory_space<hbm>>
      %dma_wait3A_2193 = tpu.memref_squeeze %dma_wait3A_2192 : memref<1x64x128xf32, #tpu.memory_space<hbm>> -> memref<64x128xf32, #tpu.memory_space<hbm>>
      %dma_wait3A_2194 = arith.constant 0 : i32
      %dma_wait3A_2195 = tpu.memref_slice %arg4[%select_n3A_2180, %add3A_2186, %dma_wait3A_2194] : memref<50x4096x128xf32, #tpu.memory_space<hbm>> -> memref<1x64x128xf32, #tpu.memory_space<hbm>>
      %dma_wait3A_2196 = tpu.memref_squeeze %dma_wait3A_2195 : memref<1x64x128xf32, #tpu.memory_space<hbm>> -> memref<64x128xf32, #tpu.memory_space<hbm>>
      %dma_wait3A_2197 = arith.constant 0 : i32
      %dma_wait3A_2198 = arith.constant 0 : i32
      %dma_wait3A_2199 = tpu.memref_slice %arg6[%scan3A_603, %dma_wait3A_2197, %dma_wait3A_2198] : memref<10x64x128xf32, #tpu.memory_space<vmem>> -> memref<1x64x128xf32, #tpu.memory_space<vmem>>
      %dma_wait3A_2200 = tpu.memref_squeeze %dma_wait3A_2199 : memref<1x64x128xf32, #tpu.memory_space<vmem>> -> memref<64x128xf32, #tpu.memory_space<vmem>>
      tpu.wait_dma2 semaphore(%arg18 : memref<!tpu.dma_semaphore, #tpu.memory_space<semaphore_mem>>) src(%dma_wait3A_2200 : memref<64x128xf32, #tpu.memory_space<vmem>>) dst(%dma_wait3A_2196 : memref<64x128xf32, #tpu.memory_space<hbm>>)
      %add3A_2201 = arith.constant 10 : i32
      %add3A_2202 = arith.addi %sub3A_2156, %add3A_2201 : i32
      %jit3A_2203 = arith.constant 2 : i32
      %div3A_2204 = arith.divsi %add3A_2202, %jit3A_2203 : i32
      %sign3A_2205 = arith.constant 0 : i32
      %sign3A_2206 = arith.cmpi sgt, %add3A_2202, %sign3A_2205 : i32
      %sign3A_2207 = arith.extui %sign3A_2206 : i1 to i32
      %sign3A_2208 = arith.constant 0 : i32
      %sign3A_2209 = arith.cmpi slt, %add3A_2202, %sign3A_2208 : i32
      %sign3A_2210 = arith.extui %sign3A_2209 : i1 to i32
      %sign3A_2211 = arith.subi %sign3A_2207, %sign3A_2210 : i32
      %sign3A_2212 = arith.constant 0 : i32
      %sign3A_2213 = arith.cmpi sgt, %jit3A_2203, %sign3A_2212 : i32
      %sign3A_2214 = arith.extui %sign3A_2213 : i1 to i32
      %sign3A_2215 = arith.constant 0 : i32
      %sign3A_2216 = arith.cmpi slt, %jit3A_2203, %sign3A_2215 : i32
      %sign3A_2217 = arith.extui %sign3A_2216 : i1 to i32
      %sign3A_2218 = arith.subi %sign3A_2214, %sign3A_2217 : i32
      %ne3A_2219 = arith.cmpi ne, %sign3A_2211, %sign3A_2218 : i32
      %rem3A_2220 = arith.remsi %add3A_2202, %jit3A_2203 : i32
      %ne3A_2221 = arith.constant 0 : i32
      %ne3A_2222 = arith.cmpi ne, %rem3A_2220, %ne3A_2221 : i32
      %and3A_2223 = arith.andi %ne3A_2219, %ne3A_2222 : i1
      %sub3A_2224 = arith.constant 1 : i32
      %sub3A_2225 = arith.subi %div3A_2204, %sub3A_2224 : i32
      %select_n3A_2226 = arith.select %and3A_2223, %sub3A_2225, %div3A_2204 : i32
      %mul3A_2227 = arith.constant 2 : i32
      %mul3A_2228 = arith.muli %select_n3A_2226, %mul3A_2227 : i32
      %sub3A_2229 = arith.subi %add3A_2202, %mul3A_2228 : i32
      %mul3A_2230 = arith.constant 64 : i32
      %mul3A_2231 = arith.muli %sub3A_2229, %mul3A_2230 : i32
      %dma_start3A_2232 = arith.constant 0 : i32
      %dma_start3A_2233 = arith.constant 0 : i32
      %dma_start3A_2234 = tpu.memref_slice %arg6[%scan3A_603, %dma_start3A_2232, %dma_start3A_2233] : memref<10x64x128xf32, #tpu.memory_space<vmem>> -> memref<1x64x128xf32, #tpu.memory_space<vmem>>
      %dma_start3A_2235 = tpu.memref_squeeze %dma_start3A_2234 : memref<1x64x128xf32, #tpu.memory_space<vmem>> -> memref<64x128xf32, #tpu.memory_space<vmem>>
      %dma_start3A_2236 = tpu.memref_slice %arg5[%select_n3A_2226, %mul3A_2231] : memref<50x128xi32, #tpu.memory_space<vmem>> -> memref<1x64xi32, #tpu.memory_space<vmem>>
      %dma_start3A_2237 = tpu.memref_squeeze %dma_start3A_2236 : memref<1x64xi32, #tpu.memory_space<vmem>> -> memref<64xi32, #tpu.memory_space<vmem>>
      %dma_start3A_2238 = arith.constant 0 : i32
      %dma_start3A_2239 = arith.constant 0 : i32
      %dma_start3A_2240 = tpu.memref_slice %arg3[%dma_start3A_2238, %dma_start3A_2239] : memref<100000x128xf32, #tpu.memory_space<hbm>> -> memref<100000x128xf32, #tpu.memory_space<hbm>>
      tpu.enqueue_indirect_dma source(%dma_start3A_2240 : memref<100000x128xf32, #tpu.memory_space<hbm>>) target(%dma_start3A_2235 : memref<64x128xf32, #tpu.memory_space<vmem>>) offsets(%dma_start3A_2237 : memref<64xi32, #tpu.memory_space<vmem>>) semaphore(%arg8 : memref<!tpu.dma_semaphore, #tpu.memory_space<semaphore_mem>>)
      %mul3A_2241 = arith.constant 10 : i32
      %mul3A_2242 = arith.muli %scan3A_1216, %mul3A_2241 : i32
      %add3A_2243 = arith.constant 6 : i32
      %add3A_2244 = arith.addi %mul3A_2242, %add3A_2243 : i32
      %jit3A_2245 = arith.constant 2 : i32
      %div3A_2246 = arith.divsi %add3A_2244, %jit3A_2245 : i32
      %sign3A_2247 = arith.constant 0 : i32
      %sign3A_2248 = arith.cmpi sgt, %add3A_2244, %sign3A_2247 : i32
      %sign3A_2249 = arith.extui %sign3A_2248 : i1 to i32
      %sign3A_2250 = arith.constant 0 : i32
      %sign3A_2251 = arith.cmpi slt, %add3A_2244, %sign3A_2250 : i32
      %sign3A_2252 = arith.extui %sign3A_2251 : i1 to i32
      %sign3A_2253 = arith.subi %sign3A_2249, %sign3A_2252 : i32
      %sign3A_2254 = arith.constant 0 : i32
      %sign3A_2255 = arith.cmpi sgt, %jit3A_2245, %sign3A_2254 : i32
      %sign3A_2256 = arith.extui %sign3A_2255 : i1 to i32
      %sign3A_2257 = arith.constant 0 : i32
      %sign3A_2258 = arith.cmpi slt, %jit3A_2245, %sign3A_2257 : i32
      %sign3A_2259 = arith.extui %sign3A_2258 : i1 to i32
      %sign3A_2260 = arith.subi %sign3A_2256, %sign3A_2259 : i32
      %ne3A_2261 = arith.cmpi ne, %sign3A_2253, %sign3A_2260 : i32
      %rem3A_2262 = arith.remsi %add3A_2244, %jit3A_2245 : i32
      %ne3A_2263 = arith.constant 0 : i32
      %ne3A_2264 = arith.cmpi ne, %rem3A_2262, %ne3A_2263 : i32
      %and3A_2265 = arith.andi %ne3A_2261, %ne3A_2264 : i1
      %sub3A_2266 = arith.constant 1 : i32
      %sub3A_2267 = arith.subi %div3A_2246, %sub3A_2266 : i32
      %select_n3A_2268 = arith.select %and3A_2265, %sub3A_2267, %div3A_2246 : i32
      %mul3A_2269 = arith.constant 2 : i32
      %mul3A_2270 = arith.muli %select_n3A_2268, %mul3A_2269 : i32
      %sub3A_2271 = arith.subi %add3A_2244, %mul3A_2270 : i32
      %mul3A_2272 = arith.constant 64 : i32
      %mul3A_2273 = arith.muli %sub3A_2271, %mul3A_2272 : i32
      %dma_wait3A_2274 = arith.constant 0 : i32
      %dma_wait3A_2275 = arith.constant 0 : i32
      %dma_wait3A_2276 = tpu.memref_slice %arg6[%scan3A_602, %dma_wait3A_2274, %dma_wait3A_2275] : memref<10x64x128xf32, #tpu.memory_space<vmem>> -> memref<1x64x128xf32, #tpu.memory_space<vmem>>
      %dma_wait3A_2277 = tpu.memref_squeeze %dma_wait3A_2276 : memref<1x64x128xf32, #tpu.memory_space<vmem>> -> memref<64x128xf32, #tpu.memory_space<vmem>>
      %dma_wait3A_2278 = tpu.memref_slice %arg5[%select_n3A_2268, %mul3A_2273] : memref<50x128xi32, #tpu.memory_space<vmem>> -> memref<1x64xi32, #tpu.memory_space<vmem>>
      %dma_wait3A_2279 = tpu.memref_squeeze %dma_wait3A_2278 : memref<1x64xi32, #tpu.memory_space<vmem>> -> memref<64xi32, #tpu.memory_space<vmem>>
      %dma_wait3A_2280 = arith.constant 0 : i32
      %dma_wait3A_2281 = arith.constant 0 : i32
      %dma_wait3A_2282 = tpu.memref_slice %arg3[%dma_wait3A_2280, %dma_wait3A_2281] : memref<100000x128xf32, #tpu.memory_space<hbm>> -> memref<100000x128xf32, #tpu.memory_space<hbm>>
      tpu.wait_indirect_dma semaphore(%arg13 : memref<!tpu.dma_semaphore, #tpu.memory_space<semaphore_mem>>) src(%dma_wait3A_2282 : memref<100000x128xf32, #tpu.memory_space<hbm>>) dst(%dma_wait3A_2277 : memref<64x128xf32, #tpu.memory_space<vmem>>)
      %jit3A_2283 = arith.constant 2 : i32
      %div3A_2284 = arith.divsi %add3A_2244, %jit3A_2283 : i32
      %sign3A_2285 = arith.constant 0 : i32
      %sign3A_2286 = arith.cmpi sgt, %add3A_2244, %sign3A_2285 : i32
      %sign3A_2287 = arith.extui %sign3A_2286 : i1 to i32
      %sign3A_2288 = arith.constant 0 : i32
      %sign3A_2289 = arith.cmpi slt, %add3A_2244, %sign3A_2288 : i32
      %sign3A_2290 = arith.extui %sign3A_2289 : i1 to i32
      %sign3A_2291 = arith.subi %sign3A_2287, %sign3A_2290 : i32
      %sign3A_2292 = arith.constant 0 : i32
      %sign3A_2293 = arith.cmpi sgt, %jit3A_2283, %sign3A_2292 : i32
      %sign3A_2294 = arith.extui %sign3A_2293 : i1 to i32
      %sign3A_2295 = arith.constant 0 : i32
      %sign3A_2296 = arith.cmpi slt, %jit3A_2283, %sign3A_2295 : i32
      %sign3A_2297 = arith.extui %sign3A_2296 : i1 to i32
      %sign3A_2298 = arith.subi %sign3A_2294, %sign3A_2297 : i32
      %ne3A_2299 = arith.cmpi ne, %sign3A_2291, %sign3A_2298 : i32
      %rem3A_2300 = arith.remsi %add3A_2244, %jit3A_2283 : i32
      %ne3A_2301 = arith.constant 0 : i32
      %ne3A_2302 = arith.cmpi ne, %rem3A_2300, %ne3A_2301 : i32
      %and3A_2303 = arith.andi %ne3A_2299, %ne3A_2302 : i1
      %sub3A_2304 = arith.constant 1 : i32
      %sub3A_2305 = arith.subi %div3A_2284, %sub3A_2304 : i32
      %select_n3A_2306 = arith.select %and3A_2303, %sub3A_2305, %div3A_2284 : i32
      %mul3A_2307 = arith.constant 2 : i32
      %mul3A_2308 = arith.muli %select_n3A_2306, %mul3A_2307 : i32
      %sub3A_2309 = arith.subi %add3A_2244, %mul3A_2308 : i32
      %mul3A_2310 = arith.constant 64 : i32
      %mul3A_2311 = arith.muli %sub3A_2309, %mul3A_2310 : i32
      %add3A_2312 = arith.addi %mul3A_2, %mul3A_2311 : i32
      %dma_start3A_2313 = arith.constant 0 : i32
      %dma_start3A_2314 = arith.constant 0 : i32
      %dma_start3A_2315 = tpu.memref_slice %arg6[%scan3A_602, %dma_start3A_2313, %dma_start3A_2314] : memref<10x64x128xf32, #tpu.memory_space<vmem>> -> memref<1x64x128xf32, #tpu.memory_space<vmem>>
      %dma_start3A_2316 = tpu.memref_squeeze %dma_start3A_2315 : memref<1x64x128xf32, #tpu.memory_space<vmem>> -> memref<64x128xf32, #tpu.memory_space<vmem>>
      %dma_start3A_2317 = arith.constant 0 : i32
      %dma_start3A_2318 = tpu.memref_slice %arg4[%select_n3A_2306, %add3A_2312, %dma_start3A_2317] : memref<50x4096x128xf32, #tpu.memory_space<hbm>> -> memref<1x64x128xf32, #tpu.memory_space<hbm>>
      %dma_start3A_2319 = tpu.memref_squeeze %dma_start3A_2318 : memref<1x64x128xf32, #tpu.memory_space<hbm>> -> memref<64x128xf32, #tpu.memory_space<hbm>>
      %dma_start3A_2320 = arith.constant 0 : i32
      %dma_start3A_2321 = tpu.memref_slice %arg4[%select_n3A_2306, %add3A_2312, %dma_start3A_2320] : memref<50x4096x128xf32, #tpu.memory_space<hbm>> -> memref<1x64x128xf32, #tpu.memory_space<hbm>>
      %dma_start3A_2322 = tpu.memref_squeeze %dma_start3A_2321 : memref<1x64x128xf32, #tpu.memory_space<hbm>> -> memref<64x128xf32, #tpu.memory_space<hbm>>
      %dma_start3A_2323 = arith.constant 0 : i32
      %dma_start3A_2324 = arith.constant 0 : i32
      %dma_start3A_2325 = tpu.memref_slice %arg6[%scan3A_602, %dma_start3A_2323, %dma_start3A_2324] : memref<10x64x128xf32, #tpu.memory_space<vmem>> -> memref<1x64x128xf32, #tpu.memory_space<vmem>>
      %dma_start3A_2326 = tpu.memref_squeeze %dma_start3A_2325 : memref<1x64x128xf32, #tpu.memory_space<vmem>> -> memref<64x128xf32, #tpu.memory_space<vmem>>
      tpu.enqueue_dma source(%dma_start3A_2326 : memref<64x128xf32, #tpu.memory_space<vmem>>) target(%dma_start3A_2322 : memref<64x128xf32, #tpu.memory_space<hbm>>) target_semaphore(%arg23 : memref<!tpu.dma_semaphore, #tpu.memory_space<semaphore_mem>>)
      %sub3A_2327 = arith.constant 4 : i32
      %sub3A_2328 = arith.subi %add3A_2244, %sub3A_2327 : i32
      %jit3A_2329 = arith.constant 2 : i32
      %div3A_2330 = arith.divsi %sub3A_2328, %jit3A_2329 : i32
      %sign3A_2331 = arith.constant 0 : i32
      %sign3A_2332 = arith.cmpi sgt, %sub3A_2328, %sign3A_2331 : i32
      %sign3A_2333 = arith.extui %sign3A_2332 : i1 to i32
      %sign3A_2334 = arith.constant 0 : i32
      %sign3A_2335 = arith.cmpi slt, %sub3A_2328, %sign3A_2334 : i32
      %sign3A_2336 = arith.extui %sign3A_2335 : i1 to i32
      %sign3A_2337 = arith.subi %sign3A_2333, %sign3A_2336 : i32
      %sign3A_2338 = arith.constant 0 : i32
      %sign3A_2339 = arith.cmpi sgt, %jit3A_2329, %sign3A_2338 : i32
      %sign3A_2340 = arith.extui %sign3A_2339 : i1 to i32
      %sign3A_2341 = arith.constant 0 : i32
      %sign3A_2342 = arith.cmpi slt, %jit3A_2329, %sign3A_2341 : i32
      %sign3A_2343 = arith.extui %sign3A_2342 : i1 to i32
      %sign3A_2344 = arith.subi %sign3A_2340, %sign3A_2343 : i32
      %ne3A_2345 = arith.cmpi ne, %sign3A_2337, %sign3A_2344 : i32
      %rem3A_2346 = arith.remsi %sub3A_2328, %jit3A_2329 : i32
      %ne3A_2347 = arith.constant 0 : i32
      %ne3A_2348 = arith.cmpi ne, %rem3A_2346, %ne3A_2347 : i32
      %and3A_2349 = arith.andi %ne3A_2345, %ne3A_2348 : i1
      %sub3A_2350 = arith.constant 1 : i32
      %sub3A_2351 = arith.subi %div3A_2330, %sub3A_2350 : i32
      %select_n3A_2352 = arith.select %and3A_2349, %sub3A_2351, %div3A_2330 : i32
      %mul3A_2353 = arith.constant 2 : i32
      %mul3A_2354 = arith.muli %select_n3A_2352, %mul3A_2353 : i32
      %sub3A_2355 = arith.subi %sub3A_2328, %mul3A_2354 : i32
      %mul3A_2356 = arith.constant 64 : i32
      %mul3A_2357 = arith.muli %sub3A_2355, %mul3A_2356 : i32
      %add3A_2358 = arith.addi %mul3A_2, %mul3A_2357 : i32
      %dma_wait3A_2359 = arith.constant 0 : i32
      %dma_wait3A_2360 = arith.constant 0 : i32
      %dma_wait3A_2361 = tpu.memref_slice %arg6[%scan3A_605, %dma_wait3A_2359, %dma_wait3A_2360] : memref<10x64x128xf32, #tpu.memory_space<vmem>> -> memref<1x64x128xf32, #tpu.memory_space<vmem>>
      %dma_wait3A_2362 = tpu.memref_squeeze %dma_wait3A_2361 : memref<1x64x128xf32, #tpu.memory_space<vmem>> -> memref<64x128xf32, #tpu.memory_space<vmem>>
      %dma_wait3A_2363 = arith.constant 0 : i32
      %dma_wait3A_2364 = tpu.memref_slice %arg4[%select_n3A_2352, %add3A_2358, %dma_wait3A_2363] : memref<50x4096x128xf32, #tpu.memory_space<hbm>> -> memref<1x64x128xf32, #tpu.memory_space<hbm>>
      %dma_wait3A_2365 = tpu.memref_squeeze %dma_wait3A_2364 : memref<1x64x128xf32, #tpu.memory_space<hbm>> -> memref<64x128xf32, #tpu.memory_space<hbm>>
      %dma_wait3A_2366 = arith.constant 0 : i32
      %dma_wait3A_2367 = tpu.memref_slice %arg4[%select_n3A_2352, %add3A_2358, %dma_wait3A_2366] : memref<50x4096x128xf32, #tpu.memory_space<hbm>> -> memref<1x64x128xf32, #tpu.memory_space<hbm>>
      %dma_wait3A_2368 = tpu.memref_squeeze %dma_wait3A_2367 : memref<1x64x128xf32, #tpu.memory_space<hbm>> -> memref<64x128xf32, #tpu.memory_space<hbm>>
      %dma_wait3A_2369 = arith.constant 0 : i32
      %dma_wait3A_2370 = arith.constant 0 : i32
      %dma_wait3A_2371 = tpu.memref_slice %arg6[%scan3A_605, %dma_wait3A_2369, %dma_wait3A_2370] : memref<10x64x128xf32, #tpu.memory_space<vmem>> -> memref<1x64x128xf32, #tpu.memory_space<vmem>>
      %dma_wait3A_2372 = tpu.memref_squeeze %dma_wait3A_2371 : memref<1x64x128xf32, #tpu.memory_space<vmem>> -> memref<64x128xf32, #tpu.memory_space<vmem>>
      tpu.wait_dma2 semaphore(%arg19 : memref<!tpu.dma_semaphore, #tpu.memory_space<semaphore_mem>>) src(%dma_wait3A_2372 : memref<64x128xf32, #tpu.memory_space<vmem>>) dst(%dma_wait3A_2368 : memref<64x128xf32, #tpu.memory_space<hbm>>)
      %add3A_2373 = arith.constant 10 : i32
      %add3A_2374 = arith.addi %sub3A_2328, %add3A_2373 : i32
      %jit3A_2375 = arith.constant 2 : i32
      %div3A_2376 = arith.divsi %add3A_2374, %jit3A_2375 : i32
      %sign3A_2377 = arith.constant 0 : i32
      %sign3A_2378 = arith.cmpi sgt, %add3A_2374, %sign3A_2377 : i32
      %sign3A_2379 = arith.extui %sign3A_2378 : i1 to i32
      %sign3A_2380 = arith.constant 0 : i32
      %sign3A_2381 = arith.cmpi slt, %add3A_2374, %sign3A_2380 : i32
      %sign3A_2382 = arith.extui %sign3A_2381 : i1 to i32
      %sign3A_2383 = arith.subi %sign3A_2379, %sign3A_2382 : i32
      %sign3A_2384 = arith.constant 0 : i32
      %sign3A_2385 = arith.cmpi sgt, %jit3A_2375, %sign3A_2384 : i32
      %sign3A_2386 = arith.extui %sign3A_2385 : i1 to i32
      %sign3A_2387 = arith.constant 0 : i32
      %sign3A_2388 = arith.cmpi slt, %jit3A_2375, %sign3A_2387 : i32
      %sign3A_2389 = arith.extui %sign3A_2388 : i1 to i32
      %sign3A_2390 = arith.subi %sign3A_2386, %sign3A_2389 : i32
      %ne3A_2391 = arith.cmpi ne, %sign3A_2383, %sign3A_2390 : i32
      %rem3A_2392 = arith.remsi %add3A_2374, %jit3A_2375 : i32
      %ne3A_2393 = arith.constant 0 : i32
      %ne3A_2394 = arith.cmpi ne, %rem3A_2392, %ne3A_2393 : i32
      %and3A_2395 = arith.andi %ne3A_2391, %ne3A_2394 : i1
      %sub3A_2396 = arith.constant 1 : i32
      %sub3A_2397 = arith.subi %div3A_2376, %sub3A_2396 : i32
      %select_n3A_2398 = arith.select %and3A_2395, %sub3A_2397, %div3A_2376 : i32
      %mul3A_2399 = arith.constant 2 : i32
      %mul3A_2400 = arith.muli %select_n3A_2398, %mul3A_2399 : i32
      %sub3A_2401 = arith.subi %add3A_2374, %mul3A_2400 : i32
      %mul3A_2402 = arith.constant 64 : i32
      %mul3A_2403 = arith.muli %sub3A_2401, %mul3A_2402 : i32
      %dma_start3A_2404 = arith.constant 0 : i32
      %dma_start3A_2405 = arith.constant 0 : i32
      %dma_start3A_2406 = tpu.memref_slice %arg6[%scan3A_605, %dma_start3A_2404, %dma_start3A_2405] : memref<10x64x128xf32, #tpu.memory_space<vmem>> -> memref<1x64x128xf32, #tpu.memory_space<vmem>>
      %dma_start3A_2407 = tpu.memref_squeeze %dma_start3A_2406 : memref<1x64x128xf32, #tpu.memory_space<vmem>> -> memref<64x128xf32, #tpu.memory_space<vmem>>
      %dma_start3A_2408 = tpu.memref_slice %arg5[%select_n3A_2398, %mul3A_2403] : memref<50x128xi32, #tpu.memory_space<vmem>> -> memref<1x64xi32, #tpu.memory_space<vmem>>
      %dma_start3A_2409 = tpu.memref_squeeze %dma_start3A_2408 : memref<1x64xi32, #tpu.memory_space<vmem>> -> memref<64xi32, #tpu.memory_space<vmem>>
      %dma_start3A_2410 = arith.constant 0 : i32
      %dma_start3A_2411 = arith.constant 0 : i32
      %dma_start3A_2412 = tpu.memref_slice %arg3[%dma_start3A_2410, %dma_start3A_2411] : memref<100000x128xf32, #tpu.memory_space<hbm>> -> memref<100000x128xf32, #tpu.memory_space<hbm>>
      tpu.enqueue_indirect_dma source(%dma_start3A_2412 : memref<100000x128xf32, #tpu.memory_space<hbm>>) target(%dma_start3A_2407 : memref<64x128xf32, #tpu.memory_space<vmem>>) offsets(%dma_start3A_2409 : memref<64xi32, #tpu.memory_space<vmem>>) semaphore(%arg9 : memref<!tpu.dma_semaphore, #tpu.memory_space<semaphore_mem>>)
      %mul3A_2413 = arith.constant 10 : i32
      %mul3A_2414 = arith.muli %scan3A_1216, %mul3A_2413 : i32
      %add3A_2415 = arith.constant 7 : i32
      %add3A_2416 = arith.addi %mul3A_2414, %add3A_2415 : i32
      %jit3A_2417 = arith.constant 2 : i32
      %div3A_2418 = arith.divsi %add3A_2416, %jit3A_2417 : i32
      %sign3A_2419 = arith.constant 0 : i32
      %sign3A_2420 = arith.cmpi sgt, %add3A_2416, %sign3A_2419 : i32
      %sign3A_2421 = arith.extui %sign3A_2420 : i1 to i32
      %sign3A_2422 = arith.constant 0 : i32
      %sign3A_2423 = arith.cmpi slt, %add3A_2416, %sign3A_2422 : i32
      %sign3A_2424 = arith.extui %sign3A_2423 : i1 to i32
      %sign3A_2425 = arith.subi %sign3A_2421, %sign3A_2424 : i32
      %sign3A_2426 = arith.constant 0 : i32
      %sign3A_2427 = arith.cmpi sgt, %jit3A_2417, %sign3A_2426 : i32
      %sign3A_2428 = arith.extui %sign3A_2427 : i1 to i32
      %sign3A_2429 = arith.constant 0 : i32
      %sign3A_2430 = arith.cmpi slt, %jit3A_2417, %sign3A_2429 : i32
      %sign3A_2431 = arith.extui %sign3A_2430 : i1 to i32
      %sign3A_2432 = arith.subi %sign3A_2428, %sign3A_2431 : i32
      %ne3A_2433 = arith.cmpi ne, %sign3A_2425, %sign3A_2432 : i32
      %rem3A_2434 = arith.remsi %add3A_2416, %jit3A_2417 : i32
      %ne3A_2435 = arith.constant 0 : i32
      %ne3A_2436 = arith.cmpi ne, %rem3A_2434, %ne3A_2435 : i32
      %and3A_2437 = arith.andi %ne3A_2433, %ne3A_2436 : i1
      %sub3A_2438 = arith.constant 1 : i32
      %sub3A_2439 = arith.subi %div3A_2418, %sub3A_2438 : i32
      %select_n3A_2440 = arith.select %and3A_2437, %sub3A_2439, %div3A_2418 : i32
      %mul3A_2441 = arith.constant 2 : i32
      %mul3A_2442 = arith.muli %select_n3A_2440, %mul3A_2441 : i32
      %sub3A_2443 = arith.subi %add3A_2416, %mul3A_2442 : i32
      %mul3A_2444 = arith.constant 64 : i32
      %mul3A_2445 = arith.muli %sub3A_2443, %mul3A_2444 : i32
      %dma_wait3A_2446 = arith.constant 0 : i32
      %dma_wait3A_2447 = arith.constant 0 : i32
      %dma_wait3A_2448 = tpu.memref_slice %arg6[%scan3A_604, %dma_wait3A_2446, %dma_wait3A_2447] : memref<10x64x128xf32, #tpu.memory_space<vmem>> -> memref<1x64x128xf32, #tpu.memory_space<vmem>>
      %dma_wait3A_2449 = tpu.memref_squeeze %dma_wait3A_2448 : memref<1x64x128xf32, #tpu.memory_space<vmem>> -> memref<64x128xf32, #tpu.memory_space<vmem>>
      %dma_wait3A_2450 = tpu.memref_slice %arg5[%select_n3A_2440, %mul3A_2445] : memref<50x128xi32, #tpu.memory_space<vmem>> -> memref<1x64xi32, #tpu.memory_space<vmem>>
      %dma_wait3A_2451 = tpu.memref_squeeze %dma_wait3A_2450 : memref<1x64xi32, #tpu.memory_space<vmem>> -> memref<64xi32, #tpu.memory_space<vmem>>
      %dma_wait3A_2452 = arith.constant 0 : i32
      %dma_wait3A_2453 = arith.constant 0 : i32
      %dma_wait3A_2454 = tpu.memref_slice %arg3[%dma_wait3A_2452, %dma_wait3A_2453] : memref<100000x128xf32, #tpu.memory_space<hbm>> -> memref<100000x128xf32, #tpu.memory_space<hbm>>
      tpu.wait_indirect_dma semaphore(%arg14 : memref<!tpu.dma_semaphore, #tpu.memory_space<semaphore_mem>>) src(%dma_wait3A_2454 : memref<100000x128xf32, #tpu.memory_space<hbm>>) dst(%dma_wait3A_2449 : memref<64x128xf32, #tpu.memory_space<vmem>>)
      %jit3A_2455 = arith.constant 2 : i32
      %div3A_2456 = arith.divsi %add3A_2416, %jit3A_2455 : i32
      %sign3A_2457 = arith.constant 0 : i32
      %sign3A_2458 = arith.cmpi sgt, %add3A_2416, %sign3A_2457 : i32
      %sign3A_2459 = arith.extui %sign3A_2458 : i1 to i32
      %sign3A_2460 = arith.constant 0 : i32
      %sign3A_2461 = arith.cmpi slt, %add3A_2416, %sign3A_2460 : i32
      %sign3A_2462 = arith.extui %sign3A_2461 : i1 to i32
      %sign3A_2463 = arith.subi %sign3A_2459, %sign3A_2462 : i32
      %sign3A_2464 = arith.constant 0 : i32
      %sign3A_2465 = arith.cmpi sgt, %jit3A_2455, %sign3A_2464 : i32
      %sign3A_2466 = arith.extui %sign3A_2465 : i1 to i32
      %sign3A_2467 = arith.constant 0 : i32
      %sign3A_2468 = arith.cmpi slt, %jit3A_2455, %sign3A_2467 : i32
      %sign3A_2469 = arith.extui %sign3A_2468 : i1 to i32
      %sign3A_2470 = arith.subi %sign3A_2466, %sign3A_2469 : i32
      %ne3A_2471 = arith.cmpi ne, %sign3A_2463, %sign3A_2470 : i32
      %rem3A_2472 = arith.remsi %add3A_2416, %jit3A_2455 : i32
      %ne3A_2473 = arith.constant 0 : i32
      %ne3A_2474 = arith.cmpi ne, %rem3A_2472, %ne3A_2473 : i32
      %and3A_2475 = arith.andi %ne3A_2471, %ne3A_2474 : i1
      %sub3A_2476 = arith.constant 1 : i32
      %sub3A_2477 = arith.subi %div3A_2456, %sub3A_2476 : i32
      %select_n3A_2478 = arith.select %and3A_2475, %sub3A_2477, %div3A_2456 : i32
      %mul3A_2479 = arith.constant 2 : i32
      %mul3A_2480 = arith.muli %select_n3A_2478, %mul3A_2479 : i32
      %sub3A_2481 = arith.subi %add3A_2416, %mul3A_2480 : i32
      %mul3A_2482 = arith.constant 64 : i32
      %mul3A_2483 = arith.muli %sub3A_2481, %mul3A_2482 : i32
      %add3A_2484 = arith.addi %mul3A_2, %mul3A_2483 : i32
      %dma_start3A_2485 = arith.constant 0 : i32
      %dma_start3A_2486 = arith.constant 0 : i32
      %dma_start3A_2487 = tpu.memref_slice %arg6[%scan3A_604, %dma_start3A_2485, %dma_start3A_2486] : memref<10x64x128xf32, #tpu.memory_space<vmem>> -> memref<1x64x128xf32, #tpu.memory_space<vmem>>
      %dma_start3A_2488 = tpu.memref_squeeze %dma_start3A_2487 : memref<1x64x128xf32, #tpu.memory_space<vmem>> -> memref<64x128xf32, #tpu.memory_space<vmem>>
      %dma_start3A_2489 = arith.constant 0 : i32
      %dma_start3A_2490 = tpu.memref_slice %arg4[%select_n3A_2478, %add3A_2484, %dma_start3A_2489] : memref<50x4096x128xf32, #tpu.memory_space<hbm>> -> memref<1x64x128xf32, #tpu.memory_space<hbm>>
      %dma_start3A_2491 = tpu.memref_squeeze %dma_start3A_2490 : memref<1x64x128xf32, #tpu.memory_space<hbm>> -> memref<64x128xf32, #tpu.memory_space<hbm>>
      %dma_start3A_2492 = arith.constant 0 : i32
      %dma_start3A_2493 = tpu.memref_slice %arg4[%select_n3A_2478, %add3A_2484, %dma_start3A_2492] : memref<50x4096x128xf32, #tpu.memory_space<hbm>> -> memref<1x64x128xf32, #tpu.memory_space<hbm>>
      %dma_start3A_2494 = tpu.memref_squeeze %dma_start3A_2493 : memref<1x64x128xf32, #tpu.memory_space<hbm>> -> memref<64x128xf32, #tpu.memory_space<hbm>>
      %dma_start3A_2495 = arith.constant 0 : i32
      %dma_start3A_2496 = arith.constant 0 : i32
      %dma_start3A_2497 = tpu.memref_slice %arg6[%scan3A_604, %dma_start3A_2495, %dma_start3A_2496] : memref<10x64x128xf32, #tpu.memory_space<vmem>> -> memref<1x64x128xf32, #tpu.memory_space<vmem>>
      %dma_start3A_2498 = tpu.memref_squeeze %dma_start3A_2497 : memref<1x64x128xf32, #tpu.memory_space<vmem>> -> memref<64x128xf32, #tpu.memory_space<vmem>>
      tpu.enqueue_dma source(%dma_start3A_2498 : memref<64x128xf32, #tpu.memory_space<vmem>>) target(%dma_start3A_2494 : memref<64x128xf32, #tpu.memory_space<hbm>>) target_semaphore(%arg24 : memref<!tpu.dma_semaphore, #tpu.memory_space<semaphore_mem>>)
      %sub3A_2499 = arith.constant 4 : i32
      %sub3A_2500 = arith.subi %add3A_2416, %sub3A_2499 : i32
      %jit3A_2501 = arith.constant 2 : i32
      %div3A_2502 = arith.divsi %sub3A_2500, %jit3A_2501 : i32
      %sign3A_2503 = arith.constant 0 : i32
      %sign3A_2504 = arith.cmpi sgt, %sub3A_2500, %sign3A_2503 : i32
      %sign3A_2505 = arith.extui %sign3A_2504 : i1 to i32
      %sign3A_2506 = arith.constant 0 : i32
      %sign3A_2507 = arith.cmpi slt, %sub3A_2500, %sign3A_2506 : i32
      %sign3A_2508 = arith.extui %sign3A_2507 : i1 to i32
      %sign3A_2509 = arith.subi %sign3A_2505, %sign3A_2508 : i32
      %sign3A_2510 = arith.constant 0 : i32
      %sign3A_2511 = arith.cmpi sgt, %jit3A_2501, %sign3A_2510 : i32
      %sign3A_2512 = arith.extui %sign3A_2511 : i1 to i32
      %sign3A_2513 = arith.constant 0 : i32
      %sign3A_2514 = arith.cmpi slt, %jit3A_2501, %sign3A_2513 : i32
      %sign3A_2515 = arith.extui %sign3A_2514 : i1 to i32
      %sign3A_2516 = arith.subi %sign3A_2512, %sign3A_2515 : i32
      %ne3A_2517 = arith.cmpi ne, %sign3A_2509, %sign3A_2516 : i32
      %rem3A_2518 = arith.remsi %sub3A_2500, %jit3A_2501 : i32
      %ne3A_2519 = arith.constant 0 : i32
      %ne3A_2520 = arith.cmpi ne, %rem3A_2518, %ne3A_2519 : i32
      %and3A_2521 = arith.andi %ne3A_2517, %ne3A_2520 : i1
      %sub3A_2522 = arith.constant 1 : i32
      %sub3A_2523 = arith.subi %div3A_2502, %sub3A_2522 : i32
      %select_n3A_2524 = arith.select %and3A_2521, %sub3A_2523, %div3A_2502 : i32
      %mul3A_2525 = arith.constant 2 : i32
      %mul3A_2526 = arith.muli %select_n3A_2524, %mul3A_2525 : i32
      %sub3A_2527 = arith.subi %sub3A_2500, %mul3A_2526 : i32
      %mul3A_2528 = arith.constant 64 : i32
      %mul3A_2529 = arith.muli %sub3A_2527, %mul3A_2528 : i32
      %add3A_2530 = arith.addi %mul3A_2, %mul3A_2529 : i32
      %dma_wait3A_2531 = arith.constant 0 : i32
      %dma_wait3A_2532 = arith.constant 0 : i32
      %dma_wait3A_2533 = tpu.memref_slice %arg6[%scan3A_607, %dma_wait3A_2531, %dma_wait3A_2532] : memref<10x64x128xf32, #tpu.memory_space<vmem>> -> memref<1x64x128xf32, #tpu.memory_space<vmem>>
      %dma_wait3A_2534 = tpu.memref_squeeze %dma_wait3A_2533 : memref<1x64x128xf32, #tpu.memory_space<vmem>> -> memref<64x128xf32, #tpu.memory_space<vmem>>
      %dma_wait3A_2535 = arith.constant 0 : i32
      %dma_wait3A_2536 = tpu.memref_slice %arg4[%select_n3A_2524, %add3A_2530, %dma_wait3A_2535] : memref<50x4096x128xf32, #tpu.memory_space<hbm>> -> memref<1x64x128xf32, #tpu.memory_space<hbm>>
      %dma_wait3A_2537 = tpu.memref_squeeze %dma_wait3A_2536 : memref<1x64x128xf32, #tpu.memory_space<hbm>> -> memref<64x128xf32, #tpu.memory_space<hbm>>
      %dma_wait3A_2538 = arith.constant 0 : i32
      %dma_wait3A_2539 = tpu.memref_slice %arg4[%select_n3A_2524, %add3A_2530, %dma_wait3A_2538] : memref<50x4096x128xf32, #tpu.memory_space<hbm>> -> memref<1x64x128xf32, #tpu.memory_space<hbm>>
      %dma_wait3A_2540 = tpu.memref_squeeze %dma_wait3A_2539 : memref<1x64x128xf32, #tpu.memory_space<hbm>> -> memref<64x128xf32, #tpu.memory_space<hbm>>
      %dma_wait3A_2541 = arith.constant 0 : i32
      %dma_wait3A_2542 = arith.constant 0 : i32
      %dma_wait3A_2543 = tpu.memref_slice %arg6[%scan3A_607, %dma_wait3A_2541, %dma_wait3A_2542] : memref<10x64x128xf32, #tpu.memory_space<vmem>> -> memref<1x64x128xf32, #tpu.memory_space<vmem>>
      %dma_wait3A_2544 = tpu.memref_squeeze %dma_wait3A_2543 : memref<1x64x128xf32, #tpu.memory_space<vmem>> -> memref<64x128xf32, #tpu.memory_space<vmem>>
      tpu.wait_dma2 semaphore(%arg20 : memref<!tpu.dma_semaphore, #tpu.memory_space<semaphore_mem>>) src(%dma_wait3A_2544 : memref<64x128xf32, #tpu.memory_space<vmem>>) dst(%dma_wait3A_2540 : memref<64x128xf32, #tpu.memory_space<hbm>>)
      %add3A_2545 = arith.constant 10 : i32
      %add3A_2546 = arith.addi %sub3A_2500, %add3A_2545 : i32
      %jit3A_2547 = arith.constant 2 : i32
      %div3A_2548 = arith.divsi %add3A_2546, %jit3A_2547 : i32
      %sign3A_2549 = arith.constant 0 : i32
      %sign3A_2550 = arith.cmpi sgt, %add3A_2546, %sign3A_2549 : i32
      %sign3A_2551 = arith.extui %sign3A_2550 : i1 to i32
      %sign3A_2552 = arith.constant 0 : i32
      %sign3A_2553 = arith.cmpi slt, %add3A_2546, %sign3A_2552 : i32
      %sign3A_2554 = arith.extui %sign3A_2553 : i1 to i32
      %sign3A_2555 = arith.subi %sign3A_2551, %sign3A_2554 : i32
      %sign3A_2556 = arith.constant 0 : i32
      %sign3A_2557 = arith.cmpi sgt, %jit3A_2547, %sign3A_2556 : i32
      %sign3A_2558 = arith.extui %sign3A_2557 : i1 to i32
      %sign3A_2559 = arith.constant 0 : i32
      %sign3A_2560 = arith.cmpi slt, %jit3A_2547, %sign3A_2559 : i32
      %sign3A_2561 = arith.extui %sign3A_2560 : i1 to i32
      %sign3A_2562 = arith.subi %sign3A_2558, %sign3A_2561 : i32
      %ne3A_2563 = arith.cmpi ne, %sign3A_2555, %sign3A_2562 : i32
      %rem3A_2564 = arith.remsi %add3A_2546, %jit3A_2547 : i32
      %ne3A_2565 = arith.constant 0 : i32
      %ne3A_2566 = arith.cmpi ne, %rem3A_2564, %ne3A_2565 : i32
      %and3A_2567 = arith.andi %ne3A_2563, %ne3A_2566 : i1
      %sub3A_2568 = arith.constant 1 : i32
      %sub3A_2569 = arith.subi %div3A_2548, %sub3A_2568 : i32
      %select_n3A_2570 = arith.select %and3A_2567, %sub3A_2569, %div3A_2548 : i32
      %mul3A_2571 = arith.constant 2 : i32
      %mul3A_2572 = arith.muli %select_n3A_2570, %mul3A_2571 : i32
      %sub3A_2573 = arith.subi %add3A_2546, %mul3A_2572 : i32
      %mul3A_2574 = arith.constant 64 : i32
      %mul3A_2575 = arith.muli %sub3A_2573, %mul3A_2574 : i32
      %dma_start3A_2576 = arith.constant 0 : i32
      %dma_start3A_2577 = arith.constant 0 : i32
      %dma_start3A_2578 = tpu.memref_slice %arg6[%scan3A_607, %dma_start3A_2576, %dma_start3A_2577] : memref<10x64x128xf32, #tpu.memory_space<vmem>> -> memref<1x64x128xf32, #tpu.memory_space<vmem>>
      %dma_start3A_2579 = tpu.memref_squeeze %dma_start3A_2578 : memref<1x64x128xf32, #tpu.memory_space<vmem>> -> memref<64x128xf32, #tpu.memory_space<vmem>>
      %dma_start3A_2580 = tpu.memref_slice %arg5[%select_n3A_2570, %mul3A_2575] : memref<50x128xi32, #tpu.memory_space<vmem>> -> memref<1x64xi32, #tpu.memory_space<vmem>>
      %dma_start3A_2581 = tpu.memref_squeeze %dma_start3A_2580 : memref<1x64xi32, #tpu.memory_space<vmem>> -> memref<64xi32, #tpu.memory_space<vmem>>
      %dma_start3A_2582 = arith.constant 0 : i32
      %dma_start3A_2583 = arith.constant 0 : i32
      %dma_start3A_2584 = tpu.memref_slice %arg3[%dma_start3A_2582, %dma_start3A_2583] : memref<100000x128xf32, #tpu.memory_space<hbm>> -> memref<100000x128xf32, #tpu.memory_space<hbm>>
      tpu.enqueue_indirect_dma source(%dma_start3A_2584 : memref<100000x128xf32, #tpu.memory_space<hbm>>) target(%dma_start3A_2579 : memref<64x128xf32, #tpu.memory_space<vmem>>) offsets(%dma_start3A_2581 : memref<64xi32, #tpu.memory_space<vmem>>) semaphore(%arg10 : memref<!tpu.dma_semaphore, #tpu.memory_space<semaphore_mem>>)
      %mul3A_2585 = arith.constant 10 : i32
      %mul3A_2586 = arith.muli %scan3A_1216, %mul3A_2585 : i32
      %add3A_2587 = arith.constant 8 : i32
      %add3A_2588 = arith.addi %mul3A_2586, %add3A_2587 : i32
      %jit3A_2589 = arith.constant 2 : i32
      %div3A_2590 = arith.divsi %add3A_2588, %jit3A_2589 : i32
      %sign3A_2591 = arith.constant 0 : i32
      %sign3A_2592 = arith.cmpi sgt, %add3A_2588, %sign3A_2591 : i32
      %sign3A_2593 = arith.extui %sign3A_2592 : i1 to i32
      %sign3A_2594 = arith.constant 0 : i32
      %sign3A_2595 = arith.cmpi slt, %add3A_2588, %sign3A_2594 : i32
      %sign3A_2596 = arith.extui %sign3A_2595 : i1 to i32
      %sign3A_2597 = arith.subi %sign3A_2593, %sign3A_2596 : i32
      %sign3A_2598 = arith.constant 0 : i32
      %sign3A_2599 = arith.cmpi sgt, %jit3A_2589, %sign3A_2598 : i32
      %sign3A_2600 = arith.extui %sign3A_2599 : i1 to i32
      %sign3A_2601 = arith.constant 0 : i32
      %sign3A_2602 = arith.cmpi slt, %jit3A_2589, %sign3A_2601 : i32
      %sign3A_2603 = arith.extui %sign3A_2602 : i1 to i32
      %sign3A_2604 = arith.subi %sign3A_2600, %sign3A_2603 : i32
      %ne3A_2605 = arith.cmpi ne, %sign3A_2597, %sign3A_2604 : i32
      %rem3A_2606 = arith.remsi %add3A_2588, %jit3A_2589 : i32
      %ne3A_2607 = arith.constant 0 : i32
      %ne3A_2608 = arith.cmpi ne, %rem3A_2606, %ne3A_2607 : i32
      %and3A_2609 = arith.andi %ne3A_2605, %ne3A_2608 : i1
      %sub3A_2610 = arith.constant 1 : i32
      %sub3A_2611 = arith.subi %div3A_2590, %sub3A_2610 : i32
      %select_n3A_2612 = arith.select %and3A_2609, %sub3A_2611, %div3A_2590 : i32
      %mul3A_2613 = arith.constant 2 : i32
      %mul3A_2614 = arith.muli %select_n3A_2612, %mul3A_2613 : i32
      %sub3A_2615 = arith.subi %add3A_2588, %mul3A_2614 : i32
      %mul3A_2616 = arith.constant 64 : i32
      %mul3A_2617 = arith.muli %sub3A_2615, %mul3A_2616 : i32
      %dma_wait3A_2618 = arith.constant 0 : i32
      %dma_wait3A_2619 = arith.constant 0 : i32
      %dma_wait3A_2620 = tpu.memref_slice %arg6[%scan3A_606, %dma_wait3A_2618, %dma_wait3A_2619] : memref<10x64x128xf32, #tpu.memory_space<vmem>> -> memref<1x64x128xf32, #tpu.memory_space<vmem>>
      %dma_wait3A_2621 = tpu.memref_squeeze %dma_wait3A_2620 : memref<1x64x128xf32, #tpu.memory_space<vmem>> -> memref<64x128xf32, #tpu.memory_space<vmem>>
      %dma_wait3A_2622 = tpu.memref_slice %arg5[%select_n3A_2612, %mul3A_2617] : memref<50x128xi32, #tpu.memory_space<vmem>> -> memref<1x64xi32, #tpu.memory_space<vmem>>
      %dma_wait3A_2623 = tpu.memref_squeeze %dma_wait3A_2622 : memref<1x64xi32, #tpu.memory_space<vmem>> -> memref<64xi32, #tpu.memory_space<vmem>>
      %dma_wait3A_2624 = arith.constant 0 : i32
      %dma_wait3A_2625 = arith.constant 0 : i32
      %dma_wait3A_2626 = tpu.memref_slice %arg3[%dma_wait3A_2624, %dma_wait3A_2625] : memref<100000x128xf32, #tpu.memory_space<hbm>> -> memref<100000x128xf32, #tpu.memory_space<hbm>>
      tpu.wait_indirect_dma semaphore(%arg15 : memref<!tpu.dma_semaphore, #tpu.memory_space<semaphore_mem>>) src(%dma_wait3A_2626 : memref<100000x128xf32, #tpu.memory_space<hbm>>) dst(%dma_wait3A_2621 : memref<64x128xf32, #tpu.memory_space<vmem>>)
      %jit3A_2627 = arith.constant 2 : i32
      %div3A_2628 = arith.divsi %add3A_2588, %jit3A_2627 : i32
      %sign3A_2629 = arith.constant 0 : i32
      %sign3A_2630 = arith.cmpi sgt, %add3A_2588, %sign3A_2629 : i32
      %sign3A_2631 = arith.extui %sign3A_2630 : i1 to i32
      %sign3A_2632 = arith.constant 0 : i32
      %sign3A_2633 = arith.cmpi slt, %add3A_2588, %sign3A_2632 : i32
      %sign3A_2634 = arith.extui %sign3A_2633 : i1 to i32
      %sign3A_2635 = arith.subi %sign3A_2631, %sign3A_2634 : i32
      %sign3A_2636 = arith.constant 0 : i32
      %sign3A_2637 = arith.cmpi sgt, %jit3A_2627, %sign3A_2636 : i32
      %sign3A_2638 = arith.extui %sign3A_2637 : i1 to i32
      %sign3A_2639 = arith.constant 0 : i32
      %sign3A_2640 = arith.cmpi slt, %jit3A_2627, %sign3A_2639 : i32
      %sign3A_2641 = arith.extui %sign3A_2640 : i1 to i32
      %sign3A_2642 = arith.subi %sign3A_2638, %sign3A_2641 : i32
      %ne3A_2643 = arith.cmpi ne, %sign3A_2635, %sign3A_2642 : i32
      %rem3A_2644 = arith.remsi %add3A_2588, %jit3A_2627 : i32
      %ne3A_2645 = arith.constant 0 : i32
      %ne3A_2646 = arith.cmpi ne, %rem3A_2644, %ne3A_2645 : i32
      %and3A_2647 = arith.andi %ne3A_2643, %ne3A_2646 : i1
      %sub3A_2648 = arith.constant 1 : i32
      %sub3A_2649 = arith.subi %div3A_2628, %sub3A_2648 : i32
      %select_n3A_2650 = arith.select %and3A_2647, %sub3A_2649, %div3A_2628 : i32
      %mul3A_2651 = arith.constant 2 : i32
      %mul3A_2652 = arith.muli %select_n3A_2650, %mul3A_2651 : i32
      %sub3A_2653 = arith.subi %add3A_2588, %mul3A_2652 : i32
      %mul3A_2654 = arith.constant 64 : i32
      %mul3A_2655 = arith.muli %sub3A_2653, %mul3A_2654 : i32
      %add3A_2656 = arith.addi %mul3A_2, %mul3A_2655 : i32
      %dma_start3A_2657 = arith.constant 0 : i32
      %dma_start3A_2658 = arith.constant 0 : i32
      %dma_start3A_2659 = tpu.memref_slice %arg6[%scan3A_606, %dma_start3A_2657, %dma_start3A_2658] : memref<10x64x128xf32, #tpu.memory_space<vmem>> -> memref<1x64x128xf32, #tpu.memory_space<vmem>>
      %dma_start3A_2660 = tpu.memref_squeeze %dma_start3A_2659 : memref<1x64x128xf32, #tpu.memory_space<vmem>> -> memref<64x128xf32, #tpu.memory_space<vmem>>
      %dma_start3A_2661 = arith.constant 0 : i32
      %dma_start3A_2662 = tpu.memref_slice %arg4[%select_n3A_2650, %add3A_2656, %dma_start3A_2661] : memref<50x4096x128xf32, #tpu.memory_space<hbm>> -> memref<1x64x128xf32, #tpu.memory_space<hbm>>
      %dma_start3A_2663 = tpu.memref_squeeze %dma_start3A_2662 : memref<1x64x128xf32, #tpu.memory_space<hbm>> -> memref<64x128xf32, #tpu.memory_space<hbm>>
      %dma_start3A_2664 = arith.constant 0 : i32
      %dma_start3A_2665 = tpu.memref_slice %arg4[%select_n3A_2650, %add3A_2656, %dma_start3A_2664] : memref<50x4096x128xf32, #tpu.memory_space<hbm>> -> memref<1x64x128xf32, #tpu.memory_space<hbm>>
      %dma_start3A_2666 = tpu.memref_squeeze %dma_start3A_2665 : memref<1x64x128xf32, #tpu.memory_space<hbm>> -> memref<64x128xf32, #tpu.memory_space<hbm>>
      %dma_start3A_2667 = arith.constant 0 : i32
      %dma_start3A_2668 = arith.constant 0 : i32
      %dma_start3A_2669 = tpu.memref_slice %arg6[%scan3A_606, %dma_start3A_2667, %dma_start3A_2668] : memref<10x64x128xf32, #tpu.memory_space<vmem>> -> memref<1x64x128xf32, #tpu.memory_space<vmem>>
      %dma_start3A_2670 = tpu.memref_squeeze %dma_start3A_2669 : memref<1x64x128xf32, #tpu.memory_space<vmem>> -> memref<64x128xf32, #tpu.memory_space<vmem>>
      tpu.enqueue_dma source(%dma_start3A_2670 : memref<64x128xf32, #tpu.memory_space<vmem>>) target(%dma_start3A_2666 : memref<64x128xf32, #tpu.memory_space<hbm>>) target_semaphore(%arg25 : memref<!tpu.dma_semaphore, #tpu.memory_space<semaphore_mem>>)
      %sub3A_2671 = arith.constant 4 : i32
      %sub3A_2672 = arith.subi %add3A_2588, %sub3A_2671 : i32
      %jit3A_2673 = arith.constant 2 : i32
      %div3A_2674 = arith.divsi %sub3A_2672, %jit3A_2673 : i32
      %sign3A_2675 = arith.constant 0 : i32
      %sign3A_2676 = arith.cmpi sgt, %sub3A_2672, %sign3A_2675 : i32
      %sign3A_2677 = arith.extui %sign3A_2676 : i1 to i32
      %sign3A_2678 = arith.constant 0 : i32
      %sign3A_2679 = arith.cmpi slt, %sub3A_2672, %sign3A_2678 : i32
      %sign3A_2680 = arith.extui %sign3A_2679 : i1 to i32
      %sign3A_2681 = arith.subi %sign3A_2677, %sign3A_2680 : i32
      %sign3A_2682 = arith.constant 0 : i32
      %sign3A_2683 = arith.cmpi sgt, %jit3A_2673, %sign3A_2682 : i32
      %sign3A_2684 = arith.extui %sign3A_2683 : i1 to i32
      %sign3A_2685 = arith.constant 0 : i32
      %sign3A_2686 = arith.cmpi slt, %jit3A_2673, %sign3A_2685 : i32
      %sign3A_2687 = arith.extui %sign3A_2686 : i1 to i32
      %sign3A_2688 = arith.subi %sign3A_2684, %sign3A_2687 : i32
      %ne3A_2689 = arith.cmpi ne, %sign3A_2681, %sign3A_2688 : i32
      %rem3A_2690 = arith.remsi %sub3A_2672, %jit3A_2673 : i32
      %ne3A_2691 = arith.constant 0 : i32
      %ne3A_2692 = arith.cmpi ne, %rem3A_2690, %ne3A_2691 : i32
      %and3A_2693 = arith.andi %ne3A_2689, %ne3A_2692 : i1
      %sub3A_2694 = arith.constant 1 : i32
      %sub3A_2695 = arith.subi %div3A_2674, %sub3A_2694 : i32
      %select_n3A_2696 = arith.select %and3A_2693, %sub3A_2695, %div3A_2674 : i32
      %mul3A_2697 = arith.constant 2 : i32
      %mul3A_2698 = arith.muli %select_n3A_2696, %mul3A_2697 : i32
      %sub3A_2699 = arith.subi %sub3A_2672, %mul3A_2698 : i32
      %mul3A_2700 = arith.constant 64 : i32
      %mul3A_2701 = arith.muli %sub3A_2699, %mul3A_2700 : i32
      %add3A_2702 = arith.addi %mul3A_2, %mul3A_2701 : i32
      %dma_wait3A_2703 = arith.constant 0 : i32
      %dma_wait3A_2704 = arith.constant 0 : i32
      %dma_wait3A_2705 = tpu.memref_slice %arg6[%scan3A_609, %dma_wait3A_2703, %dma_wait3A_2704] : memref<10x64x128xf32, #tpu.memory_space<vmem>> -> memref<1x64x128xf32, #tpu.memory_space<vmem>>
      %dma_wait3A_2706 = tpu.memref_squeeze %dma_wait3A_2705 : memref<1x64x128xf32, #tpu.memory_space<vmem>> -> memref<64x128xf32, #tpu.memory_space<vmem>>
      %dma_wait3A_2707 = arith.constant 0 : i32
      %dma_wait3A_2708 = tpu.memref_slice %arg4[%select_n3A_2696, %add3A_2702, %dma_wait3A_2707] : memref<50x4096x128xf32, #tpu.memory_space<hbm>> -> memref<1x64x128xf32, #tpu.memory_space<hbm>>
      %dma_wait3A_2709 = tpu.memref_squeeze %dma_wait3A_2708 : memref<1x64x128xf32, #tpu.memory_space<hbm>> -> memref<64x128xf32, #tpu.memory_space<hbm>>
      %dma_wait3A_2710 = arith.constant 0 : i32
      %dma_wait3A_2711 = tpu.memref_slice %arg4[%select_n3A_2696, %add3A_2702, %dma_wait3A_2710] : memref<50x4096x128xf32, #tpu.memory_space<hbm>> -> memref<1x64x128xf32, #tpu.memory_space<hbm>>
      %dma_wait3A_2712 = tpu.memref_squeeze %dma_wait3A_2711 : memref<1x64x128xf32, #tpu.memory_space<hbm>> -> memref<64x128xf32, #tpu.memory_space<hbm>>
      %dma_wait3A_2713 = arith.constant 0 : i32
      %dma_wait3A_2714 = arith.constant 0 : i32
      %dma_wait3A_2715 = tpu.memref_slice %arg6[%scan3A_609, %dma_wait3A_2713, %dma_wait3A_2714] : memref<10x64x128xf32, #tpu.memory_space<vmem>> -> memref<1x64x128xf32, #tpu.memory_space<vmem>>
      %dma_wait3A_2716 = tpu.memref_squeeze %dma_wait3A_2715 : memref<1x64x128xf32, #tpu.memory_space<vmem>> -> memref<64x128xf32, #tpu.memory_space<vmem>>
      tpu.wait_dma2 semaphore(%arg21 : memref<!tpu.dma_semaphore, #tpu.memory_space<semaphore_mem>>) src(%dma_wait3A_2716 : memref<64x128xf32, #tpu.memory_space<vmem>>) dst(%dma_wait3A_2712 : memref<64x128xf32, #tpu.memory_space<hbm>>)
      %add3A_2717 = arith.constant 10 : i32
      %add3A_2718 = arith.addi %sub3A_2672, %add3A_2717 : i32
      %jit3A_2719 = arith.constant 2 : i32
      %div3A_2720 = arith.divsi %add3A_2718, %jit3A_2719 : i32
      %sign3A_2721 = arith.constant 0 : i32
      %sign3A_2722 = arith.cmpi sgt, %add3A_2718, %sign3A_2721 : i32
      %sign3A_2723 = arith.extui %sign3A_2722 : i1 to i32
      %sign3A_2724 = arith.constant 0 : i32
      %sign3A_2725 = arith.cmpi slt, %add3A_2718, %sign3A_2724 : i32
      %sign3A_2726 = arith.extui %sign3A_2725 : i1 to i32
      %sign3A_2727 = arith.subi %sign3A_2723, %sign3A_2726 : i32
      %sign3A_2728 = arith.constant 0 : i32
      %sign3A_2729 = arith.cmpi sgt, %jit3A_2719, %sign3A_2728 : i32
      %sign3A_2730 = arith.extui %sign3A_2729 : i1 to i32
      %sign3A_2731 = arith.constant 0 : i32
      %sign3A_2732 = arith.cmpi slt, %jit3A_2719, %sign3A_2731 : i32
      %sign3A_2733 = arith.extui %sign3A_2732 : i1 to i32
      %sign3A_2734 = arith.subi %sign3A_2730, %sign3A_2733 : i32
      %ne3A_2735 = arith.cmpi ne, %sign3A_2727, %sign3A_2734 : i32
      %rem3A_2736 = arith.remsi %add3A_2718, %jit3A_2719 : i32
      %ne3A_2737 = arith.constant 0 : i32
      %ne3A_2738 = arith.cmpi ne, %rem3A_2736, %ne3A_2737 : i32
      %and3A_2739 = arith.andi %ne3A_2735, %ne3A_2738 : i1
      %sub3A_2740 = arith.constant 1 : i32
      %sub3A_2741 = arith.subi %div3A_2720, %sub3A_2740 : i32
      %select_n3A_2742 = arith.select %and3A_2739, %sub3A_2741, %div3A_2720 : i32
      %mul3A_2743 = arith.constant 2 : i32
      %mul3A_2744 = arith.muli %select_n3A_2742, %mul3A_2743 : i32
      %sub3A_2745 = arith.subi %add3A_2718, %mul3A_2744 : i32
      %mul3A_2746 = arith.constant 64 : i32
      %mul3A_2747 = arith.muli %sub3A_2745, %mul3A_2746 : i32
      %dma_start3A_2748 = arith.constant 0 : i32
      %dma_start3A_2749 = arith.constant 0 : i32
      %dma_start3A_2750 = tpu.memref_slice %arg6[%scan3A_609, %dma_start3A_2748, %dma_start3A_2749] : memref<10x64x128xf32, #tpu.memory_space<vmem>> -> memref<1x64x128xf32, #tpu.memory_space<vmem>>
      %dma_start3A_2751 = tpu.memref_squeeze %dma_start3A_2750 : memref<1x64x128xf32, #tpu.memory_space<vmem>> -> memref<64x128xf32, #tpu.memory_space<vmem>>
      %dma_start3A_2752 = tpu.memref_slice %arg5[%select_n3A_2742, %mul3A_2747] : memref<50x128xi32, #tpu.memory_space<vmem>> -> memref<1x64xi32, #tpu.memory_space<vmem>>
      %dma_start3A_2753 = tpu.memref_squeeze %dma_start3A_2752 : memref<1x64xi32, #tpu.memory_space<vmem>> -> memref<64xi32, #tpu.memory_space<vmem>>
      %dma_start3A_2754 = arith.constant 0 : i32
      %dma_start3A_2755 = arith.constant 0 : i32
      %dma_start3A_2756 = tpu.memref_slice %arg3[%dma_start3A_2754, %dma_start3A_2755] : memref<100000x128xf32, #tpu.memory_space<hbm>> -> memref<100000x128xf32, #tpu.memory_space<hbm>>
      tpu.enqueue_indirect_dma source(%dma_start3A_2756 : memref<100000x128xf32, #tpu.memory_space<hbm>>) target(%dma_start3A_2751 : memref<64x128xf32, #tpu.memory_space<vmem>>) offsets(%dma_start3A_2753 : memref<64xi32, #tpu.memory_space<vmem>>) semaphore(%arg11 : memref<!tpu.dma_semaphore, #tpu.memory_space<semaphore_mem>>)
      %mul3A_2757 = arith.constant 10 : i32
      %mul3A_2758 = arith.muli %scan3A_1216, %mul3A_2757 : i32
      %add3A_2759 = arith.constant 9 : i32
      %add3A_2760 = arith.addi %mul3A_2758, %add3A_2759 : i32
      %jit3A_2761 = arith.constant 2 : i32
      %div3A_2762 = arith.divsi %add3A_2760, %jit3A_2761 : i32
      %sign3A_2763 = arith.constant 0 : i32
      %sign3A_2764 = arith.cmpi sgt, %add3A_2760, %sign3A_2763 : i32
      %sign3A_2765 = arith.extui %sign3A_2764 : i1 to i32
      %sign3A_2766 = arith.constant 0 : i32
      %sign3A_2767 = arith.cmpi slt, %add3A_2760, %sign3A_2766 : i32
      %sign3A_2768 = arith.extui %sign3A_2767 : i1 to i32
      %sign3A_2769 = arith.subi %sign3A_2765, %sign3A_2768 : i32
      %sign3A_2770 = arith.constant 0 : i32
      %sign3A_2771 = arith.cmpi sgt, %jit3A_2761, %sign3A_2770 : i32
      %sign3A_2772 = arith.extui %sign3A_2771 : i1 to i32
      %sign3A_2773 = arith.constant 0 : i32
      %sign3A_2774 = arith.cmpi slt, %jit3A_2761, %sign3A_2773 : i32
      %sign3A_2775 = arith.extui %sign3A_2774 : i1 to i32
      %sign3A_2776 = arith.subi %sign3A_2772, %sign3A_2775 : i32
      %ne3A_2777 = arith.cmpi ne, %sign3A_2769, %sign3A_2776 : i32
      %rem3A_2778 = arith.remsi %add3A_2760, %jit3A_2761 : i32
      %ne3A_2779 = arith.constant 0 : i32
      %ne3A_2780 = arith.cmpi ne, %rem3A_2778, %ne3A_2779 : i32
      %and3A_2781 = arith.andi %ne3A_2777, %ne3A_2780 : i1
      %sub3A_2782 = arith.constant 1 : i32
      %sub3A_2783 = arith.subi %div3A_2762, %sub3A_2782 : i32
      %select_n3A_2784 = arith.select %and3A_2781, %sub3A_2783, %div3A_2762 : i32
      %mul3A_2785 = arith.constant 2 : i32
      %mul3A_2786 = arith.muli %select_n3A_2784, %mul3A_2785 : i32
      %sub3A_2787 = arith.subi %add3A_2760, %mul3A_2786 : i32
      %mul3A_2788 = arith.constant 64 : i32
      %mul3A_2789 = arith.muli %sub3A_2787, %mul3A_2788 : i32
      %dma_wait3A_2790 = arith.constant 0 : i32
      %dma_wait3A_2791 = arith.constant 0 : i32
      %dma_wait3A_2792 = tpu.memref_slice %arg6[%scan3A_608, %dma_wait3A_2790, %dma_wait3A_2791] : memref<10x64x128xf32, #tpu.memory_space<vmem>> -> memref<1x64x128xf32, #tpu.memory_space<vmem>>
      %dma_wait3A_2793 = tpu.memref_squeeze %dma_wait3A_2792 : memref<1x64x128xf32, #tpu.memory_space<vmem>> -> memref<64x128xf32, #tpu.memory_space<vmem>>
      %dma_wait3A_2794 = tpu.memref_slice %arg5[%select_n3A_2784, %mul3A_2789] : memref<50x128xi32, #tpu.memory_space<vmem>> -> memref<1x64xi32, #tpu.memory_space<vmem>>
      %dma_wait3A_2795 = tpu.memref_squeeze %dma_wait3A_2794 : memref<1x64xi32, #tpu.memory_space<vmem>> -> memref<64xi32, #tpu.memory_space<vmem>>
      %dma_wait3A_2796 = arith.constant 0 : i32
      %dma_wait3A_2797 = arith.constant 0 : i32
      %dma_wait3A_2798 = tpu.memref_slice %arg3[%dma_wait3A_2796, %dma_wait3A_2797] : memref<100000x128xf32, #tpu.memory_space<hbm>> -> memref<100000x128xf32, #tpu.memory_space<hbm>>
      tpu.wait_indirect_dma semaphore(%arg16 : memref<!tpu.dma_semaphore, #tpu.memory_space<semaphore_mem>>) src(%dma_wait3A_2798 : memref<100000x128xf32, #tpu.memory_space<hbm>>) dst(%dma_wait3A_2793 : memref<64x128xf32, #tpu.memory_space<vmem>>)
      %jit3A_2799 = arith.constant 2 : i32
      %div3A_2800 = arith.divsi %add3A_2760, %jit3A_2799 : i32
      %sign3A_2801 = arith.constant 0 : i32
      %sign3A_2802 = arith.cmpi sgt, %add3A_2760, %sign3A_2801 : i32
      %sign3A_2803 = arith.extui %sign3A_2802 : i1 to i32
      %sign3A_2804 = arith.constant 0 : i32
      %sign3A_2805 = arith.cmpi slt, %add3A_2760, %sign3A_2804 : i32
      %sign3A_2806 = arith.extui %sign3A_2805 : i1 to i32
      %sign3A_2807 = arith.subi %sign3A_2803, %sign3A_2806 : i32
      %sign3A_2808 = arith.constant 0 : i32
      %sign3A_2809 = arith.cmpi sgt, %jit3A_2799, %sign3A_2808 : i32
      %sign3A_2810 = arith.extui %sign3A_2809 : i1 to i32
      %sign3A_2811 = arith.constant 0 : i32
      %sign3A_2812 = arith.cmpi slt, %jit3A_2799, %sign3A_2811 : i32
      %sign3A_2813 = arith.extui %sign3A_2812 : i1 to i32
      %sign3A_2814 = arith.subi %sign3A_2810, %sign3A_2813 : i32
      %ne3A_2815 = arith.cmpi ne, %sign3A_2807, %sign3A_2814 : i32
      %rem3A_2816 = arith.remsi %add3A_2760, %jit3A_2799 : i32
      %ne3A_2817 = arith.constant 0 : i32
      %ne3A_2818 = arith.cmpi ne, %rem3A_2816, %ne3A_2817 : i32
      %and3A_2819 = arith.andi %ne3A_2815, %ne3A_2818 : i1
      %sub3A_2820 = arith.constant 1 : i32
      %sub3A_2821 = arith.subi %div3A_2800, %sub3A_2820 : i32
      %select_n3A_2822 = arith.select %and3A_2819, %sub3A_2821, %div3A_2800 : i32
      %mul3A_2823 = arith.constant 2 : i32
      %mul3A_2824 = arith.muli %select_n3A_2822, %mul3A_2823 : i32
      %sub3A_2825 = arith.subi %add3A_2760, %mul3A_2824 : i32
      %mul3A_2826 = arith.constant 64 : i32
      %mul3A_2827 = arith.muli %sub3A_2825, %mul3A_2826 : i32
      %add3A_2828 = arith.addi %mul3A_2, %mul3A_2827 : i32
      %dma_start3A_2829 = arith.constant 0 : i32
      %dma_start3A_2830 = arith.constant 0 : i32
      %dma_start3A_2831 = tpu.memref_slice %arg6[%scan3A_608, %dma_start3A_2829, %dma_start3A_2830] : memref<10x64x128xf32, #tpu.memory_space<vmem>> -> memref<1x64x128xf32, #tpu.memory_space<vmem>>
      %dma_start3A_2832 = tpu.memref_squeeze %dma_start3A_2831 : memref<1x64x128xf32, #tpu.memory_space<vmem>> -> memref<64x128xf32, #tpu.memory_space<vmem>>
      %dma_start3A_2833 = arith.constant 0 : i32
      %dma_start3A_2834 = tpu.memref_slice %arg4[%select_n3A_2822, %add3A_2828, %dma_start3A_2833] : memref<50x4096x128xf32, #tpu.memory_space<hbm>> -> memref<1x64x128xf32, #tpu.memory_space<hbm>>
      %dma_start3A_2835 = tpu.memref_squeeze %dma_start3A_2834 : memref<1x64x128xf32, #tpu.memory_space<hbm>> -> memref<64x128xf32, #tpu.memory_space<hbm>>
      %dma_start3A_2836 = arith.constant 0 : i32
      %dma_start3A_2837 = tpu.memref_slice %arg4[%select_n3A_2822, %add3A_2828, %dma_start3A_2836] : memref<50x4096x128xf32, #tpu.memory_space<hbm>> -> memref<1x64x128xf32, #tpu.memory_space<hbm>>
      %dma_start3A_2838 = tpu.memref_squeeze %dma_start3A_2837 : memref<1x64x128xf32, #tpu.memory_space<hbm>> -> memref<64x128xf32, #tpu.memory_space<hbm>>
      %dma_start3A_2839 = arith.constant 0 : i32
      %dma_start3A_2840 = arith.constant 0 : i32
      %dma_start3A_2841 = tpu.memref_slice %arg6[%scan3A_608, %dma_start3A_2839, %dma_start3A_2840] : memref<10x64x128xf32, #tpu.memory_space<vmem>> -> memref<1x64x128xf32, #tpu.memory_space<vmem>>
      %dma_start3A_2842 = tpu.memref_squeeze %dma_start3A_2841 : memref<1x64x128xf32, #tpu.memory_space<vmem>> -> memref<64x128xf32, #tpu.memory_space<vmem>>
      tpu.enqueue_dma source(%dma_start3A_2842 : memref<64x128xf32, #tpu.memory_space<vmem>>) target(%dma_start3A_2838 : memref<64x128xf32, #tpu.memory_space<hbm>>) target_semaphore(%arg26 : memref<!tpu.dma_semaphore, #tpu.memory_space<semaphore_mem>>)
      %sub3A_2843 = arith.constant 4 : i32
      %sub3A_2844 = arith.subi %add3A_2760, %sub3A_2843 : i32
      %jit3A_2845 = arith.constant 2 : i32
      %div3A_2846 = arith.divsi %sub3A_2844, %jit3A_2845 : i32
      %sign3A_2847 = arith.constant 0 : i32
      %sign3A_2848 = arith.cmpi sgt, %sub3A_2844, %sign3A_2847 : i32
      %sign3A_2849 = arith.extui %sign3A_2848 : i1 to i32
      %sign3A_2850 = arith.constant 0 : i32
      %sign3A_2851 = arith.cmpi slt, %sub3A_2844, %sign3A_2850 : i32
      %sign3A_2852 = arith.extui %sign3A_2851 : i1 to i32
      %sign3A_2853 = arith.subi %sign3A_2849, %sign3A_2852 : i32
      %sign3A_2854 = arith.constant 0 : i32
      %sign3A_2855 = arith.cmpi sgt, %jit3A_2845, %sign3A_2854 : i32
      %sign3A_2856 = arith.extui %sign3A_2855 : i1 to i32
      %sign3A_2857 = arith.constant 0 : i32
      %sign3A_2858 = arith.cmpi slt, %jit3A_2845, %sign3A_2857 : i32
      %sign3A_2859 = arith.extui %sign3A_2858 : i1 to i32
      %sign3A_2860 = arith.subi %sign3A_2856, %sign3A_2859 : i32
      %ne3A_2861 = arith.cmpi ne, %sign3A_2853, %sign3A_2860 : i32
      %rem3A_2862 = arith.remsi %sub3A_2844, %jit3A_2845 : i32
      %ne3A_2863 = arith.constant 0 : i32
      %ne3A_2864 = arith.cmpi ne, %rem3A_2862, %ne3A_2863 : i32
      %and3A_2865 = arith.andi %ne3A_2861, %ne3A_2864 : i1
      %sub3A_2866 = arith.constant 1 : i32
      %sub3A_2867 = arith.subi %div3A_2846, %sub3A_2866 : i32
      %select_n3A_2868 = arith.select %and3A_2865, %sub3A_2867, %div3A_2846 : i32
      %mul3A_2869 = arith.constant 2 : i32
      %mul3A_2870 = arith.muli %select_n3A_2868, %mul3A_2869 : i32
      %sub3A_2871 = arith.subi %sub3A_2844, %mul3A_2870 : i32
      %mul3A_2872 = arith.constant 64 : i32
      %mul3A_2873 = arith.muli %sub3A_2871, %mul3A_2872 : i32
      %add3A_2874 = arith.addi %mul3A_2, %mul3A_2873 : i32
      %dma_wait3A_2875 = arith.constant 0 : i32
      %dma_wait3A_2876 = arith.constant 0 : i32
      %dma_wait3A_2877 = tpu.memref_slice %arg6[%scan3A_610, %dma_wait3A_2875, %dma_wait3A_2876] : memref<10x64x128xf32, #tpu.memory_space<vmem>> -> memref<1x64x128xf32, #tpu.memory_space<vmem>>
      %dma_wait3A_2878 = tpu.memref_squeeze %dma_wait3A_2877 : memref<1x64x128xf32, #tpu.memory_space<vmem>> -> memref<64x128xf32, #tpu.memory_space<vmem>>
      %dma_wait3A_2879 = arith.constant 0 : i32
      %dma_wait3A_2880 = tpu.memref_slice %arg4[%select_n3A_2868, %add3A_2874, %dma_wait3A_2879] : memref<50x4096x128xf32, #tpu.memory_space<hbm>> -> memref<1x64x128xf32, #tpu.memory_space<hbm>>
      %dma_wait3A_2881 = tpu.memref_squeeze %dma_wait3A_2880 : memref<1x64x128xf32, #tpu.memory_space<hbm>> -> memref<64x128xf32, #tpu.memory_space<hbm>>
      %dma_wait3A_2882 = arith.constant 0 : i32
      %dma_wait3A_2883 = tpu.memref_slice %arg4[%select_n3A_2868, %add3A_2874, %dma_wait3A_2882] : memref<50x4096x128xf32, #tpu.memory_space<hbm>> -> memref<1x64x128xf32, #tpu.memory_space<hbm>>
      %dma_wait3A_2884 = tpu.memref_squeeze %dma_wait3A_2883 : memref<1x64x128xf32, #tpu.memory_space<hbm>> -> memref<64x128xf32, #tpu.memory_space<hbm>>
      %dma_wait3A_2885 = arith.constant 0 : i32
      %dma_wait3A_2886 = arith.constant 0 : i32
      %dma_wait3A_2887 = tpu.memref_slice %arg6[%scan3A_610, %dma_wait3A_2885, %dma_wait3A_2886] : memref<10x64x128xf32, #tpu.memory_space<vmem>> -> memref<1x64x128xf32, #tpu.memory_space<vmem>>
      %dma_wait3A_2888 = tpu.memref_squeeze %dma_wait3A_2887 : memref<1x64x128xf32, #tpu.memory_space<vmem>> -> memref<64x128xf32, #tpu.memory_space<vmem>>
      tpu.wait_dma2 semaphore(%arg22 : memref<!tpu.dma_semaphore, #tpu.memory_space<semaphore_mem>>) src(%dma_wait3A_2888 : memref<64x128xf32, #tpu.memory_space<vmem>>) dst(%dma_wait3A_2884 : memref<64x128xf32, #tpu.memory_space<hbm>>)
      %add3A_2889 = arith.constant 10 : i32
      %add3A_2890 = arith.addi %sub3A_2844, %add3A_2889 : i32
      %jit3A_2891 = arith.constant 2 : i32
      %div3A_2892 = arith.divsi %add3A_2890, %jit3A_2891 : i32
      %sign3A_2893 = arith.constant 0 : i32
      %sign3A_2894 = arith.cmpi sgt, %add3A_2890, %sign3A_2893 : i32
      %sign3A_2895 = arith.extui %sign3A_2894 : i1 to i32
      %sign3A_2896 = arith.constant 0 : i32
      %sign3A_2897 = arith.cmpi slt, %add3A_2890, %sign3A_2896 : i32
      %sign3A_2898 = arith.extui %sign3A_2897 : i1 to i32
      %sign3A_2899 = arith.subi %sign3A_2895, %sign3A_2898 : i32
      %sign3A_2900 = arith.constant 0 : i32
      %sign3A_2901 = arith.cmpi sgt, %jit3A_2891, %sign3A_2900 : i32
      %sign3A_2902 = arith.extui %sign3A_2901 : i1 to i32
      %sign3A_2903 = arith.constant 0 : i32
      %sign3A_2904 = arith.cmpi slt, %jit3A_2891, %sign3A_2903 : i32
      %sign3A_2905 = arith.extui %sign3A_2904 : i1 to i32
      %sign3A_2906 = arith.subi %sign3A_2902, %sign3A_2905 : i32
      %ne3A_2907 = arith.cmpi ne, %sign3A_2899, %sign3A_2906 : i32
      %rem3A_2908 = arith.remsi %add3A_2890, %jit3A_2891 : i32
      %ne3A_2909 = arith.constant 0 : i32
      %ne3A_2910 = arith.cmpi ne, %rem3A_2908, %ne3A_2909 : i32
      %and3A_2911 = arith.andi %ne3A_2907, %ne3A_2910 : i1
      %sub3A_2912 = arith.constant 1 : i32
      %sub3A_2913 = arith.subi %div3A_2892, %sub3A_2912 : i32
      %select_n3A_2914 = arith.select %and3A_2911, %sub3A_2913, %div3A_2892 : i32
      %mul3A_2915 = arith.constant 2 : i32
      %mul3A_2916 = arith.muli %select_n3A_2914, %mul3A_2915 : i32
      %sub3A_2917 = arith.subi %add3A_2890, %mul3A_2916 : i32
      %mul3A_2918 = arith.constant 64 : i32
      %mul3A_2919 = arith.muli %sub3A_2917, %mul3A_2918 : i32
      %dma_start3A_2920 = arith.constant 0 : i32
      %dma_start3A_2921 = arith.constant 0 : i32
      %dma_start3A_2922 = tpu.memref_slice %arg6[%scan3A_610, %dma_start3A_2920, %dma_start3A_2921] : memref<10x64x128xf32, #tpu.memory_space<vmem>> -> memref<1x64x128xf32, #tpu.memory_space<vmem>>
      %dma_start3A_2923 = tpu.memref_squeeze %dma_start3A_2922 : memref<1x64x128xf32, #tpu.memory_space<vmem>> -> memref<64x128xf32, #tpu.memory_space<vmem>>
      %dma_start3A_2924 = tpu.memref_slice %arg5[%select_n3A_2914, %mul3A_2919] : memref<50x128xi32, #tpu.memory_space<vmem>> -> memref<1x64xi32, #tpu.memory_space<vmem>>
      %dma_start3A_2925 = tpu.memref_squeeze %dma_start3A_2924 : memref<1x64xi32, #tpu.memory_space<vmem>> -> memref<64xi32, #tpu.memory_space<vmem>>
      %dma_start3A_2926 = arith.constant 0 : i32
      %dma_start3A_2927 = arith.constant 0 : i32
      %dma_start3A_2928 = tpu.memref_slice %arg3[%dma_start3A_2926, %dma_start3A_2927] : memref<100000x128xf32, #tpu.memory_space<hbm>> -> memref<100000x128xf32, #tpu.memory_space<hbm>>
      tpu.enqueue_indirect_dma source(%dma_start3A_2928 : memref<100000x128xf32, #tpu.memory_space<hbm>>) target(%dma_start3A_2923 : memref<64x128xf32, #tpu.memory_space<vmem>>) offsets(%dma_start3A_2925 : memref<64xi32, #tpu.memory_space<vmem>>) semaphore(%arg12 : memref<!tpu.dma_semaphore, #tpu.memory_space<semaphore_mem>>)
    }
    %scan3A_615 = arith.constant 8 : i32
    %dma_wait3A_616 = arith.constant 45 : i32
    %dma_wait3A_617 = arith.constant 0 : i32
    %dma_wait3A_618 = arith.constant 0 : i32
    %dma_wait3A_619 = arith.constant 0 : i32
    %dma_wait3A_620 = tpu.memref_slice %arg6[%dma_wait3A_617, %dma_wait3A_618, %dma_wait3A_619] : memref<10x64x128xf32, #tpu.memory_space<vmem>> -> memref<1x64x128xf32, #tpu.memory_space<vmem>>
    %dma_wait3A_621 = tpu.memref_squeeze %dma_wait3A_620 : memref<1x64x128xf32, #tpu.memory_space<vmem>> -> memref<64x128xf32, #tpu.memory_space<vmem>>
    %dma_wait3A_622 = arith.constant 0 : i32
    %dma_wait3A_623 = tpu.memref_slice %arg5[%dma_wait3A_616, %dma_wait3A_622] : memref<50x128xi32, #tpu.memory_space<vmem>> -> memref<1x64xi32, #tpu.memory_space<vmem>>
    %dma_wait3A_624 = tpu.memref_squeeze %dma_wait3A_623 : memref<1x64xi32, #tpu.memory_space<vmem>> -> memref<64xi32, #tpu.memory_space<vmem>>
    %dma_wait3A_625 = arith.constant 0 : i32
    %dma_wait3A_626 = arith.constant 0 : i32
    %dma_wait3A_627 = tpu.memref_slice %arg3[%dma_wait3A_625, %dma_wait3A_626] : memref<100000x128xf32, #tpu.memory_space<hbm>> -> memref<100000x128xf32, #tpu.memory_space<hbm>>
    tpu.wait_indirect_dma semaphore(%arg7 : memref<!tpu.dma_semaphore, #tpu.memory_space<semaphore_mem>>) src(%dma_wait3A_627 : memref<100000x128xf32, #tpu.memory_space<hbm>>) dst(%dma_wait3A_621 : memref<64x128xf32, #tpu.memory_space<vmem>>)
    %add3A_628 = arith.constant 0 : i32
    %add3A_629 = arith.addi %mul3A_2, %add3A_628 : i32
    %dma_start3A_630 = arith.constant 0 : i32
    %dma_start3A_631 = arith.constant 45 : i32
    %dma_start3A_632 = arith.constant 0 : i32
    %dma_start3A_633 = arith.constant 0 : i32
    %dma_start3A_634 = tpu.memref_slice %arg6[%dma_start3A_630, %dma_start3A_632, %dma_start3A_633] : memref<10x64x128xf32, #tpu.memory_space<vmem>> -> memref<1x64x128xf32, #tpu.memory_space<vmem>>
    %dma_start3A_635 = tpu.memref_squeeze %dma_start3A_634 : memref<1x64x128xf32, #tpu.memory_space<vmem>> -> memref<64x128xf32, #tpu.memory_space<vmem>>
    %dma_start3A_636 = arith.constant 0 : i32
    %dma_start3A_637 = tpu.memref_slice %arg4[%dma_start3A_631, %add3A_629, %dma_start3A_636] : memref<50x4096x128xf32, #tpu.memory_space<hbm>> -> memref<1x64x128xf32, #tpu.memory_space<hbm>>
    %dma_start3A_638 = tpu.memref_squeeze %dma_start3A_637 : memref<1x64x128xf32, #tpu.memory_space<hbm>> -> memref<64x128xf32, #tpu.memory_space<hbm>>
    %dma_start3A_639 = arith.constant 0 : i32
    %dma_start3A_640 = tpu.memref_slice %arg4[%dma_start3A_631, %add3A_629, %dma_start3A_639] : memref<50x4096x128xf32, #tpu.memory_space<hbm>> -> memref<1x64x128xf32, #tpu.memory_space<hbm>>
    %dma_start3A_641 = tpu.memref_squeeze %dma_start3A_640 : memref<1x64x128xf32, #tpu.memory_space<hbm>> -> memref<64x128xf32, #tpu.memory_space<hbm>>
    %dma_start3A_642 = arith.constant 0 : i32
    %dma_start3A_643 = arith.constant 0 : i32
    %dma_start3A_644 = tpu.memref_slice %arg6[%dma_start3A_630, %dma_start3A_642, %dma_start3A_643] : memref<10x64x128xf32, #tpu.memory_space<vmem>> -> memref<1x64x128xf32, #tpu.memory_space<vmem>>
    %dma_start3A_645 = tpu.memref_squeeze %dma_start3A_644 : memref<1x64x128xf32, #tpu.memory_space<vmem>> -> memref<64x128xf32, #tpu.memory_space<vmem>>
    tpu.enqueue_dma source(%dma_start3A_645 : memref<64x128xf32, #tpu.memory_space<vmem>>) target(%dma_start3A_641 : memref<64x128xf32, #tpu.memory_space<hbm>>) target_semaphore(%arg17 : memref<!tpu.dma_semaphore, #tpu.memory_space<semaphore_mem>>)
    %add3A_646 = arith.constant 0 : i32
    %add3A_647 = arith.addi %mul3A_2, %add3A_646 : i32
    %dma_wait3A_648 = arith.constant 6 : i32
    %dma_wait3A_649 = arith.constant 43 : i32
    %dma_wait3A_650 = arith.constant 0 : i32
    %dma_wait3A_651 = arith.constant 0 : i32
    %dma_wait3A_652 = tpu.memref_slice %arg6[%dma_wait3A_648, %dma_wait3A_650, %dma_wait3A_651] : memref<10x64x128xf32, #tpu.memory_space<vmem>> -> memref<1x64x128xf32, #tpu.memory_space<vmem>>
    %dma_wait3A_653 = tpu.memref_squeeze %dma_wait3A_652 : memref<1x64x128xf32, #tpu.memory_space<vmem>> -> memref<64x128xf32, #tpu.memory_space<vmem>>
    %dma_wait3A_654 = arith.constant 0 : i32
    %dma_wait3A_655 = tpu.memref_slice %arg4[%dma_wait3A_649, %add3A_647, %dma_wait3A_654] : memref<50x4096x128xf32, #tpu.memory_space<hbm>> -> memref<1x64x128xf32, #tpu.memory_space<hbm>>
    %dma_wait3A_656 = tpu.memref_squeeze %dma_wait3A_655 : memref<1x64x128xf32, #tpu.memory_space<hbm>> -> memref<64x128xf32, #tpu.memory_space<hbm>>
    %dma_wait3A_657 = arith.constant 0 : i32
    %dma_wait3A_658 = tpu.memref_slice %arg4[%dma_wait3A_649, %add3A_647, %dma_wait3A_657] : memref<50x4096x128xf32, #tpu.memory_space<hbm>> -> memref<1x64x128xf32, #tpu.memory_space<hbm>>
    %dma_wait3A_659 = tpu.memref_squeeze %dma_wait3A_658 : memref<1x64x128xf32, #tpu.memory_space<hbm>> -> memref<64x128xf32, #tpu.memory_space<hbm>>
    %dma_wait3A_660 = arith.constant 0 : i32
    %dma_wait3A_661 = arith.constant 0 : i32
    %dma_wait3A_662 = tpu.memref_slice %arg6[%dma_wait3A_648, %dma_wait3A_660, %dma_wait3A_661] : memref<10x64x128xf32, #tpu.memory_space<vmem>> -> memref<1x64x128xf32, #tpu.memory_space<vmem>>
    %dma_wait3A_663 = tpu.memref_squeeze %dma_wait3A_662 : memref<1x64x128xf32, #tpu.memory_space<vmem>> -> memref<64x128xf32, #tpu.memory_space<vmem>>
    tpu.wait_dma2 semaphore(%arg23 : memref<!tpu.dma_semaphore, #tpu.memory_space<semaphore_mem>>) src(%dma_wait3A_663 : memref<64x128xf32, #tpu.memory_space<vmem>>) dst(%dma_wait3A_659 : memref<64x128xf32, #tpu.memory_space<hbm>>)
    %dma_start3A_664 = arith.constant 48 : i32
    %dma_start3A_665 = arith.constant 6 : i32
    %dma_start3A_666 = arith.constant 0 : i32
    %dma_start3A_667 = arith.constant 0 : i32
    %dma_start3A_668 = tpu.memref_slice %arg6[%dma_start3A_665, %dma_start3A_666, %dma_start3A_667] : memref<10x64x128xf32, #tpu.memory_space<vmem>> -> memref<1x64x128xf32, #tpu.memory_space<vmem>>
    %dma_start3A_669 = tpu.memref_squeeze %dma_start3A_668 : memref<1x64x128xf32, #tpu.memory_space<vmem>> -> memref<64x128xf32, #tpu.memory_space<vmem>>
    %dma_start3A_670 = arith.constant 0 : i32
    %dma_start3A_671 = tpu.memref_slice %arg5[%dma_start3A_664, %dma_start3A_670] : memref<50x128xi32, #tpu.memory_space<vmem>> -> memref<1x64xi32, #tpu.memory_space<vmem>>
    %dma_start3A_672 = tpu.memref_squeeze %dma_start3A_671 : memref<1x64xi32, #tpu.memory_space<vmem>> -> memref<64xi32, #tpu.memory_space<vmem>>
    %dma_start3A_673 = arith.constant 0 : i32
    %dma_start3A_674 = arith.constant 0 : i32
    %dma_start3A_675 = tpu.memref_slice %arg3[%dma_start3A_673, %dma_start3A_674] : memref<100000x128xf32, #tpu.memory_space<hbm>> -> memref<100000x128xf32, #tpu.memory_space<hbm>>
    tpu.enqueue_indirect_dma source(%dma_start3A_675 : memref<100000x128xf32, #tpu.memory_space<hbm>>) target(%dma_start3A_669 : memref<64x128xf32, #tpu.memory_space<vmem>>) offsets(%dma_start3A_672 : memref<64xi32, #tpu.memory_space<vmem>>) semaphore(%arg13 : memref<!tpu.dma_semaphore, #tpu.memory_space<semaphore_mem>>)
    %dma_wait3A_676 = arith.constant 45 : i32
    %dma_wait3A_677 = arith.constant 1 : i32
    %dma_wait3A_678 = arith.constant 0 : i32
    %dma_wait3A_679 = arith.constant 0 : i32
    %dma_wait3A_680 = tpu.memref_slice %arg6[%dma_wait3A_677, %dma_wait3A_678, %dma_wait3A_679] : memref<10x64x128xf32, #tpu.memory_space<vmem>> -> memref<1x64x128xf32, #tpu.memory_space<vmem>>
    %dma_wait3A_681 = tpu.memref_squeeze %dma_wait3A_680 : memref<1x64x128xf32, #tpu.memory_space<vmem>> -> memref<64x128xf32, #tpu.memory_space<vmem>>
    %dma_wait3A_682 = arith.constant 64 : i32
    %dma_wait3A_683 = tpu.memref_slice %arg5[%dma_wait3A_676, %dma_wait3A_682] : memref<50x128xi32, #tpu.memory_space<vmem>> -> memref<1x64xi32, #tpu.memory_space<vmem>>
    %dma_wait3A_684 = tpu.memref_squeeze %dma_wait3A_683 : memref<1x64xi32, #tpu.memory_space<vmem>> -> memref<64xi32, #tpu.memory_space<vmem>>
    %dma_wait3A_685 = arith.constant 0 : i32
    %dma_wait3A_686 = arith.constant 0 : i32
    %dma_wait3A_687 = tpu.memref_slice %arg3[%dma_wait3A_685, %dma_wait3A_686] : memref<100000x128xf32, #tpu.memory_space<hbm>> -> memref<100000x128xf32, #tpu.memory_space<hbm>>
    tpu.wait_indirect_dma semaphore(%arg8 : memref<!tpu.dma_semaphore, #tpu.memory_space<semaphore_mem>>) src(%dma_wait3A_687 : memref<100000x128xf32, #tpu.memory_space<hbm>>) dst(%dma_wait3A_681 : memref<64x128xf32, #tpu.memory_space<vmem>>)
    %add3A_688 = arith.constant 64 : i32
    %add3A_689 = arith.addi %mul3A_2, %add3A_688 : i32
    %dma_start3A_690 = arith.constant 1 : i32
    %dma_start3A_691 = arith.constant 45 : i32
    %dma_start3A_692 = arith.constant 0 : i32
    %dma_start3A_693 = arith.constant 0 : i32
    %dma_start3A_694 = tpu.memref_slice %arg6[%dma_start3A_690, %dma_start3A_692, %dma_start3A_693] : memref<10x64x128xf32, #tpu.memory_space<vmem>> -> memref<1x64x128xf32, #tpu.memory_space<vmem>>
    %dma_start3A_695 = tpu.memref_squeeze %dma_start3A_694 : memref<1x64x128xf32, #tpu.memory_space<vmem>> -> memref<64x128xf32, #tpu.memory_space<vmem>>
    %dma_start3A_696 = arith.constant 0 : i32
    %dma_start3A_697 = tpu.memref_slice %arg4[%dma_start3A_691, %add3A_689, %dma_start3A_696] : memref<50x4096x128xf32, #tpu.memory_space<hbm>> -> memref<1x64x128xf32, #tpu.memory_space<hbm>>
    %dma_start3A_698 = tpu.memref_squeeze %dma_start3A_697 : memref<1x64x128xf32, #tpu.memory_space<hbm>> -> memref<64x128xf32, #tpu.memory_space<hbm>>
    %dma_start3A_699 = arith.constant 0 : i32
    %dma_start3A_700 = tpu.memref_slice %arg4[%dma_start3A_691, %add3A_689, %dma_start3A_699] : memref<50x4096x128xf32, #tpu.memory_space<hbm>> -> memref<1x64x128xf32, #tpu.memory_space<hbm>>
    %dma_start3A_701 = tpu.memref_squeeze %dma_start3A_700 : memref<1x64x128xf32, #tpu.memory_space<hbm>> -> memref<64x128xf32, #tpu.memory_space<hbm>>
    %dma_start3A_702 = arith.constant 0 : i32
    %dma_start3A_703 = arith.constant 0 : i32
    %dma_start3A_704 = tpu.memref_slice %arg6[%dma_start3A_690, %dma_start3A_702, %dma_start3A_703] : memref<10x64x128xf32, #tpu.memory_space<vmem>> -> memref<1x64x128xf32, #tpu.memory_space<vmem>>
    %dma_start3A_705 = tpu.memref_squeeze %dma_start3A_704 : memref<1x64x128xf32, #tpu.memory_space<vmem>> -> memref<64x128xf32, #tpu.memory_space<vmem>>
    tpu.enqueue_dma source(%dma_start3A_705 : memref<64x128xf32, #tpu.memory_space<vmem>>) target(%dma_start3A_701 : memref<64x128xf32, #tpu.memory_space<hbm>>) target_semaphore(%arg18 : memref<!tpu.dma_semaphore, #tpu.memory_space<semaphore_mem>>)
    %add3A_706 = arith.constant 64 : i32
    %add3A_707 = arith.addi %mul3A_2, %add3A_706 : i32
    %dma_wait3A_708 = arith.constant 7 : i32
    %dma_wait3A_709 = arith.constant 43 : i32
    %dma_wait3A_710 = arith.constant 0 : i32
    %dma_wait3A_711 = arith.constant 0 : i32
    %dma_wait3A_712 = tpu.memref_slice %arg6[%dma_wait3A_708, %dma_wait3A_710, %dma_wait3A_711] : memref<10x64x128xf32, #tpu.memory_space<vmem>> -> memref<1x64x128xf32, #tpu.memory_space<vmem>>
    %dma_wait3A_713 = tpu.memref_squeeze %dma_wait3A_712 : memref<1x64x128xf32, #tpu.memory_space<vmem>> -> memref<64x128xf32, #tpu.memory_space<vmem>>
    %dma_wait3A_714 = arith.constant 0 : i32
    %dma_wait3A_715 = tpu.memref_slice %arg4[%dma_wait3A_709, %add3A_707, %dma_wait3A_714] : memref<50x4096x128xf32, #tpu.memory_space<hbm>> -> memref<1x64x128xf32, #tpu.memory_space<hbm>>
    %dma_wait3A_716 = tpu.memref_squeeze %dma_wait3A_715 : memref<1x64x128xf32, #tpu.memory_space<hbm>> -> memref<64x128xf32, #tpu.memory_space<hbm>>
    %dma_wait3A_717 = arith.constant 0 : i32
    %dma_wait3A_718 = tpu.memref_slice %arg4[%dma_wait3A_709, %add3A_707, %dma_wait3A_717] : memref<50x4096x128xf32, #tpu.memory_space<hbm>> -> memref<1x64x128xf32, #tpu.memory_space<hbm>>
    %dma_wait3A_719 = tpu.memref_squeeze %dma_wait3A_718 : memref<1x64x128xf32, #tpu.memory_space<hbm>> -> memref<64x128xf32, #tpu.memory_space<hbm>>
    %dma_wait3A_720 = arith.constant 0 : i32
    %dma_wait3A_721 = arith.constant 0 : i32
    %dma_wait3A_722 = tpu.memref_slice %arg6[%dma_wait3A_708, %dma_wait3A_720, %dma_wait3A_721] : memref<10x64x128xf32, #tpu.memory_space<vmem>> -> memref<1x64x128xf32, #tpu.memory_space<vmem>>
    %dma_wait3A_723 = tpu.memref_squeeze %dma_wait3A_722 : memref<1x64x128xf32, #tpu.memory_space<vmem>> -> memref<64x128xf32, #tpu.memory_space<vmem>>
    tpu.wait_dma2 semaphore(%arg24 : memref<!tpu.dma_semaphore, #tpu.memory_space<semaphore_mem>>) src(%dma_wait3A_723 : memref<64x128xf32, #tpu.memory_space<vmem>>) dst(%dma_wait3A_719 : memref<64x128xf32, #tpu.memory_space<hbm>>)
    %dma_start3A_724 = arith.constant 48 : i32
    %dma_start3A_725 = arith.constant 7 : i32
    %dma_start3A_726 = arith.constant 0 : i32
    %dma_start3A_727 = arith.constant 0 : i32
    %dma_start3A_728 = tpu.memref_slice %arg6[%dma_start3A_725, %dma_start3A_726, %dma_start3A_727] : memref<10x64x128xf32, #tpu.memory_space<vmem>> -> memref<1x64x128xf32, #tpu.memory_space<vmem>>
    %dma_start3A_729 = tpu.memref_squeeze %dma_start3A_728 : memref<1x64x128xf32, #tpu.memory_space<vmem>> -> memref<64x128xf32, #tpu.memory_space<vmem>>
    %dma_start3A_730 = arith.constant 64 : i32
    %dma_start3A_731 = tpu.memref_slice %arg5[%dma_start3A_724, %dma_start3A_730] : memref<50x128xi32, #tpu.memory_space<vmem>> -> memref<1x64xi32, #tpu.memory_space<vmem>>
    %dma_start3A_732 = tpu.memref_squeeze %dma_start3A_731 : memref<1x64xi32, #tpu.memory_space<vmem>> -> memref<64xi32, #tpu.memory_space<vmem>>
    %dma_start3A_733 = arith.constant 0 : i32
    %dma_start3A_734 = arith.constant 0 : i32
    %dma_start3A_735 = tpu.memref_slice %arg3[%dma_start3A_733, %dma_start3A_734] : memref<100000x128xf32, #tpu.memory_space<hbm>> -> memref<100000x128xf32, #tpu.memory_space<hbm>>
    tpu.enqueue_indirect_dma source(%dma_start3A_735 : memref<100000x128xf32, #tpu.memory_space<hbm>>) target(%dma_start3A_729 : memref<64x128xf32, #tpu.memory_space<vmem>>) offsets(%dma_start3A_732 : memref<64xi32, #tpu.memory_space<vmem>>) semaphore(%arg14 : memref<!tpu.dma_semaphore, #tpu.memory_space<semaphore_mem>>)
    %dma_wait3A_736 = arith.constant 46 : i32
    %dma_wait3A_737 = arith.constant 2 : i32
    %dma_wait3A_738 = arith.constant 0 : i32
    %dma_wait3A_739 = arith.constant 0 : i32
    %dma_wait3A_740 = tpu.memref_slice %arg6[%dma_wait3A_737, %dma_wait3A_738, %dma_wait3A_739] : memref<10x64x128xf32, #tpu.memory_space<vmem>> -> memref<1x64x128xf32, #tpu.memory_space<vmem>>
    %dma_wait3A_741 = tpu.memref_squeeze %dma_wait3A_740 : memref<1x64x128xf32, #tpu.memory_space<vmem>> -> memref<64x128xf32, #tpu.memory_space<vmem>>
    %dma_wait3A_742 = arith.constant 0 : i32
    %dma_wait3A_743 = tpu.memref_slice %arg5[%dma_wait3A_736, %dma_wait3A_742] : memref<50x128xi32, #tpu.memory_space<vmem>> -> memref<1x64xi32, #tpu.memory_space<vmem>>
    %dma_wait3A_744 = tpu.memref_squeeze %dma_wait3A_743 : memref<1x64xi32, #tpu.memory_space<vmem>> -> memref<64xi32, #tpu.memory_space<vmem>>
    %dma_wait3A_745 = arith.constant 0 : i32
    %dma_wait3A_746 = arith.constant 0 : i32
    %dma_wait3A_747 = tpu.memref_slice %arg3[%dma_wait3A_745, %dma_wait3A_746] : memref<100000x128xf32, #tpu.memory_space<hbm>> -> memref<100000x128xf32, #tpu.memory_space<hbm>>
    tpu.wait_indirect_dma semaphore(%arg9 : memref<!tpu.dma_semaphore, #tpu.memory_space<semaphore_mem>>) src(%dma_wait3A_747 : memref<100000x128xf32, #tpu.memory_space<hbm>>) dst(%dma_wait3A_741 : memref<64x128xf32, #tpu.memory_space<vmem>>)
    %add3A_748 = arith.constant 0 : i32
    %add3A_749 = arith.addi %mul3A_2, %add3A_748 : i32
    %dma_start3A_750 = arith.constant 2 : i32
    %dma_start3A_751 = arith.constant 46 : i32
    %dma_start3A_752 = arith.constant 0 : i32
    %dma_start3A_753 = arith.constant 0 : i32
    %dma_start3A_754 = tpu.memref_slice %arg6[%dma_start3A_750, %dma_start3A_752, %dma_start3A_753] : memref<10x64x128xf32, #tpu.memory_space<vmem>> -> memref<1x64x128xf32, #tpu.memory_space<vmem>>
    %dma_start3A_755 = tpu.memref_squeeze %dma_start3A_754 : memref<1x64x128xf32, #tpu.memory_space<vmem>> -> memref<64x128xf32, #tpu.memory_space<vmem>>
    %dma_start3A_756 = arith.constant 0 : i32
    %dma_start3A_757 = tpu.memref_slice %arg4[%dma_start3A_751, %add3A_749, %dma_start3A_756] : memref<50x4096x128xf32, #tpu.memory_space<hbm>> -> memref<1x64x128xf32, #tpu.memory_space<hbm>>
    %dma_start3A_758 = tpu.memref_squeeze %dma_start3A_757 : memref<1x64x128xf32, #tpu.memory_space<hbm>> -> memref<64x128xf32, #tpu.memory_space<hbm>>
    %dma_start3A_759 = arith.constant 0 : i32
    %dma_start3A_760 = tpu.memref_slice %arg4[%dma_start3A_751, %add3A_749, %dma_start3A_759] : memref<50x4096x128xf32, #tpu.memory_space<hbm>> -> memref<1x64x128xf32, #tpu.memory_space<hbm>>
    %dma_start3A_761 = tpu.memref_squeeze %dma_start3A_760 : memref<1x64x128xf32, #tpu.memory_space<hbm>> -> memref<64x128xf32, #tpu.memory_space<hbm>>
    %dma_start3A_762 = arith.constant 0 : i32
    %dma_start3A_763 = arith.constant 0 : i32
    %dma_start3A_764 = tpu.memref_slice %arg6[%dma_start3A_750, %dma_start3A_762, %dma_start3A_763] : memref<10x64x128xf32, #tpu.memory_space<vmem>> -> memref<1x64x128xf32, #tpu.memory_space<vmem>>
    %dma_start3A_765 = tpu.memref_squeeze %dma_start3A_764 : memref<1x64x128xf32, #tpu.memory_space<vmem>> -> memref<64x128xf32, #tpu.memory_space<vmem>>
    tpu.enqueue_dma source(%dma_start3A_765 : memref<64x128xf32, #tpu.memory_space<vmem>>) target(%dma_start3A_761 : memref<64x128xf32, #tpu.memory_space<hbm>>) target_semaphore(%arg19 : memref<!tpu.dma_semaphore, #tpu.memory_space<semaphore_mem>>)
    %add3A_766 = arith.constant 0 : i32
    %add3A_767 = arith.addi %mul3A_2, %add3A_766 : i32
    %dma_wait3A_768 = arith.constant 8 : i32
    %dma_wait3A_769 = arith.constant 44 : i32
    %dma_wait3A_770 = arith.constant 0 : i32
    %dma_wait3A_771 = arith.constant 0 : i32
    %dma_wait3A_772 = tpu.memref_slice %arg6[%dma_wait3A_768, %dma_wait3A_770, %dma_wait3A_771] : memref<10x64x128xf32, #tpu.memory_space<vmem>> -> memref<1x64x128xf32, #tpu.memory_space<vmem>>
    %dma_wait3A_773 = tpu.memref_squeeze %dma_wait3A_772 : memref<1x64x128xf32, #tpu.memory_space<vmem>> -> memref<64x128xf32, #tpu.memory_space<vmem>>
    %dma_wait3A_774 = arith.constant 0 : i32
    %dma_wait3A_775 = tpu.memref_slice %arg4[%dma_wait3A_769, %add3A_767, %dma_wait3A_774] : memref<50x4096x128xf32, #tpu.memory_space<hbm>> -> memref<1x64x128xf32, #tpu.memory_space<hbm>>
    %dma_wait3A_776 = tpu.memref_squeeze %dma_wait3A_775 : memref<1x64x128xf32, #tpu.memory_space<hbm>> -> memref<64x128xf32, #tpu.memory_space<hbm>>
    %dma_wait3A_777 = arith.constant 0 : i32
    %dma_wait3A_778 = tpu.memref_slice %arg4[%dma_wait3A_769, %add3A_767, %dma_wait3A_777] : memref<50x4096x128xf32, #tpu.memory_space<hbm>> -> memref<1x64x128xf32, #tpu.memory_space<hbm>>
    %dma_wait3A_779 = tpu.memref_squeeze %dma_wait3A_778 : memref<1x64x128xf32, #tpu.memory_space<hbm>> -> memref<64x128xf32, #tpu.memory_space<hbm>>
    %dma_wait3A_780 = arith.constant 0 : i32
    %dma_wait3A_781 = arith.constant 0 : i32
    %dma_wait3A_782 = tpu.memref_slice %arg6[%dma_wait3A_768, %dma_wait3A_780, %dma_wait3A_781] : memref<10x64x128xf32, #tpu.memory_space<vmem>> -> memref<1x64x128xf32, #tpu.memory_space<vmem>>
    %dma_wait3A_783 = tpu.memref_squeeze %dma_wait3A_782 : memref<1x64x128xf32, #tpu.memory_space<vmem>> -> memref<64x128xf32, #tpu.memory_space<vmem>>
    tpu.wait_dma2 semaphore(%arg25 : memref<!tpu.dma_semaphore, #tpu.memory_space<semaphore_mem>>) src(%dma_wait3A_783 : memref<64x128xf32, #tpu.memory_space<vmem>>) dst(%dma_wait3A_779 : memref<64x128xf32, #tpu.memory_space<hbm>>)
    %dma_start3A_784 = arith.constant 49 : i32
    %dma_start3A_785 = arith.constant 8 : i32
    %dma_start3A_786 = arith.constant 0 : i32
    %dma_start3A_787 = arith.constant 0 : i32
    %dma_start3A_788 = tpu.memref_slice %arg6[%dma_start3A_785, %dma_start3A_786, %dma_start3A_787] : memref<10x64x128xf32, #tpu.memory_space<vmem>> -> memref<1x64x128xf32, #tpu.memory_space<vmem>>
    %dma_start3A_789 = tpu.memref_squeeze %dma_start3A_788 : memref<1x64x128xf32, #tpu.memory_space<vmem>> -> memref<64x128xf32, #tpu.memory_space<vmem>>
    %dma_start3A_790 = arith.constant 0 : i32
    %dma_start3A_791 = tpu.memref_slice %arg5[%dma_start3A_784, %dma_start3A_790] : memref<50x128xi32, #tpu.memory_space<vmem>> -> memref<1x64xi32, #tpu.memory_space<vmem>>
    %dma_start3A_792 = tpu.memref_squeeze %dma_start3A_791 : memref<1x64xi32, #tpu.memory_space<vmem>> -> memref<64xi32, #tpu.memory_space<vmem>>
    %dma_start3A_793 = arith.constant 0 : i32
    %dma_start3A_794 = arith.constant 0 : i32
    %dma_start3A_795 = tpu.memref_slice %arg3[%dma_start3A_793, %dma_start3A_794] : memref<100000x128xf32, #tpu.memory_space<hbm>> -> memref<100000x128xf32, #tpu.memory_space<hbm>>
    tpu.enqueue_indirect_dma source(%dma_start3A_795 : memref<100000x128xf32, #tpu.memory_space<hbm>>) target(%dma_start3A_789 : memref<64x128xf32, #tpu.memory_space<vmem>>) offsets(%dma_start3A_792 : memref<64xi32, #tpu.memory_space<vmem>>) semaphore(%arg15 : memref<!tpu.dma_semaphore, #tpu.memory_space<semaphore_mem>>)
    %dma_wait3A_796 = arith.constant 46 : i32
    %dma_wait3A_797 = arith.constant 3 : i32
    %dma_wait3A_798 = arith.constant 0 : i32
    %dma_wait3A_799 = arith.constant 0 : i32
    %dma_wait3A_800 = tpu.memref_slice %arg6[%dma_wait3A_797, %dma_wait3A_798, %dma_wait3A_799] : memref<10x64x128xf32, #tpu.memory_space<vmem>> -> memref<1x64x128xf32, #tpu.memory_space<vmem>>
    %dma_wait3A_801 = tpu.memref_squeeze %dma_wait3A_800 : memref<1x64x128xf32, #tpu.memory_space<vmem>> -> memref<64x128xf32, #tpu.memory_space<vmem>>
    %dma_wait3A_802 = arith.constant 64 : i32
    %dma_wait3A_803 = tpu.memref_slice %arg5[%dma_wait3A_796, %dma_wait3A_802] : memref<50x128xi32, #tpu.memory_space<vmem>> -> memref<1x64xi32, #tpu.memory_space<vmem>>
    %dma_wait3A_804 = tpu.memref_squeeze %dma_wait3A_803 : memref<1x64xi32, #tpu.memory_space<vmem>> -> memref<64xi32, #tpu.memory_space<vmem>>
    %dma_wait3A_805 = arith.constant 0 : i32
    %dma_wait3A_806 = arith.constant 0 : i32
    %dma_wait3A_807 = tpu.memref_slice %arg3[%dma_wait3A_805, %dma_wait3A_806] : memref<100000x128xf32, #tpu.memory_space<hbm>> -> memref<100000x128xf32, #tpu.memory_space<hbm>>
    tpu.wait_indirect_dma semaphore(%arg10 : memref<!tpu.dma_semaphore, #tpu.memory_space<semaphore_mem>>) src(%dma_wait3A_807 : memref<100000x128xf32, #tpu.memory_space<hbm>>) dst(%dma_wait3A_801 : memref<64x128xf32, #tpu.memory_space<vmem>>)
    %add3A_808 = arith.constant 64 : i32
    %add3A_809 = arith.addi %mul3A_2, %add3A_808 : i32
    %dma_start3A_810 = arith.constant 3 : i32
    %dma_start3A_811 = arith.constant 46 : i32
    %dma_start3A_812 = arith.constant 0 : i32
    %dma_start3A_813 = arith.constant 0 : i32
    %dma_start3A_814 = tpu.memref_slice %arg6[%dma_start3A_810, %dma_start3A_812, %dma_start3A_813] : memref<10x64x128xf32, #tpu.memory_space<vmem>> -> memref<1x64x128xf32, #tpu.memory_space<vmem>>
    %dma_start3A_815 = tpu.memref_squeeze %dma_start3A_814 : memref<1x64x128xf32, #tpu.memory_space<vmem>> -> memref<64x128xf32, #tpu.memory_space<vmem>>
    %dma_start3A_816 = arith.constant 0 : i32
    %dma_start3A_817 = tpu.memref_slice %arg4[%dma_start3A_811, %add3A_809, %dma_start3A_816] : memref<50x4096x128xf32, #tpu.memory_space<hbm>> -> memref<1x64x128xf32, #tpu.memory_space<hbm>>
    %dma_start3A_818 = tpu.memref_squeeze %dma_start3A_817 : memref<1x64x128xf32, #tpu.memory_space<hbm>> -> memref<64x128xf32, #tpu.memory_space<hbm>>
    %dma_start3A_819 = arith.constant 0 : i32
    %dma_start3A_820 = tpu.memref_slice %arg4[%dma_start3A_811, %add3A_809, %dma_start3A_819] : memref<50x4096x128xf32, #tpu.memory_space<hbm>> -> memref<1x64x128xf32, #tpu.memory_space<hbm>>
    %dma_start3A_821 = tpu.memref_squeeze %dma_start3A_820 : memref<1x64x128xf32, #tpu.memory_space<hbm>> -> memref<64x128xf32, #tpu.memory_space<hbm>>
    %dma_start3A_822 = arith.constant 0 : i32
    %dma_start3A_823 = arith.constant 0 : i32
    %dma_start3A_824 = tpu.memref_slice %arg6[%dma_start3A_810, %dma_start3A_822, %dma_start3A_823] : memref<10x64x128xf32, #tpu.memory_space<vmem>> -> memref<1x64x128xf32, #tpu.memory_space<vmem>>
    %dma_start3A_825 = tpu.memref_squeeze %dma_start3A_824 : memref<1x64x128xf32, #tpu.memory_space<vmem>> -> memref<64x128xf32, #tpu.memory_space<vmem>>
    tpu.enqueue_dma source(%dma_start3A_825 : memref<64x128xf32, #tpu.memory_space<vmem>>) target(%dma_start3A_821 : memref<64x128xf32, #tpu.memory_space<hbm>>) target_semaphore(%arg20 : memref<!tpu.dma_semaphore, #tpu.memory_space<semaphore_mem>>)
    %add3A_826 = arith.constant 64 : i32
    %add3A_827 = arith.addi %mul3A_2, %add3A_826 : i32
    %dma_wait3A_828 = arith.constant 9 : i32
    %dma_wait3A_829 = arith.constant 44 : i32
    %dma_wait3A_830 = arith.constant 0 : i32
    %dma_wait3A_831 = arith.constant 0 : i32
    %dma_wait3A_832 = tpu.memref_slice %arg6[%dma_wait3A_828, %dma_wait3A_830, %dma_wait3A_831] : memref<10x64x128xf32, #tpu.memory_space<vmem>> -> memref<1x64x128xf32, #tpu.memory_space<vmem>>
    %dma_wait3A_833 = tpu.memref_squeeze %dma_wait3A_832 : memref<1x64x128xf32, #tpu.memory_space<vmem>> -> memref<64x128xf32, #tpu.memory_space<vmem>>
    %dma_wait3A_834 = arith.constant 0 : i32
    %dma_wait3A_835 = tpu.memref_slice %arg4[%dma_wait3A_829, %add3A_827, %dma_wait3A_834] : memref<50x4096x128xf32, #tpu.memory_space<hbm>> -> memref<1x64x128xf32, #tpu.memory_space<hbm>>
    %dma_wait3A_836 = tpu.memref_squeeze %dma_wait3A_835 : memref<1x64x128xf32, #tpu.memory_space<hbm>> -> memref<64x128xf32, #tpu.memory_space<hbm>>
    %dma_wait3A_837 = arith.constant 0 : i32
    %dma_wait3A_838 = tpu.memref_slice %arg4[%dma_wait3A_829, %add3A_827, %dma_wait3A_837] : memref<50x4096x128xf32, #tpu.memory_space<hbm>> -> memref<1x64x128xf32, #tpu.memory_space<hbm>>
    %dma_wait3A_839 = tpu.memref_squeeze %dma_wait3A_838 : memref<1x64x128xf32, #tpu.memory_space<hbm>> -> memref<64x128xf32, #tpu.memory_space<hbm>>
    %dma_wait3A_840 = arith.constant 0 : i32
    %dma_wait3A_841 = arith.constant 0 : i32
    %dma_wait3A_842 = tpu.memref_slice %arg6[%dma_wait3A_828, %dma_wait3A_840, %dma_wait3A_841] : memref<10x64x128xf32, #tpu.memory_space<vmem>> -> memref<1x64x128xf32, #tpu.memory_space<vmem>>
    %dma_wait3A_843 = tpu.memref_squeeze %dma_wait3A_842 : memref<1x64x128xf32, #tpu.memory_space<vmem>> -> memref<64x128xf32, #tpu.memory_space<vmem>>
    tpu.wait_dma2 semaphore(%arg26 : memref<!tpu.dma_semaphore, #tpu.memory_space<semaphore_mem>>) src(%dma_wait3A_843 : memref<64x128xf32, #tpu.memory_space<vmem>>) dst(%dma_wait3A_839 : memref<64x128xf32, #tpu.memory_space<hbm>>)
    %dma_start3A_844 = arith.constant 49 : i32
    %dma_start3A_845 = arith.constant 9 : i32
    %dma_start3A_846 = arith.constant 0 : i32
    %dma_start3A_847 = arith.constant 0 : i32
    %dma_start3A_848 = tpu.memref_slice %arg6[%dma_start3A_845, %dma_start3A_846, %dma_start3A_847] : memref<10x64x128xf32, #tpu.memory_space<vmem>> -> memref<1x64x128xf32, #tpu.memory_space<vmem>>
    %dma_start3A_849 = tpu.memref_squeeze %dma_start3A_848 : memref<1x64x128xf32, #tpu.memory_space<vmem>> -> memref<64x128xf32, #tpu.memory_space<vmem>>
    %dma_start3A_850 = arith.constant 64 : i32
    %dma_start3A_851 = tpu.memref_slice %arg5[%dma_start3A_844, %dma_start3A_850] : memref<50x128xi32, #tpu.memory_space<vmem>> -> memref<1x64xi32, #tpu.memory_space<vmem>>
    %dma_start3A_852 = tpu.memref_squeeze %dma_start3A_851 : memref<1x64xi32, #tpu.memory_space<vmem>> -> memref<64xi32, #tpu.memory_space<vmem>>
    %dma_start3A_853 = arith.constant 0 : i32
    %dma_start3A_854 = arith.constant 0 : i32
    %dma_start3A_855 = tpu.memref_slice %arg3[%dma_start3A_853, %dma_start3A_854] : memref<100000x128xf32, #tpu.memory_space<hbm>> -> memref<100000x128xf32, #tpu.memory_space<hbm>>
    tpu.enqueue_indirect_dma source(%dma_start3A_855 : memref<100000x128xf32, #tpu.memory_space<hbm>>) target(%dma_start3A_849 : memref<64x128xf32, #tpu.memory_space<vmem>>) offsets(%dma_start3A_852 : memref<64xi32, #tpu.memory_space<vmem>>) semaphore(%arg16 : memref<!tpu.dma_semaphore, #tpu.memory_space<semaphore_mem>>)
    %dma_wait3A_856 = arith.constant 47 : i32
    %dma_wait3A_857 = arith.constant 4 : i32
    %dma_wait3A_858 = arith.constant 0 : i32
    %dma_wait3A_859 = arith.constant 0 : i32
    %dma_wait3A_860 = tpu.memref_slice %arg6[%dma_wait3A_857, %dma_wait3A_858, %dma_wait3A_859] : memref<10x64x128xf32, #tpu.memory_space<vmem>> -> memref<1x64x128xf32, #tpu.memory_space<vmem>>
    %dma_wait3A_861 = tpu.memref_squeeze %dma_wait3A_860 : memref<1x64x128xf32, #tpu.memory_space<vmem>> -> memref<64x128xf32, #tpu.memory_space<vmem>>
    %dma_wait3A_862 = arith.constant 0 : i32
    %dma_wait3A_863 = tpu.memref_slice %arg5[%dma_wait3A_856, %dma_wait3A_862] : memref<50x128xi32, #tpu.memory_space<vmem>> -> memref<1x64xi32, #tpu.memory_space<vmem>>
    %dma_wait3A_864 = tpu.memref_squeeze %dma_wait3A_863 : memref<1x64xi32, #tpu.memory_space<vmem>> -> memref<64xi32, #tpu.memory_space<vmem>>
    %dma_wait3A_865 = arith.constant 0 : i32
    %dma_wait3A_866 = arith.constant 0 : i32
    %dma_wait3A_867 = tpu.memref_slice %arg3[%dma_wait3A_865, %dma_wait3A_866] : memref<100000x128xf32, #tpu.memory_space<hbm>> -> memref<100000x128xf32, #tpu.memory_space<hbm>>
    tpu.wait_indirect_dma semaphore(%arg11 : memref<!tpu.dma_semaphore, #tpu.memory_space<semaphore_mem>>) src(%dma_wait3A_867 : memref<100000x128xf32, #tpu.memory_space<hbm>>) dst(%dma_wait3A_861 : memref<64x128xf32, #tpu.memory_space<vmem>>)
    %add3A_868 = arith.constant 0 : i32
    %add3A_869 = arith.addi %mul3A_2, %add3A_868 : i32
    %dma_start3A_870 = arith.constant 4 : i32
    %dma_start3A_871 = arith.constant 47 : i32
    %dma_start3A_872 = arith.constant 0 : i32
    %dma_start3A_873 = arith.constant 0 : i32
    %dma_start3A_874 = tpu.memref_slice %arg6[%dma_start3A_870, %dma_start3A_872, %dma_start3A_873] : memref<10x64x128xf32, #tpu.memory_space<vmem>> -> memref<1x64x128xf32, #tpu.memory_space<vmem>>
    %dma_start3A_875 = tpu.memref_squeeze %dma_start3A_874 : memref<1x64x128xf32, #tpu.memory_space<vmem>> -> memref<64x128xf32, #tpu.memory_space<vmem>>
    %dma_start3A_876 = arith.constant 0 : i32
    %dma_start3A_877 = tpu.memref_slice %arg4[%dma_start3A_871, %add3A_869, %dma_start3A_876] : memref<50x4096x128xf32, #tpu.memory_space<hbm>> -> memref<1x64x128xf32, #tpu.memory_space<hbm>>
    %dma_start3A_878 = tpu.memref_squeeze %dma_start3A_877 : memref<1x64x128xf32, #tpu.memory_space<hbm>> -> memref<64x128xf32, #tpu.memory_space<hbm>>
    %dma_start3A_879 = arith.constant 0 : i32
    %dma_start3A_880 = tpu.memref_slice %arg4[%dma_start3A_871, %add3A_869, %dma_start3A_879] : memref<50x4096x128xf32, #tpu.memory_space<hbm>> -> memref<1x64x128xf32, #tpu.memory_space<hbm>>
    %dma_start3A_881 = tpu.memref_squeeze %dma_start3A_880 : memref<1x64x128xf32, #tpu.memory_space<hbm>> -> memref<64x128xf32, #tpu.memory_space<hbm>>
    %dma_start3A_882 = arith.constant 0 : i32
    %dma_start3A_883 = arith.constant 0 : i32
    %dma_start3A_884 = tpu.memref_slice %arg6[%dma_start3A_870, %dma_start3A_882, %dma_start3A_883] : memref<10x64x128xf32, #tpu.memory_space<vmem>> -> memref<1x64x128xf32, #tpu.memory_space<vmem>>
    %dma_start3A_885 = tpu.memref_squeeze %dma_start3A_884 : memref<1x64x128xf32, #tpu.memory_space<vmem>> -> memref<64x128xf32, #tpu.memory_space<vmem>>
    tpu.enqueue_dma source(%dma_start3A_885 : memref<64x128xf32, #tpu.memory_space<vmem>>) target(%dma_start3A_881 : memref<64x128xf32, #tpu.memory_space<hbm>>) target_semaphore(%arg21 : memref<!tpu.dma_semaphore, #tpu.memory_space<semaphore_mem>>)
    %dma_wait3A_886 = arith.constant 47 : i32
    %dma_wait3A_887 = arith.constant 5 : i32
    %dma_wait3A_888 = arith.constant 0 : i32
    %dma_wait3A_889 = arith.constant 0 : i32
    %dma_wait3A_890 = tpu.memref_slice %arg6[%dma_wait3A_887, %dma_wait3A_888, %dma_wait3A_889] : memref<10x64x128xf32, #tpu.memory_space<vmem>> -> memref<1x64x128xf32, #tpu.memory_space<vmem>>
    %dma_wait3A_891 = tpu.memref_squeeze %dma_wait3A_890 : memref<1x64x128xf32, #tpu.memory_space<vmem>> -> memref<64x128xf32, #tpu.memory_space<vmem>>
    %dma_wait3A_892 = arith.constant 64 : i32
    %dma_wait3A_893 = tpu.memref_slice %arg5[%dma_wait3A_886, %dma_wait3A_892] : memref<50x128xi32, #tpu.memory_space<vmem>> -> memref<1x64xi32, #tpu.memory_space<vmem>>
    %dma_wait3A_894 = tpu.memref_squeeze %dma_wait3A_893 : memref<1x64xi32, #tpu.memory_space<vmem>> -> memref<64xi32, #tpu.memory_space<vmem>>
    %dma_wait3A_895 = arith.constant 0 : i32
    %dma_wait3A_896 = arith.constant 0 : i32
    %dma_wait3A_897 = tpu.memref_slice %arg3[%dma_wait3A_895, %dma_wait3A_896] : memref<100000x128xf32, #tpu.memory_space<hbm>> -> memref<100000x128xf32, #tpu.memory_space<hbm>>
    tpu.wait_indirect_dma semaphore(%arg12 : memref<!tpu.dma_semaphore, #tpu.memory_space<semaphore_mem>>) src(%dma_wait3A_897 : memref<100000x128xf32, #tpu.memory_space<hbm>>) dst(%dma_wait3A_891 : memref<64x128xf32, #tpu.memory_space<vmem>>)
    %add3A_898 = arith.constant 64 : i32
    %add3A_899 = arith.addi %mul3A_2, %add3A_898 : i32
    %dma_start3A_900 = arith.constant 5 : i32
    %dma_start3A_901 = arith.constant 47 : i32
    %dma_start3A_902 = arith.constant 0 : i32
    %dma_start3A_903 = arith.constant 0 : i32
    %dma_start3A_904 = tpu.memref_slice %arg6[%dma_start3A_900, %dma_start3A_902, %dma_start3A_903] : memref<10x64x128xf32, #tpu.memory_space<vmem>> -> memref<1x64x128xf32, #tpu.memory_space<vmem>>
    %dma_start3A_905 = tpu.memref_squeeze %dma_start3A_904 : memref<1x64x128xf32, #tpu.memory_space<vmem>> -> memref<64x128xf32, #tpu.memory_space<vmem>>
    %dma_start3A_906 = arith.constant 0 : i32
    %dma_start3A_907 = tpu.memref_slice %arg4[%dma_start3A_901, %add3A_899, %dma_start3A_906] : memref<50x4096x128xf32, #tpu.memory_space<hbm>> -> memref<1x64x128xf32, #tpu.memory_space<hbm>>
    %dma_start3A_908 = tpu.memref_squeeze %dma_start3A_907 : memref<1x64x128xf32, #tpu.memory_space<hbm>> -> memref<64x128xf32, #tpu.memory_space<hbm>>
    %dma_start3A_909 = arith.constant 0 : i32
    %dma_start3A_910 = tpu.memref_slice %arg4[%dma_start3A_901, %add3A_899, %dma_start3A_909] : memref<50x4096x128xf32, #tpu.memory_space<hbm>> -> memref<1x64x128xf32, #tpu.memory_space<hbm>>
    %dma_start3A_911 = tpu.memref_squeeze %dma_start3A_910 : memref<1x64x128xf32, #tpu.memory_space<hbm>> -> memref<64x128xf32, #tpu.memory_space<hbm>>
    %dma_start3A_912 = arith.constant 0 : i32
    %dma_start3A_913 = arith.constant 0 : i32
    %dma_start3A_914 = tpu.memref_slice %arg6[%dma_start3A_900, %dma_start3A_912, %dma_start3A_913] : memref<10x64x128xf32, #tpu.memory_space<vmem>> -> memref<1x64x128xf32, #tpu.memory_space<vmem>>
    %dma_start3A_915 = tpu.memref_squeeze %dma_start3A_914 : memref<1x64x128xf32, #tpu.memory_space<vmem>> -> memref<64x128xf32, #tpu.memory_space<vmem>>
    tpu.enqueue_dma source(%dma_start3A_915 : memref<64x128xf32, #tpu.memory_space<vmem>>) target(%dma_start3A_911 : memref<64x128xf32, #tpu.memory_space<hbm>>) target_semaphore(%arg22 : memref<!tpu.dma_semaphore, #tpu.memory_space<semaphore_mem>>)
    %dma_wait3A_916 = arith.constant 48 : i32
    %dma_wait3A_917 = arith.constant 6 : i32
    %dma_wait3A_918 = arith.constant 0 : i32
    %dma_wait3A_919 = arith.constant 0 : i32
    %dma_wait3A_920 = tpu.memref_slice %arg6[%dma_wait3A_917, %dma_wait3A_918, %dma_wait3A_919] : memref<10x64x128xf32, #tpu.memory_space<vmem>> -> memref<1x64x128xf32, #tpu.memory_space<vmem>>
    %dma_wait3A_921 = tpu.memref_squeeze %dma_wait3A_920 : memref<1x64x128xf32, #tpu.memory_space<vmem>> -> memref<64x128xf32, #tpu.memory_space<vmem>>
    %dma_wait3A_922 = arith.constant 0 : i32
    %dma_wait3A_923 = tpu.memref_slice %arg5[%dma_wait3A_916, %dma_wait3A_922] : memref<50x128xi32, #tpu.memory_space<vmem>> -> memref<1x64xi32, #tpu.memory_space<vmem>>
    %dma_wait3A_924 = tpu.memref_squeeze %dma_wait3A_923 : memref<1x64xi32, #tpu.memory_space<vmem>> -> memref<64xi32, #tpu.memory_space<vmem>>
    %dma_wait3A_925 = arith.constant 0 : i32
    %dma_wait3A_926 = arith.constant 0 : i32
    %dma_wait3A_927 = tpu.memref_slice %arg3[%dma_wait3A_925, %dma_wait3A_926] : memref<100000x128xf32, #tpu.memory_space<hbm>> -> memref<100000x128xf32, #tpu.memory_space<hbm>>
    tpu.wait_indirect_dma semaphore(%arg13 : memref<!tpu.dma_semaphore, #tpu.memory_space<semaphore_mem>>) src(%dma_wait3A_927 : memref<100000x128xf32, #tpu.memory_space<hbm>>) dst(%dma_wait3A_921 : memref<64x128xf32, #tpu.memory_space<vmem>>)
    %add3A_928 = arith.constant 0 : i32
    %add3A_929 = arith.addi %mul3A_2, %add3A_928 : i32
    %dma_start3A_930 = arith.constant 6 : i32
    %dma_start3A_931 = arith.constant 48 : i32
    %dma_start3A_932 = arith.constant 0 : i32
    %dma_start3A_933 = arith.constant 0 : i32
    %dma_start3A_934 = tpu.memref_slice %arg6[%dma_start3A_930, %dma_start3A_932, %dma_start3A_933] : memref<10x64x128xf32, #tpu.memory_space<vmem>> -> memref<1x64x128xf32, #tpu.memory_space<vmem>>
    %dma_start3A_935 = tpu.memref_squeeze %dma_start3A_934 : memref<1x64x128xf32, #tpu.memory_space<vmem>> -> memref<64x128xf32, #tpu.memory_space<vmem>>
    %dma_start3A_936 = arith.constant 0 : i32
    %dma_start3A_937 = tpu.memref_slice %arg4[%dma_start3A_931, %add3A_929, %dma_start3A_936] : memref<50x4096x128xf32, #tpu.memory_space<hbm>> -> memref<1x64x128xf32, #tpu.memory_space<hbm>>
    %dma_start3A_938 = tpu.memref_squeeze %dma_start3A_937 : memref<1x64x128xf32, #tpu.memory_space<hbm>> -> memref<64x128xf32, #tpu.memory_space<hbm>>
    %dma_start3A_939 = arith.constant 0 : i32
    %dma_start3A_940 = tpu.memref_slice %arg4[%dma_start3A_931, %add3A_929, %dma_start3A_939] : memref<50x4096x128xf32, #tpu.memory_space<hbm>> -> memref<1x64x128xf32, #tpu.memory_space<hbm>>
    %dma_start3A_941 = tpu.memref_squeeze %dma_start3A_940 : memref<1x64x128xf32, #tpu.memory_space<hbm>> -> memref<64x128xf32, #tpu.memory_space<hbm>>
    %dma_start3A_942 = arith.constant 0 : i32
    %dma_start3A_943 = arith.constant 0 : i32
    %dma_start3A_944 = tpu.memref_slice %arg6[%dma_start3A_930, %dma_start3A_942, %dma_start3A_943] : memref<10x64x128xf32, #tpu.memory_space<vmem>> -> memref<1x64x128xf32, #tpu.memory_space<vmem>>
    %dma_start3A_945 = tpu.memref_squeeze %dma_start3A_944 : memref<1x64x128xf32, #tpu.memory_space<vmem>> -> memref<64x128xf32, #tpu.memory_space<vmem>>
    tpu.enqueue_dma source(%dma_start3A_945 : memref<64x128xf32, #tpu.memory_space<vmem>>) target(%dma_start3A_941 : memref<64x128xf32, #tpu.memory_space<hbm>>) target_semaphore(%arg23 : memref<!tpu.dma_semaphore, #tpu.memory_space<semaphore_mem>>)
    %dma_wait3A_946 = arith.constant 48 : i32
    %dma_wait3A_947 = arith.constant 7 : i32
    %dma_wait3A_948 = arith.constant 0 : i32
    %dma_wait3A_949 = arith.constant 0 : i32
    %dma_wait3A_950 = tpu.memref_slice %arg6[%dma_wait3A_947, %dma_wait3A_948, %dma_wait3A_949] : memref<10x64x128xf32, #tpu.memory_space<vmem>> -> memref<1x64x128xf32, #tpu.memory_space<vmem>>
    %dma_wait3A_951 = tpu.memref_squeeze %dma_wait3A_950 : memref<1x64x128xf32, #tpu.memory_space<vmem>> -> memref<64x128xf32, #tpu.memory_space<vmem>>
    %dma_wait3A_952 = arith.constant 64 : i32
    %dma_wait3A_953 = tpu.memref_slice %arg5[%dma_wait3A_946, %dma_wait3A_952] : memref<50x128xi32, #tpu.memory_space<vmem>> -> memref<1x64xi32, #tpu.memory_space<vmem>>
    %dma_wait3A_954 = tpu.memref_squeeze %dma_wait3A_953 : memref<1x64xi32, #tpu.memory_space<vmem>> -> memref<64xi32, #tpu.memory_space<vmem>>
    %dma_wait3A_955 = arith.constant 0 : i32
    %dma_wait3A_956 = arith.constant 0 : i32
    %dma_wait3A_957 = tpu.memref_slice %arg3[%dma_wait3A_955, %dma_wait3A_956] : memref<100000x128xf32, #tpu.memory_space<hbm>> -> memref<100000x128xf32, #tpu.memory_space<hbm>>
    tpu.wait_indirect_dma semaphore(%arg14 : memref<!tpu.dma_semaphore, #tpu.memory_space<semaphore_mem>>) src(%dma_wait3A_957 : memref<100000x128xf32, #tpu.memory_space<hbm>>) dst(%dma_wait3A_951 : memref<64x128xf32, #tpu.memory_space<vmem>>)
    %add3A_958 = arith.constant 64 : i32
    %add3A_959 = arith.addi %mul3A_2, %add3A_958 : i32
    %dma_start3A_960 = arith.constant 7 : i32
    %dma_start3A_961 = arith.constant 48 : i32
    %dma_start3A_962 = arith.constant 0 : i32
    %dma_start3A_963 = arith.constant 0 : i32
    %dma_start3A_964 = tpu.memref_slice %arg6[%dma_start3A_960, %dma_start3A_962, %dma_start3A_963] : memref<10x64x128xf32, #tpu.memory_space<vmem>> -> memref<1x64x128xf32, #tpu.memory_space<vmem>>
    %dma_start3A_965 = tpu.memref_squeeze %dma_start3A_964 : memref<1x64x128xf32, #tpu.memory_space<vmem>> -> memref<64x128xf32, #tpu.memory_space<vmem>>
    %dma_start3A_966 = arith.constant 0 : i32
    %dma_start3A_967 = tpu.memref_slice %arg4[%dma_start3A_961, %add3A_959, %dma_start3A_966] : memref<50x4096x128xf32, #tpu.memory_space<hbm>> -> memref<1x64x128xf32, #tpu.memory_space<hbm>>
    %dma_start3A_968 = tpu.memref_squeeze %dma_start3A_967 : memref<1x64x128xf32, #tpu.memory_space<hbm>> -> memref<64x128xf32, #tpu.memory_space<hbm>>
    %dma_start3A_969 = arith.constant 0 : i32
    %dma_start3A_970 = tpu.memref_slice %arg4[%dma_start3A_961, %add3A_959, %dma_start3A_969] : memref<50x4096x128xf32, #tpu.memory_space<hbm>> -> memref<1x64x128xf32, #tpu.memory_space<hbm>>
    %dma_start3A_971 = tpu.memref_squeeze %dma_start3A_970 : memref<1x64x128xf32, #tpu.memory_space<hbm>> -> memref<64x128xf32, #tpu.memory_space<hbm>>
    %dma_start3A_972 = arith.constant 0 : i32
    %dma_start3A_973 = arith.constant 0 : i32
    %dma_start3A_974 = tpu.memref_slice %arg6[%dma_start3A_960, %dma_start3A_972, %dma_start3A_973] : memref<10x64x128xf32, #tpu.memory_space<vmem>> -> memref<1x64x128xf32, #tpu.memory_space<vmem>>
    %dma_start3A_975 = tpu.memref_squeeze %dma_start3A_974 : memref<1x64x128xf32, #tpu.memory_space<vmem>> -> memref<64x128xf32, #tpu.memory_space<vmem>>
    tpu.enqueue_dma source(%dma_start3A_975 : memref<64x128xf32, #tpu.memory_space<vmem>>) target(%dma_start3A_971 : memref<64x128xf32, #tpu.memory_space<hbm>>) target_semaphore(%arg24 : memref<!tpu.dma_semaphore, #tpu.memory_space<semaphore_mem>>)
    %dma_wait3A_976 = arith.constant 49 : i32
    %dma_wait3A_977 = arith.constant 8 : i32
    %dma_wait3A_978 = arith.constant 0 : i32
    %dma_wait3A_979 = arith.constant 0 : i32
    %dma_wait3A_980 = tpu.memref_slice %arg6[%dma_wait3A_977, %dma_wait3A_978, %dma_wait3A_979] : memref<10x64x128xf32, #tpu.memory_space<vmem>> -> memref<1x64x128xf32, #tpu.memory_space<vmem>>
    %dma_wait3A_981 = tpu.memref_squeeze %dma_wait3A_980 : memref<1x64x128xf32, #tpu.memory_space<vmem>> -> memref<64x128xf32, #tpu.memory_space<vmem>>
    %dma_wait3A_982 = arith.constant 0 : i32
    %dma_wait3A_983 = tpu.memref_slice %arg5[%dma_wait3A_976, %dma_wait3A_982] : memref<50x128xi32, #tpu.memory_space<vmem>> -> memref<1x64xi32, #tpu.memory_space<vmem>>
    %dma_wait3A_984 = tpu.memref_squeeze %dma_wait3A_983 : memref<1x64xi32, #tpu.memory_space<vmem>> -> memref<64xi32, #tpu.memory_space<vmem>>
    %dma_wait3A_985 = arith.constant 0 : i32
    %dma_wait3A_986 = arith.constant 0 : i32
    %dma_wait3A_987 = tpu.memref_slice %arg3[%dma_wait3A_985, %dma_wait3A_986] : memref<100000x128xf32, #tpu.memory_space<hbm>> -> memref<100000x128xf32, #tpu.memory_space<hbm>>
    tpu.wait_indirect_dma semaphore(%arg15 : memref<!tpu.dma_semaphore, #tpu.memory_space<semaphore_mem>>) src(%dma_wait3A_987 : memref<100000x128xf32, #tpu.memory_space<hbm>>) dst(%dma_wait3A_981 : memref<64x128xf32, #tpu.memory_space<vmem>>)
    %add3A_988 = arith.constant 0 : i32
    %add3A_989 = arith.addi %mul3A_2, %add3A_988 : i32
    %dma_start3A_990 = arith.constant 8 : i32
    %dma_start3A_991 = arith.constant 49 : i32
    %dma_start3A_992 = arith.constant 0 : i32
    %dma_start3A_993 = arith.constant 0 : i32
    %dma_start3A_994 = tpu.memref_slice %arg6[%dma_start3A_990, %dma_start3A_992, %dma_start3A_993] : memref<10x64x128xf32, #tpu.memory_space<vmem>> -> memref<1x64x128xf32, #tpu.memory_space<vmem>>
    %dma_start3A_995 = tpu.memref_squeeze %dma_start3A_994 : memref<1x64x128xf32, #tpu.memory_space<vmem>> -> memref<64x128xf32, #tpu.memory_space<vmem>>
    %dma_start3A_996 = arith.constant 0 : i32
    %dma_start3A_997 = tpu.memref_slice %arg4[%dma_start3A_991, %add3A_989, %dma_start3A_996] : memref<50x4096x128xf32, #tpu.memory_space<hbm>> -> memref<1x64x128xf32, #tpu.memory_space<hbm>>
    %dma_start3A_998 = tpu.memref_squeeze %dma_start3A_997 : memref<1x64x128xf32, #tpu.memory_space<hbm>> -> memref<64x128xf32, #tpu.memory_space<hbm>>
    %dma_start3A_999 = arith.constant 0 : i32
    %dma_start3A_1000 = tpu.memref_slice %arg4[%dma_start3A_991, %add3A_989, %dma_start3A_999] : memref<50x4096x128xf32, #tpu.memory_space<hbm>> -> memref<1x64x128xf32, #tpu.memory_space<hbm>>
    %dma_start3A_1001 = tpu.memref_squeeze %dma_start3A_1000 : memref<1x64x128xf32, #tpu.memory_space<hbm>> -> memref<64x128xf32, #tpu.memory_space<hbm>>
    %dma_start3A_1002 = arith.constant 0 : i32
    %dma_start3A_1003 = arith.constant 0 : i32
    %dma_start3A_1004 = tpu.memref_slice %arg6[%dma_start3A_990, %dma_start3A_1002, %dma_start3A_1003] : memref<10x64x128xf32, #tpu.memory_space<vmem>> -> memref<1x64x128xf32, #tpu.memory_space<vmem>>
    %dma_start3A_1005 = tpu.memref_squeeze %dma_start3A_1004 : memref<1x64x128xf32, #tpu.memory_space<vmem>> -> memref<64x128xf32, #tpu.memory_space<vmem>>
    tpu.enqueue_dma source(%dma_start3A_1005 : memref<64x128xf32, #tpu.memory_space<vmem>>) target(%dma_start3A_1001 : memref<64x128xf32, #tpu.memory_space<hbm>>) target_semaphore(%arg25 : memref<!tpu.dma_semaphore, #tpu.memory_space<semaphore_mem>>)
    %dma_wait3A_1006 = arith.constant 49 : i32
    %dma_wait3A_1007 = arith.constant 9 : i32
    %dma_wait3A_1008 = arith.constant 0 : i32
    %dma_wait3A_1009 = arith.constant 0 : i32
    %dma_wait3A_1010 = tpu.memref_slice %arg6[%dma_wait3A_1007, %dma_wait3A_1008, %dma_wait3A_1009] : memref<10x64x128xf32, #tpu.memory_space<vmem>> -> memref<1x64x128xf32, #tpu.memory_space<vmem>>
    %dma_wait3A_1011 = tpu.memref_squeeze %dma_wait3A_1010 : memref<1x64x128xf32, #tpu.memory_space<vmem>> -> memref<64x128xf32, #tpu.memory_space<vmem>>
    %dma_wait3A_1012 = arith.constant 64 : i32
    %dma_wait3A_1013 = tpu.memref_slice %arg5[%dma_wait3A_1006, %dma_wait3A_1012] : memref<50x128xi32, #tpu.memory_space<vmem>> -> memref<1x64xi32, #tpu.memory_space<vmem>>
    %dma_wait3A_1014 = tpu.memref_squeeze %dma_wait3A_1013 : memref<1x64xi32, #tpu.memory_space<vmem>> -> memref<64xi32, #tpu.memory_space<vmem>>
    %dma_wait3A_1015 = arith.constant 0 : i32
    %dma_wait3A_1016 = arith.constant 0 : i32
    %dma_wait3A_1017 = tpu.memref_slice %arg3[%dma_wait3A_1015, %dma_wait3A_1016] : memref<100000x128xf32, #tpu.memory_space<hbm>> -> memref<100000x128xf32, #tpu.memory_space<hbm>>
    tpu.wait_indirect_dma semaphore(%arg16 : memref<!tpu.dma_semaphore, #tpu.memory_space<semaphore_mem>>) src(%dma_wait3A_1017 : memref<100000x128xf32, #tpu.memory_space<hbm>>) dst(%dma_wait3A_1011 : memref<64x128xf32, #tpu.memory_space<vmem>>)
    %add3A_1018 = arith.constant 64 : i32
    %add3A_1019 = arith.addi %mul3A_2, %add3A_1018 : i32
    %dma_start3A_1020 = arith.constant 9 : i32
    %dma_start3A_1021 = arith.constant 49 : i32
    %dma_start3A_1022 = arith.constant 0 : i32
    %dma_start3A_1023 = arith.constant 0 : i32
    %dma_start3A_1024 = tpu.memref_slice %arg6[%dma_start3A_1020, %dma_start3A_1022, %dma_start3A_1023] : memref<10x64x128xf32, #tpu.memory_space<vmem>> -> memref<1x64x128xf32, #tpu.memory_space<vmem>>
    %dma_start3A_1025 = tpu.memref_squeeze %dma_start3A_1024 : memref<1x64x128xf32, #tpu.memory_space<vmem>> -> memref<64x128xf32, #tpu.memory_space<vmem>>
    %dma_start3A_1026 = arith.constant 0 : i32
    %dma_start3A_1027 = tpu.memref_slice %arg4[%dma_start3A_1021, %add3A_1019, %dma_start3A_1026] : memref<50x4096x128xf32, #tpu.memory_space<hbm>> -> memref<1x64x128xf32, #tpu.memory_space<hbm>>
    %dma_start3A_1028 = tpu.memref_squeeze %dma_start3A_1027 : memref<1x64x128xf32, #tpu.memory_space<hbm>> -> memref<64x128xf32, #tpu.memory_space<hbm>>
    %dma_start3A_1029 = arith.constant 0 : i32
    %dma_start3A_1030 = tpu.memref_slice %arg4[%dma_start3A_1021, %add3A_1019, %dma_start3A_1029] : memref<50x4096x128xf32, #tpu.memory_space<hbm>> -> memref<1x64x128xf32, #tpu.memory_space<hbm>>
    %dma_start3A_1031 = tpu.memref_squeeze %dma_start3A_1030 : memref<1x64x128xf32, #tpu.memory_space<hbm>> -> memref<64x128xf32, #tpu.memory_space<hbm>>
    %dma_start3A_1032 = arith.constant 0 : i32
    %dma_start3A_1033 = arith.constant 0 : i32
    %dma_start3A_1034 = tpu.memref_slice %arg6[%dma_start3A_1020, %dma_start3A_1032, %dma_start3A_1033] : memref<10x64x128xf32, #tpu.memory_space<vmem>> -> memref<1x64x128xf32, #tpu.memory_space<vmem>>
    %dma_start3A_1035 = tpu.memref_squeeze %dma_start3A_1034 : memref<1x64x128xf32, #tpu.memory_space<vmem>> -> memref<64x128xf32, #tpu.memory_space<vmem>>
    tpu.enqueue_dma source(%dma_start3A_1035 : memref<64x128xf32, #tpu.memory_space<vmem>>) target(%dma_start3A_1031 : memref<64x128xf32, #tpu.memory_space<hbm>>) target_semaphore(%arg26 : memref<!tpu.dma_semaphore, #tpu.memory_space<semaphore_mem>>)
    %add3A_1036 = arith.constant 0 : i32
    %add3A_1037 = arith.addi %mul3A_2, %add3A_1036 : i32
    %dma_wait3A_1038 = arith.constant 0 : i32
    %dma_wait3A_1039 = arith.constant 45 : i32
    %dma_wait3A_1040 = arith.constant 0 : i32
    %dma_wait3A_1041 = arith.constant 0 : i32
    %dma_wait3A_1042 = tpu.memref_slice %arg6[%dma_wait3A_1038, %dma_wait3A_1040, %dma_wait3A_1041] : memref<10x64x128xf32, #tpu.memory_space<vmem>> -> memref<1x64x128xf32, #tpu.memory_space<vmem>>
    %dma_wait3A_1043 = tpu.memref_squeeze %dma_wait3A_1042 : memref<1x64x128xf32, #tpu.memory_space<vmem>> -> memref<64x128xf32, #tpu.memory_space<vmem>>
    %dma_wait3A_1044 = arith.constant 0 : i32
    %dma_wait3A_1045 = tpu.memref_slice %arg4[%dma_wait3A_1039, %add3A_1037, %dma_wait3A_1044] : memref<50x4096x128xf32, #tpu.memory_space<hbm>> -> memref<1x64x128xf32, #tpu.memory_space<hbm>>
    %dma_wait3A_1046 = tpu.memref_squeeze %dma_wait3A_1045 : memref<1x64x128xf32, #tpu.memory_space<hbm>> -> memref<64x128xf32, #tpu.memory_space<hbm>>
    %dma_wait3A_1047 = arith.constant 0 : i32
    %dma_wait3A_1048 = tpu.memref_slice %arg4[%dma_wait3A_1039, %add3A_1037, %dma_wait3A_1047] : memref<50x4096x128xf32, #tpu.memory_space<hbm>> -> memref<1x64x128xf32, #tpu.memory_space<hbm>>
    %dma_wait3A_1049 = tpu.memref_squeeze %dma_wait3A_1048 : memref<1x64x128xf32, #tpu.memory_space<hbm>> -> memref<64x128xf32, #tpu.memory_space<hbm>>
    %dma_wait3A_1050 = arith.constant 0 : i32
    %dma_wait3A_1051 = arith.constant 0 : i32
    %dma_wait3A_1052 = tpu.memref_slice %arg6[%dma_wait3A_1038, %dma_wait3A_1050, %dma_wait3A_1051] : memref<10x64x128xf32, #tpu.memory_space<vmem>> -> memref<1x64x128xf32, #tpu.memory_space<vmem>>
    %dma_wait3A_1053 = tpu.memref_squeeze %dma_wait3A_1052 : memref<1x64x128xf32, #tpu.memory_space<vmem>> -> memref<64x128xf32, #tpu.memory_space<vmem>>
    tpu.wait_dma2 semaphore(%arg17 : memref<!tpu.dma_semaphore, #tpu.memory_space<semaphore_mem>>) src(%dma_wait3A_1053 : memref<64x128xf32, #tpu.memory_space<vmem>>) dst(%dma_wait3A_1049 : memref<64x128xf32, #tpu.memory_space<hbm>>)
    %add3A_1054 = arith.constant 64 : i32
    %add3A_1055 = arith.addi %mul3A_2, %add3A_1054 : i32
    %dma_wait3A_1056 = arith.constant 1 : i32
    %dma_wait3A_1057 = arith.constant 45 : i32
    %dma_wait3A_1058 = arith.constant 0 : i32
    %dma_wait3A_1059 = arith.constant 0 : i32
    %dma_wait3A_1060 = tpu.memref_slice %arg6[%dma_wait3A_1056, %dma_wait3A_1058, %dma_wait3A_1059] : memref<10x64x128xf32, #tpu.memory_space<vmem>> -> memref<1x64x128xf32, #tpu.memory_space<vmem>>
    %dma_wait3A_1061 = tpu.memref_squeeze %dma_wait3A_1060 : memref<1x64x128xf32, #tpu.memory_space<vmem>> -> memref<64x128xf32, #tpu.memory_space<vmem>>
    %dma_wait3A_1062 = arith.constant 0 : i32
    %dma_wait3A_1063 = tpu.memref_slice %arg4[%dma_wait3A_1057, %add3A_1055, %dma_wait3A_1062] : memref<50x4096x128xf32, #tpu.memory_space<hbm>> -> memref<1x64x128xf32, #tpu.memory_space<hbm>>
    %dma_wait3A_1064 = tpu.memref_squeeze %dma_wait3A_1063 : memref<1x64x128xf32, #tpu.memory_space<hbm>> -> memref<64x128xf32, #tpu.memory_space<hbm>>
    %dma_wait3A_1065 = arith.constant 0 : i32
    %dma_wait3A_1066 = tpu.memref_slice %arg4[%dma_wait3A_1057, %add3A_1055, %dma_wait3A_1065] : memref<50x4096x128xf32, #tpu.memory_space<hbm>> -> memref<1x64x128xf32, #tpu.memory_space<hbm>>
    %dma_wait3A_1067 = tpu.memref_squeeze %dma_wait3A_1066 : memref<1x64x128xf32, #tpu.memory_space<hbm>> -> memref<64x128xf32, #tpu.memory_space<hbm>>
    %dma_wait3A_1068 = arith.constant 0 : i32
    %dma_wait3A_1069 = arith.constant 0 : i32
    %dma_wait3A_1070 = tpu.memref_slice %arg6[%dma_wait3A_1056, %dma_wait3A_1068, %dma_wait3A_1069] : memref<10x64x128xf32, #tpu.memory_space<vmem>> -> memref<1x64x128xf32, #tpu.memory_space<vmem>>
    %dma_wait3A_1071 = tpu.memref_squeeze %dma_wait3A_1070 : memref<1x64x128xf32, #tpu.memory_space<vmem>> -> memref<64x128xf32, #tpu.memory_space<vmem>>
    tpu.wait_dma2 semaphore(%arg18 : memref<!tpu.dma_semaphore, #tpu.memory_space<semaphore_mem>>) src(%dma_wait3A_1071 : memref<64x128xf32, #tpu.memory_space<vmem>>) dst(%dma_wait3A_1067 : memref<64x128xf32, #tpu.memory_space<hbm>>)
    %add3A_1072 = arith.constant 0 : i32
    %add3A_1073 = arith.addi %mul3A_2, %add3A_1072 : i32
    %dma_wait3A_1074 = arith.constant 2 : i32
    %dma_wait3A_1075 = arith.constant 46 : i32
    %dma_wait3A_1076 = arith.constant 0 : i32
    %dma_wait3A_1077 = arith.constant 0 : i32
    %dma_wait3A_1078 = tpu.memref_slice %arg6[%dma_wait3A_1074, %dma_wait3A_1076, %dma_wait3A_1077] : memref<10x64x128xf32, #tpu.memory_space<vmem>> -> memref<1x64x128xf32, #tpu.memory_space<vmem>>
    %dma_wait3A_1079 = tpu.memref_squeeze %dma_wait3A_1078 : memref<1x64x128xf32, #tpu.memory_space<vmem>> -> memref<64x128xf32, #tpu.memory_space<vmem>>
    %dma_wait3A_1080 = arith.constant 0 : i32
    %dma_wait3A_1081 = tpu.memref_slice %arg4[%dma_wait3A_1075, %add3A_1073, %dma_wait3A_1080] : memref<50x4096x128xf32, #tpu.memory_space<hbm>> -> memref<1x64x128xf32, #tpu.memory_space<hbm>>
    %dma_wait3A_1082 = tpu.memref_squeeze %dma_wait3A_1081 : memref<1x64x128xf32, #tpu.memory_space<hbm>> -> memref<64x128xf32, #tpu.memory_space<hbm>>
    %dma_wait3A_1083 = arith.constant 0 : i32
    %dma_wait3A_1084 = tpu.memref_slice %arg4[%dma_wait3A_1075, %add3A_1073, %dma_wait3A_1083] : memref<50x4096x128xf32, #tpu.memory_space<hbm>> -> memref<1x64x128xf32, #tpu.memory_space<hbm>>
    %dma_wait3A_1085 = tpu.memref_squeeze %dma_wait3A_1084 : memref<1x64x128xf32, #tpu.memory_space<hbm>> -> memref<64x128xf32, #tpu.memory_space<hbm>>
    %dma_wait3A_1086 = arith.constant 0 : i32
    %dma_wait3A_1087 = arith.constant 0 : i32
    %dma_wait3A_1088 = tpu.memref_slice %arg6[%dma_wait3A_1074, %dma_wait3A_1086, %dma_wait3A_1087] : memref<10x64x128xf32, #tpu.memory_space<vmem>> -> memref<1x64x128xf32, #tpu.memory_space<vmem>>
    %dma_wait3A_1089 = tpu.memref_squeeze %dma_wait3A_1088 : memref<1x64x128xf32, #tpu.memory_space<vmem>> -> memref<64x128xf32, #tpu.memory_space<vmem>>
    tpu.wait_dma2 semaphore(%arg19 : memref<!tpu.dma_semaphore, #tpu.memory_space<semaphore_mem>>) src(%dma_wait3A_1089 : memref<64x128xf32, #tpu.memory_space<vmem>>) dst(%dma_wait3A_1085 : memref<64x128xf32, #tpu.memory_space<hbm>>)
    %add3A_1090 = arith.constant 64 : i32
    %add3A_1091 = arith.addi %mul3A_2, %add3A_1090 : i32
    %dma_wait3A_1092 = arith.constant 3 : i32
    %dma_wait3A_1093 = arith.constant 46 : i32
    %dma_wait3A_1094 = arith.constant 0 : i32
    %dma_wait3A_1095 = arith.constant 0 : i32
    %dma_wait3A_1096 = tpu.memref_slice %arg6[%dma_wait3A_1092, %dma_wait3A_1094, %dma_wait3A_1095] : memref<10x64x128xf32, #tpu.memory_space<vmem>> -> memref<1x64x128xf32, #tpu.memory_space<vmem>>
    %dma_wait3A_1097 = tpu.memref_squeeze %dma_wait3A_1096 : memref<1x64x128xf32, #tpu.memory_space<vmem>> -> memref<64x128xf32, #tpu.memory_space<vmem>>
    %dma_wait3A_1098 = arith.constant 0 : i32
    %dma_wait3A_1099 = tpu.memref_slice %arg4[%dma_wait3A_1093, %add3A_1091, %dma_wait3A_1098] : memref<50x4096x128xf32, #tpu.memory_space<hbm>> -> memref<1x64x128xf32, #tpu.memory_space<hbm>>
    %dma_wait3A_1100 = tpu.memref_squeeze %dma_wait3A_1099 : memref<1x64x128xf32, #tpu.memory_space<hbm>> -> memref<64x128xf32, #tpu.memory_space<hbm>>
    %dma_wait3A_1101 = arith.constant 0 : i32
    %dma_wait3A_1102 = tpu.memref_slice %arg4[%dma_wait3A_1093, %add3A_1091, %dma_wait3A_1101] : memref<50x4096x128xf32, #tpu.memory_space<hbm>> -> memref<1x64x128xf32, #tpu.memory_space<hbm>>
    %dma_wait3A_1103 = tpu.memref_squeeze %dma_wait3A_1102 : memref<1x64x128xf32, #tpu.memory_space<hbm>> -> memref<64x128xf32, #tpu.memory_space<hbm>>
    %dma_wait3A_1104 = arith.constant 0 : i32
    %dma_wait3A_1105 = arith.constant 0 : i32
    %dma_wait3A_1106 = tpu.memref_slice %arg6[%dma_wait3A_1092, %dma_wait3A_1104, %dma_wait3A_1105] : memref<10x64x128xf32, #tpu.memory_space<vmem>> -> memref<1x64x128xf32, #tpu.memory_space<vmem>>
    %dma_wait3A_1107 = tpu.memref_squeeze %dma_wait3A_1106 : memref<1x64x128xf32, #tpu.memory_space<vmem>> -> memref<64x128xf32, #tpu.memory_space<vmem>>
    tpu.wait_dma2 semaphore(%arg20 : memref<!tpu.dma_semaphore, #tpu.memory_space<semaphore_mem>>) src(%dma_wait3A_1107 : memref<64x128xf32, #tpu.memory_space<vmem>>) dst(%dma_wait3A_1103 : memref<64x128xf32, #tpu.memory_space<hbm>>)
    %add3A_1108 = arith.constant 0 : i32
    %add3A_1109 = arith.addi %mul3A_2, %add3A_1108 : i32
    %dma_wait3A_1110 = arith.constant 4 : i32
    %dma_wait3A_1111 = arith.constant 47 : i32
    %dma_wait3A_1112 = arith.constant 0 : i32
    %dma_wait3A_1113 = arith.constant 0 : i32
    %dma_wait3A_1114 = tpu.memref_slice %arg6[%dma_wait3A_1110, %dma_wait3A_1112, %dma_wait3A_1113] : memref<10x64x128xf32, #tpu.memory_space<vmem>> -> memref<1x64x128xf32, #tpu.memory_space<vmem>>
    %dma_wait3A_1115 = tpu.memref_squeeze %dma_wait3A_1114 : memref<1x64x128xf32, #tpu.memory_space<vmem>> -> memref<64x128xf32, #tpu.memory_space<vmem>>
    %dma_wait3A_1116 = arith.constant 0 : i32
    %dma_wait3A_1117 = tpu.memref_slice %arg4[%dma_wait3A_1111, %add3A_1109, %dma_wait3A_1116] : memref<50x4096x128xf32, #tpu.memory_space<hbm>> -> memref<1x64x128xf32, #tpu.memory_space<hbm>>
    %dma_wait3A_1118 = tpu.memref_squeeze %dma_wait3A_1117 : memref<1x64x128xf32, #tpu.memory_space<hbm>> -> memref<64x128xf32, #tpu.memory_space<hbm>>
    %dma_wait3A_1119 = arith.constant 0 : i32
    %dma_wait3A_1120 = tpu.memref_slice %arg4[%dma_wait3A_1111, %add3A_1109, %dma_wait3A_1119] : memref<50x4096x128xf32, #tpu.memory_space<hbm>> -> memref<1x64x128xf32, #tpu.memory_space<hbm>>
    %dma_wait3A_1121 = tpu.memref_squeeze %dma_wait3A_1120 : memref<1x64x128xf32, #tpu.memory_space<hbm>> -> memref<64x128xf32, #tpu.memory_space<hbm>>
    %dma_wait3A_1122 = arith.constant 0 : i32
    %dma_wait3A_1123 = arith.constant 0 : i32
    %dma_wait3A_1124 = tpu.memref_slice %arg6[%dma_wait3A_1110, %dma_wait3A_1122, %dma_wait3A_1123] : memref<10x64x128xf32, #tpu.memory_space<vmem>> -> memref<1x64x128xf32, #tpu.memory_space<vmem>>
    %dma_wait3A_1125 = tpu.memref_squeeze %dma_wait3A_1124 : memref<1x64x128xf32, #tpu.memory_space<vmem>> -> memref<64x128xf32, #tpu.memory_space<vmem>>
    tpu.wait_dma2 semaphore(%arg21 : memref<!tpu.dma_semaphore, #tpu.memory_space<semaphore_mem>>) src(%dma_wait3A_1125 : memref<64x128xf32, #tpu.memory_space<vmem>>) dst(%dma_wait3A_1121 : memref<64x128xf32, #tpu.memory_space<hbm>>)
    %add3A_1126 = arith.constant 64 : i32
    %add3A_1127 = arith.addi %mul3A_2, %add3A_1126 : i32
    %dma_wait3A_1128 = arith.constant 5 : i32
    %dma_wait3A_1129 = arith.constant 47 : i32
    %dma_wait3A_1130 = arith.constant 0 : i32
    %dma_wait3A_1131 = arith.constant 0 : i32
    %dma_wait3A_1132 = tpu.memref_slice %arg6[%dma_wait3A_1128, %dma_wait3A_1130, %dma_wait3A_1131] : memref<10x64x128xf32, #tpu.memory_space<vmem>> -> memref<1x64x128xf32, #tpu.memory_space<vmem>>
    %dma_wait3A_1133 = tpu.memref_squeeze %dma_wait3A_1132 : memref<1x64x128xf32, #tpu.memory_space<vmem>> -> memref<64x128xf32, #tpu.memory_space<vmem>>
    %dma_wait3A_1134 = arith.constant 0 : i32
    %dma_wait3A_1135 = tpu.memref_slice %arg4[%dma_wait3A_1129, %add3A_1127, %dma_wait3A_1134] : memref<50x4096x128xf32, #tpu.memory_space<hbm>> -> memref<1x64x128xf32, #tpu.memory_space<hbm>>
    %dma_wait3A_1136 = tpu.memref_squeeze %dma_wait3A_1135 : memref<1x64x128xf32, #tpu.memory_space<hbm>> -> memref<64x128xf32, #tpu.memory_space<hbm>>
    %dma_wait3A_1137 = arith.constant 0 : i32
    %dma_wait3A_1138 = tpu.memref_slice %arg4[%dma_wait3A_1129, %add3A_1127, %dma_wait3A_1137] : memref<50x4096x128xf32, #tpu.memory_space<hbm>> -> memref<1x64x128xf32, #tpu.memory_space<hbm>>
    %dma_wait3A_1139 = tpu.memref_squeeze %dma_wait3A_1138 : memref<1x64x128xf32, #tpu.memory_space<hbm>> -> memref<64x128xf32, #tpu.memory_space<hbm>>
    %dma_wait3A_1140 = arith.constant 0 : i32
    %dma_wait3A_1141 = arith.constant 0 : i32
    %dma_wait3A_1142 = tpu.memref_slice %arg6[%dma_wait3A_1128, %dma_wait3A_1140, %dma_wait3A_1141] : memref<10x64x128xf32, #tpu.memory_space<vmem>> -> memref<1x64x128xf32, #tpu.memory_space<vmem>>
    %dma_wait3A_1143 = tpu.memref_squeeze %dma_wait3A_1142 : memref<1x64x128xf32, #tpu.memory_space<vmem>> -> memref<64x128xf32, #tpu.memory_space<vmem>>
    tpu.wait_dma2 semaphore(%arg22 : memref<!tpu.dma_semaphore, #tpu.memory_space<semaphore_mem>>) src(%dma_wait3A_1143 : memref<64x128xf32, #tpu.memory_space<vmem>>) dst(%dma_wait3A_1139 : memref<64x128xf32, #tpu.memory_space<hbm>>)
    %add3A_1144 = arith.constant 0 : i32
    %add3A_1145 = arith.addi %mul3A_2, %add3A_1144 : i32
    %dma_wait3A_1146 = arith.constant 6 : i32
    %dma_wait3A_1147 = arith.constant 48 : i32
    %dma_wait3A_1148 = arith.constant 0 : i32
    %dma_wait3A_1149 = arith.constant 0 : i32
    %dma_wait3A_1150 = tpu.memref_slice %arg6[%dma_wait3A_1146, %dma_wait3A_1148, %dma_wait3A_1149] : memref<10x64x128xf32, #tpu.memory_space<vmem>> -> memref<1x64x128xf32, #tpu.memory_space<vmem>>
    %dma_wait3A_1151 = tpu.memref_squeeze %dma_wait3A_1150 : memref<1x64x128xf32, #tpu.memory_space<vmem>> -> memref<64x128xf32, #tpu.memory_space<vmem>>
    %dma_wait3A_1152 = arith.constant 0 : i32
    %dma_wait3A_1153 = tpu.memref_slice %arg4[%dma_wait3A_1147, %add3A_1145, %dma_wait3A_1152] : memref<50x4096x128xf32, #tpu.memory_space<hbm>> -> memref<1x64x128xf32, #tpu.memory_space<hbm>>
    %dma_wait3A_1154 = tpu.memref_squeeze %dma_wait3A_1153 : memref<1x64x128xf32, #tpu.memory_space<hbm>> -> memref<64x128xf32, #tpu.memory_space<hbm>>
    %dma_wait3A_1155 = arith.constant 0 : i32
    %dma_wait3A_1156 = tpu.memref_slice %arg4[%dma_wait3A_1147, %add3A_1145, %dma_wait3A_1155] : memref<50x4096x128xf32, #tpu.memory_space<hbm>> -> memref<1x64x128xf32, #tpu.memory_space<hbm>>
    %dma_wait3A_1157 = tpu.memref_squeeze %dma_wait3A_1156 : memref<1x64x128xf32, #tpu.memory_space<hbm>> -> memref<64x128xf32, #tpu.memory_space<hbm>>
    %dma_wait3A_1158 = arith.constant 0 : i32
    %dma_wait3A_1159 = arith.constant 0 : i32
    %dma_wait3A_1160 = tpu.memref_slice %arg6[%dma_wait3A_1146, %dma_wait3A_1158, %dma_wait3A_1159] : memref<10x64x128xf32, #tpu.memory_space<vmem>> -> memref<1x64x128xf32, #tpu.memory_space<vmem>>
    %dma_wait3A_1161 = tpu.memref_squeeze %dma_wait3A_1160 : memref<1x64x128xf32, #tpu.memory_space<vmem>> -> memref<64x128xf32, #tpu.memory_space<vmem>>
    tpu.wait_dma2 semaphore(%arg23 : memref<!tpu.dma_semaphore, #tpu.memory_space<semaphore_mem>>) src(%dma_wait3A_1161 : memref<64x128xf32, #tpu.memory_space<vmem>>) dst(%dma_wait3A_1157 : memref<64x128xf32, #tpu.memory_space<hbm>>)
    %add3A_1162 = arith.constant 64 : i32
    %add3A_1163 = arith.addi %mul3A_2, %add3A_1162 : i32
    %dma_wait3A_1164 = arith.constant 7 : i32
    %dma_wait3A_1165 = arith.constant 48 : i32
    %dma_wait3A_1166 = arith.constant 0 : i32
    %dma_wait3A_1167 = arith.constant 0 : i32
    %dma_wait3A_1168 = tpu.memref_slice %arg6[%dma_wait3A_1164, %dma_wait3A_1166, %dma_wait3A_1167] : memref<10x64x128xf32, #tpu.memory_space<vmem>> -> memref<1x64x128xf32, #tpu.memory_space<vmem>>
    %dma_wait3A_1169 = tpu.memref_squeeze %dma_wait3A_1168 : memref<1x64x128xf32, #tpu.memory_space<vmem>> -> memref<64x128xf32, #tpu.memory_space<vmem>>
    %dma_wait3A_1170 = arith.constant 0 : i32
    %dma_wait3A_1171 = tpu.memref_slice %arg4[%dma_wait3A_1165, %add3A_1163, %dma_wait3A_1170] : memref<50x4096x128xf32, #tpu.memory_space<hbm>> -> memref<1x64x128xf32, #tpu.memory_space<hbm>>
    %dma_wait3A_1172 = tpu.memref_squeeze %dma_wait3A_1171 : memref<1x64x128xf32, #tpu.memory_space<hbm>> -> memref<64x128xf32, #tpu.memory_space<hbm>>
    %dma_wait3A_1173 = arith.constant 0 : i32
    %dma_wait3A_1174 = tpu.memref_slice %arg4[%dma_wait3A_1165, %add3A_1163, %dma_wait3A_1173] : memref<50x4096x128xf32, #tpu.memory_space<hbm>> -> memref<1x64x128xf32, #tpu.memory_space<hbm>>
    %dma_wait3A_1175 = tpu.memref_squeeze %dma_wait3A_1174 : memref<1x64x128xf32, #tpu.memory_space<hbm>> -> memref<64x128xf32, #tpu.memory_space<hbm>>
    %dma_wait3A_1176 = arith.constant 0 : i32
    %dma_wait3A_1177 = arith.constant 0 : i32
    %dma_wait3A_1178 = tpu.memref_slice %arg6[%dma_wait3A_1164, %dma_wait3A_1176, %dma_wait3A_1177] : memref<10x64x128xf32, #tpu.memory_space<vmem>> -> memref<1x64x128xf32, #tpu.memory_space<vmem>>
    %dma_wait3A_1179 = tpu.memref_squeeze %dma_wait3A_1178 : memref<1x64x128xf32, #tpu.memory_space<vmem>> -> memref<64x128xf32, #tpu.memory_space<vmem>>
    tpu.wait_dma2 semaphore(%arg24 : memref<!tpu.dma_semaphore, #tpu.memory_space<semaphore_mem>>) src(%dma_wait3A_1179 : memref<64x128xf32, #tpu.memory_space<vmem>>) dst(%dma_wait3A_1175 : memref<64x128xf32, #tpu.memory_space<hbm>>)
    %add3A_1180 = arith.constant 0 : i32
    %add3A_1181 = arith.addi %mul3A_2, %add3A_1180 : i32
    %dma_wait3A_1182 = arith.constant 8 : i32
    %dma_wait3A_1183 = arith.constant 49 : i32
    %dma_wait3A_1184 = arith.constant 0 : i32
    %dma_wait3A_1185 = arith.constant 0 : i32
    %dma_wait3A_1186 = tpu.memref_slice %arg6[%dma_wait3A_1182, %dma_wait3A_1184, %dma_wait3A_1185] : memref<10x64x128xf32, #tpu.memory_space<vmem>> -> memref<1x64x128xf32, #tpu.memory_space<vmem>>
    %dma_wait3A_1187 = tpu.memref_squeeze %dma_wait3A_1186 : memref<1x64x128xf32, #tpu.memory_space<vmem>> -> memref<64x128xf32, #tpu.memory_space<vmem>>
    %dma_wait3A_1188 = arith.constant 0 : i32
    %dma_wait3A_1189 = tpu.memref_slice %arg4[%dma_wait3A_1183, %add3A_1181, %dma_wait3A_1188] : memref<50x4096x128xf32, #tpu.memory_space<hbm>> -> memref<1x64x128xf32, #tpu.memory_space<hbm>>
    %dma_wait3A_1190 = tpu.memref_squeeze %dma_wait3A_1189 : memref<1x64x128xf32, #tpu.memory_space<hbm>> -> memref<64x128xf32, #tpu.memory_space<hbm>>
    %dma_wait3A_1191 = arith.constant 0 : i32
    %dma_wait3A_1192 = tpu.memref_slice %arg4[%dma_wait3A_1183, %add3A_1181, %dma_wait3A_1191] : memref<50x4096x128xf32, #tpu.memory_space<hbm>> -> memref<1x64x128xf32, #tpu.memory_space<hbm>>
    %dma_wait3A_1193 = tpu.memref_squeeze %dma_wait3A_1192 : memref<1x64x128xf32, #tpu.memory_space<hbm>> -> memref<64x128xf32, #tpu.memory_space<hbm>>
    %dma_wait3A_1194 = arith.constant 0 : i32
    %dma_wait3A_1195 = arith.constant 0 : i32
    %dma_wait3A_1196 = tpu.memref_slice %arg6[%dma_wait3A_1182, %dma_wait3A_1194, %dma_wait3A_1195] : memref<10x64x128xf32, #tpu.memory_space<vmem>> -> memref<1x64x128xf32, #tpu.memory_space<vmem>>
    %dma_wait3A_1197 = tpu.memref_squeeze %dma_wait3A_1196 : memref<1x64x128xf32, #tpu.memory_space<vmem>> -> memref<64x128xf32, #tpu.memory_space<vmem>>
    tpu.wait_dma2 semaphore(%arg25 : memref<!tpu.dma_semaphore, #tpu.memory_space<semaphore_mem>>) src(%dma_wait3A_1197 : memref<64x128xf32, #tpu.memory_space<vmem>>) dst(%dma_wait3A_1193 : memref<64x128xf32, #tpu.memory_space<hbm>>)
    %add3A_1198 = arith.constant 64 : i32
    %add3A_1199 = arith.addi %mul3A_2, %add3A_1198 : i32
    %dma_wait3A_1200 = arith.constant 9 : i32
    %dma_wait3A_1201 = arith.constant 49 : i32
    %dma_wait3A_1202 = arith.constant 0 : i32
    %dma_wait3A_1203 = arith.constant 0 : i32
    %dma_wait3A_1204 = tpu.memref_slice %arg6[%dma_wait3A_1200, %dma_wait3A_1202, %dma_wait3A_1203] : memref<10x64x128xf32, #tpu.memory_space<vmem>> -> memref<1x64x128xf32, #tpu.memory_space<vmem>>
    %dma_wait3A_1205 = tpu.memref_squeeze %dma_wait3A_1204 : memref<1x64x128xf32, #tpu.memory_space<vmem>> -> memref<64x128xf32, #tpu.memory_space<vmem>>
    %dma_wait3A_1206 = arith.constant 0 : i32
    %dma_wait3A_1207 = tpu.memref_slice %arg4[%dma_wait3A_1201, %add3A_1199, %dma_wait3A_1206] : memref<50x4096x128xf32, #tpu.memory_space<hbm>> -> memref<1x64x128xf32, #tpu.memory_space<hbm>>
    %dma_wait3A_1208 = tpu.memref_squeeze %dma_wait3A_1207 : memref<1x64x128xf32, #tpu.memory_space<hbm>> -> memref<64x128xf32, #tpu.memory_space<hbm>>
    %dma_wait3A_1209 = arith.constant 0 : i32
    %dma_wait3A_1210 = tpu.memref_slice %arg4[%dma_wait3A_1201, %add3A_1199, %dma_wait3A_1209] : memref<50x4096x128xf32, #tpu.memory_space<hbm>> -> memref<1x64x128xf32, #tpu.memory_space<hbm>>
    %dma_wait3A_1211 = tpu.memref_squeeze %dma_wait3A_1210 : memref<1x64x128xf32, #tpu.memory_space<hbm>> -> memref<64x128xf32, #tpu.memory_space<hbm>>
    %dma_wait3A_1212 = arith.constant 0 : i32
    %dma_wait3A_1213 = arith.constant 0 : i32
    %dma_wait3A_1214 = tpu.memref_slice %arg6[%dma_wait3A_1200, %dma_wait3A_1212, %dma_wait3A_1213] : memref<10x64x128xf32, #tpu.memory_space<vmem>> -> memref<1x64x128xf32, #tpu.memory_space<vmem>>
    %dma_wait3A_1215 = tpu.memref_squeeze %dma_wait3A_1214 : memref<1x64x128xf32, #tpu.memory_space<vmem>> -> memref<64x128xf32, #tpu.memory_space<vmem>>
    tpu.wait_dma2 semaphore(%arg26 : memref<!tpu.dma_semaphore, #tpu.memory_space<semaphore_mem>>) src(%dma_wait3A_1215 : memref<64x128xf32, #tpu.memory_space<vmem>>) dst(%dma_wait3A_1211 : memref<64x128xf32, #tpu.memory_space<hbm>>)
    return
  }
}

</mosaic_0001>

<sc_bundles>
// kernel: kernel.3.cloned.1.call-start
scs
__scs_entry_jumppad:
0x0: {  	(pc) =	sbr.rel $0x88, $3  }
0x1: {  	(tag) =	ssettag $0x0;
	lr =	simm.s32 $0x1  }
0x2: {  	[smem:$0x3F9F] =	sst lr;
	_ =	strace $0xD0000000  }
0x3: {  	_ = 	snop  }
0x4: {  	_ = 	snop  }
0x5: {  	_ = 	snop  }
0x6: {  	_ = 	snop  }
0x7: {  	_ = 	snop  }
__scs_overlays_trampoline_lowered:
0x8: {  	[smem:$0x3FAE] =	sst s0  }
0x9: {  	[smem:$0x3FAF] =	sst s1  }
0xa: {  	[smem:$0x3FB0] =	sst s2  }
0xb: {  	[smem:$0x3FB1] =	sst s3  }
0xc: {  	[smem:$0x3FB2] =	sst s4  }
0xd: {  	[smem:$0x3FB3] =	sst s5  }
0xe: {  	[smem:$0x3FB4] =	sst s6  }
0xf: {  	[smem:$0x3FB5] =	sst s7  }
0x10: {  	[smem:$0x3FB6] =	sst s8  }
0x11: {  	[smem:$0x3FB7] =	sst s9;
	s0 =	simm.s32 @!p0 $0x0  }
0x12: {  	s1 =	sld [smem:$0x3F9D];
	s0 =	simm.s32 @p0 $0x1  }
0x13: {  	[smem:$0x3FB8] =	sst s0;
	s0 =	simm.s32 @!p1 $0x0  }
0x14: {  	s2 =	sld [smem:$0x3F9C];
	s0 =	simm.s32 @p1 $0x1  }
0x15: {  	[smem:$0x3FB9] =	sst s0;
	s0 =	simm.s32 @!p2 $0x0  }
0x16: {  	s3 =	sld [smem:$0x3FDB];
	s0 =	simm.s32 @p2 $0x1  }
0x17: {  	s4 =	simm.s32 $0x1BF5;
	[smem:$0x3FBB] =	sst s0  }
0x18: {  	s0 =	sld [smem:$0x3F9E];
	_ =	swait.ge [sflag:s4], $0x0  }
0x19: {  	s7 =	sld [smem:$0x3F9F]  }
0x1a: {  	s8 =	sadd.s32 $0xFFFFE003, lr  }
0x1b: {  	s9 =	sadd.s32 $0xFFFFFEF7, lr;
	s5 =	simm.s32 $0xFFFFFFFF;
	p2 =	slt.u32 s8, $0xFFFFF086  }
0x1c: {  	p1 =	slt.u32 s9, $0xF7A;
	s5 =	simm.s32 @!p2 $0x0  }
0x1d: {  	s5 =	simm.s32 @p1 $0x1;
	p0 =	seq.s32 s7, s2  }
0x1e: {  	s7 =	smul.u32 @!p0 $0xF7A, s2;
	p2 =	seq.s32 @!p0 s5, $0x0  }
0x1f: {  	s9 =	smul.u32 $0xF7A, s1;
	s8 =	simm.s32 @!p0 $0x1BF5;
	p2 =	por !p2, p0  }
0x20: {  	[sflag:s8] =	ssyncset.s32 @!p0 $0xFFFFF086;
	s6 =	sadd.s32 @!p0 s3, s7;
	s7 =	simm.s32 @!p0 $0x108  }
0x21: {  	s3 =	sadd.s32 s3, s9;
	s6 =	sadd.s32 @!p0 $0x88, s6;
	s7 =	simm.s32 @p2 $0x1082  }
0x22: {  	[simem:s7], [sflag:s8] =	dma.local @!p0 [hbm:s6], $0xF7A  }
0x23: {  	s9 =	sor.u32 $0xD0000000, s2;
	s6 =	simm.s32 $0x108;
	_ =	swait.ge @!p0 [sflag:s8], $0x0  }
0x24: {  	s3 =	sadd.s32 $0x88, s3;
	s6 =	simm.s32 @!p1 $0x1082;
	[sflag:s4] =	ssyncset.s32 $0xFFFFF086  }
0x25: {  	[simem:s6], [sflag:s4] =	dma.local [hbm:s3], $0xF7A  }
0x26: {  	[smem:$0x3F9F] =	sst s1;
	(tag) =	ssettag s2;
	_ =	strace s9  }
0x27: {  	s1 =	sld [smem:$0x3FAF]  }
0x28: {  	s2 =	sld [smem:$0x3FB0]  }
0x29: {  	s4 =	sld [smem:$0x3FB2]  }
0x2a: {  	p0 =	seq.s32 s5, $0x0;
	s5 =	sld [smem:$0x3FB3]  }
0x2b: {  	s6 =	sld [smem:$0x3FB4]  }
0x2c: {  	s7 =	sld [smem:$0x3FB5]  }
0x2d: {  	s3 =	simm.s32 $0x108;
	s8 =	sld [smem:$0x3FB6]  }
0x2e: {  	s3 =	simm.s32 @!p0 $0x1082;
	s9 =	sld [smem:$0x3FB7]  }
0x2f: {  	lr =	sadd.s32 s0, s3;
	s0 =	sld [smem:$0x3FAE]  }
0x30: {  	s3 =	sld [smem:$0x3FB1]  }
0x31: {  	[smem:$0x3FBA] =	sst s10  }
0x32: {  	s10 =	sld [smem:$0x3FB8];
	_ =	sdelay $0x3  }
0x33: {  	p0 =	seq.s32 s10, $0x1;
	s10 =	sld [smem:$0x3FBA];
	_ =	sdelay $0x3  }
0x34: {  	[smem:$0x3FBA] =	sst s10  }
0x35: {  	s10 =	sld [smem:$0x3FB9];
	_ =	sdelay $0x3  }
0x36: {  	p1 =	seq.s32 s10, $0x1;
	s10 =	sld [smem:$0x3FBA];
	_ =	sdelay $0x3  }
0x37: {  	[smem:$0x3FBA] =	sst s10  }
0x38: {  	s10 =	sld [smem:$0x3FBB]  }
0x39: {  	_ = 	snop;
	(pc) =	sbr.ind lr, $3  }
0x3a: {  	_ = 	snop  }
0x3b: {  	_ = 	snop  }
0x3c: {  	p2 =	seq.s32 s10, $0x1;
	s10 =	sld [smem:$0x3FBA]  }
0x3d: {  	_ =	shalt  }
0x3e: {  	_ =	shalt  }
0x3f: {  	_ =	shalt  }
0x40: {  	_ =	shalt  }
0x41: {  	_ =	shalt  }
0x42: {  	_ =	shalt  }
0x43: {  	_ =	shalt  }
0x44: {  	_ =	shalt  }
0x45: {  	_ =	shalt  }
0x46: {  	_ =	shalt  }
0x47: {  	_ =	shalt  }
0x48: {  	_ =	shalt  }
0x49: {  	_ =	shalt  }
0x4a: {  	_ =	shalt  }
0x4b: {  	_ =	shalt  }
0x4c: {  	_ =	shalt  }
0x4d: {  	_ =	shalt  }
0x4e: {  	_ =	shalt  }
0x4f: {  	_ =	shalt  }
0x50: {  	_ =	shalt  }
0x51: {  	_ =	shalt  }
0x52: {  	_ =	shalt  }
0x53: {  	_ =	shalt  }
0x54: {  	_ =	shalt  }
0x55: {  	_ =	shalt  }
0x56: {  	_ =	shalt  }
0x57: {  	_ =	shalt  }
0x58: {  	_ =	shalt  }
0x59: {  	_ =	shalt  }
0x5a: {  	_ =	shalt  }
0x5b: {  	_ =	shalt  }
0x5c: {  	_ =	shalt  }
0x5d: {  	_ =	shalt  }
0x5e: {  	_ =	shalt  }
0x5f: {  	_ =	shalt  }
0x60: {  	_ =	shalt  }
0x61: {  	_ =	shalt  }
0x62: {  	_ =	shalt  }
0x63: {  	_ =	shalt  }
0x64: {  	_ =	shalt  }
0x65: {  	_ =	shalt  }
0x66: {  	_ =	shalt  }
0x67: {  	_ =	shalt  }
0x68: {  	_ =	shalt  }
0x69: {  	_ =	shalt  }
0x6a: {  	_ =	shalt  }
0x6b: {  	_ =	shalt  }
0x6c: {  	_ =	shalt  }
0x6d: {  	_ =	shalt  }
0x6e: {  	_ =	shalt  }
0x6f: {  	_ =	shalt  }
0x70: {  	_ =	shalt  }
0x71: {  	_ =	shalt  }
0x72: {  	_ =	shalt  }
0x73: {  	_ =	shalt  }
0x74: {  	_ =	shalt  }
0x75: {  	_ =	shalt  }
0x76: {  	_ =	shalt  }
0x77: {  	_ =	shalt  }
0x78: {  	_ =	shalt  }
0x79: {  	_ =	shalt  }
0x7a: {  	_ =	shalt  }
0x7b: {  	_ =	shalt  }
0x7c: {  	_ =	shalt  }
0x7d: {  	_ =	shalt  }
0x7e: {  	_ =	shalt  }
0x7f: {  	_ =	shalt  }
0x80: {  	_ =	shalt  }
0x81: {  	_ =	shalt  }
0x82: {  	_ =	shalt  }
0x83: {  	_ =	shalt  }
0x84: {  	_ =	shalt  }
0x85: {  	_ =	shalt  }
0x86: {  	_ =	shalt  }
0x87: {  	_ =	shalt  }
.Lfunc_end0:
.L_simem_size_0:
called_computation_lowered:
.L_overlay_start_0:
0x88: {  	s2 =	sld [smem:$0x3FD9]  }
0x89: {  	s3 =	sld [smem:$0x3FFE];
	_ =	sdelay $0x1  }
0x8a: {  	s1 =	srdreg.scid  }
0x8b: {  	s0 =	sand.u32 $0x1, s1  }
0x8c: {  	s18 =	sshll.u32 s0, $0xA;
	s2 =	sadd.s32 s3, s2  }
0x8d: {  	s2 =	sadd.s32 s2, s18  }
0x8e: {  	[smem:$0x3FC6] =	sst s2  }
0x8f: {  	_ = 	snop  }
0x90: {  	s2 =	sld [smem:$0x3FC9]  }
0x91: {  	s19 =	sld [smem:$0x3FC8]  }
0x92: {  	s4 =	sld [smem:$0x3FD0];
	(tm) =	ssettm $0x1  }
0x93: {  	s5 =	sld [smem:$0x3FFB];
	_ =	sdelay $0x3  }
0x94: {  	_ =	strace s5  }
0x95: {  	s5 =	sld [smem:$0x3FFC];
	_ =	sdelay $0x3  }
0x96: {  	_ =	strace s5  }
0x97: {  	s5 =	sld [smem:$0x3FFD];
	_ =	sdelay $0x3  }
0x98: {  	_ =	strace s5  }
0x99: {  	_ =	strace $0x8FFFFFFF  }
0x9a: {  	s20 =	sld [smem:$0x3FDB];
	_ =	sdelay $0x1  }
0x9b: {  	s6 =	simm.s32 $_scs_section_size  }
0x9c: {  	s7 =	simm.s32 $_size__tile_overlayer_lowered;
	s8 =	simm.s32 $_tile_overlayer_lowered  }
0x9d: {  	s23 =	simm.s32 $0x1BFF;
	s22 =	sshll.u32 s8, $0x1;
	s5 =	sadd.s32 s6, s20  }
0x9e: {  	s9 =	simm.s32 $0x0;
	s21 =	sshll.u32 s7, $0x1;
	s7 =	sadd.s32 s22, s5  }
0x9f: {  	[timem:s9], [sflag:s23] =	dma.local [hbm:s7], s21  }
0xa0: {  	_ =	swait.ge [sflag:s23], s21  }
0xa1: {  	s6 =	ssub.s32 $0x0, s21;
	[sflag:s23] =	ssyncset.done $0x0  }
0xa2: {  	[sflag:s23] =	ssyncadd.s32 s6;
	_ =	sdelay $0x1  }
0xa3: {  	s24 =	simm.s32 $0x1B8B  }
0xa4: {  	_ =	swait.ge [sflag:s24], $0x1  }
0xa5: {  	[sflag:s24] =	ssyncset.done $0x0  }
0xa6: {  	s25 =	simm.s32 $0x1B8E;
	[sflag:s24] =	ssyncadd.s32 $0xFFFFFFFF  }
0xa7: {  	s26 =	simm.s32 $execute0_lowered;
	[smem:$0x3FD2] =	sst s25  }
0xa8: {  	s6 =	sshll.u32 s26, $0x1;
	_ =	strace $0x80000046;
	[dreg:$0x1] =	wrdreg $0xFFFFFFFF  }
0xa9: {  	s28 =	simm.s32 $_size_execute0_lowered;
	s5 =	sadd.s32 s5, s6;
	[dreg:$0x0] =	wrdreg $0x0  }
0xaa: {  	s6 =	sshll.u32 s28, $0x1;
	[dreg:$0x2] =	wrdreg s5  }
0xab: {  	[dreg:$0x3] =	wrdreg s6  }
0xac: {  	[dreg:$0x4] =	wrdreg $0xC0  }
0xad: {  	_ =	task [dreg:s9], $0x5FFFF  }
0xae: {  	[dreg:$0x1] =	wrdreg $0xFFFFFFFF  }
0xaf: {  	[dreg:$0x0] =	wrdreg $0x60  }
0xb0: {  	[dreg:$0x2] =	wrdreg s2  }
0xb1: {  	[dreg:$0x3] =	wrdreg s19  }
0xb2: {  	[dreg:$0x4] =	wrdreg s4  }
0xb3: {  	[dreg:$0x5] =	wrdreg $0x9  }
0xb4: {  	_ =	task.clear_ibuf [dreg:s9], $0x6FFFF;
	_ =	strace $0x90000046  }
0xb5: {  	s29 =	simm.s32 $0x9;
	_ =	strace $0x80000048  }
0xb6: {  	_ =	swait.ge [sflag:s29], $0x1  }
0xb7: {  	[sflag:s29] =	ssyncadd.s32 $0xFFFFFFFF  }
0xb8: {  	_ =	strace $0x90000048  }
0xb9: {  	_ =	sfence  }
0xba: {  	s30 =	sld [smem:$0x0];
	_ =	sdelay $0x2  }
0xbb: {  	s31 =	sshll.u32 s1, $0xD;
	s1 =	sshrl.u32 s1, $0x2  }
0xbc: {  	s3 =	sand.u32 $0x4000, s31;
	s1 =	sadd.s32 s1, s30  }
0xbd: {  	s0 =	sor.u32 s3, s0;
	s1 =	sshll.u32 s1, $0x11  }
0xbe: {  	s0 =	sor.u32 s1, s0  }
0xbf: {  	s0 =	sadd.s32 $0x8F2B, s0  }
0xc0: {  	[sflag:s0] =	ssyncadd.remote.s32 $0x1  }
0xc1: {  	_ =	sfence.sel $0xFFFF  }
0xc2: {  	[dreg:$0x0] =	wrdreg $0xFFFFFFFF;
	(pc) =	sbr.abs _section_cstart, $3  }
0xc3: {  	[dreg:$0x1] =	wrdreg $0xFFFFFFFF  }
0xc4: {  	_ =	task.clear_ibuf [dreg:s9], $0x2FFFF;
	_ =	strace $0x9FFFFFFF  }
0xc5: {  	(tm) =	ssettm $0x7FFFFFFF  }
tec
execute0_lowered:
.L_overlay_start_1:
0x0: {  	(tag) =	ssettag $0x1  }
0x1: {  	s0 =	rddreg [dreg:$0x0];
	s2 =	srdreg.scid  }
0x2: {  	s1 =	rddreg [dreg:$0x1];
	s7 =	stileid.u32;
	s2 =	sand.u32 $0x1, s2  }
0x3: {  	s4 =	simm.s32 $0x0;
	s3 =	sshll.u32 s7, $0x8;
	s5 =	sshll.u32 s2, $0x7  }
0x4: {  	[smem:$0x7FF] =	sst s4;
	s3 =	sor.u32 s5, s3  }
0x5: {  	s13 =	rddreg [dreg:$0x2];
	_ =	strace $0x80000047;
	s8 =	sadd.s32 s0, s3  }
0x6: {  	s9 =	sshll.u32 s3, $0x4;
	[dreg:$0xb] =	wrdreg s8;
	s10 =	sadd.s32 $0x6000, s8  }
0x7: {  	s8 =	sadd.s32 s13, s9;
	[dreg:$0xc] =	wrdreg s10  }
0x8: {  	s0 =	sadd.s32 $0x400, s8;
	[dreg:$0xd] =	wrdreg s8  }
0x9: {  	s11 =	sadd.s32 $0x10000, s8;
	[dreg:$0xe] =	wrdreg s0  }
0xa: {  	s30 =	simm.s32 $0x40;
	s12 =	sadd.s32 $0x10400, s8;
	[dreg:$0xf] =	wrdreg s11  }
0xb: {  	s28 =	simm.s32 $0x9;
	s14 =	sadd.s32 $0x20000, s8;
	[dreg:$0x10] =	wrdreg s12  }
0xc: {  	s29 =	simm.s32 $0xF;
	s15 =	sadd.s32 $0x20400, s8;
	[dreg:$0x11] =	wrdreg s14  }
0xd: {  	s18 =	sshll.u32 s7, $0xF;
	s16 =	sadd.s32 $0x30000, s8;
	[dreg:$0x12] =	wrdreg s15  }
0xe: {  	s6 =	ssub.s32 $0x2, s2;
	s17 =	sadd.s32 $0x30400, s8;
	[dreg:$0x13] =	wrdreg s16  }
0xf: {  	s19 =	sshll.u32 s2, $0xE;
	s20 =	sadd.s32 $0x40000, s8;
	[dreg:$0x14] =	wrdreg s17  }
0x10: {  	s2 =	sshll.u32 s2, $0xB;
	s21 =	sadd.s32 $0x40400, s8;
	[dreg:$0x15] =	wrdreg s20  }
0x11: {  	s26 =	sshrl.u32 s6, $0x1;
	s22 =	sadd.s32 $0x2D0000, s8;
	[dreg:$0x16] =	wrdreg s21  }
0x12: {  	s3 =	ssub.s32 s6, s26;
	s23 =	sadd.s32 $0x2D0400, s8;
	[dreg:$0x17] =	wrdreg s22  }
0x13: {  	s25 =	sadd.s32 $0x2E0000, s8;
	s0 =	sor.u32 s19, s18;
	[dreg:$0x18] =	wrdreg s23  }
0x14: {  	[dreg:$0x19] =	wrdreg s25;
	s17 =	sshll.u32 s7, $0xC;
	s18 =	sadd.s32 $0x2F0000, s8  }
0x15: {  	s20 =	sadd.s32 $0x2F0400, s8;
	s22 =	sadd.s32 $0x300000, s8;
	[dreg:$0x1b] =	wrdreg s18  }
0x16: {  	s23 =	smax.u32 s3, $0x1;
	s25 =	sadd.s32 $0x310000, s8;
	[dreg:$0x1c] =	wrdreg s20  }
0x17: {  	s24 =	sor.u32 $0x382000, s0;
	s26 =	sor.u32 $0x302000, s0;
	[dreg:$0x1d] =	wrdreg s22  }
0x18: {  	s10 =	sor.u32 $0x380000, s0;
	s12 =	sor.u32 $0x300000, s0;
	[dreg:$0x1e] =	wrdreg s23  }
0x19: {  	s15 =	sor.u32 $0x482000, s0;
	s2 =	sor.u32 s2, s17;
	[smem:$0x7FC] =	sst s25  }
0x1a: {  	s19 =	sor.u32 $0x402000, s0;
	s0 =	sor.u32 $0x280000, s0;
	[dreg:$0x9] =	wrdreg s2  }
0x1b: {  	s31 =	simm.s32 $0x13;
	s5 =	sshrl.u32 s24, $0x3;
	[dreg:$0x1f] =	wrdreg s0  }
0x1c: {  	s6 =	simm.s32 $0x14;
	s9 =	sshrl.u32 s26, $0x3;
	[dreg:$0x4] =	wrdreg s5  }
0x1d: {  	s7 =	simm.s32 $0xA;
	s11 =	sshrl.u32 s10, $0x3;
	[dreg:$0x5] =	wrdreg s9  }
0x1e: {  	s3 =	simm.s32 $0x12;
	s14 =	sshrl.u32 s12, $0x3;
	[dreg:$0x6] =	wrdreg s11  }
0x1f: {  	s23 =	simm.s32 $0xD;
	s16 =	sshrl.u32 s15, $0x3;
	[dreg:$0x7] =	wrdreg s14  }
0x20: {  	s25 =	simm.s32 $0x11;
	s21 =	sshrl.u32 s19, $0x3;
	[dreg:$0x8] =	wrdreg s16  }
0x21: {  	s24 =	sadd.s32 $0x300400, s8;
	s26 =	sadd.s32 $0x310400, s8;
	[dreg:$0xa] =	wrdreg s21  }
0x22: {  	s2 =	simm.s32 $0x10;
	s0 =	simm.s32 $0x0;
	[smem:$0x7FB] =	sst s24  }
0x23: {  	s9 =	sadd.s32 $0x2E0400, s8;
	[smem:$0x7FD] =	sst s26;
	s11 =	simm.s32 $0x1800  }
0x24: {  	s24 =	simm.s32 $0x8;
	s26 =	simm.s32 $0xE;
	[dreg:$0x1a] =	wrdreg s9  }
.LBB2_1:
0x25: {  	[smem:$0x7FA] =	sst s0  }
0x26: {  	s8 =	rddreg [dreg:$0xb];
	s9 =	simm.s32 $0x400;
	s10 =	simm.s32 $0x8000  }
0x27: {  	[tilespmem:s4], [sflag:$0x15] =	stream.strided.gather [hbm4b:s8+s9], $0x1800, s10, s9, $0x38;
	[tilespmem:$0x15C00] =	vst v63  }
0x28: {  	s14 =	rddreg [dreg:$0xc];
	s15 =	simm.s32 $0x15  }
0x29: {  	[tilespmem:s11], [sflag:$0x15] =	stream.linear.gather [hbm4b:s14+s4], $0x100, $0x38;
	[tilespmem:$0x15C00] =	vst v63  }
0x2a: {  	_ =	swait.ge [sflag:s15], $0x1900  }
0x2b: {  	[sflag:s15] =	ssyncset.done $0x0  }
0x2c: {  	s18 =	simm.s32 $0x1C00;
	[sflag:s15] =	ssyncadd.s32 $0xFFFFE700  }
0x2d: {  	[tilespmem:s18], [sflag:$0x1] =	stream.indirect.gather [hbm4b:s1+s30], $0x80, s4, s30, $0xb8;
	[tilespmem:$0x15C00] =	vst v63  }
0x2e: {  	s19 =	simm.s32 $0x3C00  }
0x2f: {  	[tilespmem:s19], [sflag:$0x2] =	stream.indirect.gather [hbm4b:s1+s30], $0x80, s30, s30, $0xb8;
	[tilespmem:$0x15C00] =	vst v63  }
0x30: {  	s16 =	simm.s32 $0x80;
	s20 =	simm.s32 $0x5C00  }
0x31: {  	[tilespmem:s20], [sflag:$0x3] =	stream.indirect.gather [hbm4b:s1+s30], $0x80, s16, s30, $0xb8;
	[tilespmem:$0x15C00] =	vst v63  }
0x32: {  	s17 =	simm.s32 $0xC0;
	s21 =	simm.s32 $0x7C00  }
0x33: {  	[tilespmem:s21], [sflag:$0x4] =	stream.indirect.gather [hbm4b:s1+s30], $0x80, s17, s30, $0xb8;
	[tilespmem:$0x15C00] =	vst v63  }
0x34: {  	s5 =	simm.s32 $0x100;
	s22 =	simm.s32 $0x9C00  }
0x35: {  	[tilespmem:s22], [sflag:$0x5] =	stream.indirect.gather [hbm4b:s1+s30], $0x80, s5, s30, $0xb8;
	[tilespmem:$0x15C00] =	vst v63  }
0x36: {  	s0 =	simm.s32 $0x140;
	s8 =	simm.s32 $0xBC00  }
0x37: {  	[tilespmem:s8], [sflag:$0x6] =	stream.indirect.gather [hbm4b:s1+s30], $0x80, s0, s30, $0xb8;
	[tilespmem:$0x15C00] =	vst v63  }
0x38: {  	s12 =	simm.s32 $0xDC00;
	s10 =	simm.s32 $0x180  }
0x39: {  	[tilespmem:s12], [sflag:$0x7] =	stream.indirect.gather [hbm4b:s1+s30], $0x80, s10, s30, $0xb8;
	[tilespmem:$0x15C00] =	vst v63  }
0x3a: {  	s14 =	simm.s32 $0x1C0;
	s16 =	simm.s32 $0xFC00  }
0x3b: {  	[tilespmem:s16], [sflag:$0x8] =	stream.indirect.gather [hbm4b:s1+s30], $0x80, s14, s30, $0xb8;
	[tilespmem:$0x15C00] =	vst v63  }
0x3c: {  	s17 =	simm.s32 $0x200;
	s22 =	simm.s32 $0x11C00  }
0x3d: {  	[tilespmem:s22], [sflag:$0x9] =	stream.indirect.gather [hbm4b:s1+s30], $0x80, s17, s30, $0xb8;
	[tilespmem:$0x15C00] =	vst v63  }
0x3e: {  	s8 =	simm.s32 $0x240;
	s0 =	simm.s32 $0x1;
	s10 =	simm.s32 $0x13C00  }
0x3f: {  	[tilespmem:s10], [sflag:$0xA] =	stream.indirect.gather [hbm4b:s1+s30], $0x80, s8, s30, $0xb8;
	[tilespmem:$0x15C00] =	vst v63  }
0x40: {  	_ =	swait.ge [sflag:s0], $0x2000  }
0x41: {  	[sflag:s0] =	ssyncset.done $0x0  }
0x42: {  	s5 =	simm.s32 $0x2;
	s12 =	rddreg [dreg:$0xd];
	[sflag:s0] =	ssyncadd.s32 $0xFFFFE000  }
0x43: {  	[hbm4b:s12+s4] =	stream.linear.scatter [tilespmem:s18], [sflag:$0xB], $0x2000, $0x38;
	[tilespmem:$0x15C00] =	vst v63  }
0x44: {  	_ =	swait.ge [sflag:s5], $0x2000  }
0x45: {  	[sflag:s5] =	ssyncset.done $0x0  }
0x46: {  	s22 =	simm.s32 $0x3;
	s14 =	rddreg [dreg:$0xe];
	[sflag:s5] =	ssyncadd.s32 $0xFFFFE000  }
0x47: {  	[hbm4b:s14+s4] =	stream.linear.scatter [tilespmem:s19], [sflag:$0xC], $0x2000, $0x38;
	[tilespmem:$0x15C00] =	vst v63  }
0x48: {  	_ =	swait.ge [sflag:s22], $0x2000  }
0x49: {  	[sflag:s22] =	ssyncset.done $0x0  }
0x4a: {  	s10 =	simm.s32 $0x4;
	s16 =	rddreg [dreg:$0xf];
	[sflag:s22] =	ssyncadd.s32 $0xFFFFE000  }
0x4b: {  	[hbm4b:s16+s4] =	stream.linear.scatter [tilespmem:s20], [sflag:$0xD], $0x2000, $0x38;
	[tilespmem:$0x15C00] =	vst v63  }
0x4c: {  	_ =	swait.ge [sflag:s10], $0x2000  }
0x4d: {  	[sflag:s10] =	ssyncset.done $0x0  }
0x4e: {  	s11 =	simm.s32 $0x7C00;
	s17 =	rddreg [dreg:$0x10];
	[sflag:s10] =	ssyncadd.s32 $0xFFFFE000  }
0x4f: {  	[hbm4b:s17+s4] =	stream.linear.scatter [tilespmem:s11], [sflag:$0xE], $0x2000, $0x38;
	[tilespmem:$0x15C00] =	vst v63  }
0x50: {  	s11 =	simm.s32 $0x5  }
0x51: {  	_ =	swait.ge [sflag:s11], $0x2000  }
0x52: {  	[sflag:s11] =	ssyncset.done $0x0  }
0x53: {  	s9 =	simm.s32 $0x9C00;
	s12 =	rddreg [dreg:$0x11];
	[sflag:s11] =	ssyncadd.s32 $0xFFFFE000  }
0x54: {  	[hbm4b:s12+s4] =	stream.linear.scatter [tilespmem:s9], [sflag:$0xF], $0x2000, $0x38;
	[tilespmem:$0x15C00] =	vst v63  }
0x55: {  	s12 =	simm.s32 $0xB  }
0x56: {  	_ =	swait.ge [sflag:s12], $0x2000  }
0x57: {  	[sflag:s12] =	ssyncset.done $0x0  }
0x58: {  	s14 =	simm.s32 $0x280;
	[sflag:s12] =	ssyncadd.s32 $0xFFFFE000  }
0x59: {  	[tilespmem:s18], [sflag:$0x1] =	stream.indirect.gather [hbm4b:s1+s30], $0x80, s14, s30, $0xb8;
	[tilespmem:$0x15C00] =	vst v63  }
0x5a: {  	s14 =	simm.s32 $0x6  }
0x5b: {  	_ =	swait.ge [sflag:s14], $0x2000  }
0x5c: {  	[sflag:s14] =	ssyncset.done $0x0  }
0x5d: {  	s15 =	simm.s32 $0xBC00;
	s16 =	rddreg [dreg:$0x12];
	[sflag:s14] =	ssyncadd.s32 $0xFFFFE000  }
0x5e: {  	[hbm4b:s16+s4] =	stream.linear.scatter [tilespmem:s15], [sflag:$0x10], $0x2000, $0x38;
	[tilespmem:$0x15C00] =	vst v63  }
0x5f: {  	s15 =	simm.s32 $0xC  }
0x60: {  	_ =	swait.ge [sflag:s15], $0x2000  }
0x61: {  	[sflag:s15] =	ssyncset.done $0x0  }
0x62: {  	s16 =	simm.s32 $0x2C0;
	[sflag:s15] =	ssyncadd.s32 $0xFFFFE000  }
0x63: {  	[tilespmem:s19], [sflag:$0x2] =	stream.indirect.gather [hbm4b:s1+s30], $0x80, s16, s30, $0xb8;
	[tilespmem:$0x15C00] =	vst v63  }
0x64: {  	s16 =	simm.s32 $0x7  }
0x65: {  	_ =	swait.ge [sflag:s16], $0x2000  }
0x66: {  	[sflag:s16] =	ssyncset.done $0x0  }
0x67: {  	s21 =	simm.s32 $0xDC00;
	s8 =	rddreg [dreg:$0x13];
	[sflag:s16] =	ssyncadd.s32 $0xFFFFE000  }
0x68: {  	[hbm4b:s8+s4] =	stream.linear.scatter [tilespmem:s21], [sflag:$0x11], $0x2000, $0x38;
	[tilespmem:$0x15C00] =	vst v63  }
0x69: {  	_ =	swait.ge [sflag:s23], $0x2000  }
0x6a: {  	[sflag:s23] =	ssyncset.done $0x0  }
0x6b: {  	s21 =	simm.s32 $0x300;
	[sflag:s23] =	ssyncadd.s32 $0xFFFFE000  }
0x6c: {  	[tilespmem:s20], [sflag:$0x3] =	stream.indirect.gather [hbm4b:s1+s30], $0x80, s21, s30, $0xb8;
	[tilespmem:$0x15C00] =	vst v63  }
0x6d: {  	_ =	swait.ge [sflag:s24], $0x2000  }
0x6e: {  	[sflag:s24] =	ssyncset.done $0x0  }
0x6f: {  	s21 =	simm.s32 $0xFC00;
	s8 =	rddreg [dreg:$0x14];
	[sflag:s24] =	ssyncadd.s32 $0xFFFFE000  }
0x70: {  	[hbm4b:s8+s4] =	stream.linear.scatter [tilespmem:s21], [sflag:$0x12], $0x2000, $0x38;
	[tilespmem:$0x15C00] =	vst v63  }
0x71: {  	_ =	swait.ge [sflag:s26], $0x2000  }
0x72: {  	[sflag:s26] =	ssyncset.done $0x0  }
0x73: {  	s17 =	simm.s32 $0x7C00;
	s21 =	simm.s32 $0x340;
	[sflag:s26] =	ssyncadd.s32 $0xFFFFE000  }
0x74: {  	[tilespmem:s17], [sflag:$0x4] =	stream.indirect.gather [hbm4b:s1+s30], $0x80, s21, s30, $0xb8;
	[tilespmem:$0x15C00] =	vst v63  }
0x75: {  	_ =	swait.ge [sflag:s28], $0x2000  }
0x76: {  	[sflag:s28] =	ssyncset.done $0x0  }
0x77: {  	s17 =	simm.s32 $0x11C00;
	s8 =	rddreg [dreg:$0x15];
	[sflag:s28] =	ssyncadd.s32 $0xFFFFE000  }
0x78: {  	[hbm4b:s8+s4] =	stream.linear.scatter [tilespmem:s17], [sflag:$0x13], $0x2000, $0x38;
	[tilespmem:$0x15C00] =	vst v63  }
0x79: {  	_ =	swait.ge [sflag:s29], $0x2000  }
0x7a: {  	[sflag:s29] =	ssyncset.done $0x0  }
0x7b: {  	s9 =	simm.s32 $0x9C00;
	s17 =	simm.s32 $0x380;
	[sflag:s29] =	ssyncadd.s32 $0xFFFFE000  }
0x7c: {  	[tilespmem:s9], [sflag:$0x5] =	stream.indirect.gather [hbm4b:s1+s30], $0x80, s17, s30, $0xb8;
	[tilespmem:$0x15C00] =	vst v63  }
0x7d: {  	_ =	swait.ge [sflag:s7], $0x2000  }
0x7e: {  	[sflag:s7] =	ssyncset.done $0x0  }
0x7f: {  	s17 =	simm.s32 $0x13C00;
	s9 =	rddreg [dreg:$0x16];
	[sflag:s7] =	ssyncadd.s32 $0xFFFFE000  }
0x80: {  	[hbm4b:s9+s4] =	stream.linear.scatter [tilespmem:s17], [sflag:$0x14], $0x2000, $0x38;
	[tilespmem:$0x15C00] =	vst v63  }
0x81: {  	_ =	swait.ge [sflag:s2], $0x2000  }
0x82: {  	[sflag:s2] =	ssyncset.done $0x0  }
0x83: {  	s9 =	simm.s32 $0x3C0;
	s17 =	simm.s32 $0xBC00;
	[sflag:s2] =	ssyncadd.s32 $0xFFFFE000  }
0x84: {  	[tilespmem:s17], [sflag:$0x6] =	stream.indirect.gather [hbm4b:s1+s30], $0x80, s9, s30, $0xb8;
	[tilespmem:$0x15C00] =	vst v63  }
0x85: {  	_ =	swait.ge [sflag:s0], $0x2000  }
0x86: {  	s17 =	rddreg [dreg:$0x1f]  }
0x87: {  	[sflag:s0] =	ssyncset.done $0x0;
	s9 =	sshrl.u32 s17, $0x3  }
0x88: {  	[sflag:s0] =	ssyncadd.s32 $0xFFFFE000;
	s8 =	sadd.s32 s13, s9  }
0x89: {  	[hbm4b:s8+s4] =	stream.linear.scatter [tilespmem:s18], [sflag:$0xB], $0x2000, $0x38;
	[tilespmem:$0x15C00] =	vst v63  }
0x8a: {  	_ =	swait.ge [sflag:s25], $0x2000  }
0x8b: {  	[sflag:s25] =	ssyncset.done $0x0  }
0x8c: {  	s0 =	simm.s32 $0xDC00;
	s9 =	simm.s32 $0x400;
	[sflag:s25] =	ssyncadd.s32 $0xFFFFE000  }
0x8d: {  	[tilespmem:s0], [sflag:$0x7] =	stream.indirect.gather [hbm4b:s1+s30], $0x80, s9, s30, $0xb8;
	[tilespmem:$0x15C00] =	vst v63  }
0x8e: {  	_ =	swait.ge [sflag:s5], $0x2000  }
0x8f: {  	[sflag:s5] =	ssyncset.done $0x0  }
0x90: {  	s8 =	sadd.s32 $0x400, s8;
	[sflag:s5] =	ssyncadd.s32 $0xFFFFE000  }
0x91: {  	[hbm4b:s8+s4] =	stream.linear.scatter [tilespmem:s19], [sflag:$0xC], $0x2000, $0x38;
	[tilespmem:$0x15C00] =	vst v63  }
0x92: {  	_ =	swait.ge [sflag:s3], $0x2000  }
0x93: {  	[sflag:s3] =	ssyncset.done $0x0  }
0x94: {  	s0 =	simm.s32 $0x440;
	s5 =	simm.s32 $0xFC00;
	[sflag:s3] =	ssyncadd.s32 $0xFFFFE000  }
0x95: {  	[tilespmem:s5], [sflag:$0x8] =	stream.indirect.gather [hbm4b:s1+s30], $0x80, s0, s30, $0xb8;
	[tilespmem:$0x15C00] =	vst v63  }
0x96: {  	_ =	swait.ge [sflag:s22], $0x2000  }
0x97: {  	s9 =	rddreg [dreg:$0x7];
	[sflag:s22] =	ssyncset.done $0x0  }
0x98: {  	[sflag:s22] =	ssyncadd.s32 $0xFFFFE000;
	s8 =	sadd.s32 s13, s9  }
0x99: {  	[hbm4b:s8+s4] =	stream.linear.scatter [tilespmem:s20], [sflag:$0xD], $0x2000, $0x38;
	[tilespmem:$0x15C00] =	vst v63  }
0x9a: {  	_ =	swait.ge [sflag:s31], $0x2000  }
0x9b: {  	[sflag:s31] =	ssyncset.done $0x0  }
0x9c: {  	s0 =	simm.s32 $0x11C00;
	s22 =	simm.s32 $0x480;
	[sflag:s31] =	ssyncadd.s32 $0xFFFFE000  }
0x9d: {  	[tilespmem:s0], [sflag:$0x9] =	stream.indirect.gather [hbm4b:s1+s30], $0x80, s22, s30, $0xb8;
	[tilespmem:$0x15C00] =	vst v63  }
0x9e: {  	_ =	swait.ge [sflag:s10], $0x2000  }
0x9f: {  	s9 =	rddreg [dreg:$0x5];
	[sflag:s10] =	ssyncset.done $0x0  }
0xa0: {  	s21 =	simm.s32 $0x7C00;
	[sflag:s10] =	ssyncadd.s32 $0xFFFFE000;
	s8 =	sadd.s32 s13, s9  }
0xa1: {  	[hbm4b:s8+s4] =	stream.linear.scatter [tilespmem:s21], [sflag:$0xE], $0x2000, $0x38;
	[tilespmem:$0x15C00] =	vst v63  }
0xa2: {  	_ =	swait.ge [sflag:s6], $0x2000  }
0xa3: {  	[sflag:s6] =	ssyncset.done $0x0  }
0xa4: {  	s22 =	simm.s32 $0x13C00;
	s10 =	simm.s32 $0x4C0;
	[sflag:s6] =	ssyncadd.s32 $0xFFFFE000  }
0xa5: {  	[tilespmem:s22], [sflag:$0xA] =	stream.indirect.gather [hbm4b:s1+s30], $0x80, s10, s30, $0xb8;
	[tilespmem:$0x15C00] =	vst v63  }
0xa6: {  	_ =	swait.ge [sflag:s11], $0x2000  }
0xa7: {  	s9 =	rddreg [dreg:$0x6];
	[sflag:s11] =	ssyncset.done $0x0  }
0xa8: {  	[sflag:s11] =	ssyncadd.s32 $0xFFFFE000;
	s8 =	sadd.s32 s13, s9;
	s11 =	simm.s32 $0x9C00  }
0xa9: {  	[hbm4b:s8+s4] =	stream.linear.scatter [tilespmem:s11], [sflag:$0xF], $0x2000, $0x38;
	[tilespmem:$0x15C00] =	vst v63  }
0xaa: {  	_ =	swait.ge [sflag:s12], $0x2000  }
0xab: {  	[sflag:s12] =	ssyncset.done $0x0  }
0xac: {  	[sflag:s12] =	ssyncadd.s32 $0xFFFFE000;
	s12 =	simm.s32 $0x500  }
0xad: {  	[tilespmem:s18], [sflag:$0x1] =	stream.indirect.gather [hbm4b:s1+s30], $0x80, s12, s30, $0xb8;
	[tilespmem:$0x15C00] =	vst v63  }
0xae: {  	_ =	swait.ge [sflag:s14], $0x2000  }
0xaf: {  	s18 =	rddreg [dreg:$0x4];
	[sflag:s14] =	ssyncset.done $0x0  }
0xb0: {  	s22 =	simm.s32 $0xBC00;
	[sflag:s14] =	ssyncadd.s32 $0xFFFFE000;
	s8 =	sadd.s32 s13, s18  }
0xb1: {  	[hbm4b:s8+s4] =	stream.linear.scatter [tilespmem:s22], [sflag:$0x10], $0x2000, $0x38;
	[tilespmem:$0x15C00] =	vst v63  }
0xb2: {  	_ =	swait.ge [sflag:s15], $0x2000  }
0xb3: {  	[sflag:s15] =	ssyncset.done $0x0  }
0xb4: {  	s12 =	simm.s32 $0x540;
	[sflag:s15] =	ssyncadd.s32 $0xFFFFE000  }
0xb5: {  	[tilespmem:s19], [sflag:$0x2] =	stream.indirect.gather [hbm4b:s1+s30], $0x80, s12, s30, $0xb8;
	[tilespmem:$0x15C00] =	vst v63  }
0xb6: {  	_ =	swait.ge [sflag:s16], $0x2000  }
0xb7: {  	s14 =	rddreg [dreg:$0x9]  }
0xb8: {  	[sflag:s16] =	ssyncset.done $0x0;
	s8 =	sadd.s32 s13, s14  }
0xb9: {  	[sflag:s16] =	ssyncadd.s32 $0xFFFFE000;
	s16 =	simm.s32 $0xDC00;
	s15 =	sadd.s32 $0x80000, s8  }
0xba: {  	[hbm4b:s15+s4] =	stream.linear.scatter [tilespmem:s16], [sflag:$0x11], $0x2000, $0x38;
	[tilespmem:$0x15C00] =	vst v63  }
0xbb: {  	_ =	swait.ge [sflag:s23], $0x2000  }
0xbc: {  	[sflag:s23] =	ssyncset.done $0x0  }
0xbd: {  	s18 =	simm.s32 $0x580;
	[sflag:s23] =	ssyncadd.s32 $0xFFFFE000  }
0xbe: {  	[tilespmem:s20], [sflag:$0x3] =	stream.indirect.gather [hbm4b:s1+s30], $0x80, s18, s30, $0xb8;
	[tilespmem:$0x15C00] =	vst v63  }
0xbf: {  	_ =	swait.ge [sflag:s24], $0x2000  }
0xc0: {  	s19 =	rddreg [dreg:$0xa];
	[sflag:s24] =	ssyncset.done $0x0  }
0xc1: {  	[sflag:s24] =	ssyncadd.s32 $0xFFFFE000;
	s9 =	sadd.s32 s13, s19  }
0xc2: {  	[hbm4b:s9+s4] =	stream.linear.scatter [tilespmem:s5], [sflag:$0x12], $0x2000, $0x38;
	[tilespmem:$0x15C00] =	vst v63  }
0xc3: {  	_ =	swait.ge [sflag:s26], $0x2000  }
0xc4: {  	[sflag:s26] =	ssyncset.done $0x0  }
0xc5: {  	s21 =	simm.s32 $0x7C00;
	s20 =	simm.s32 $0x5C0;
	[sflag:s26] =	ssyncadd.s32 $0xFFFFE000  }
0xc6: {  	[tilespmem:s21], [sflag:$0x4] =	stream.indirect.gather [hbm4b:s1+s30], $0x80, s20, s30, $0xb8;
	[tilespmem:$0x15C00] =	vst v63  }
0xc7: {  	_ =	swait.ge [sflag:s28], $0x2000  }
0xc8: {  	[sflag:s28] =	ssyncset.done $0x0  }
0xc9: {  	s8 =	sadd.s32 $0x90000, s8;
	[sflag:s28] =	ssyncadd.s32 $0xFFFFE000  }
0xca: {  	[hbm4b:s8+s4] =	stream.linear.scatter [tilespmem:s0], [sflag:$0x13], $0x2000, $0x38;
	[tilespmem:$0x15C00] =	vst v63  }
0xcb: {  	_ =	swait.ge [sflag:s29], $0x2000  }
0xcc: {  	[sflag:s29] =	ssyncset.done $0x0  }
0xcd: {  	s21 =	simm.s32 $0x600;
	[sflag:s29] =	ssyncadd.s32 $0xFFFFE000  }
0xce: {  	[tilespmem:s11], [sflag:$0x5] =	stream.indirect.gather [hbm4b:s1+s30], $0x80, s21, s30, $0xb8;
	[tilespmem:$0x15C00] =	vst v63  }
0xcf: {  	_ =	swait.ge [sflag:s7], $0x2000  }
0xd0: {  	s22 =	rddreg [dreg:$0x8];
	[sflag:s7] =	ssyncset.done $0x0  }
0xd1: {  	s10 =	simm.s32 $0x13C00;
	[sflag:s7] =	ssyncadd.s32 $0xFFFFE000;
	s8 =	sadd.s32 s13, s22  }
0xd2: {  	[hbm4b:s8+s4] =	stream.linear.scatter [tilespmem:s10], [sflag:$0x14], $0x2000, $0x38;
	[tilespmem:$0x15C00] =	vst v63  }
0xd3: {  	_ =	swait.ge [sflag:s2], $0x2000  }
0xd4: {  	s9 =	sadd.s32 $0x280000, s17;
	s11 =	simm.s32 $0x640;
	[sflag:s2] =	ssyncset.done $0x0  }
0xd5: {  	s8 =	simm.s32 $0xA00;
	s10 =	sadd.s32 $0x50000, s13;
	[sflag:s2] =	ssyncadd.s32 $0xFFFFE000  }
.LBB2_2:
0xd6: {  	s18 =	simm.s32 $0xBC00;
	s0 =	simm.s32 $0x1  }
0xd7: {  	[tilespmem:s18], [sflag:$0x6] =	stream.indirect.gather [hbm4b:s1+s30], $0x80, s11, s30, $0xb8;
	[tilespmem:$0x15C00] =	vst v63  }
0xd8: {  	_ =	swait.ge [sflag:s0], $0x2000  }
0xd9: {  	s12 =	sshrl.u32 s9, $0x3;
	[sflag:s0] =	ssyncset.done $0x0  }
0xda: {  	s16 =	simm.s32 $0x1C00;
	s12 =	sadd.s32 s13, s12;
	[sflag:s0] =	ssyncadd.s32 $0xFFFFE000  }
0xdb: {  	[hbm4b:s12+s4] =	stream.linear.scatter [tilespmem:s16], [sflag:$0xB], $0x2000, $0x38;
	[tilespmem:$0x15C00] =	vst v63  }
0xdc: {  	s14 =	smov.u32 s8;
	_ =	swait.ge [sflag:s25], $0x2000  }
0xdd: {  	s20 =	simm.s32 $0xDC00;
	s11 =	sshra.s32 s14, $0x2;
	[sflag:s25] =	ssyncset.done $0x0  }
0xde: {  	s17 =	simm.s32 $0x2;
	s15 =	sadd.s32 $0x400, s11;
	[sflag:s25] =	ssyncadd.s32 $0xFFFFE000  }
0xdf: {  	[tilespmem:s20], [sflag:$0x7] =	stream.indirect.gather [hbm4b:s1+s30], $0x80, s15, s30, $0xb8;
	[tilespmem:$0x15C00] =	vst v63  }
0xe0: {  	_ =	swait.ge [sflag:s17], $0x2000  }
0xe1: {  	s14 =	smov.u32 s13;
	[sflag:s17] =	ssyncset.done $0x0  }
0xe2: {  	s13 =	simm.s32 $0x3C00;
	s12 =	sadd.s32 $0x400, s12;
	[sflag:s17] =	ssyncadd.s32 $0xFFFFE000  }
0xe3: {  	[hbm4b:s12+s4] =	stream.linear.scatter [tilespmem:s13], [sflag:$0xC], $0x2000, $0x38;
	[tilespmem:$0x15C00] =	vst v63  }
0xe4: {  	_ =	swait.ge [sflag:s3], $0x2000  }
0xe5: {  	s21 =	simm.s32 $0xFC00;
	[sflag:s3] =	ssyncset.done $0x0  }
0xe6: {  	s22 =	simm.s32 $0x3;
	s19 =	sadd.s32 $0x440, s11;
	[sflag:s3] =	ssyncadd.s32 $0xFFFFE000  }
0xe7: {  	[tilespmem:s21], [sflag:$0x8] =	stream.indirect.gather [hbm4b:s1+s30], $0x80, s19, s30, $0xb8;
	[tilespmem:$0x15C00] =	vst v63  }
0xe8: {  	_ =	swait.ge [sflag:s22], $0x2000  }
0xe9: {  	s5 =	rddreg [dreg:$0x7];
	[sflag:s22] =	ssyncset.done $0x0  }
0xea: {  	s17 =	simm.s32 $0x5C00;
	[sflag:s22] =	ssyncadd.s32 $0xFFFFE000;
	s12 =	sadd.s32 s10, s5  }
0xeb: {  	[hbm4b:s12+s4] =	stream.linear.scatter [tilespmem:s17], [sflag:$0xD], $0x2000, $0x38;
	[tilespmem:$0x15C00] =	vst v63  }
0xec: {  	_ =	swait.ge [sflag:s31], $0x2000  }
0xed: {  	s15 =	sadd.s32 $0x480, s11;
	[sflag:s31] =	ssyncset.done $0x0  }
0xee: {  	s19 =	simm.s32 $0x4;
	s22 =	simm.s32 $0x11C00;
	[sflag:s31] =	ssyncadd.s32 $0xFFFFE000  }
0xef: {  	[tilespmem:s22], [sflag:$0x9] =	stream.indirect.gather [hbm4b:s1+s30], $0x80, s15, s30, $0xb8;
	[tilespmem:$0x15C00] =	vst v63  }
0xf0: {  	_ =	swait.ge [sflag:s19], $0x2000  }
0xf1: {  	s5 =	rddreg [dreg:$0x5];
	[sflag:s19] =	ssyncset.done $0x0  }
0xf2: {  	[sflag:s19] =	ssyncadd.s32 $0xFFFFE000;
	s12 =	sadd.s32 s10, s5;
	s5 =	simm.s32 $0x7C00  }
0xf3: {  	[hbm4b:s12+s4] =	stream.linear.scatter [tilespmem:s5], [sflag:$0xE], $0x2000, $0x38;
	[tilespmem:$0x15C00] =	vst v63  }
0xf4: {  	_ =	swait.ge [sflag:s6], $0x2000  }
0xf5: {  	[sflag:s6] =	ssyncset.done $0x0  }
0xf6: {  	s0 =	simm.s32 $0x13C00;
	s15 =	sadd.s32 $0x4C0, s11;
	[sflag:s6] =	ssyncadd.s32 $0xFFFFE000  }
0xf7: {  	[tilespmem:s0], [sflag:$0xA] =	stream.indirect.gather [hbm4b:s1+s30], $0x80, s15, s30, $0xb8;
	[tilespmem:$0x15C00] =	vst v63  }
0xf8: {  	s15 =	simm.s32 $0x5  }
0xf9: {  	_ =	swait.ge [sflag:s15], $0x2000  }
0xfa: {  	[sflag:s15] =	ssyncset.done $0x0  }
0xfb: {  	s19 =	rddreg [dreg:$0x6];
	[sflag:s15] =	ssyncadd.s32 $0xFFFFE000  }
0xfc: {  	s12 =	sadd.s32 s10, s19;
	s19 =	simm.s32 $0x9C00;
	s15 =	simm.s32 $0xB  }
0xfd: {  	[hbm4b:s12+s4] =	stream.linear.scatter [tilespmem:s19], [sflag:$0xF], $0x2000, $0x38;
	[tilespmem:$0x15C00] =	vst v63  }
0xfe: {  	_ =	swait.ge [sflag:s15], $0x2000  }
0xff: {  	[sflag:s15] =	ssyncset.done $0x0  }
0x100: {  	s12 =	sadd.s32 $0x500, s11;
	[sflag:s15] =	ssyncadd.s32 $0xFFFFE000  }
0x101: {  	[tilespmem:s16], [sflag:$0x1] =	stream.indirect.gather [hbm4b:s1+s30], $0x80, s12, s30, $0xb8;
	[tilespmem:$0x15C00] =	vst v63  }
0x102: {  	s16 =	simm.s32 $0x6  }
0x103: {  	_ =	swait.ge [sflag:s16], $0x2000  }
0x104: {  	s12 =	rddreg [dreg:$0x4];
	[sflag:s16] =	ssyncset.done $0x0  }
0x105: {  	[sflag:s16] =	ssyncadd.s32 $0xFFFFE000;
	s12 =	sadd.s32 s10, s12;
	s16 =	simm.s32 $0xC  }
0x106: {  	[hbm4b:s12+s4] =	stream.linear.scatter [tilespmem:s18], [sflag:$0x10], $0x2000, $0x38;
	[tilespmem:$0x15C00] =	vst v63  }
0x107: {  	_ =	swait.ge [sflag:s16], $0x2000  }
0x108: {  	[sflag:s16] =	ssyncset.done $0x0  }
0x109: {  	s18 =	sadd.s32 $0x540, s11;
	[sflag:s16] =	ssyncadd.s32 $0xFFFFE000  }
0x10a: {  	[tilespmem:s13], [sflag:$0x2] =	stream.indirect.gather [hbm4b:s1+s30], $0x80, s18, s30, $0xb8;
	[tilespmem:$0x15C00] =	vst v63  }
0x10b: {  	s13 =	simm.s32 $0x7  }
0x10c: {  	_ =	swait.ge [sflag:s13], $0x2000  }
0x10d: {  	s18 =	rddreg [dreg:$0x9]  }
0x10e: {  	[sflag:s13] =	ssyncset.done $0x0;
	s12 =	sadd.s32 s10, s18  }
0x10f: {  	[sflag:s13] =	ssyncadd.s32 $0xFFFFE000;
	s18 =	sadd.s32 $0x80000, s12  }
0x110: {  	[hbm4b:s18+s4] =	stream.linear.scatter [tilespmem:s20], [sflag:$0x11], $0x2000, $0x38;
	[tilespmem:$0x15C00] =	vst v63  }
0x111: {  	_ =	swait.ge [sflag:s23], $0x2000  }
0x112: {  	[sflag:s23] =	ssyncset.done $0x0  }
0x113: {  	s20 =	sadd.s32 $0x580, s11;
	[sflag:s23] =	ssyncadd.s32 $0xFFFFE000  }
0x114: {  	[tilespmem:s17], [sflag:$0x3] =	stream.indirect.gather [hbm4b:s1+s30], $0x80, s20, s30, $0xb8;
	[tilespmem:$0x15C00] =	vst v63  }
0x115: {  	_ =	swait.ge [sflag:s24], $0x2000  }
0x116: {  	s17 =	rddreg [dreg:$0xa];
	[sflag:s24] =	ssyncset.done $0x0  }
0x117: {  	[sflag:s24] =	ssyncadd.s32 $0xFFFFE000;
	s13 =	sadd.s32 s10, s17  }
0x118: {  	[hbm4b:s13+s4] =	stream.linear.scatter [tilespmem:s21], [sflag:$0x12], $0x2000, $0x38;
	[tilespmem:$0x15C00] =	vst v63  }
0x119: {  	_ =	swait.ge [sflag:s26], $0x2000  }
0x11a: {  	[sflag:s26] =	ssyncset.done $0x0  }
0x11b: {  	s20 =	sadd.s32 $0x5C0, s11;
	[sflag:s26] =	ssyncadd.s32 $0xFFFFE000  }
0x11c: {  	[tilespmem:s5], [sflag:$0x4] =	stream.indirect.gather [hbm4b:s1+s30], $0x80, s20, s30, $0xb8;
	[tilespmem:$0x15C00] =	vst v63  }
0x11d: {  	_ =	swait.ge [sflag:s28], $0x2000  }
0x11e: {  	[sflag:s28] =	ssyncset.done $0x0  }
0x11f: {  	s12 =	sadd.s32 $0x90000, s12;
	[sflag:s28] =	ssyncadd.s32 $0xFFFFE000  }
0x120: {  	[hbm4b:s12+s4] =	stream.linear.scatter [tilespmem:s22], [sflag:$0x13], $0x2000, $0x38;
	[tilespmem:$0x15C00] =	vst v63  }
0x121: {  	_ =	swait.ge [sflag:s29], $0x2000  }
0x122: {  	p0 =	sne.s32 s8, $0x4600;
	[sflag:s29] =	ssyncset.done $0x0  }
0x123: {  	s8 =	sadd.s32 $0xA00, s8;
	s21 =	sadd.s32 $0x600, s11;
	[sflag:s29] =	ssyncadd.s32 $0xFFFFE000  }
0x124: {  	[tilespmem:s19], [sflag:$0x5] =	stream.indirect.gather [hbm4b:s1+s30], $0x80, s21, s30, $0xb8;
	[tilespmem:$0x15C00] =	vst v63  }
0x125: {  	s9 =	sadd.s32 $0x280000, s9;
	s15 =	simm.s32 $0x1C00;
	_ =	swait.ge [sflag:s7], $0x2000  }
0x126: {  	s16 =	simm.s32 $0x3C00;
	s22 =	rddreg [dreg:$0x8];
	[sflag:s7] =	ssyncset.done $0x0  }
.Ltmp0:
0x127: {  	[sflag:s7] =	ssyncadd.s32 $0xFFFFE000;
	s12 =	sadd.s32 s10, s22;
	(pc) =	sbr.rel @p0 .LBB2_2-.Ltmp0, $4  }
0x128: {  	[hbm4b:s12+s4] =	stream.linear.scatter [tilespmem:s0], [sflag:$0x14], $0x2000, $0x38;
	[tilespmem:$0x15C00] =	vst v63  }
0x129: {  	s18 =	simm.s32 $0x5C00;
	s17 =	simm.s32 $0x7C00;
	_ =	swait.ge [sflag:s2], $0x2000  }
0x12a: {  	s13 =	smov.u32 s14;
	s11 =	sadd.s32 $0x640, s11;
	[sflag:s2] =	ssyncset.done $0x0  }
0x12b: {  	s5 =	simm.s32 $0x9C00;
	s10 =	sadd.s32 $0x50000, s10;
	[sflag:s2] =	ssyncadd.s32 $0xFFFFE000  }
0x12c: {  	s9 =	simm.s32 $0xBC00;
	s0 =	simm.s32 $0x1  }
0x12d: {  	[tilespmem:s9], [sflag:$0x6] =	stream.indirect.gather [hbm4b:s1+s30], $0x80, s11, s30, $0xb8;
	[tilespmem:$0x15C00] =	vst v63  }
0x12e: {  	_ =	swait.ge [sflag:s0], $0x2000  }
0x12f: {  	[sflag:s0] =	ssyncset.done $0x0  }
0x130: {  	s8 =	rddreg [dreg:$0x17];
	[sflag:s0] =	ssyncadd.s32 $0xFFFFE000  }
0x131: {  	[hbm4b:s8+s4] =	stream.linear.scatter [tilespmem:s15], [sflag:$0xB], $0x2000, $0x38;
	[tilespmem:$0x15C00] =	vst v63  }
0x132: {  	_ =	swait.ge [sflag:s25], $0x2000  }
0x133: {  	s10 =	simm.s32 $0xDC00;
	[sflag:s25] =	ssyncset.done $0x0  }
0x134: {  	s20 =	simm.s32 $0x2;
	s11 =	simm.s32 $0x1800;
	[sflag:s25] =	ssyncadd.s32 $0xFFFFE000  }
0x135: {  	[tilespmem:s10], [sflag:$0x7] =	stream.indirect.gather [hbm4b:s1+s30], $0x80, s11, s30, $0xb8;
	[tilespmem:$0x15C00] =	vst v63  }
0x136: {  	_ =	swait.ge [sflag:s20], $0x2000  }
0x137: {  	[sflag:s20] =	ssyncset.done $0x0  }
0x138: {  	s21 =	rddreg [dreg:$0x18];
	[sflag:s20] =	ssyncadd.s32 $0xFFFFE000  }
0x139: {  	[hbm4b:s21+s4] =	stream.linear.scatter [tilespmem:s16], [sflag:$0xC], $0x2000, $0x38;
	[tilespmem:$0x15C00] =	vst v63  }
0x13a: {  	_ =	swait.ge [sflag:s3], $0x2000  }
0x13b: {  	s12 =	simm.s32 $0xFC00;
	[sflag:s3] =	ssyncset.done $0x0  }
0x13c: {  	s22 =	simm.s32 $0x1840;
	s8 =	simm.s32 $0x3;
	[sflag:s3] =	ssyncadd.s32 $0xFFFFE000  }
0x13d: {  	[tilespmem:s12], [sflag:$0x8] =	stream.indirect.gather [hbm4b:s1+s30], $0x80, s22, s30, $0xb8;
	[tilespmem:$0x15C00] =	vst v63  }
0x13e: {  	_ =	swait.ge [sflag:s8], $0x2000  }
0x13f: {  	[sflag:s8] =	ssyncset.done $0x0  }
0x140: {  	s14 =	rddreg [dreg:$0x19];
	[sflag:s8] =	ssyncadd.s32 $0xFFFFE000  }
0x141: {  	[hbm4b:s14+s4] =	stream.linear.scatter [tilespmem:s18], [sflag:$0xD], $0x2000, $0x38;
	[tilespmem:$0x15C00] =	vst v63  }
0x142: {  	_ =	swait.ge [sflag:s31], $0x2000  }
0x143: {  	s15 =	simm.s32 $0x1880;
	[sflag:s31] =	ssyncset.done $0x0  }
0x144: {  	s16 =	simm.s32 $0x4;
	s14 =	simm.s32 $0x11C00;
	[sflag:s31] =	ssyncadd.s32 $0xFFFFE000  }
0x145: {  	[tilespmem:s14], [sflag:$0x9] =	stream.indirect.gather [hbm4b:s1+s30], $0x80, s15, s30, $0xb8;
	[tilespmem:$0x15C00] =	vst v63  }
0x146: {  	_ =	swait.ge [sflag:s16], $0x2000  }
0x147: {  	[sflag:s16] =	ssyncset.done $0x0  }
0x148: {  	s18 =	rddreg [dreg:$0x1a];
	[sflag:s16] =	ssyncadd.s32 $0xFFFFE000  }
0x149: {  	[hbm4b:s18+s4] =	stream.linear.scatter [tilespmem:s17], [sflag:$0xE], $0x2000, $0x38;
	[tilespmem:$0x15C00] =	vst v63  }
0x14a: {  	_ =	swait.ge [sflag:s6], $0x2000  }
0x14b: {  	s19 =	simm.s32 $0x18C0;
	[sflag:s6] =	ssyncset.done $0x0  }
0x14c: {  	s0 =	simm.s32 $0x13C00;
	s20 =	simm.s32 $0x5;
	[sflag:s6] =	ssyncadd.s32 $0xFFFFE000  }
0x14d: {  	[tilespmem:s0], [sflag:$0xA] =	stream.indirect.gather [hbm4b:s1+s30], $0x80, s19, s30, $0xb8;
	[tilespmem:$0x15C00] =	vst v63  }
0x14e: {  	_ =	swait.ge [sflag:s20], $0x2000  }
0x14f: {  	[sflag:s20] =	ssyncset.done $0x0  }
0x150: {  	s22 =	simm.s32 $0x6;
	s21 =	rddreg [dreg:$0x1b];
	[sflag:s20] =	ssyncadd.s32 $0xFFFFE000  }
0x151: {  	[hbm4b:s21+s4] =	stream.linear.scatter [tilespmem:s5], [sflag:$0xF], $0x2000, $0x38;
	[tilespmem:$0x15C00] =	vst v63  }
0x152: {  	_ =	swait.ge [sflag:s22], $0x2000  }
0x153: {  	[sflag:s22] =	ssyncset.done $0x0  }
0x154: {  	s5 =	rddreg [dreg:$0x1c];
	[sflag:s22] =	ssyncadd.s32 $0xFFFFE000  }
0x155: {  	[hbm4b:s5+s4] =	stream.linear.scatter [tilespmem:s9], [sflag:$0x10], $0x2000, $0x38;
	[tilespmem:$0x15C00] =	vst v63  }
0x156: {  	s9 =	simm.s32 $0x7  }
0x157: {  	_ =	swait.ge [sflag:s9], $0x2000  }
0x158: {  	[sflag:s9] =	ssyncset.done $0x0  }
0x159: {  	s15 =	rddreg [dreg:$0x1d];
	[sflag:s9] =	ssyncadd.s32 $0xFFFFE000  }
0x15a: {  	[hbm4b:s15+s4] =	stream.linear.scatter [tilespmem:s10], [sflag:$0x11], $0x2000, $0x38;
	[tilespmem:$0x15C00] =	vst v63  }
0x15b: {  	_ =	swait.ge [sflag:s24], $0x2000  }
0x15c: {  	s16 =	sld [smem:$0x7FB]  }
0x15d: {  	[sflag:s24] =	ssyncset.done $0x0  }
0x15e: {  	[sflag:s24] =	ssyncadd.s32 $0xFFFFE000  }
0x15f: {  	[hbm4b:s16+s4] =	stream.linear.scatter [tilespmem:s12], [sflag:$0x12], $0x2000, $0x38;
	[tilespmem:$0x15C00] =	vst v63  }
0x160: {  	_ =	swait.ge [sflag:s28], $0x2000  }
0x161: {  	s17 =	sld [smem:$0x7FC]  }
0x162: {  	[sflag:s28] =	ssyncset.done $0x0  }
0x163: {  	[sflag:s28] =	ssyncadd.s32 $0xFFFFE000  }
0x164: {  	[hbm4b:s17+s4] =	stream.linear.scatter [tilespmem:s14], [sflag:$0x13], $0x2000, $0x38;
	[tilespmem:$0x15C00] =	vst v63  }
0x165: {  	_ =	swait.ge [sflag:s7], $0x2000  }
0x166: {  	s18 =	sld [smem:$0x7FD]  }
0x167: {  	[sflag:s7] =	ssyncset.done $0x0  }
0x168: {  	s19 =	simm.s32 $0xB;
	[sflag:s7] =	ssyncadd.s32 $0xFFFFE000  }
0x169: {  	[hbm4b:s18+s4] =	stream.linear.scatter [tilespmem:s0], [sflag:$0x14], $0x2000, $0x38;
	[tilespmem:$0x15C00] =	vst v63  }
0x16a: {  	_ =	swait.ge [sflag:s19], $0x2000  }
0x16b: {  	[sflag:s19] =	ssyncset.done $0x0  }
0x16c: {  	s20 =	simm.s32 $0xC;
	[sflag:s19] =	ssyncadd.s32 $0xFFFFE000  }
0x16d: {  	_ =	swait.ge [sflag:s20], $0x2000  }
0x16e: {  	[sflag:s20] =	ssyncset.done $0x0  }
0x16f: {  	[sflag:s20] =	ssyncadd.s32 $0xFFFFE000  }
0x170: {  	_ =	swait.ge [sflag:s23], $0x2000  }
0x171: {  	[sflag:s23] =	ssyncset.done $0x0  }
0x172: {  	[sflag:s23] =	ssyncadd.s32 $0xFFFFE000  }
0x173: {  	_ =	swait.ge [sflag:s26], $0x2000  }
0x174: {  	[sflag:s26] =	ssyncset.done $0x0  }
0x175: {  	[sflag:s26] =	ssyncadd.s32 $0xFFFFE000  }
0x176: {  	_ =	swait.ge [sflag:s29], $0x2000  }
0x177: {  	[sflag:s29] =	ssyncset.done $0x0  }
0x178: {  	[sflag:s29] =	ssyncadd.s32 $0xFFFFE000  }
0x179: {  	_ =	swait.ge [sflag:s2], $0x2000  }
0x17a: {  	[sflag:s2] =	ssyncset.done $0x0  }
0x17b: {  	[sflag:s2] =	ssyncadd.s32 $0xFFFFE000  }
0x17c: {  	_ =	swait.ge [sflag:s25], $0x2000  }
0x17d: {  	[sflag:s25] =	ssyncset.done $0x0  }
0x17e: {  	[sflag:s25] =	ssyncadd.s32 $0xFFFFE000  }
0x17f: {  	_ =	swait.ge [sflag:s3], $0x2000  }
0x180: {  	[sflag:s3] =	ssyncset.done $0x0  }
0x181: {  	[sflag:s3] =	ssyncadd.s32 $0xFFFFE000  }
0x182: {  	_ =	swait.ge [sflag:s31], $0x2000  }
0x183: {  	[sflag:s31] =	ssyncset.done $0x0  }
0x184: {  	[sflag:s31] =	ssyncadd.s32 $0xFFFFE000  }
0x185: {  	_ =	swait.ge [sflag:s6], $0x2000  }
0x186: {  	s21 =	sld [smem:$0x7FA];
	_ =	sdelay $0x2  }
0x187: {  	s22 =	rddreg [dreg:$0x1e];
	s0 =	sadd.s32 $0x1, s21  }
0x188: {  	p0 =	sne.s32 s0, s22  }
.Ltmp1:
0x189: {  	_ = 	snop;
	(pc) =	sbr.rel @p0 .LBB2_1-.Ltmp1, $3  }
0x18a: {  	_ =	sdelay $0x1  }
0x18b: {  	[sflag:s6] =	ssyncset.done $0x0  }
0x18c: {  	[sflag:s6] =	ssyncadd.s32 $0xFFFFE000  }
0x18d: {  	_ =	sfence.sel $0x180000  }
0x18e: {  	[bflag:$0x0] =	sbarrier.arrive $0xFFFF  }
0x18f: {  	_ =	strace $0x90000047  }
0x190: {  	s0 =	stileid.u32;
	[bflag:$0x2] =	sbarrier.arrive $0xFFFF  }
0x191: {  	p0 =	sne.s32 s0, $0x0;
	s0 =	rddreg [dreg:$0x3]  }
0x192: {  	s0 =	sadd.s32 @!p0 $0x100000, s0  }
0x193: {  	[sflag:s0] =	ssyncadd.tile.s32 @!p0 $0x1;
	_ =	shalt  }
.Lfunc_end2:
_tile_overlayer_lowered:
.L_overlay_start_2:
0x194: {  	(tag) =	ssettag $0x2  }
0x195: {  	s0 =	rddreg [dreg:$0x0];
	s2 =	stileid.u32  }
0x196: {  	s1 =	rddreg [dreg:$0x1];
	p0 =	sne.s32 s2, $0x0  }
0x197: {  	s3 =	rddreg [dreg:$0x2];
	[bflag:$0x3] =	sbarrier.arrive $0xFFFF;
	s2 =	simm.s32 @!p0 $0x1C15  }
0x198: {  	[timem:s3], [sflag:s2] =	dma.local @!p0 [hbm:s0], s1  }
0x199: {  	s0 =	simm.s32 @!p0 $0x15  }
0x19a: {  	_ =	swait.ge @!p0 [sflag:s0], s1  }
0x19b: {  	s1 =	ssub.s32 @!p0 $0x0, s1;
	[sflag:s0] =	ssyncset.done @!p0 $0x0  }
0x19c: {  	[sflag:s0] =	ssyncadd.s32 @!p0 s1  }
0x19d: {  	[bflag:$0x3] =	sbarrier.arrive $0xFFFF  }
0x19e: {  	_ =	shalt  }

</sc_bundles>
